<compile_context>
chip_gen: v7x
topology: tpu7x:2x2x1
jax: 0.10.2.dev20260603
libtpu: 0.0.44.dev20260713+nightly
codegen_flags: <defaults>
</compile_context>

<pallas_src>
import functools

import jax
import jax.numpy as jnp
from jax import lax
from jax.experimental import pallas as pl
from jax.experimental.pallas import tpu as pltpu
from jax.experimental.pallas import tpu_sc as plsc

N = 10000
D = 256
E = 160000
H = D // 2

NS = 16
L = 16

NPAD = 10240
RPT = NPAD // NS

EPT = E // NS
CH = 40
NBUF = 5
NCH = EPT // CH
EROWS = E // CH
ACH = 80
ANCH = EPT // ACH
AROWS = E // ACH
TROWS = N // NS
ZCH = 25
NZ = TROWS // ZCH

def _mesh():
    return plsc.VectorSubcoreMesh(core_axis_name="c", subcore_axis_name="s",
                                  num_cores=2, num_subcores=NS)


def _zero_1d(ref, n):
    def body(i, _):
        ref[pl.ds(i * L, L)] = jnp.zeros((L,), jnp.float32)
        return 0

    lax.fori_loop(0, n // L, body, 0)


def _zero_2d(ref, rows, cols):
    def body(i, _):
        for k in range(cols // L):
            ref[i, pl.ds(k * L, L)] = jnp.zeros((L,), jnp.float32)
        return 0

    lax.fori_loop(0, rows, body, 0)


@functools.cache
def _degrees_kernel():
    return pl.kernel(
        _degrees_body,
        out_type=[jax.ShapeDtypeStruct((NPAD,), jnp.float32) for _ in range(4)],
        mesh=_mesh(),
        scratch_types=[
            pltpu.VMEM((NPAD,), jnp.float32),
            pltpu.VMEM((NPAD,), jnp.float32),
            pltpu.VMEM((ANCH, ACH), jnp.int32),
            pltpu.VMEM_SHARED((NS, 2, NPAD), jnp.float32),
            pltpu.VMEM((NS, RPT), jnp.float32),
            pltpu.VMEM((RPT,), jnp.float32),
        ],
        compiler_params=pltpu.CompilerParams(use_tc_tiling_on_sc=False, needs_layout_passes=False),
    )


def _degrees_body(src_k, dst_k, src_l, dst_l,
                  deg_ok, deg_ik, deg_ol, deg_il,
                  hist_o, hist_i, idx_v, partials, red2d_v, red_v):
    c = lax.axis_index("c")
    s = lax.axis_index("s")
    ones = jnp.ones((L,), jnp.float32)

    def count(src_hbm, hist):
        pltpu.sync_copy(src_hbm.at[pl.ds(s * ANCH, ANCH)], idx_v)

        def body(j, _):
            for k in range(ACH // L):
                idx = idx_v[j, pl.ds(k * L, L)]
                plsc.addupdate_scatter(hist, [idx], ones)
            return 0

        lax.fori_loop(0, ANCH, body, 0)

    def reduce_out(a, out_hbm):
        pltpu.sync_copy(partials.at[:, a, pl.ds(s * RPT, RPT)], red2d_v)

        def body_j(j, _):
            sl = pl.ds(j * L, L)
            tot = red2d_v[0, sl]
            for k in range(1, NS):
                tot = tot + red2d_v[k, sl]
            red_v[sl] = tot
            return 0

        lax.fori_loop(0, RPT // L, body_j, 0)
        pltpu.sync_copy(red_v, out_hbm.at[pl.ds(s * RPT, RPT)])

    def run(src_hbm, dst_hbm, out_o, out_i):
        _zero_1d(hist_o, NPAD)
        _zero_1d(hist_i, NPAD)
        count(src_hbm, hist_o)
        count(dst_hbm, hist_i)
        pltpu.sync_copy(hist_o, partials.at[s, 0])
        pltpu.sync_copy(hist_i, partials.at[s, 1])
        plsc.subcore_barrier()
        reduce_out(0, out_o)
        reduce_out(1, out_i)

    @pl.when(c == 0)
    def _():
        run(src_k, dst_k, deg_ok, deg_ik)

    @pl.when(c == 1)
    def _():
        run(src_l, dst_l, deg_ol, deg_il)


def _mm_body(x_ref, deg_ref, w_ref, out0_ref, out1_ref):
    d = deg_ref[...]
    nrm = jnp.where(d > 0, lax.rsqrt(jnp.maximum(d, 1e-12)), 0.0)
    xb = x_ref[...] * nrm
    y = jnp.dot(xb, w_ref[...], preferred_element_type=jnp.float32)
    out0_ref[...] = y[:, :H]
    out1_ref[...] = y[:, H:]


def _premultiplied_matmul(x, deg, w):
    bn = 1000
    row = lambda i: (i, 0)
    return pl.pallas_call(
        _mm_body,
        grid=(N // bn,),
        in_specs=[
            pl.BlockSpec((bn, D), row),
            pl.BlockSpec((bn, 1), row),
            pl.BlockSpec((D, D), lambda i: (0, 0)),
        ],
        out_specs=[pl.BlockSpec((bn, H), row), pl.BlockSpec((bn, H), row)],
        out_shape=[jax.ShapeDtypeStruct((N, H), jnp.float32) for _ in range(2)],
    )(x, deg, w)


@functools.cache
def _scatter_kernel():
    return pl.kernel(
        _scatter_body,
        out_type=[jax.ShapeDtypeStruct((N, H), jnp.float32) for _ in range(2)],
        mesh=_mesh(),
        scratch_types=[
            pltpu.VMEM_SHARED((N, H), jnp.float32),
            pltpu.VMEM((NCH, CH), jnp.int32),
            pltpu.VMEM((NCH, CH), jnp.int32),
            *[pltpu.VMEM((CH, H), jnp.float32) for _ in range(NBUF)],
            pltpu.VMEM((ZCH, H), jnp.float32),
            *[pltpu.SemaphoreType.DMA for _ in range(2 * NBUF)],
        ],
        compiler_params=pltpu.CompilerParams(use_tc_tiling_on_sc=False, needs_layout_passes=False),
    )


def _scatter_body(y0_hbm, y1_hbm, src_hbm, dst_hbm,
                  out0, out1,
                  acc, src_v, dst_v, r0, r1, r2, r3, r4, stage_v,
                  g0, g1, g2, g3, g4, s0, s1, s2, s3, s4):
    bufs = (r0, r1, r2, r3, r4)
    gsems = (g0, g1, g2, g3, g4)
    ssems = (s0, s1, s2, s3, s4)
    c = lax.axis_index("c")
    s = lax.axis_index("s")

    def zero_acc():
        def zbody(z, _):
            pltpu.sync_copy(stage_v, acc.at[pl.ds(s * TROWS + z * ZCH, ZCH)])
            return 0

        lax.fori_loop(0, NZ, zbody, 0)

    def run(y_half):
        def gather(j, t):
            pltpu.async_copy(y_half.at[src_v.at[j]], bufs[t], gsems[t])

        def wait_gather(t):
            pltpu.make_async_copy(y_half.at[src_v.at[0]], bufs[t],
                                  gsems[t]).wait()

        def scatter(j, t):
            pltpu.async_copy(bufs[t], acc.at[dst_v.at[j]], ssems[t],
                             add=True)

        def wait_scatter(t):
            pltpu.make_async_copy(bufs[t], acc.at[dst_v.at[0]],
                                  ssems[t]).wait()

        for t in range(NBUF):
            gather(t, t)

        ngroups = NCH // NBUF
        tail = NCH % NBUF

        def body(g, _):
            j0 = NBUF * g
            for t in range(NBUF):
                wait_gather(t)
                scatter(j0 + t, t)
            for t in range(NBUF):
                j2 = j0 + NBUF + t
                wait_scatter(t)

                @pl.when(j2 < NCH)
                def _():
                    gather(j2, t)

            return 0

        lax.fori_loop(0, ngroups, body, 0)
        for t in range(tail):
            wait_gather(t)
            scatter(NCH - tail + t, t)
            wait_scatter(t)

    def writeout(out0, out1):
        rows = pl.ds(s * TROWS, TROWS)

        @pl.when(c == 0)
        def _():
            pltpu.sync_copy(acc.at[rows], out0.at[rows])

        @pl.when(c == 1)
        def _():
            pltpu.sync_copy(acc.at[rows], out1.at[rows])

    _zero_2d(stage_v, ZCH, H)
    zero_acc()
    pltpu.sync_copy(src_hbm.at[pl.ds(s * NCH, NCH)], src_v)
    pltpu.sync_copy(dst_hbm.at[pl.ds(s * NCH, NCH)], dst_v)
    plsc.subcore_barrier()

    @pl.when(c == 0)
    def _():
        run(y0_hbm)

    @pl.when(c == 1)
    def _():
        run(y1_hbm)

    plsc.subcore_barrier()
    writeout(out0, out1)


def _epilogue_body(ak0, ak1, al0, al1, dk, dl, bk, bl, g, b, out_ref):
    def half(a0, a1, dref, bref):
        a = jnp.concatenate([a0[...], a1[...]], axis=1)
        d = dref[...]
        nrm = jnp.where(d > 0, lax.rsqrt(jnp.maximum(d, 1e-12)), 0.0)
        return jax.nn.relu(a * nrm + bref[...])

    hk = half(ak0, ak1, dk, bk)
    hl = half(al0, al1, dl, bl)
    m = jnp.maximum(hk, hl)
    lse = m + jnp.log1p(jnp.exp(-jnp.abs(hk - hl)))
    mu = jnp.mean(lse, axis=1, keepdims=True)
    cent = lse - mu
    var = jnp.mean(cent * cent, axis=1, keepdims=True)
    out_ref[...] = cent * lax.rsqrt(var + 1e-6) * g[...] + b[...]


def _epilogue(agg_k0, agg_k1, agg_l0, agg_l1, deg_ik, deg_il,
              b_knows, b_likes, gamma, beta):
    bn = 1000
    row = lambda i: (i, 0)
    vec = lambda i: (0,)
    return pl.pallas_call(
        _epilogue_body,
        grid=(N // bn,),
        in_specs=[
            pl.BlockSpec((bn, H), row),
            pl.BlockSpec((bn, H), row),
            pl.BlockSpec((bn, H), row),
            pl.BlockSpec((bn, H), row),
            pl.BlockSpec((bn, 1), row),
            pl.BlockSpec((bn, 1), row),
            pl.BlockSpec((D,), vec),
            pl.BlockSpec((D,), vec),
            pl.BlockSpec((D,), vec),
            pl.BlockSpec((D,), vec),
        ],
        out_specs=pl.BlockSpec((bn, D), row),
        out_shape=jax.ShapeDtypeStruct((N, D), jnp.float32),
    )(agg_k0, agg_k1, agg_l0, agg_l1, deg_ik, deg_il,
      b_knows, b_likes, gamma, beta)


def kernel(x_knows, x_likes, edge_index_knows, edge_index_likes,
           W_knows, b_knows, W_likes, b_likes, gamma, beta):
    src_k = edge_index_knows[0].astype(jnp.int32)
    dst_k = edge_index_knows[1].astype(jnp.int32)
    src_l = edge_index_likes[0].astype(jnp.int32)
    dst_l = edge_index_likes[1].astype(jnp.int32)

    deg_ok, deg_ik, deg_ol, deg_il = _degrees_kernel()(
        src_k.reshape(AROWS, ACH), dst_k.reshape(AROWS, ACH),
        src_l.reshape(AROWS, ACH), dst_l.reshape(AROWS, ACH))
    deg_ok = deg_ok[:N].reshape(N, 1)
    deg_ik = deg_ik[:N].reshape(N, 1)
    deg_ol = deg_ol[:N].reshape(N, 1)
    deg_il = deg_il[:N].reshape(N, 1)

    y_k0, y_k1 = _premultiplied_matmul(x_knows, deg_ok, W_knows)
    y_l0, y_l1 = _premultiplied_matmul(x_likes, deg_ol, W_likes)

    agg_k0, agg_k1 = _scatter_kernel()(y_k0, y_k1,
                                       src_k.reshape(EROWS, CH),
                                       dst_k.reshape(EROWS, CH))
    agg_l0, agg_l1 = _scatter_kernel()(y_l0, y_l1,
                                       src_l.reshape(EROWS, CH),
                                       dst_l.reshape(EROWS, CH))

    return _epilogue(agg_k0, agg_k1, agg_l0, agg_l1, deg_ik, deg_il,
                     b_knows, b_likes, gamma, beta)

# --- scband reference (transcript-rebuilt; emitter-appended) ---
"""Pipeline reference for scband-attributes-conv-5102421148353 (READ-ONLY COPY).

The authoritative reference and input builder live on the scoring server;
editing this copy changes nothing except your own understanding.
"""

import jax, jax.numpy as jnp
import numpy as np

N = 10000
E = 160000
D = 256


def setup_inputs(seed: int = 0) -> dict:
    key = jax.random.key(seed)
    ks = jax.random.split(key, 10)
    return {
        "x_knows": jax.random.normal(ks[0], (N, D), dtype=jnp.float32),
        "x_likes": jax.random.normal(ks[1], (N, D), dtype=jnp.float32),
        "edge_index_knows": jax.random.randint(ks[2], (2, E), 0, N).astype(jnp.int64),
        "edge_index_likes": jax.random.randint(ks[3], (2, E), 0, N).astype(jnp.int64),
        "W_knows": jax.random.normal(ks[4], (D, D), dtype=jnp.float32) * (1.0 / np.sqrt(D)),
        "b_knows": jnp.zeros((D,), dtype=jnp.float32),
        "W_likes": jax.random.normal(ks[5], (D, D), dtype=jnp.float32) * (1.0 / np.sqrt(D)),
        "b_likes": jnp.zeros((D,), dtype=jnp.float32),
        "gamma": jnp.ones((D,), dtype=jnp.float32),
        "beta": jnp.zeros((D,), dtype=jnp.float32),
    }


def _graph_conv(x, edge_index, W, b):
    # DGL GraphConv with norm='both', weight=True, bias=True, activation=relu
    src = edge_index[0]
    dst = edge_index[1]
    n = x.shape[0]
    ones = jnp.ones(src.shape[0], dtype=x.dtype)
    deg_out = jnp.zeros((n,), dtype=x.dtype).at[src].add(ones)
    deg_in = jnp.zeros((n,), dtype=x.dtype).at[dst].add(ones)
    norm_src = jnp.where(deg_out > 0, jax.lax.rsqrt(jnp.maximum(deg_out, 1e-12)), 0.0)
    norm_dst = jnp.where(deg_in > 0, jax.lax.rsqrt(jnp.maximum(deg_in, 1e-12)), 0.0)
    h = x * norm_src[:, None]
    agg = jnp.zeros((n, x.shape[1]), dtype=x.dtype).at[dst].add(h[src])
    agg = agg * norm_dst[:, None]
    out = agg @ W + b
    return jax.nn.relu(out)


def _layer_norm(x, gamma, beta, eps=1e-6):
    mu = jnp.mean(x, axis=-1, keepdims=True)
    var = jnp.var(x, axis=-1, keepdims=True)
    return (x - mu) * jax.lax.rsqrt(var + eps) * gamma + beta


def reference(x_knows, x_likes, edge_index_knows, edge_index_likes, W_knows, b_knows, W_likes, b_likes, gamma, beta):
    # dropout = 0.0 -> identity
    h_knows = _graph_conv(x_knows, edge_index_knows, W_knows, b_knows)
    h_likes = _graph_conv(x_likes, edge_index_likes, W_likes, b_likes)
    # HeteroGraphConv aggregate='lse' (log-sum-exp across relation outputs for the shared dst node type)
    stacked = jnp.stack([h_knows, h_likes], axis=0)
    h = jax.scipy.special.logsumexp(stacked, axis=0)
    # layer normalization (eps=1e-6, elementwise affine)
    return _layer_norm(h, gamma, beta)

if __name__ == "__main__":
    import jax
    _d = setup_inputs()
    print(jax.jit(kernel)(*tuple(_d.values())))

</pallas_src>

<mosaic_0001>
#map = affine_map<(d0, d1) -> (0, 0)>
#map1 = affine_map<(d0, d1) -> (0)>
module attributes {stable_mosaic.version = 14 : i64} {
  func.func @_degrees_body(%arg0: i32, %arg1: i32, %arg2: memref<2000x80xi32, #tpu.memory_space<hbm>>, %arg3: memref<2000x80xi32, #tpu.memory_space<hbm>>, %arg4: memref<2000x80xi32, #tpu.memory_space<hbm>>, %arg5: memref<2000x80xi32, #tpu.memory_space<hbm>>, %arg6: memref<10240xf32, #tpu.memory_space<hbm>>, %arg7: memref<10240xf32, #tpu.memory_space<hbm>>, %arg8: memref<10240xf32, #tpu.memory_space<hbm>>, %arg9: memref<10240xf32, #tpu.memory_space<hbm>>, %arg10: memref<10240xf32, #tpu.memory_space<vmem>>, %arg11: memref<10240xf32, #tpu.memory_space<vmem>>, %arg12: memref<125x80xi32, #tpu.memory_space<vmem>>, %arg13: memref<16x2x10240xf32, #tpu.memory_space<vmem_shared>>, %arg14: memref<16x640xf32, #tpu.memory_space<vmem>>, %arg15: memref<640xf32, #tpu.memory_space<vmem>>) attributes {dimension_semantics = [#tpu.dimension_semantics<core_parallel>, #tpu.dimension_semantics<subcore_parallel>], iteration_bounds = array<i64: 2, 16>, scalar_prefetch = 0 : i64, scratch_operands = 6 : i64, tpu.core_type = #tpu.core_type<sc_vector_subcore>, window_params = [{transform_indices = #map}, {transform_indices = #map}, {transform_indices = #map}, {transform_indices = #map}, {transform_indices = #map1}, {transform_indices = #map1}, {transform_indices = #map1}, {transform_indices = #map1}]} {
    %broadcast_in_dim3A = arith.constant 1.000000e+00 : f32
    %broadcast_in_dim3A_0 = vector.broadcast %broadcast_in_dim3A : f32 to vector<16xf32>
    %eq3A = arith.constant 0 : i32
    %eq3A_1 = arith.cmpi eq, %arg0, %eq3A : i32
    %convert_element_type3A = arith.extui %eq3A_1 : i1 to i32
    %cond3A = arith.constant 0 : i32
    %cond3A_2 = arith.cmpi ne, %convert_element_type3A, %cond3A : i32
    scf.if %cond3A_2 {
      %scan3A = arith.constant 0 : i32
      %scan3A_8 = arith.constant 0 : i32
      %scan3A_9 = arith.constant 640 : i32
      %scan3A_10 = arith.addi %scan3A_8, %scan3A_9 : i32
      %scan3A_11 = arith.constant 1 : i32
      %scan3A_12 = scf.for %scan3A_63 = %scan3A_8 to %scan3A_10 step %scan3A_11 iter_args(%scan3A_64 = %scan3A) -> (i32)  : i32 {
        %broadcast_in_dim3A_65 = arith.constant 0.000000e+00 : f32
        %broadcast_in_dim3A_66 = vector.broadcast %broadcast_in_dim3A_65 : f32 to vector<16xf32>
        %mul3A_67 = arith.constant 16 : i32
        %mul3A_68 = arith.muli %scan3A_63, %mul3A_67 : i32
        %swap3A = arith.index_cast %mul3A_68 : i32 to index
        %swap3A_69 = tpu.vector_load %arg10[%swap3A] {strides = array<i32>} : memref<10240xf32, #tpu.memory_space<vmem>>, vector<16xf32>,
        tpu.vector_store %arg10[%swap3A], %broadcast_in_dim3A_66 {strides = array<i32>} : memref<10240xf32, #tpu.memory_space<vmem>>, vector<16xf32>,
        %scan3A_70 = arith.constant 0 : i32
        scf.yield %scan3A_70 : i32
      }
      %scan3A_13 = arith.constant 640 : i32
      %scan3A_14 = arith.constant 0 : i32
      %scan3A_15 = arith.constant 0 : i32
      %scan3A_16 = arith.constant 640 : i32
      %scan3A_17 = arith.addi %scan3A_15, %scan3A_16 : i32
      %scan3A_18 = arith.constant 1 : i32
      %scan3A_19 = scf.for %scan3A_63 = %scan3A_15 to %scan3A_17 step %scan3A_18 iter_args(%scan3A_64 = %scan3A_14) -> (i32)  : i32 {
        %broadcast_in_dim3A_65 = arith.constant 0.000000e+00 : f32
        %broadcast_in_dim3A_66 = vector.broadcast %broadcast_in_dim3A_65 : f32 to vector<16xf32>
        %mul3A_67 = arith.constant 16 : i32
        %mul3A_68 = arith.muli %scan3A_63, %mul3A_67 : i32
        %swap3A = arith.index_cast %mul3A_68 : i32 to index
        %swap3A_69 = tpu.vector_load %arg11[%swap3A] {strides = array<i32>} : memref<10240xf32, #tpu.memory_space<vmem>>, vector<16xf32>,
        tpu.vector_store %arg11[%swap3A], %broadcast_in_dim3A_66 {strides = array<i32>} : memref<10240xf32, #tpu.memory_space<vmem>>, vector<16xf32>,
        %scan3A_70 = arith.constant 0 : i32
        scf.yield %scan3A_70 : i32
      }
      %scan3A_20 = arith.constant 640 : i32
      %mul3A = arith.constant 125 : i32
      %mul3A_21 = arith.muli %arg1, %mul3A : i32
      "tpu.region"() ({
        %run_scoped3A_63 = tpu.sem_alloc : memref<!tpu.dma_semaphore, #tpu.memory_space<semaphore_mem>>
        %dma_start3A = arith.constant 0 : i32
        %dma_start3A_64 = tpu.memref_slice %arg2[%mul3A_21, %dma_start3A] : memref<2000x80xi32, #tpu.memory_space<hbm>> -> memref<125x80xi32, #tpu.memory_space<hbm>>
        %dma_start3A_65 = arith.constant 0 : i32
        %dma_start3A_66 = tpu.memref_slice %arg2[%mul3A_21, %dma_start3A_65] : memref<2000x80xi32, #tpu.memory_space<hbm>> -> memref<125x80xi32, #tpu.memory_space<hbm>>
        tpu.enqueue_dma source(%dma_start3A_66 : memref<125x80xi32, #tpu.memory_space<hbm>>) target(%arg12 : memref<125x80xi32, #tpu.memory_space<vmem>>) target_semaphore(%run_scoped3A_63 : memref<!tpu.dma_semaphore, #tpu.memory_space<semaphore_mem>>)
        %dma_wait3A = arith.constant 0 : i32
        %dma_wait3A_67 = tpu.memref_slice %arg2[%mul3A_21, %dma_wait3A] : memref<2000x80xi32, #tpu.memory_space<hbm>> -> memref<125x80xi32, #tpu.memory_space<hbm>>
        %dma_wait3A_68 = arith.constant 0 : i32
        %dma_wait3A_69 = tpu.memref_slice %arg2[%mul3A_21, %dma_wait3A_68] : memref<2000x80xi32, #tpu.memory_space<hbm>> -> memref<125x80xi32, #tpu.memory_space<hbm>>
        tpu.wait_dma2 semaphore(%run_scoped3A_63 : memref<!tpu.dma_semaphore, #tpu.memory_space<semaphore_mem>>) src(%dma_wait3A_69 : memref<125x80xi32, #tpu.memory_space<hbm>>) dst(%arg12 : memref<125x80xi32, #tpu.memory_space<vmem>>)
        tpu.yield
      }) : () -> ()
      %scan3A_22 = arith.constant 0 : i32
      %scan3A_23 = arith.constant 0 : i32
      %scan3A_24 = arith.constant 125 : i32
      %scan3A_25 = arith.addi %scan3A_23, %scan3A_24 : i32
      %scan3A_26 = arith.constant 1 : i32
      %scan3A_27 = scf.for %scan3A_63 = %scan3A_23 to %scan3A_25 step %scan3A_26 iter_args(%scan3A_64 = %scan3A_22) -> (i32)  : i32 {
        %get3A = arith.index_cast %scan3A_63 : i32 to index
        %get3A_65 = arith.constant 0 : index
        %get3A_66 = tpu.vector_load %arg12[%get3A, %get3A_65] {strides = array<i32>} : memref<125x80xi32, #tpu.memory_space<vmem>>, vector<16xi32>,
        tpu.vector_store_idx %arg10[%get3A_66], %broadcast_in_dim3A_0 {add = true} : memref<10240xf32, #tpu.memory_space<vmem>>[vector<16xi32>], vector<16xf32>,
        %get3A_67 = arith.index_cast %scan3A_63 : i32 to index
        %get3A_68 = arith.constant 16 : index
        %get3A_69 = tpu.vector_load %arg12[%get3A_67, %get3A_68] {strides = array<i32>} : memref<125x80xi32, #tpu.memory_space<vmem>>, vector<16xi32>,
        tpu.vector_store_idx %arg10[%get3A_69], %broadcast_in_dim3A_0 {add = true} : memref<10240xf32, #tpu.memory_space<vmem>>[vector<16xi32>], vector<16xf32>,
        %get3A_70 = arith.index_cast %scan3A_63 : i32 to index
        %get3A_71 = arith.constant 32 : index
        %get3A_72 = tpu.vector_load %arg12[%get3A_70, %get3A_71] {strides = array<i32>} : memref<125x80xi32, #tpu.memory_space<vmem>>, vector<16xi32>,
        tpu.vector_store_idx %arg10[%get3A_72], %broadcast_in_dim3A_0 {add = true} : memref<10240xf32, #tpu.memory_space<vmem>>[vector<16xi32>], vector<16xf32>,
        %get3A_73 = arith.index_cast %scan3A_63 : i32 to index
        %get3A_74 = arith.constant 48 : index
        %get3A_75 = tpu.vector_load %arg12[%get3A_73, %get3A_74] {strides = array<i32>} : memref<125x80xi32, #tpu.memory_space<vmem>>, vector<16xi32>,
        tpu.vector_store_idx %arg10[%get3A_75], %broadcast_in_dim3A_0 {add = true} : memref<10240xf32, #tpu.memory_space<vmem>>[vector<16xi32>], vector<16xf32>,
        %get3A_76 = arith.index_cast %scan3A_63 : i32 to index
        %get3A_77 = arith.constant 64 : index
        %get3A_78 = tpu.vector_load %arg12[%get3A_76, %get3A_77] {strides = array<i32>} : memref<125x80xi32, #tpu.memory_space<vmem>>, vector<16xi32>,
        tpu.vector_store_idx %arg10[%get3A_78], %broadcast_in_dim3A_0 {add = true} : memref<10240xf32, #tpu.memory_space<vmem>>[vector<16xi32>], vector<16xf32>,
        %scan3A_79 = arith.constant 0 : i32
        scf.yield %scan3A_79 : i32
      }
      %scan3A_28 = arith.constant 125 : i32
      %mul3A_29 = arith.constant 125 : i32
      %mul3A_30 = arith.muli %arg1, %mul3A_29 : i32
      "tpu.region"() ({
        %run_scoped3A_63 = tpu.sem_alloc : memref<!tpu.dma_semaphore, #tpu.memory_space<semaphore_mem>>
        %dma_start3A = arith.constant 0 : i32
        %dma_start3A_64 = tpu.memref_slice %arg3[%mul3A_30, %dma_start3A] : memref<2000x80xi32, #tpu.memory_space<hbm>> -> memref<125x80xi32, #tpu.memory_space<hbm>>
        %dma_start3A_65 = arith.constant 0 : i32
        %dma_start3A_66 = tpu.memref_slice %arg3[%mul3A_30, %dma_start3A_65] : memref<2000x80xi32, #tpu.memory_space<hbm>> -> memref<125x80xi32, #tpu.memory_space<hbm>>
        tpu.enqueue_dma source(%dma_start3A_66 : memref<125x80xi32, #tpu.memory_space<hbm>>) target(%arg12 : memref<125x80xi32, #tpu.memory_space<vmem>>) target_semaphore(%run_scoped3A_63 : memref<!tpu.dma_semaphore, #tpu.memory_space<semaphore_mem>>)
        %dma_wait3A = arith.constant 0 : i32
        %dma_wait3A_67 = tpu.memref_slice %arg3[%mul3A_30, %dma_wait3A] : memref<2000x80xi32, #tpu.memory_space<hbm>> -> memref<125x80xi32, #tpu.memory_space<hbm>>
        %dma_wait3A_68 = arith.constant 0 : i32
        %dma_wait3A_69 = tpu.memref_slice %arg3[%mul3A_30, %dma_wait3A_68] : memref<2000x80xi32, #tpu.memory_space<hbm>> -> memref<125x80xi32, #tpu.memory_space<hbm>>
        tpu.wait_dma2 semaphore(%run_scoped3A_63 : memref<!tpu.dma_semaphore, #tpu.memory_space<semaphore_mem>>) src(%dma_wait3A_69 : memref<125x80xi32, #tpu.memory_space<hbm>>) dst(%arg12 : memref<125x80xi32, #tpu.memory_space<vmem>>)
        tpu.yield
      }) : () -> ()
      %scan3A_31 = arith.constant 0 : i32
      %scan3A_32 = arith.constant 0 : i32
      %scan3A_33 = arith.constant 125 : i32
      %scan3A_34 = arith.addi %scan3A_32, %scan3A_33 : i32
      %scan3A_35 = arith.constant 1 : i32
      %scan3A_36 = scf.for %scan3A_63 = %scan3A_32 to %scan3A_34 step %scan3A_35 iter_args(%scan3A_64 = %scan3A_31) -> (i32)  : i32 {
        %get3A = arith.index_cast %scan3A_63 : i32 to index
        %get3A_65 = arith.constant 0 : index
        %get3A_66 = tpu.vector_load %arg12[%get3A, %get3A_65] {strides = array<i32>} : memref<125x80xi32, #tpu.memory_space<vmem>>, vector<16xi32>,
        tpu.vector_store_idx %arg11[%get3A_66], %broadcast_in_dim3A_0 {add = true} : memref<10240xf32, #tpu.memory_space<vmem>>[vector<16xi32>], vector<16xf32>,
        %get3A_67 = arith.index_cast %scan3A_63 : i32 to index
        %get3A_68 = arith.constant 16 : index
        %get3A_69 = tpu.vector_load %arg12[%get3A_67, %get3A_68] {strides = array<i32>} : memref<125x80xi32, #tpu.memory_space<vmem>>, vector<16xi32>,
        tpu.vector_store_idx %arg11[%get3A_69], %broadcast_in_dim3A_0 {add = true} : memref<10240xf32, #tpu.memory_space<vmem>>[vector<16xi32>], vector<16xf32>,
        %get3A_70 = arith.index_cast %scan3A_63 : i32 to index
        %get3A_71 = arith.constant 32 : index
        %get3A_72 = tpu.vector_load %arg12[%get3A_70, %get3A_71] {strides = array<i32>} : memref<125x80xi32, #tpu.memory_space<vmem>>, vector<16xi32>,
        tpu.vector_store_idx %arg11[%get3A_72], %broadcast_in_dim3A_0 {add = true} : memref<10240xf32, #tpu.memory_space<vmem>>[vector<16xi32>], vector<16xf32>,
        %get3A_73 = arith.index_cast %scan3A_63 : i32 to index
        %get3A_74 = arith.constant 48 : index
        %get3A_75 = tpu.vector_load %arg12[%get3A_73, %get3A_74] {strides = array<i32>} : memref<125x80xi32, #tpu.memory_space<vmem>>, vector<16xi32>,
        tpu.vector_store_idx %arg11[%get3A_75], %broadcast_in_dim3A_0 {add = true} : memref<10240xf32, #tpu.memory_space<vmem>>[vector<16xi32>], vector<16xf32>,
        %get3A_76 = arith.index_cast %scan3A_63 : i32 to index
        %get3A_77 = arith.constant 64 : index
        %get3A_78 = tpu.vector_load %arg12[%get3A_76, %get3A_77] {strides = array<i32>} : memref<125x80xi32, #tpu.memory_space<vmem>>, vector<16xi32>,
        tpu.vector_store_idx %arg11[%get3A_78], %broadcast_in_dim3A_0 {add = true} : memref<10240xf32, #tpu.memory_space<vmem>>[vector<16xi32>], vector<16xf32>,
        %scan3A_79 = arith.constant 0 : i32
        scf.yield %scan3A_79 : i32
      }
      %scan3A_37 = arith.constant 125 : i32
      %run_scoped3A = arith.constant 0 : i32
      "tpu.region"() ({
        %run_scoped3A_63 = tpu.sem_alloc : memref<!tpu.dma_semaphore, #tpu.memory_space<semaphore_mem>>
        %dma_start3A = arith.constant 0 : i32
        %dma_start3A_64 = tpu.memref_slice %arg13[%arg1, %run_scoped3A, %dma_start3A] : memref<16x2x10240xf32, #tpu.memory_space<vmem_shared>> -> memref<1x1x10240xf32, #tpu.memory_space<vmem_shared>>
        %dma_start3A_65 = tpu.memref_squeeze %dma_start3A_64 : memref<1x1x10240xf32, #tpu.memory_space<vmem_shared>> -> memref<10240xf32, #tpu.memory_space<vmem_shared>>
        %dma_start3A_66 = arith.constant 0 : i32
        %dma_start3A_67 = tpu.memref_slice %arg13[%arg1, %run_scoped3A, %dma_start3A_66] : memref<16x2x10240xf32, #tpu.memory_space<vmem_shared>> -> memref<1x1x10240xf32, #tpu.memory_space<vmem_shared>>
        %dma_start3A_68 = tpu.memref_squeeze %dma_start3A_67 : memref<1x1x10240xf32, #tpu.memory_space<vmem_shared>> -> memref<10240xf32, #tpu.memory_space<vmem_shared>>
        tpu.enqueue_dma source(%arg10 : memref<10240xf32, #tpu.memory_space<vmem>>) target(%dma_start3A_68 : memref<10240xf32, #tpu.memory_space<vmem_shared>>) target_semaphore(%run_scoped3A_63 : memref<!tpu.dma_semaphore, #tpu.memory_space<semaphore_mem>>)
        %dma_wait3A = arith.constant 0 : i32
        %dma_wait3A_69 = tpu.memref_slice %arg13[%arg1, %run_scoped3A, %dma_wait3A] : memref<16x2x10240xf32, #tpu.memory_space<vmem_shared>> -> memref<1x1x10240xf32, #tpu.memory_space<vmem_shared>>
        %dma_wait3A_70 = tpu.memref_squeeze %dma_wait3A_69 : memref<1x1x10240xf32, #tpu.memory_space<vmem_shared>> -> memref<10240xf32, #tpu.memory_space<vmem_shared>>
        %dma_wait3A_71 = arith.constant 0 : i32
        %dma_wait3A_72 = tpu.memref_slice %arg13[%arg1, %run_scoped3A, %dma_wait3A_71] : memref<16x2x10240xf32, #tpu.memory_space<vmem_shared>> -> memref<1x1x10240xf32, #tpu.memory_space<vmem_shared>>
        %dma_wait3A_73 = tpu.memref_squeeze %dma_wait3A_72 : memref<1x1x10240xf32, #tpu.memory_space<vmem_shared>> -> memref<10240xf32, #tpu.memory_space<vmem_shared>>
        tpu.wait_dma2 semaphore(%run_scoped3A_63 : memref<!tpu.dma_semaphore, #tpu.memory_space<semaphore_mem>>) src(%arg10 : memref<10240xf32, #tpu.memory_space<vmem>>) dst(%dma_wait3A_73 : memref<10240xf32, #tpu.memory_space<vmem_shared>>)
        tpu.yield
      }) : () -> ()
      %run_scoped3A_38 = arith.constant 1 : i32
      "tpu.region"() ({
        %run_scoped3A_63 = tpu.sem_alloc : memref<!tpu.dma_semaphore, #tpu.memory_space<semaphore_mem>>
        %dma_start3A = arith.constant 0 : i32
        %dma_start3A_64 = tpu.memref_slice %arg13[%arg1, %run_scoped3A_38, %dma_start3A] : memref<16x2x10240xf32, #tpu.memory_space<vmem_shared>> -> memref<1x1x10240xf32, #tpu.memory_space<vmem_shared>>
        %dma_start3A_65 = tpu.memref_squeeze %dma_start3A_64 : memref<1x1x10240xf32, #tpu.memory_space<vmem_shared>> -> memref<10240xf32, #tpu.memory_space<vmem_shared>>
        %dma_start3A_66 = arith.constant 0 : i32
        %dma_start3A_67 = tpu.memref_slice %arg13[%arg1, %run_scoped3A_38, %dma_start3A_66] : memref<16x2x10240xf32, #tpu.memory_space<vmem_shared>> -> memref<1x1x10240xf32, #tpu.memory_space<vmem_shared>>
        %dma_start3A_68 = tpu.memref_squeeze %dma_start3A_67 : memref<1x1x10240xf32, #tpu.memory_space<vmem_shared>> -> memref<10240xf32, #tpu.memory_space<vmem_shared>>
        tpu.enqueue_dma source(%arg11 : memref<10240xf32, #tpu.memory_space<vmem>>) target(%dma_start3A_68 : memref<10240xf32, #tpu.memory_space<vmem_shared>>) target_semaphore(%run_scoped3A_63 : memref<!tpu.dma_semaphore, #tpu.memory_space<semaphore_mem>>)
        %dma_wait3A = arith.constant 0 : i32
        %dma_wait3A_69 = tpu.memref_slice %arg13[%arg1, %run_scoped3A_38, %dma_wait3A] : memref<16x2x10240xf32, #tpu.memory_space<vmem_shared>> -> memref<1x1x10240xf32, #tpu.memory_space<vmem_shared>>
        %dma_wait3A_70 = tpu.memref_squeeze %dma_wait3A_69 : memref<1x1x10240xf32, #tpu.memory_space<vmem_shared>> -> memref<10240xf32, #tpu.memory_space<vmem_shared>>
        %dma_wait3A_71 = arith.constant 0 : i32
        %dma_wait3A_72 = tpu.memref_slice %arg13[%arg1, %run_scoped3A_38, %dma_wait3A_71] : memref<16x2x10240xf32, #tpu.memory_space<vmem_shared>> -> memref<1x1x10240xf32, #tpu.memory_space<vmem_shared>>
        %dma_wait3A_73 = tpu.memref_squeeze %dma_wait3A_72 : memref<1x1x10240xf32, #tpu.memory_space<vmem_shared>> -> memref<10240xf32, #tpu.memory_space<vmem_shared>>
        tpu.wait_dma2 semaphore(%run_scoped3A_63 : memref<!tpu.dma_semaphore, #tpu.memory_space<semaphore_mem>>) src(%arg11 : memref<10240xf32, #tpu.memory_space<vmem>>) dst(%dma_wait3A_73 : memref<10240xf32, #tpu.memory_space<vmem_shared>>)
        tpu.yield
      }) : () -> ()
      %barrier3A = arith.constant 0 : index
      tpu.barrier barrier_id(%barrier3A)
      %mul3A_39 = arith.constant 640 : i32
      %mul3A_40 = arith.muli %arg1, %mul3A_39 : i32
      %run_scoped3A_41 = arith.constant 0 : i32
      "tpu.region"() ({
        %run_scoped3A_63 = tpu.sem_alloc : memref<!tpu.dma_semaphore, #tpu.memory_space<semaphore_mem>>
        %dma_start3A = arith.constant 0 : i32
        %dma_start3A_64 = tpu.memref_slice %arg13[%dma_start3A, %run_scoped3A_41, %mul3A_40] : memref<16x2x10240xf32, #tpu.memory_space<vmem_shared>> -> memref<16x1x640xf32, #tpu.memory_space<vmem_shared>>
        %dma_start3A_65 = tpu.memref_squeeze %dma_start3A_64 : memref<16x1x640xf32, #tpu.memory_space<vmem_shared>> -> memref<16x640xf32, #tpu.memory_space<vmem_shared>>
        %dma_start3A_66 = arith.constant 0 : i32
        %dma_start3A_67 = tpu.memref_slice %arg13[%dma_start3A_66, %run_scoped3A_41, %mul3A_40] : memref<16x2x10240xf32, #tpu.memory_space<vmem_shared>> -> memref<16x1x640xf32, #tpu.memory_space<vmem_shared>>
        %dma_start3A_68 = tpu.memref_squeeze %dma_start3A_67 : memref<16x1x640xf32, #tpu.memory_space<vmem_shared>> -> memref<16x640xf32, #tpu.memory_space<vmem_shared>>
        tpu.enqueue_dma source(%dma_start3A_68 : memref<16x640xf32, #tpu.memory_space<vmem_shared>>) target(%arg14 : memref<16x640xf32, #tpu.memory_space<vmem>>) target_semaphore(%run_scoped3A_63 : memref<!tpu.dma_semaphore, #tpu.memory_space<semaphore_mem>>)
        %dma_wait3A = arith.constant 0 : i32
        %dma_wait3A_69 = tpu.memref_slice %arg13[%dma_wait3A, %run_scoped3A_41, %mul3A_40] : memref<16x2x10240xf32, #tpu.memory_space<vmem_shared>> -> memref<16x1x640xf32, #tpu.memory_space<vmem_shared>>
        %dma_wait3A_70 = tpu.memref_squeeze %dma_wait3A_69 : memref<16x1x640xf32, #tpu.memory_space<vmem_shared>> -> memref<16x640xf32, #tpu.memory_space<vmem_shared>>
        %dma_wait3A_71 = arith.constant 0 : i32
        %dma_wait3A_72 = tpu.memref_slice %arg13[%dma_wait3A_71, %run_scoped3A_41, %mul3A_40] : memref<16x2x10240xf32, #tpu.memory_space<vmem_shared>> -> memref<16x1x640xf32, #tpu.memory_space<vmem_shared>>
        %dma_wait3A_73 = tpu.memref_squeeze %dma_wait3A_72 : memref<16x1x640xf32, #tpu.memory_space<vmem_shared>> -> memref<16x640xf32, #tpu.memory_space<vmem_shared>>
        tpu.wait_dma2 semaphore(%run_scoped3A_63 : memref<!tpu.dma_semaphore, #tpu.memory_space<semaphore_mem>>) src(%dma_wait3A_73 : memref<16x640xf32, #tpu.memory_space<vmem_shared>>) dst(%arg14 : memref<16x640xf32, #tpu.memory_space<vmem>>)
        tpu.yield
      }) : () -> ()
      %scan3A_42 = arith.constant 0 : i32
      %scan3A_43 = arith.constant 0 : i32
      %scan3A_44 = arith.constant 40 : i32
      %scan3A_45 = arith.addi %scan3A_43, %scan3A_44 : i32
      %scan3A_46 = arith.constant 1 : i32
      %scan3A_47 = scf.for %scan3A_63 = %scan3A_43 to %scan3A_45 step %scan3A_46 iter_args(%scan3A_64 = %scan3A_42) -> (i32)  : i32 {
        %mul3A_65 = arith.constant 16 : i32
        %mul3A_66 = arith.muli %scan3A_63, %mul3A_65 : i32
        %get3A = arith.constant 0 : i32
        %get3A_67 = arith.index_cast %get3A : i32 to index
        %get3A_68 = arith.index_cast %mul3A_66 : i32 to index
        %get3A_69 = tpu.vector_load %arg14[%get3A_67, %get3A_68] {strides = array<i32>} : memref<16x640xf32, #tpu.memory_space<vmem>>, vector<16xf32>,
        %get3A_70 = arith.constant 1 : i32
        %get3A_71 = arith.index_cast %get3A_70 : i32 to index
        %get3A_72 = arith.index_cast %mul3A_66 : i32 to index
        %get3A_73 = tpu.vector_load %arg14[%get3A_71, %get3A_72] {strides = array<i32>} : memref<16x640xf32, #tpu.memory_space<vmem>>, vector<16xf32>,
        %add3A = arith.addf %get3A_69, %get3A_73 : vector<16xf32>
        %get3A_74 = arith.constant 2 : i32
        %get3A_75 = arith.index_cast %get3A_74 : i32 to index
        %get3A_76 = arith.index_cast %mul3A_66 : i32 to index
        %get3A_77 = tpu.vector_load %arg14[%get3A_75, %get3A_76] {strides = array<i32>} : memref<16x640xf32, #tpu.memory_space<vmem>>, vector<16xf32>,
        %add3A_78 = arith.addf %add3A, %get3A_77 : vector<16xf32>
        %get3A_79 = arith.constant 3 : i32
        %get3A_80 = arith.index_cast %get3A_79 : i32 to index
        %get3A_81 = arith.index_cast %mul3A_66 : i32 to index
        %get3A_82 = tpu.vector_load %arg14[%get3A_80, %get3A_81] {strides = array<i32>} : memref<16x640xf32, #tpu.memory_space<vmem>>, vector<16xf32>,
        %add3A_83 = arith.addf %add3A_78, %get3A_82 : vector<16xf32>
        %get3A_84 = arith.constant 4 : i32
        %get3A_85 = arith.index_cast %get3A_84 : i32 to index
        %get3A_86 = arith.index_cast %mul3A_66 : i32 to index
        %get3A_87 = tpu.vector_load %arg14[%get3A_85, %get3A_86] {strides = array<i32>} : memref<16x640xf32, #tpu.memory_space<vmem>>, vector<16xf32>,
        %add3A_88 = arith.addf %add3A_83, %get3A_87 : vector<16xf32>
        %get3A_89 = arith.constant 5 : i32
        %get3A_90 = arith.index_cast %get3A_89 : i32 to index
        %get3A_91 = arith.index_cast %mul3A_66 : i32 to index
        %get3A_92 = tpu.vector_load %arg14[%get3A_90, %get3A_91] {strides = array<i32>} : memref<16x640xf32, #tpu.memory_space<vmem>>, vector<16xf32>,
        %add3A_93 = arith.addf %add3A_88, %get3A_92 : vector<16xf32>
        %get3A_94 = arith.constant 6 : i32
        %get3A_95 = arith.index_cast %get3A_94 : i32 to index
        %get3A_96 = arith.index_cast %mul3A_66 : i32 to index
        %get3A_97 = tpu.vector_load %arg14[%get3A_95, %get3A_96] {strides = array<i32>} : memref<16x640xf32, #tpu.memory_space<vmem>>, vector<16xf32>,
        %add3A_98 = arith.addf %add3A_93, %get3A_97 : vector<16xf32>
        %get3A_99 = arith.constant 7 : i32
        %get3A_100 = arith.index_cast %get3A_99 : i32 to index
        %get3A_101 = arith.index_cast %mul3A_66 : i32 to index
        %get3A_102 = tpu.vector_load %arg14[%get3A_100, %get3A_101] {strides = array<i32>} : memref<16x640xf32, #tpu.memory_space<vmem>>, vector<16xf32>,
        %add3A_103 = arith.addf %add3A_98, %get3A_102 : vector<16xf32>
        %get3A_104 = arith.constant 8 : i32
        %get3A_105 = arith.index_cast %get3A_104 : i32 to index
        %get3A_106 = arith.index_cast %mul3A_66 : i32 to index
        %get3A_107 = tpu.vector_load %arg14[%get3A_105, %get3A_106] {strides = array<i32>} : memref<16x640xf32, #tpu.memory_space<vmem>>, vector<16xf32>,
        %add3A_108 = arith.addf %add3A_103, %get3A_107 : vector<16xf32>
        %get3A_109 = arith.constant 9 : i32
        %get3A_110 = arith.index_cast %get3A_109 : i32 to index
        %get3A_111 = arith.index_cast %mul3A_66 : i32 to index
        %get3A_112 = tpu.vector_load %arg14[%get3A_110, %get3A_111] {strides = array<i32>} : memref<16x640xf32, #tpu.memory_space<vmem>>, vector<16xf32>,
        %add3A_113 = arith.addf %add3A_108, %get3A_112 : vector<16xf32>
        %get3A_114 = arith.constant 10 : i32
        %get3A_115 = arith.index_cast %get3A_114 : i32 to index
        %get3A_116 = arith.index_cast %mul3A_66 : i32 to index
        %get3A_117 = tpu.vector_load %arg14[%get3A_115, %get3A_116] {strides = array<i32>} : memref<16x640xf32, #tpu.memory_space<vmem>>, vector<16xf32>,
        %add3A_118 = arith.addf %add3A_113, %get3A_117 : vector<16xf32>
        %get3A_119 = arith.constant 11 : i32
        %get3A_120 = arith.index_cast %get3A_119 : i32 to index
        %get3A_121 = arith.index_cast %mul3A_66 : i32 to index
        %get3A_122 = tpu.vector_load %arg14[%get3A_120, %get3A_121] {strides = array<i32>} : memref<16x640xf32, #tpu.memory_space<vmem>>, vector<16xf32>,
        %add3A_123 = arith.addf %add3A_118, %get3A_122 : vector<16xf32>
        %get3A_124 = arith.constant 12 : i32
        %get3A_125 = arith.index_cast %get3A_124 : i32 to index
        %get3A_126 = arith.index_cast %mul3A_66 : i32 to index
        %get3A_127 = tpu.vector_load %arg14[%get3A_125, %get3A_126] {strides = array<i32>} : memref<16x640xf32, #tpu.memory_space<vmem>>, vector<16xf32>,
        %add3A_128 = arith.addf %add3A_123, %get3A_127 : vector<16xf32>
        %get3A_129 = arith.constant 13 : i32
        %get3A_130 = arith.index_cast %get3A_129 : i32 to index
        %get3A_131 = arith.index_cast %mul3A_66 : i32 to index
        %get3A_132 = tpu.vector_load %arg14[%get3A_130, %get3A_131] {strides = array<i32>} : memref<16x640xf32, #tpu.memory_space<vmem>>, vector<16xf32>,
        %add3A_133 = arith.addf %add3A_128, %get3A_132 : vector<16xf32>
        %get3A_134 = arith.constant 14 : i32
        %get3A_135 = arith.index_cast %get3A_134 : i32 to index
        %get3A_136 = arith.index_cast %mul3A_66 : i32 to index
        %get3A_137 = tpu.vector_load %arg14[%get3A_135, %get3A_136] {strides = array<i32>} : memref<16x640xf32, #tpu.memory_space<vmem>>, vector<16xf32>,
        %add3A_138 = arith.addf %add3A_133, %get3A_137 : vector<16xf32>
        %get3A_139 = arith.constant 15 : i32
        %get3A_140 = arith.index_cast %get3A_139 : i32 to index
        %get3A_141 = arith.index_cast %mul3A_66 : i32 to index
        %get3A_142 = tpu.vector_load %arg14[%get3A_140, %get3A_141] {strides = array<i32>} : memref<16x640xf32, #tpu.memory_space<vmem>>, vector<16xf32>,
        %add3A_143 = arith.addf %add3A_138, %get3A_142 : vector<16xf32>
        %swap3A = arith.index_cast %mul3A_66 : i32 to index
        %swap3A_144 = tpu.vector_load %arg15[%swap3A] {strides = array<i32>} : memref<640xf32, #tpu.memory_space<vmem>>, vector<16xf32>,
        tpu.vector_store %arg15[%swap3A], %add3A_143 {strides = array<i32>} : memref<640xf32, #tpu.memory_space<vmem>>, vector<16xf32>,
        %scan3A_145 = arith.constant 0 : i32
        scf.yield %scan3A_145 : i32
      }
      %scan3A_48 = arith.constant 40 : i32
      %mul3A_49 = arith.constant 640 : i32
      %mul3A_50 = arith.muli %arg1, %mul3A_49 : i32
      "tpu.region"() ({
        %run_scoped3A_63 = tpu.sem_alloc : memref<!tpu.dma_semaphore, #tpu.memory_space<semaphore_mem>>
        %dma_start3A = tpu.memref_slice %arg6[%mul3A_50] : memref<10240xf32, #tpu.memory_space<hbm>> -> memref<640xf32, #tpu.memory_space<hbm>>
        %dma_start3A_64 = tpu.memref_slice %arg6[%mul3A_50] : memref<10240xf32, #tpu.memory_space<hbm>> -> memref<640xf32, #tpu.memory_space<hbm>>
        tpu.enqueue_dma source(%arg15 : memref<640xf32, #tpu.memory_space<vmem>>) target(%dma_start3A_64 : memref<640xf32, #tpu.memory_space<hbm>>) target_semaphore(%run_scoped3A_63 : memref<!tpu.dma_semaphore, #tpu.memory_space<semaphore_mem>>)
        %dma_wait3A = tpu.memref_slice %arg6[%mul3A_50] : memref<10240xf32, #tpu.memory_space<hbm>> -> memref<640xf32, #tpu.memory_space<hbm>>
        %dma_wait3A_65 = tpu.memref_slice %arg6[%mul3A_50] : memref<10240xf32, #tpu.memory_space<hbm>> -> memref<640xf32, #tpu.memory_space<hbm>>
        tpu.wait_dma2 semaphore(%run_scoped3A_63 : memref<!tpu.dma_semaphore, #tpu.memory_space<semaphore_mem>>) src(%arg15 : memref<640xf32, #tpu.memory_space<vmem>>) dst(%dma_wait3A_65 : memref<640xf32, #tpu.memory_space<hbm>>)
        tpu.yield
      }) : () -> ()
      %mul3A_51 = arith.constant 640 : i32
      %mul3A_52 = arith.muli %arg1, %mul3A_51 : i32
      %run_scoped3A_53 = arith.constant 1 : i32
      "tpu.region"() ({
        %run_scoped3A_63 = tpu.sem_alloc : memref<!tpu.dma_semaphore, #tpu.memory_space<semaphore_mem>>
        %dma_start3A = arith.constant 0 : i32
        %dma_start3A_64 = tpu.memref_slice %arg13[%dma_start3A, %run_scoped3A_53, %mul3A_52] : memref<16x2x10240xf32, #tpu.memory_space<vmem_shared>> -> memref<16x1x640xf32, #tpu.memory_space<vmem_shared>>
        %dma_start3A_65 = tpu.memref_squeeze %dma_start3A_64 : memref<16x1x640xf32, #tpu.memory_space<vmem_shared>> -> memref<16x640xf32, #tpu.memory_space<vmem_shared>>
        %dma_start3A_66 = arith.constant 0 : i32
        %dma_start3A_67 = tpu.memref_slice %arg13[%dma_start3A_66, %run_scoped3A_53, %mul3A_52] : memref<16x2x10240xf32, #tpu.memory_space<vmem_shared>> -> memref<16x1x640xf32, #tpu.memory_space<vmem_shared>>
        %dma_start3A_68 = tpu.memref_squeeze %dma_start3A_67 : memref<16x1x640xf32, #tpu.memory_space<vmem_shared>> -> memref<16x640xf32, #tpu.memory_space<vmem_shared>>
        tpu.enqueue_dma source(%dma_start3A_68 : memref<16x640xf32, #tpu.memory_space<vmem_shared>>) target(%arg14 : memref<16x640xf32, #tpu.memory_space<vmem>>) target_semaphore(%run_scoped3A_63 : memref<!tpu.dma_semaphore, #tpu.memory_space<semaphore_mem>>)
        %dma_wait3A = arith.constant 0 : i32
        %dma_wait3A_69 = tpu.memref_slice %arg13[%dma_wait3A, %run_scoped3A_53, %mul3A_52] : memref<16x2x10240xf32, #tpu.memory_space<vmem_shared>> -> memref<16x1x640xf32, #tpu.memory_space<vmem_shared>>
        %dma_wait3A_70 = tpu.memref_squeeze %dma_wait3A_69 : memref<16x1x640xf32, #tpu.memory_space<vmem_shared>> -> memref<16x640xf32, #tpu.memory_space<vmem_shared>>
        %dma_wait3A_71 = arith.constant 0 : i32
        %dma_wait3A_72 = tpu.memref_slice %arg13[%dma_wait3A_71, %run_scoped3A_53, %mul3A_52] : memref<16x2x10240xf32, #tpu.memory_space<vmem_shared>> -> memref<16x1x640xf32, #tpu.memory_space<vmem_shared>>
        %dma_wait3A_73 = tpu.memref_squeeze %dma_wait3A_72 : memref<16x1x640xf32, #tpu.memory_space<vmem_shared>> -> memref<16x640xf32, #tpu.memory_space<vmem_shared>>
        tpu.wait_dma2 semaphore(%run_scoped3A_63 : memref<!tpu.dma_semaphore, #tpu.memory_space<semaphore_mem>>) src(%dma_wait3A_73 : memref<16x640xf32, #tpu.memory_space<vmem_shared>>) dst(%arg14 : memref<16x640xf32, #tpu.memory_space<vmem>>)
        tpu.yield
      }) : () -> ()
      %scan3A_54 = arith.constant 0 : i32
      %scan3A_55 = arith.constant 0 : i32
      %scan3A_56 = arith.constant 40 : i32
      %scan3A_57 = arith.addi %scan3A_55, %scan3A_56 : i32
      %scan3A_58 = arith.constant 1 : i32
      %scan3A_59 = scf.for %scan3A_63 = %scan3A_55 to %scan3A_57 step %scan3A_58 iter_args(%scan3A_64 = %scan3A_54) -> (i32)  : i32 {
        %mul3A_65 = arith.constant 16 : i32
        %mul3A_66 = arith.muli %scan3A_63, %mul3A_65 : i32
        %get3A = arith.constant 0 : i32
        %get3A_67 = arith.index_cast %get3A : i32 to index
        %get3A_68 = arith.index_cast %mul3A_66 : i32 to index
        %get3A_69 = tpu.vector_load %arg14[%get3A_67, %get3A_68] {strides = array<i32>} : memref<16x640xf32, #tpu.memory_space<vmem>>, vector<16xf32>,
        %get3A_70 = arith.constant 1 : i32
        %get3A_71 = arith.index_cast %get3A_70 : i32 to index
        %get3A_72 = arith.index_cast %mul3A_66 : i32 to index
        %get3A_73 = tpu.vector_load %arg14[%get3A_71, %get3A_72] {strides = array<i32>} : memref<16x640xf32, #tpu.memory_space<vmem>>, vector<16xf32>,
        %add3A = arith.addf %get3A_69, %get3A_73 : vector<16xf32>
        %get3A_74 = arith.constant 2 : i32
        %get3A_75 = arith.index_cast %get3A_74 : i32 to index
        %get3A_76 = arith.index_cast %mul3A_66 : i32 to index
        %get3A_77 = tpu.vector_load %arg14[%get3A_75, %get3A_76] {strides = array<i32>} : memref<16x640xf32, #tpu.memory_space<vmem>>, vector<16xf32>,
        %add3A_78 = arith.addf %add3A, %get3A_77 : vector<16xf32>
        %get3A_79 = arith.constant 3 : i32
        %get3A_80 = arith.index_cast %get3A_79 : i32 to index
        %get3A_81 = arith.index_cast %mul3A_66 : i32 to index
        %get3A_82 = tpu.vector_load %arg14[%get3A_80, %get3A_81] {strides = array<i32>} : memref<16x640xf32, #tpu.memory_space<vmem>>, vector<16xf32>,
        %add3A_83 = arith.addf %add3A_78, %get3A_82 : vector<16xf32>
        %get3A_84 = arith.constant 4 : i32
        %get3A_85 = arith.index_cast %get3A_84 : i32 to index
        %get3A_86 = arith.index_cast %mul3A_66 : i32 to index
        %get3A_87 = tpu.vector_load %arg14[%get3A_85, %get3A_86] {strides = array<i32>} : memref<16x640xf32, #tpu.memory_space<vmem>>, vector<16xf32>,
        %add3A_88 = arith.addf %add3A_83, %get3A_87 : vector<16xf32>
        %get3A_89 = arith.constant 5 : i32
        %get3A_90 = arith.index_cast %get3A_89 : i32 to index
        %get3A_91 = arith.index_cast %mul3A_66 : i32 to index
        %get3A_92 = tpu.vector_load %arg14[%get3A_90, %get3A_91] {strides = array<i32>} : memref<16x640xf32, #tpu.memory_space<vmem>>, vector<16xf32>,
        %add3A_93 = arith.addf %add3A_88, %get3A_92 : vector<16xf32>
        %get3A_94 = arith.constant 6 : i32
        %get3A_95 = arith.index_cast %get3A_94 : i32 to index
        %get3A_96 = arith.index_cast %mul3A_66 : i32 to index
        %get3A_97 = tpu.vector_load %arg14[%get3A_95, %get3A_96] {strides = array<i32>} : memref<16x640xf32, #tpu.memory_space<vmem>>, vector<16xf32>,
        %add3A_98 = arith.addf %add3A_93, %get3A_97 : vector<16xf32>
        %get3A_99 = arith.constant 7 : i32
        %get3A_100 = arith.index_cast %get3A_99 : i32 to index
        %get3A_101 = arith.index_cast %mul3A_66 : i32 to index
        %get3A_102 = tpu.vector_load %arg14[%get3A_100, %get3A_101] {strides = array<i32>} : memref<16x640xf32, #tpu.memory_space<vmem>>, vector<16xf32>,
        %add3A_103 = arith.addf %add3A_98, %get3A_102 : vector<16xf32>
        %get3A_104 = arith.constant 8 : i32
        %get3A_105 = arith.index_cast %get3A_104 : i32 to index
        %get3A_106 = arith.index_cast %mul3A_66 : i32 to index
        %get3A_107 = tpu.vector_load %arg14[%get3A_105, %get3A_106] {strides = array<i32>} : memref<16x640xf32, #tpu.memory_space<vmem>>, vector<16xf32>,
        %add3A_108 = arith.addf %add3A_103, %get3A_107 : vector<16xf32>
        %get3A_109 = arith.constant 9 : i32
        %get3A_110 = arith.index_cast %get3A_109 : i32 to index
        %get3A_111 = arith.index_cast %mul3A_66 : i32 to index
        %get3A_112 = tpu.vector_load %arg14[%get3A_110, %get3A_111] {strides = array<i32>} : memref<16x640xf32, #tpu.memory_space<vmem>>, vector<16xf32>,
        %add3A_113 = arith.addf %add3A_108, %get3A_112 : vector<16xf32>
        %get3A_114 = arith.constant 10 : i32
        %get3A_115 = arith.index_cast %get3A_114 : i32 to index
        %get3A_116 = arith.index_cast %mul3A_66 : i32 to index
        %get3A_117 = tpu.vector_load %arg14[%get3A_115, %get3A_116] {strides = array<i32>} : memref<16x640xf32, #tpu.memory_space<vmem>>, vector<16xf32>,
        %add3A_118 = arith.addf %add3A_113, %get3A_117 : vector<16xf32>
        %get3A_119 = arith.constant 11 : i32
        %get3A_120 = arith.index_cast %get3A_119 : i32 to index
        %get3A_121 = arith.index_cast %mul3A_66 : i32 to index
        %get3A_122 = tpu.vector_load %arg14[%get3A_120, %get3A_121] {strides = array<i32>} : memref<16x640xf32, #tpu.memory_space<vmem>>, vector<16xf32>,
        %add3A_123 = arith.addf %add3A_118, %get3A_122 : vector<16xf32>
        %get3A_124 = arith.constant 12 : i32
        %get3A_125 = arith.index_cast %get3A_124 : i32 to index
        %get3A_126 = arith.index_cast %mul3A_66 : i32 to index
        %get3A_127 = tpu.vector_load %arg14[%get3A_125, %get3A_126] {strides = array<i32>} : memref<16x640xf32, #tpu.memory_space<vmem>>, vector<16xf32>,
        %add3A_128 = arith.addf %add3A_123, %get3A_127 : vector<16xf32>
        %get3A_129 = arith.constant 13 : i32
        %get3A_130 = arith.index_cast %get3A_129 : i32 to index
        %get3A_131 = arith.index_cast %mul3A_66 : i32 to index
        %get3A_132 = tpu.vector_load %arg14[%get3A_130, %get3A_131] {strides = array<i32>} : memref<16x640xf32, #tpu.memory_space<vmem>>, vector<16xf32>,
        %add3A_133 = arith.addf %add3A_128, %get3A_132 : vector<16xf32>
        %get3A_134 = arith.constant 14 : i32
        %get3A_135 = arith.index_cast %get3A_134 : i32 to index
        %get3A_136 = arith.index_cast %mul3A_66 : i32 to index
        %get3A_137 = tpu.vector_load %arg14[%get3A_135, %get3A_136] {strides = array<i32>} : memref<16x640xf32, #tpu.memory_space<vmem>>, vector<16xf32>,
        %add3A_138 = arith.addf %add3A_133, %get3A_137 : vector<16xf32>
        %get3A_139 = arith.constant 15 : i32
        %get3A_140 = arith.index_cast %get3A_139 : i32 to index
        %get3A_141 = arith.index_cast %mul3A_66 : i32 to index
        %get3A_142 = tpu.vector_load %arg14[%get3A_140, %get3A_141] {strides = array<i32>} : memref<16x640xf32, #tpu.memory_space<vmem>>, vector<16xf32>,
        %add3A_143 = arith.addf %add3A_138, %get3A_142 : vector<16xf32>
        %swap3A = arith.index_cast %mul3A_66 : i32 to index
        %swap3A_144 = tpu.vector_load %arg15[%swap3A] {strides = array<i32>} : memref<640xf32, #tpu.memory_space<vmem>>, vector<16xf32>,
        tpu.vector_store %arg15[%swap3A], %add3A_143 {strides = array<i32>} : memref<640xf32, #tpu.memory_space<vmem>>, vector<16xf32>,
        %scan3A_145 = arith.constant 0 : i32
        scf.yield %scan3A_145 : i32
      }
      %scan3A_60 = arith.constant 40 : i32
      %mul3A_61 = arith.constant 640 : i32
      %mul3A_62 = arith.muli %arg1, %mul3A_61 : i32
      "tpu.region"() ({
        %run_scoped3A_63 = tpu.sem_alloc : memref<!tpu.dma_semaphore, #tpu.memory_space<semaphore_mem>>
        %dma_start3A = tpu.memref_slice %arg7[%mul3A_62] : memref<10240xf32, #tpu.memory_space<hbm>> -> memref<640xf32, #tpu.memory_space<hbm>>
        %dma_start3A_64 = tpu.memref_slice %arg7[%mul3A_62] : memref<10240xf32, #tpu.memory_space<hbm>> -> memref<640xf32, #tpu.memory_space<hbm>>
        tpu.enqueue_dma source(%arg15 : memref<640xf32, #tpu.memory_space<vmem>>) target(%dma_start3A_64 : memref<640xf32, #tpu.memory_space<hbm>>) target_semaphore(%run_scoped3A_63 : memref<!tpu.dma_semaphore, #tpu.memory_space<semaphore_mem>>)
        %dma_wait3A = tpu.memref_slice %arg7[%mul3A_62] : memref<10240xf32, #tpu.memory_space<hbm>> -> memref<640xf32, #tpu.memory_space<hbm>>
        %dma_wait3A_65 = tpu.memref_slice %arg7[%mul3A_62] : memref<10240xf32, #tpu.memory_space<hbm>> -> memref<640xf32, #tpu.memory_space<hbm>>
        tpu.wait_dma2 semaphore(%run_scoped3A_63 : memref<!tpu.dma_semaphore, #tpu.memory_space<semaphore_mem>>) src(%arg15 : memref<640xf32, #tpu.memory_space<vmem>>) dst(%dma_wait3A_65 : memref<640xf32, #tpu.memory_space<hbm>>)
        tpu.yield
      }) : () -> ()
    } else {
    }
    %eq3A_3 = arith.constant 1 : i32
    %eq3A_4 = arith.cmpi eq, %arg0, %eq3A_3 : i32
    %convert_element_type3A_5 = arith.extui %eq3A_4 : i1 to i32
    %cond3A_6 = arith.constant 0 : i32
    %cond3A_7 = arith.cmpi ne, %convert_element_type3A_5, %cond3A_6 : i32
    scf.if %cond3A_7 {
      %scan3A = arith.constant 0 : i32
      %scan3A_8 = arith.constant 0 : i32
      %scan3A_9 = arith.constant 640 : i32
      %scan3A_10 = arith.addi %scan3A_8, %scan3A_9 : i32
      %scan3A_11 = arith.constant 1 : i32
      %scan3A_12 = scf.for %scan3A_63 = %scan3A_8 to %scan3A_10 step %scan3A_11 iter_args(%scan3A_64 = %scan3A) -> (i32)  : i32 {
        %broadcast_in_dim3A_65 = arith.constant 0.000000e+00 : f32
        %broadcast_in_dim3A_66 = vector.broadcast %broadcast_in_dim3A_65 : f32 to vector<16xf32>
        %mul3A_67 = arith.constant 16 : i32
        %mul3A_68 = arith.muli %scan3A_63, %mul3A_67 : i32
        %swap3A = arith.index_cast %mul3A_68 : i32 to index
        %swap3A_69 = tpu.vector_load %arg10[%swap3A] {strides = array<i32>} : memref<10240xf32, #tpu.memory_space<vmem>>, vector<16xf32>,
        tpu.vector_store %arg10[%swap3A], %broadcast_in_dim3A_66 {strides = array<i32>} : memref<10240xf32, #tpu.memory_space<vmem>>, vector<16xf32>,
        %scan3A_70 = arith.constant 0 : i32
        scf.yield %scan3A_70 : i32
      }
      %scan3A_13 = arith.constant 640 : i32
      %scan3A_14 = arith.constant 0 : i32
      %scan3A_15 = arith.constant 0 : i32
      %scan3A_16 = arith.constant 640 : i32
      %scan3A_17 = arith.addi %scan3A_15, %scan3A_16 : i32
      %scan3A_18 = arith.constant 1 : i32
      %scan3A_19 = scf.for %scan3A_63 = %scan3A_15 to %scan3A_17 step %scan3A_18 iter_args(%scan3A_64 = %scan3A_14) -> (i32)  : i32 {
        %broadcast_in_dim3A_65 = arith.constant 0.000000e+00 : f32
        %broadcast_in_dim3A_66 = vector.broadcast %broadcast_in_dim3A_65 : f32 to vector<16xf32>
        %mul3A_67 = arith.constant 16 : i32
        %mul3A_68 = arith.muli %scan3A_63, %mul3A_67 : i32
        %swap3A = arith.index_cast %mul3A_68 : i32 to index
        %swap3A_69 = tpu.vector_load %arg11[%swap3A] {strides = array<i32>} : memref<10240xf32, #tpu.memory_space<vmem>>, vector<16xf32>,
        tpu.vector_store %arg11[%swap3A], %broadcast_in_dim3A_66 {strides = array<i32>} : memref<10240xf32, #tpu.memory_space<vmem>>, vector<16xf32>,
        %scan3A_70 = arith.constant 0 : i32
        scf.yield %scan3A_70 : i32
      }
      %scan3A_20 = arith.constant 640 : i32
      %mul3A = arith.constant 125 : i32
      %mul3A_21 = arith.muli %arg1, %mul3A : i32
      "tpu.region"() ({
        %run_scoped3A_63 = tpu.sem_alloc : memref<!tpu.dma_semaphore, #tpu.memory_space<semaphore_mem>>
        %dma_start3A = arith.constant 0 : i32
        %dma_start3A_64 = tpu.memref_slice %arg4[%mul3A_21, %dma_start3A] : memref<2000x80xi32, #tpu.memory_space<hbm>> -> memref<125x80xi32, #tpu.memory_space<hbm>>
        %dma_start3A_65 = arith.constant 0 : i32
        %dma_start3A_66 = tpu.memref_slice %arg4[%mul3A_21, %dma_start3A_65] : memref<2000x80xi32, #tpu.memory_space<hbm>> -> memref<125x80xi32, #tpu.memory_space<hbm>>
        tpu.enqueue_dma source(%dma_start3A_66 : memref<125x80xi32, #tpu.memory_space<hbm>>) target(%arg12 : memref<125x80xi32, #tpu.memory_space<vmem>>) target_semaphore(%run_scoped3A_63 : memref<!tpu.dma_semaphore, #tpu.memory_space<semaphore_mem>>)
        %dma_wait3A = arith.constant 0 : i32
        %dma_wait3A_67 = tpu.memref_slice %arg4[%mul3A_21, %dma_wait3A] : memref<2000x80xi32, #tpu.memory_space<hbm>> -> memref<125x80xi32, #tpu.memory_space<hbm>>
        %dma_wait3A_68 = arith.constant 0 : i32
        %dma_wait3A_69 = tpu.memref_slice %arg4[%mul3A_21, %dma_wait3A_68] : memref<2000x80xi32, #tpu.memory_space<hbm>> -> memref<125x80xi32, #tpu.memory_space<hbm>>
        tpu.wait_dma2 semaphore(%run_scoped3A_63 : memref<!tpu.dma_semaphore, #tpu.memory_space<semaphore_mem>>) src(%dma_wait3A_69 : memref<125x80xi32, #tpu.memory_space<hbm>>) dst(%arg12 : memref<125x80xi32, #tpu.memory_space<vmem>>)
        tpu.yield
      }) : () -> ()
      %scan3A_22 = arith.constant 0 : i32
      %scan3A_23 = arith.constant 0 : i32
      %scan3A_24 = arith.constant 125 : i32
      %scan3A_25 = arith.addi %scan3A_23, %scan3A_24 : i32
      %scan3A_26 = arith.constant 1 : i32
      %scan3A_27 = scf.for %scan3A_63 = %scan3A_23 to %scan3A_25 step %scan3A_26 iter_args(%scan3A_64 = %scan3A_22) -> (i32)  : i32 {
        %get3A = arith.index_cast %scan3A_63 : i32 to index
        %get3A_65 = arith.constant 0 : index
        %get3A_66 = tpu.vector_load %arg12[%get3A, %get3A_65] {strides = array<i32>} : memref<125x80xi32, #tpu.memory_space<vmem>>, vector<16xi32>,
        tpu.vector_store_idx %arg10[%get3A_66], %broadcast_in_dim3A_0 {add = true} : memref<10240xf32, #tpu.memory_space<vmem>>[vector<16xi32>], vector<16xf32>,
        %get3A_67 = arith.index_cast %scan3A_63 : i32 to index
        %get3A_68 = arith.constant 16 : index
        %get3A_69 = tpu.vector_load %arg12[%get3A_67, %get3A_68] {strides = array<i32>} : memref<125x80xi32, #tpu.memory_space<vmem>>, vector<16xi32>,
        tpu.vector_store_idx %arg10[%get3A_69], %broadcast_in_dim3A_0 {add = true} : memref<10240xf32, #tpu.memory_space<vmem>>[vector<16xi32>], vector<16xf32>,
        %get3A_70 = arith.index_cast %scan3A_63 : i32 to index
        %get3A_71 = arith.constant 32 : index
        %get3A_72 = tpu.vector_load %arg12[%get3A_70, %get3A_71] {strides = array<i32>} : memref<125x80xi32, #tpu.memory_space<vmem>>, vector<16xi32>,
        tpu.vector_store_idx %arg10[%get3A_72], %broadcast_in_dim3A_0 {add = true} : memref<10240xf32, #tpu.memory_space<vmem>>[vector<16xi32>], vector<16xf32>,
        %get3A_73 = arith.index_cast %scan3A_63 : i32 to index
        %get3A_74 = arith.constant 48 : index
        %get3A_75 = tpu.vector_load %arg12[%get3A_73, %get3A_74] {strides = array<i32>} : memref<125x80xi32, #tpu.memory_space<vmem>>, vector<16xi32>,
        tpu.vector_store_idx %arg10[%get3A_75], %broadcast_in_dim3A_0 {add = true} : memref<10240xf32, #tpu.memory_space<vmem>>[vector<16xi32>], vector<16xf32>,
        %get3A_76 = arith.index_cast %scan3A_63 : i32 to index
        %get3A_77 = arith.constant 64 : index
        %get3A_78 = tpu.vector_load %arg12[%get3A_76, %get3A_77] {strides = array<i32>} : memref<125x80xi32, #tpu.memory_space<vmem>>, vector<16xi32>,
        tpu.vector_store_idx %arg10[%get3A_78], %broadcast_in_dim3A_0 {add = true} : memref<10240xf32, #tpu.memory_space<vmem>>[vector<16xi32>], vector<16xf32>,
        %scan3A_79 = arith.constant 0 : i32
        scf.yield %scan3A_79 : i32
      }
      %scan3A_28 = arith.constant 125 : i32
      %mul3A_29 = arith.constant 125 : i32
      %mul3A_30 = arith.muli %arg1, %mul3A_29 : i32
      "tpu.region"() ({
        %run_scoped3A_63 = tpu.sem_alloc : memref<!tpu.dma_semaphore, #tpu.memory_space<semaphore_mem>>
        %dma_start3A = arith.constant 0 : i32
        %dma_start3A_64 = tpu.memref_slice %arg5[%mul3A_30, %dma_start3A] : memref<2000x80xi32, #tpu.memory_space<hbm>> -> memref<125x80xi32, #tpu.memory_space<hbm>>
        %dma_start3A_65 = arith.constant 0 : i32
        %dma_start3A_66 = tpu.memref_slice %arg5[%mul3A_30, %dma_start3A_65] : memref<2000x80xi32, #tpu.memory_space<hbm>> -> memref<125x80xi32, #tpu.memory_space<hbm>>
        tpu.enqueue_dma source(%dma_start3A_66 : memref<125x80xi32, #tpu.memory_space<hbm>>) target(%arg12 : memref<125x80xi32, #tpu.memory_space<vmem>>) target_semaphore(%run_scoped3A_63 : memref<!tpu.dma_semaphore, #tpu.memory_space<semaphore_mem>>)
        %dma_wait3A = arith.constant 0 : i32
        %dma_wait3A_67 = tpu.memref_slice %arg5[%mul3A_30, %dma_wait3A] : memref<2000x80xi32, #tpu.memory_space<hbm>> -> memref<125x80xi32, #tpu.memory_space<hbm>>
        %dma_wait3A_68 = arith.constant 0 : i32
        %dma_wait3A_69 = tpu.memref_slice %arg5[%mul3A_30, %dma_wait3A_68] : memref<2000x80xi32, #tpu.memory_space<hbm>> -> memref<125x80xi32, #tpu.memory_space<hbm>>
        tpu.wait_dma2 semaphore(%run_scoped3A_63 : memref<!tpu.dma_semaphore, #tpu.memory_space<semaphore_mem>>) src(%dma_wait3A_69 : memref<125x80xi32, #tpu.memory_space<hbm>>) dst(%arg12 : memref<125x80xi32, #tpu.memory_space<vmem>>)
        tpu.yield
      }) : () -> ()
      %scan3A_31 = arith.constant 0 : i32
      %scan3A_32 = arith.constant 0 : i32
      %scan3A_33 = arith.constant 125 : i32
      %scan3A_34 = arith.addi %scan3A_32, %scan3A_33 : i32
      %scan3A_35 = arith.constant 1 : i32
      %scan3A_36 = scf.for %scan3A_63 = %scan3A_32 to %scan3A_34 step %scan3A_35 iter_args(%scan3A_64 = %scan3A_31) -> (i32)  : i32 {
        %get3A = arith.index_cast %scan3A_63 : i32 to index
        %get3A_65 = arith.constant 0 : index
        %get3A_66 = tpu.vector_load %arg12[%get3A, %get3A_65] {strides = array<i32>} : memref<125x80xi32, #tpu.memory_space<vmem>>, vector<16xi32>,
        tpu.vector_store_idx %arg11[%get3A_66], %broadcast_in_dim3A_0 {add = true} : memref<10240xf32, #tpu.memory_space<vmem>>[vector<16xi32>], vector<16xf32>,
        %get3A_67 = arith.index_cast %scan3A_63 : i32 to index
        %get3A_68 = arith.constant 16 : index
        %get3A_69 = tpu.vector_load %arg12[%get3A_67, %get3A_68] {strides = array<i32>} : memref<125x80xi32, #tpu.memory_space<vmem>>, vector<16xi32>,
        tpu.vector_store_idx %arg11[%get3A_69], %broadcast_in_dim3A_0 {add = true} : memref<10240xf32, #tpu.memory_space<vmem>>[vector<16xi32>], vector<16xf32>,
        %get3A_70 = arith.index_cast %scan3A_63 : i32 to index
        %get3A_71 = arith.constant 32 : index
        %get3A_72 = tpu.vector_load %arg12[%get3A_70, %get3A_71] {strides = array<i32>} : memref<125x80xi32, #tpu.memory_space<vmem>>, vector<16xi32>,
        tpu.vector_store_idx %arg11[%get3A_72], %broadcast_in_dim3A_0 {add = true} : memref<10240xf32, #tpu.memory_space<vmem>>[vector<16xi32>], vector<16xf32>,
        %get3A_73 = arith.index_cast %scan3A_63 : i32 to index
        %get3A_74 = arith.constant 48 : index
        %get3A_75 = tpu.vector_load %arg12[%get3A_73, %get3A_74] {strides = array<i32>} : memref<125x80xi32, #tpu.memory_space<vmem>>, vector<16xi32>,
        tpu.vector_store_idx %arg11[%get3A_75], %broadcast_in_dim3A_0 {add = true} : memref<10240xf32, #tpu.memory_space<vmem>>[vector<16xi32>], vector<16xf32>,
        %get3A_76 = arith.index_cast %scan3A_63 : i32 to index
        %get3A_77 = arith.constant 64 : index
        %get3A_78 = tpu.vector_load %arg12[%get3A_76, %get3A_77] {strides = array<i32>} : memref<125x80xi32, #tpu.memory_space<vmem>>, vector<16xi32>,
        tpu.vector_store_idx %arg11[%get3A_78], %broadcast_in_dim3A_0 {add = true} : memref<10240xf32, #tpu.memory_space<vmem>>[vector<16xi32>], vector<16xf32>,
        %scan3A_79 = arith.constant 0 : i32
        scf.yield %scan3A_79 : i32
      }
      %scan3A_37 = arith.constant 125 : i32
      %run_scoped3A = arith.constant 0 : i32
      "tpu.region"() ({
        %run_scoped3A_63 = tpu.sem_alloc : memref<!tpu.dma_semaphore, #tpu.memory_space<semaphore_mem>>
        %dma_start3A = arith.constant 0 : i32
        %dma_start3A_64 = tpu.memref_slice %arg13[%arg1, %run_scoped3A, %dma_start3A] : memref<16x2x10240xf32, #tpu.memory_space<vmem_shared>> -> memref<1x1x10240xf32, #tpu.memory_space<vmem_shared>>
        %dma_start3A_65 = tpu.memref_squeeze %dma_start3A_64 : memref<1x1x10240xf32, #tpu.memory_space<vmem_shared>> -> memref<10240xf32, #tpu.memory_space<vmem_shared>>
        %dma_start3A_66 = arith.constant 0 : i32
        %dma_start3A_67 = tpu.memref_slice %arg13[%arg1, %run_scoped3A, %dma_start3A_66] : memref<16x2x10240xf32, #tpu.memory_space<vmem_shared>> -> memref<1x1x10240xf32, #tpu.memory_space<vmem_shared>>
        %dma_start3A_68 = tpu.memref_squeeze %dma_start3A_67 : memref<1x1x10240xf32, #tpu.memory_space<vmem_shared>> -> memref<10240xf32, #tpu.memory_space<vmem_shared>>
        tpu.enqueue_dma source(%arg10 : memref<10240xf32, #tpu.memory_space<vmem>>) target(%dma_start3A_68 : memref<10240xf32, #tpu.memory_space<vmem_shared>>) target_semaphore(%run_scoped3A_63 : memref<!tpu.dma_semaphore, #tpu.memory_space<semaphore_mem>>)
        %dma_wait3A = arith.constant 0 : i32
        %dma_wait3A_69 = tpu.memref_slice %arg13[%arg1, %run_scoped3A, %dma_wait3A] : memref<16x2x10240xf32, #tpu.memory_space<vmem_shared>> -> memref<1x1x10240xf32, #tpu.memory_space<vmem_shared>>
        %dma_wait3A_70 = tpu.memref_squeeze %dma_wait3A_69 : memref<1x1x10240xf32, #tpu.memory_space<vmem_shared>> -> memref<10240xf32, #tpu.memory_space<vmem_shared>>
        %dma_wait3A_71 = arith.constant 0 : i32
        %dma_wait3A_72 = tpu.memref_slice %arg13[%arg1, %run_scoped3A, %dma_wait3A_71] : memref<16x2x10240xf32, #tpu.memory_space<vmem_shared>> -> memref<1x1x10240xf32, #tpu.memory_space<vmem_shared>>
        %dma_wait3A_73 = tpu.memref_squeeze %dma_wait3A_72 : memref<1x1x10240xf32, #tpu.memory_space<vmem_shared>> -> memref<10240xf32, #tpu.memory_space<vmem_shared>>
        tpu.wait_dma2 semaphore(%run_scoped3A_63 : memref<!tpu.dma_semaphore, #tpu.memory_space<semaphore_mem>>) src(%arg10 : memref<10240xf32, #tpu.memory_space<vmem>>) dst(%dma_wait3A_73 : memref<10240xf32, #tpu.memory_space<vmem_shared>>)
        tpu.yield
      }) : () -> ()
      %run_scoped3A_38 = arith.constant 1 : i32
      "tpu.region"() ({
        %run_scoped3A_63 = tpu.sem_alloc : memref<!tpu.dma_semaphore, #tpu.memory_space<semaphore_mem>>
        %dma_start3A = arith.constant 0 : i32
        %dma_start3A_64 = tpu.memref_slice %arg13[%arg1, %run_scoped3A_38, %dma_start3A] : memref<16x2x10240xf32, #tpu.memory_space<vmem_shared>> -> memref<1x1x10240xf32, #tpu.memory_space<vmem_shared>>
        %dma_start3A_65 = tpu.memref_squeeze %dma_start3A_64 : memref<1x1x10240xf32, #tpu.memory_space<vmem_shared>> -> memref<10240xf32, #tpu.memory_space<vmem_shared>>
        %dma_start3A_66 = arith.constant 0 : i32
        %dma_start3A_67 = tpu.memref_slice %arg13[%arg1, %run_scoped3A_38, %dma_start3A_66] : memref<16x2x10240xf32, #tpu.memory_space<vmem_shared>> -> memref<1x1x10240xf32, #tpu.memory_space<vmem_shared>>
        %dma_start3A_68 = tpu.memref_squeeze %dma_start3A_67 : memref<1x1x10240xf32, #tpu.memory_space<vmem_shared>> -> memref<10240xf32, #tpu.memory_space<vmem_shared>>
        tpu.enqueue_dma source(%arg11 : memref<10240xf32, #tpu.memory_space<vmem>>) target(%dma_start3A_68 : memref<10240xf32, #tpu.memory_space<vmem_shared>>) target_semaphore(%run_scoped3A_63 : memref<!tpu.dma_semaphore, #tpu.memory_space<semaphore_mem>>)
        %dma_wait3A = arith.constant 0 : i32
        %dma_wait3A_69 = tpu.memref_slice %arg13[%arg1, %run_scoped3A_38, %dma_wait3A] : memref<16x2x10240xf32, #tpu.memory_space<vmem_shared>> -> memref<1x1x10240xf32, #tpu.memory_space<vmem_shared>>
        %dma_wait3A_70 = tpu.memref_squeeze %dma_wait3A_69 : memref<1x1x10240xf32, #tpu.memory_space<vmem_shared>> -> memref<10240xf32, #tpu.memory_space<vmem_shared>>
        %dma_wait3A_71 = arith.constant 0 : i32
        %dma_wait3A_72 = tpu.memref_slice %arg13[%arg1, %run_scoped3A_38, %dma_wait3A_71] : memref<16x2x10240xf32, #tpu.memory_space<vmem_shared>> -> memref<1x1x10240xf32, #tpu.memory_space<vmem_shared>>
        %dma_wait3A_73 = tpu.memref_squeeze %dma_wait3A_72 : memref<1x1x10240xf32, #tpu.memory_space<vmem_shared>> -> memref<10240xf32, #tpu.memory_space<vmem_shared>>
        tpu.wait_dma2 semaphore(%run_scoped3A_63 : memref<!tpu.dma_semaphore, #tpu.memory_space<semaphore_mem>>) src(%arg11 : memref<10240xf32, #tpu.memory_space<vmem>>) dst(%dma_wait3A_73 : memref<10240xf32, #tpu.memory_space<vmem_shared>>)
        tpu.yield
      }) : () -> ()
      %barrier3A = arith.constant 0 : index
      tpu.barrier barrier_id(%barrier3A)
      %mul3A_39 = arith.constant 640 : i32
      %mul3A_40 = arith.muli %arg1, %mul3A_39 : i32
      %run_scoped3A_41 = arith.constant 0 : i32
      "tpu.region"() ({
        %run_scoped3A_63 = tpu.sem_alloc : memref<!tpu.dma_semaphore, #tpu.memory_space<semaphore_mem>>
        %dma_start3A = arith.constant 0 : i32
        %dma_start3A_64 = tpu.memref_slice %arg13[%dma_start3A, %run_scoped3A_41, %mul3A_40] : memref<16x2x10240xf32, #tpu.memory_space<vmem_shared>> -> memref<16x1x640xf32, #tpu.memory_space<vmem_shared>>
        %dma_start3A_65 = tpu.memref_squeeze %dma_start3A_64 : memref<16x1x640xf32, #tpu.memory_space<vmem_shared>> -> memref<16x640xf32, #tpu.memory_space<vmem_shared>>
        %dma_start3A_66 = arith.constant 0 : i32
        %dma_start3A_67 = tpu.memref_slice %arg13[%dma_start3A_66, %run_scoped3A_41, %mul3A_40] : memref<16x2x10240xf32, #tpu.memory_space<vmem_shared>> -> memref<16x1x640xf32, #tpu.memory_space<vmem_shared>>
        %dma_start3A_68 = tpu.memref_squeeze %dma_start3A_67 : memref<16x1x640xf32, #tpu.memory_space<vmem_shared>> -> memref<16x640xf32, #tpu.memory_space<vmem_shared>>
        tpu.enqueue_dma source(%dma_start3A_68 : memref<16x640xf32, #tpu.memory_space<vmem_shared>>) target(%arg14 : memref<16x640xf32, #tpu.memory_space<vmem>>) target_semaphore(%run_scoped3A_63 : memref<!tpu.dma_semaphore, #tpu.memory_space<semaphore_mem>>)
        %dma_wait3A = arith.constant 0 : i32
        %dma_wait3A_69 = tpu.memref_slice %arg13[%dma_wait3A, %run_scoped3A_41, %mul3A_40] : memref<16x2x10240xf32, #tpu.memory_space<vmem_shared>> -> memref<16x1x640xf32, #tpu.memory_space<vmem_shared>>
        %dma_wait3A_70 = tpu.memref_squeeze %dma_wait3A_69 : memref<16x1x640xf32, #tpu.memory_space<vmem_shared>> -> memref<16x640xf32, #tpu.memory_space<vmem_shared>>
        %dma_wait3A_71 = arith.constant 0 : i32
        %dma_wait3A_72 = tpu.memref_slice %arg13[%dma_wait3A_71, %run_scoped3A_41, %mul3A_40] : memref<16x2x10240xf32, #tpu.memory_space<vmem_shared>> -> memref<16x1x640xf32, #tpu.memory_space<vmem_shared>>
        %dma_wait3A_73 = tpu.memref_squeeze %dma_wait3A_72 : memref<16x1x640xf32, #tpu.memory_space<vmem_shared>> -> memref<16x640xf32, #tpu.memory_space<vmem_shared>>
        tpu.wait_dma2 semaphore(%run_scoped3A_63 : memref<!tpu.dma_semaphore, #tpu.memory_space<semaphore_mem>>) src(%dma_wait3A_73 : memref<16x640xf32, #tpu.memory_space<vmem_shared>>) dst(%arg14 : memref<16x640xf32, #tpu.memory_space<vmem>>)
        tpu.yield
      }) : () -> ()
      %scan3A_42 = arith.constant 0 : i32
      %scan3A_43 = arith.constant 0 : i32
      %scan3A_44 = arith.constant 40 : i32
      %scan3A_45 = arith.addi %scan3A_43, %scan3A_44 : i32
      %scan3A_46 = arith.constant 1 : i32
      %scan3A_47 = scf.for %scan3A_63 = %scan3A_43 to %scan3A_45 step %scan3A_46 iter_args(%scan3A_64 = %scan3A_42) -> (i32)  : i32 {
        %mul3A_65 = arith.constant 16 : i32
        %mul3A_66 = arith.muli %scan3A_63, %mul3A_65 : i32
        %get3A = arith.constant 0 : i32
        %get3A_67 = arith.index_cast %get3A : i32 to index
        %get3A_68 = arith.index_cast %mul3A_66 : i32 to index
        %get3A_69 = tpu.vector_load %arg14[%get3A_67, %get3A_68] {strides = array<i32>} : memref<16x640xf32, #tpu.memory_space<vmem>>, vector<16xf32>,
        %get3A_70 = arith.constant 1 : i32
        %get3A_71 = arith.index_cast %get3A_70 : i32 to index
        %get3A_72 = arith.index_cast %mul3A_66 : i32 to index
        %get3A_73 = tpu.vector_load %arg14[%get3A_71, %get3A_72] {strides = array<i32>} : memref<16x640xf32, #tpu.memory_space<vmem>>, vector<16xf32>,
        %add3A = arith.addf %get3A_69, %get3A_73 : vector<16xf32>
        %get3A_74 = arith.constant 2 : i32
        %get3A_75 = arith.index_cast %get3A_74 : i32 to index
        %get3A_76 = arith.index_cast %mul3A_66 : i32 to index
        %get3A_77 = tpu.vector_load %arg14[%get3A_75, %get3A_76] {strides = array<i32>} : memref<16x640xf32, #tpu.memory_space<vmem>>, vector<16xf32>,
        %add3A_78 = arith.addf %add3A, %get3A_77 : vector<16xf32>
        %get3A_79 = arith.constant 3 : i32
        %get3A_80 = arith.index_cast %get3A_79 : i32 to index
        %get3A_81 = arith.index_cast %mul3A_66 : i32 to index
        %get3A_82 = tpu.vector_load %arg14[%get3A_80, %get3A_81] {strides = array<i32>} : memref<16x640xf32, #tpu.memory_space<vmem>>, vector<16xf32>,
        %add3A_83 = arith.addf %add3A_78, %get3A_82 : vector<16xf32>
        %get3A_84 = arith.constant 4 : i32
        %get3A_85 = arith.index_cast %get3A_84 : i32 to index
        %get3A_86 = arith.index_cast %mul3A_66 : i32 to index
        %get3A_87 = tpu.vector_load %arg14[%get3A_85, %get3A_86] {strides = array<i32>} : memref<16x640xf32, #tpu.memory_space<vmem>>, vector<16xf32>,
        %add3A_88 = arith.addf %add3A_83, %get3A_87 : vector<16xf32>
        %get3A_89 = arith.constant 5 : i32
        %get3A_90 = arith.index_cast %get3A_89 : i32 to index
        %get3A_91 = arith.index_cast %mul3A_66 : i32 to index
        %get3A_92 = tpu.vector_load %arg14[%get3A_90, %get3A_91] {strides = array<i32>} : memref<16x640xf32, #tpu.memory_space<vmem>>, vector<16xf32>,
        %add3A_93 = arith.addf %add3A_88, %get3A_92 : vector<16xf32>
        %get3A_94 = arith.constant 6 : i32
        %get3A_95 = arith.index_cast %get3A_94 : i32 to index
        %get3A_96 = arith.index_cast %mul3A_66 : i32 to index
        %get3A_97 = tpu.vector_load %arg14[%get3A_95, %get3A_96] {strides = array<i32>} : memref<16x640xf32, #tpu.memory_space<vmem>>, vector<16xf32>,
        %add3A_98 = arith.addf %add3A_93, %get3A_97 : vector<16xf32>
        %get3A_99 = arith.constant 7 : i32
        %get3A_100 = arith.index_cast %get3A_99 : i32 to index
        %get3A_101 = arith.index_cast %mul3A_66 : i32 to index
        %get3A_102 = tpu.vector_load %arg14[%get3A_100, %get3A_101] {strides = array<i32>} : memref<16x640xf32, #tpu.memory_space<vmem>>, vector<16xf32>,
        %add3A_103 = arith.addf %add3A_98, %get3A_102 : vector<16xf32>
        %get3A_104 = arith.constant 8 : i32
        %get3A_105 = arith.index_cast %get3A_104 : i32 to index
        %get3A_106 = arith.index_cast %mul3A_66 : i32 to index
        %get3A_107 = tpu.vector_load %arg14[%get3A_105, %get3A_106] {strides = array<i32>} : memref<16x640xf32, #tpu.memory_space<vmem>>, vector<16xf32>,
        %add3A_108 = arith.addf %add3A_103, %get3A_107 : vector<16xf32>
        %get3A_109 = arith.constant 9 : i32
        %get3A_110 = arith.index_cast %get3A_109 : i32 to index
        %get3A_111 = arith.index_cast %mul3A_66 : i32 to index
        %get3A_112 = tpu.vector_load %arg14[%get3A_110, %get3A_111] {strides = array<i32>} : memref<16x640xf32, #tpu.memory_space<vmem>>, vector<16xf32>,
        %add3A_113 = arith.addf %add3A_108, %get3A_112 : vector<16xf32>
        %get3A_114 = arith.constant 10 : i32
        %get3A_115 = arith.index_cast %get3A_114 : i32 to index
        %get3A_116 = arith.index_cast %mul3A_66 : i32 to index
        %get3A_117 = tpu.vector_load %arg14[%get3A_115, %get3A_116] {strides = array<i32>} : memref<16x640xf32, #tpu.memory_space<vmem>>, vector<16xf32>,
        %add3A_118 = arith.addf %add3A_113, %get3A_117 : vector<16xf32>
        %get3A_119 = arith.constant 11 : i32
        %get3A_120 = arith.index_cast %get3A_119 : i32 to index
        %get3A_121 = arith.index_cast %mul3A_66 : i32 to index
        %get3A_122 = tpu.vector_load %arg14[%get3A_120, %get3A_121] {strides = array<i32>} : memref<16x640xf32, #tpu.memory_space<vmem>>, vector<16xf32>,
        %add3A_123 = arith.addf %add3A_118, %get3A_122 : vector<16xf32>
        %get3A_124 = arith.constant 12 : i32
        %get3A_125 = arith.index_cast %get3A_124 : i32 to index
        %get3A_126 = arith.index_cast %mul3A_66 : i32 to index
        %get3A_127 = tpu.vector_load %arg14[%get3A_125, %get3A_126] {strides = array<i32>} : memref<16x640xf32, #tpu.memory_space<vmem>>, vector<16xf32>,
        %add3A_128 = arith.addf %add3A_123, %get3A_127 : vector<16xf32>
        %get3A_129 = arith.constant 13 : i32
        %get3A_130 = arith.index_cast %get3A_129 : i32 to index
        %get3A_131 = arith.index_cast %mul3A_66 : i32 to index
        %get3A_132 = tpu.vector_load %arg14[%get3A_130, %get3A_131] {strides = array<i32>} : memref<16x640xf32, #tpu.memory_space<vmem>>, vector<16xf32>,
        %add3A_133 = arith.addf %add3A_128, %get3A_132 : vector<16xf32>
        %get3A_134 = arith.constant 14 : i32
        %get3A_135 = arith.index_cast %get3A_134 : i32 to index
        %get3A_136 = arith.index_cast %mul3A_66 : i32 to index
        %get3A_137 = tpu.vector_load %arg14[%get3A_135, %get3A_136] {strides = array<i32>} : memref<16x640xf32, #tpu.memory_space<vmem>>, vector<16xf32>,
        %add3A_138 = arith.addf %add3A_133, %get3A_137 : vector<16xf32>
        %get3A_139 = arith.constant 15 : i32
        %get3A_140 = arith.index_cast %get3A_139 : i32 to index
        %get3A_141 = arith.index_cast %mul3A_66 : i32 to index
        %get3A_142 = tpu.vector_load %arg14[%get3A_140, %get3A_141] {strides = array<i32>} : memref<16x640xf32, #tpu.memory_space<vmem>>, vector<16xf32>,
        %add3A_143 = arith.addf %add3A_138, %get3A_142 : vector<16xf32>
        %swap3A = arith.index_cast %mul3A_66 : i32 to index
        %swap3A_144 = tpu.vector_load %arg15[%swap3A] {strides = array<i32>} : memref<640xf32, #tpu.memory_space<vmem>>, vector<16xf32>,
        tpu.vector_store %arg15[%swap3A], %add3A_143 {strides = array<i32>} : memref<640xf32, #tpu.memory_space<vmem>>, vector<16xf32>,
        %scan3A_145 = arith.constant 0 : i32
        scf.yield %scan3A_145 : i32
      }
      %scan3A_48 = arith.constant 40 : i32
      %mul3A_49 = arith.constant 640 : i32
      %mul3A_50 = arith.muli %arg1, %mul3A_49 : i32
      "tpu.region"() ({
        %run_scoped3A_63 = tpu.sem_alloc : memref<!tpu.dma_semaphore, #tpu.memory_space<semaphore_mem>>
        %dma_start3A = tpu.memref_slice %arg8[%mul3A_50] : memref<10240xf32, #tpu.memory_space<hbm>> -> memref<640xf32, #tpu.memory_space<hbm>>
        %dma_start3A_64 = tpu.memref_slice %arg8[%mul3A_50] : memref<10240xf32, #tpu.memory_space<hbm>> -> memref<640xf32, #tpu.memory_space<hbm>>
        tpu.enqueue_dma source(%arg15 : memref<640xf32, #tpu.memory_space<vmem>>) target(%dma_start3A_64 : memref<640xf32, #tpu.memory_space<hbm>>) target_semaphore(%run_scoped3A_63 : memref<!tpu.dma_semaphore, #tpu.memory_space<semaphore_mem>>)
        %dma_wait3A = tpu.memref_slice %arg8[%mul3A_50] : memref<10240xf32, #tpu.memory_space<hbm>> -> memref<640xf32, #tpu.memory_space<hbm>>
        %dma_wait3A_65 = tpu.memref_slice %arg8[%mul3A_50] : memref<10240xf32, #tpu.memory_space<hbm>> -> memref<640xf32, #tpu.memory_space<hbm>>
        tpu.wait_dma2 semaphore(%run_scoped3A_63 : memref<!tpu.dma_semaphore, #tpu.memory_space<semaphore_mem>>) src(%arg15 : memref<640xf32, #tpu.memory_space<vmem>>) dst(%dma_wait3A_65 : memref<640xf32, #tpu.memory_space<hbm>>)
        tpu.yield
      }) : () -> ()
      %mul3A_51 = arith.constant 640 : i32
      %mul3A_52 = arith.muli %arg1, %mul3A_51 : i32
      %run_scoped3A_53 = arith.constant 1 : i32
      "tpu.region"() ({
        %run_scoped3A_63 = tpu.sem_alloc : memref<!tpu.dma_semaphore, #tpu.memory_space<semaphore_mem>>
        %dma_start3A = arith.constant 0 : i32
        %dma_start3A_64 = tpu.memref_slice %arg13[%dma_start3A, %run_scoped3A_53, %mul3A_52] : memref<16x2x10240xf32, #tpu.memory_space<vmem_shared>> -> memref<16x1x640xf32, #tpu.memory_space<vmem_shared>>
        %dma_start3A_65 = tpu.memref_squeeze %dma_start3A_64 : memref<16x1x640xf32, #tpu.memory_space<vmem_shared>> -> memref<16x640xf32, #tpu.memory_space<vmem_shared>>
        %dma_start3A_66 = arith.constant 0 : i32
        %dma_start3A_67 = tpu.memref_slice %arg13[%dma_start3A_66, %run_scoped3A_53, %mul3A_52] : memref<16x2x10240xf32, #tpu.memory_space<vmem_shared>> -> memref<16x1x640xf32, #tpu.memory_space<vmem_shared>>
        %dma_start3A_68 = tpu.memref_squeeze %dma_start3A_67 : memref<16x1x640xf32, #tpu.memory_space<vmem_shared>> -> memref<16x640xf32, #tpu.memory_space<vmem_shared>>
        tpu.enqueue_dma source(%dma_start3A_68 : memref<16x640xf32, #tpu.memory_space<vmem_shared>>) target(%arg14 : memref<16x640xf32, #tpu.memory_space<vmem>>) target_semaphore(%run_scoped3A_63 : memref<!tpu.dma_semaphore, #tpu.memory_space<semaphore_mem>>)
        %dma_wait3A = arith.constant 0 : i32
        %dma_wait3A_69 = tpu.memref_slice %arg13[%dma_wait3A, %run_scoped3A_53, %mul3A_52] : memref<16x2x10240xf32, #tpu.memory_space<vmem_shared>> -> memref<16x1x640xf32, #tpu.memory_space<vmem_shared>>
        %dma_wait3A_70 = tpu.memref_squeeze %dma_wait3A_69 : memref<16x1x640xf32, #tpu.memory_space<vmem_shared>> -> memref<16x640xf32, #tpu.memory_space<vmem_shared>>
        %dma_wait3A_71 = arith.constant 0 : i32
        %dma_wait3A_72 = tpu.memref_slice %arg13[%dma_wait3A_71, %run_scoped3A_53, %mul3A_52] : memref<16x2x10240xf32, #tpu.memory_space<vmem_shared>> -> memref<16x1x640xf32, #tpu.memory_space<vmem_shared>>
        %dma_wait3A_73 = tpu.memref_squeeze %dma_wait3A_72 : memref<16x1x640xf32, #tpu.memory_space<vmem_shared>> -> memref<16x640xf32, #tpu.memory_space<vmem_shared>>
        tpu.wait_dma2 semaphore(%run_scoped3A_63 : memref<!tpu.dma_semaphore, #tpu.memory_space<semaphore_mem>>) src(%dma_wait3A_73 : memref<16x640xf32, #tpu.memory_space<vmem_shared>>) dst(%arg14 : memref<16x640xf32, #tpu.memory_space<vmem>>)
        tpu.yield
      }) : () -> ()
      %scan3A_54 = arith.constant 0 : i32
      %scan3A_55 = arith.constant 0 : i32
      %scan3A_56 = arith.constant 40 : i32
      %scan3A_57 = arith.addi %scan3A_55, %scan3A_56 : i32
      %scan3A_58 = arith.constant 1 : i32
      %scan3A_59 = scf.for %scan3A_63 = %scan3A_55 to %scan3A_57 step %scan3A_58 iter_args(%scan3A_64 = %scan3A_54) -> (i32)  : i32 {
        %mul3A_65 = arith.constant 16 : i32
        %mul3A_66 = arith.muli %scan3A_63, %mul3A_65 : i32
        %get3A = arith.constant 0 : i32
        %get3A_67 = arith.index_cast %get3A : i32 to index
        %get3A_68 = arith.index_cast %mul3A_66 : i32 to index
        %get3A_69 = tpu.vector_load %arg14[%get3A_67, %get3A_68] {strides = array<i32>} : memref<16x640xf32, #tpu.memory_space<vmem>>, vector<16xf32>,
        %get3A_70 = arith.constant 1 : i32
        %get3A_71 = arith.index_cast %get3A_70 : i32 to index
        %get3A_72 = arith.index_cast %mul3A_66 : i32 to index
        %get3A_73 = tpu.vector_load %arg14[%get3A_71, %get3A_72] {strides = array<i32>} : memref<16x640xf32, #tpu.memory_space<vmem>>, vector<16xf32>,
        %add3A = arith.addf %get3A_69, %get3A_73 : vector<16xf32>
        %get3A_74 = arith.constant 2 : i32
        %get3A_75 = arith.index_cast %get3A_74 : i32 to index
        %get3A_76 = arith.index_cast %mul3A_66 : i32 to index
        %get3A_77 = tpu.vector_load %arg14[%get3A_75, %get3A_76] {strides = array<i32>} : memref<16x640xf32, #tpu.memory_space<vmem>>, vector<16xf32>,
        %add3A_78 = arith.addf %add3A, %get3A_77 : vector<16xf32>
        %get3A_79 = arith.constant 3 : i32
        %get3A_80 = arith.index_cast %get3A_79 : i32 to index
        %get3A_81 = arith.index_cast %mul3A_66 : i32 to index
        %get3A_82 = tpu.vector_load %arg14[%get3A_80, %get3A_81] {strides = array<i32>} : memref<16x640xf32, #tpu.memory_space<vmem>>, vector<16xf32>,
        %add3A_83 = arith.addf %add3A_78, %get3A_82 : vector<16xf32>
        %get3A_84 = arith.constant 4 : i32
        %get3A_85 = arith.index_cast %get3A_84 : i32 to index
        %get3A_86 = arith.index_cast %mul3A_66 : i32 to index
        %get3A_87 = tpu.vector_load %arg14[%get3A_85, %get3A_86] {strides = array<i32>} : memref<16x640xf32, #tpu.memory_space<vmem>>, vector<16xf32>,
        %add3A_88 = arith.addf %add3A_83, %get3A_87 : vector<16xf32>
        %get3A_89 = arith.constant 5 : i32
        %get3A_90 = arith.index_cast %get3A_89 : i32 to index
        %get3A_91 = arith.index_cast %mul3A_66 : i32 to index
        %get3A_92 = tpu.vector_load %arg14[%get3A_90, %get3A_91] {strides = array<i32>} : memref<16x640xf32, #tpu.memory_space<vmem>>, vector<16xf32>,
        %add3A_93 = arith.addf %add3A_88, %get3A_92 : vector<16xf32>
        %get3A_94 = arith.constant 6 : i32
        %get3A_95 = arith.index_cast %get3A_94 : i32 to index
        %get3A_96 = arith.index_cast %mul3A_66 : i32 to index
        %get3A_97 = tpu.vector_load %arg14[%get3A_95, %get3A_96] {strides = array<i32>} : memref<16x640xf32, #tpu.memory_space<vmem>>, vector<16xf32>,
        %add3A_98 = arith.addf %add3A_93, %get3A_97 : vector<16xf32>
        %get3A_99 = arith.constant 7 : i32
        %get3A_100 = arith.index_cast %get3A_99 : i32 to index
        %get3A_101 = arith.index_cast %mul3A_66 : i32 to index
        %get3A_102 = tpu.vector_load %arg14[%get3A_100, %get3A_101] {strides = array<i32>} : memref<16x640xf32, #tpu.memory_space<vmem>>, vector<16xf32>,
        %add3A_103 = arith.addf %add3A_98, %get3A_102 : vector<16xf32>
        %get3A_104 = arith.constant 8 : i32
        %get3A_105 = arith.index_cast %get3A_104 : i32 to index
        %get3A_106 = arith.index_cast %mul3A_66 : i32 to index
        %get3A_107 = tpu.vector_load %arg14[%get3A_105, %get3A_106] {strides = array<i32>} : memref<16x640xf32, #tpu.memory_space<vmem>>, vector<16xf32>,
        %add3A_108 = arith.addf %add3A_103, %get3A_107 : vector<16xf32>
        %get3A_109 = arith.constant 9 : i32
        %get3A_110 = arith.index_cast %get3A_109 : i32 to index
        %get3A_111 = arith.index_cast %mul3A_66 : i32 to index
        %get3A_112 = tpu.vector_load %arg14[%get3A_110, %get3A_111] {strides = array<i32>} : memref<16x640xf32, #tpu.memory_space<vmem>>, vector<16xf32>,
        %add3A_113 = arith.addf %add3A_108, %get3A_112 : vector<16xf32>
        %get3A_114 = arith.constant 10 : i32
        %get3A_115 = arith.index_cast %get3A_114 : i32 to index
        %get3A_116 = arith.index_cast %mul3A_66 : i32 to index
        %get3A_117 = tpu.vector_load %arg14[%get3A_115, %get3A_116] {strides = array<i32>} : memref<16x640xf32, #tpu.memory_space<vmem>>, vector<16xf32>,
        %add3A_118 = arith.addf %add3A_113, %get3A_117 : vector<16xf32>
        %get3A_119 = arith.constant 11 : i32
        %get3A_120 = arith.index_cast %get3A_119 : i32 to index
        %get3A_121 = arith.index_cast %mul3A_66 : i32 to index
        %get3A_122 = tpu.vector_load %arg14[%get3A_120, %get3A_121] {strides = array<i32>} : memref<16x640xf32, #tpu.memory_space<vmem>>, vector<16xf32>,
        %add3A_123 = arith.addf %add3A_118, %get3A_122 : vector<16xf32>
        %get3A_124 = arith.constant 12 : i32
        %get3A_125 = arith.index_cast %get3A_124 : i32 to index
        %get3A_126 = arith.index_cast %mul3A_66 : i32 to index
        %get3A_127 = tpu.vector_load %arg14[%get3A_125, %get3A_126] {strides = array<i32>} : memref<16x640xf32, #tpu.memory_space<vmem>>, vector<16xf32>,
        %add3A_128 = arith.addf %add3A_123, %get3A_127 : vector<16xf32>
        %get3A_129 = arith.constant 13 : i32
        %get3A_130 = arith.index_cast %get3A_129 : i32 to index
        %get3A_131 = arith.index_cast %mul3A_66 : i32 to index
        %get3A_132 = tpu.vector_load %arg14[%get3A_130, %get3A_131] {strides = array<i32>} : memref<16x640xf32, #tpu.memory_space<vmem>>, vector<16xf32>,
        %add3A_133 = arith.addf %add3A_128, %get3A_132 : vector<16xf32>
        %get3A_134 = arith.constant 14 : i32
        %get3A_135 = arith.index_cast %get3A_134 : i32 to index
        %get3A_136 = arith.index_cast %mul3A_66 : i32 to index
        %get3A_137 = tpu.vector_load %arg14[%get3A_135, %get3A_136] {strides = array<i32>} : memref<16x640xf32, #tpu.memory_space<vmem>>, vector<16xf32>,
        %add3A_138 = arith.addf %add3A_133, %get3A_137 : vector<16xf32>
        %get3A_139 = arith.constant 15 : i32
        %get3A_140 = arith.index_cast %get3A_139 : i32 to index
        %get3A_141 = arith.index_cast %mul3A_66 : i32 to index
        %get3A_142 = tpu.vector_load %arg14[%get3A_140, %get3A_141] {strides = array<i32>} : memref<16x640xf32, #tpu.memory_space<vmem>>, vector<16xf32>,
        %add3A_143 = arith.addf %add3A_138, %get3A_142 : vector<16xf32>
        %swap3A = arith.index_cast %mul3A_66 : i32 to index
        %swap3A_144 = tpu.vector_load %arg15[%swap3A] {strides = array<i32>} : memref<640xf32, #tpu.memory_space<vmem>>, vector<16xf32>,
        tpu.vector_store %arg15[%swap3A], %add3A_143 {strides = array<i32>} : memref<640xf32, #tpu.memory_space<vmem>>, vector<16xf32>,
        %scan3A_145 = arith.constant 0 : i32
        scf.yield %scan3A_145 : i32
      }
      %scan3A_60 = arith.constant 40 : i32
      %mul3A_61 = arith.constant 640 : i32
      %mul3A_62 = arith.muli %arg1, %mul3A_61 : i32
      "tpu.region"() ({
        %run_scoped3A_63 = tpu.sem_alloc : memref<!tpu.dma_semaphore, #tpu.memory_space<semaphore_mem>>
        %dma_start3A = tpu.memref_slice %arg9[%mul3A_62] : memref<10240xf32, #tpu.memory_space<hbm>> -> memref<640xf32, #tpu.memory_space<hbm>>
        %dma_start3A_64 = tpu.memref_slice %arg9[%mul3A_62] : memref<10240xf32, #tpu.memory_space<hbm>> -> memref<640xf32, #tpu.memory_space<hbm>>
        tpu.enqueue_dma source(%arg15 : memref<640xf32, #tpu.memory_space<vmem>>) target(%dma_start3A_64 : memref<640xf32, #tpu.memory_space<hbm>>) target_semaphore(%run_scoped3A_63 : memref<!tpu.dma_semaphore, #tpu.memory_space<semaphore_mem>>)
        %dma_wait3A = tpu.memref_slice %arg9[%mul3A_62] : memref<10240xf32, #tpu.memory_space<hbm>> -> memref<640xf32, #tpu.memory_space<hbm>>
        %dma_wait3A_65 = tpu.memref_slice %arg9[%mul3A_62] : memref<10240xf32, #tpu.memory_space<hbm>> -> memref<640xf32, #tpu.memory_space<hbm>>
        tpu.wait_dma2 semaphore(%run_scoped3A_63 : memref<!tpu.dma_semaphore, #tpu.memory_space<semaphore_mem>>) src(%arg15 : memref<640xf32, #tpu.memory_space<vmem>>) dst(%dma_wait3A_65 : memref<640xf32, #tpu.memory_space<hbm>>)
        tpu.yield
      }) : () -> ()
    } else {
    }
    return
  }
}

#map = affine_map<(d0, d1) -> (0, 0)>
module attributes {stable_mosaic.version = 14 : i64} {
  func.func @_scatter_body(%arg0: i32, %arg1: i32, %arg2: memref<10000x128xf32, #tpu.memory_space<hbm>>, %arg3: memref<10000x128xf32, #tpu.memory_space<hbm>>, %arg4: memref<4000x40xi32, #tpu.memory_space<hbm>>, %arg5: memref<4000x40xi32, #tpu.memory_space<hbm>>, %arg6: memref<10000x128xf32, #tpu.memory_space<hbm>>, %arg7: memref<10000x128xf32, #tpu.memory_space<hbm>>, %arg8: memref<10000x128xf32, #tpu.memory_space<vmem_shared>>, %arg9: memref<250x40xi32, #tpu.memory_space<vmem>>, %arg10: memref<250x40xi32, #tpu.memory_space<vmem>>, %arg11: memref<40x128xf32, #tpu.memory_space<vmem>>, %arg12: memref<40x128xf32, #tpu.memory_space<vmem>>, %arg13: memref<40x128xf32, #tpu.memory_space<vmem>>, %arg14: memref<40x128xf32, #tpu.memory_space<vmem>>, %arg15: memref<40x128xf32, #tpu.memory_space<vmem>>, %arg16: memref<25x128xf32, #tpu.memory_space<vmem>>, %arg17: memref<!tpu.dma_semaphore, #tpu.memory_space<semaphore_mem>>, %arg18: memref<!tpu.dma_semaphore, #tpu.memory_space<semaphore_mem>>, %arg19: memref<!tpu.dma_semaphore, #tpu.memory_space<semaphore_mem>>, %arg20: memref<!tpu.dma_semaphore, #tpu.memory_space<semaphore_mem>>, %arg21: memref<!tpu.dma_semaphore, #tpu.memory_space<semaphore_mem>>, %arg22: memref<!tpu.dma_semaphore, #tpu.memory_space<semaphore_mem>>, %arg23: memref<!tpu.dma_semaphore, #tpu.memory_space<semaphore_mem>>, %arg24: memref<!tpu.dma_semaphore, #tpu.memory_space<semaphore_mem>>, %arg25: memref<!tpu.dma_semaphore, #tpu.memory_space<semaphore_mem>>, %arg26: memref<!tpu.dma_semaphore, #tpu.memory_space<semaphore_mem>>) attributes {dimension_semantics = [#tpu.dimension_semantics<core_parallel>, #tpu.dimension_semantics<subcore_parallel>], iteration_bounds = array<i64: 2, 16>, scalar_prefetch = 0 : i64, scratch_operands = 19 : i64, tpu.core_type = #tpu.core_type<sc_vector_subcore>, window_params = [{transform_indices = #map}, {transform_indices = #map}, {transform_indices = #map}, {transform_indices = #map}, {transform_indices = #map}, {transform_indices = #map}]} {
    %scan3A = arith.constant 0 : i32
    %scan3A_0 = arith.constant 0 : i32
    %scan3A_1 = arith.constant 25 : i32
    %scan3A_2 = arith.addi %scan3A_0, %scan3A_1 : i32
    %scan3A_3 = arith.constant 1 : i32
    %scan3A_4 = scf.for %scan3A_36 = %scan3A_0 to %scan3A_2 step %scan3A_3 iter_args(%scan3A_37 = %scan3A) -> (i32)  : i32 {
      %broadcast_in_dim3A = arith.constant 0.000000e+00 : f32
      %broadcast_in_dim3A_38 = vector.broadcast %broadcast_in_dim3A : f32 to vector<16xf32>
      %swap3A = arith.index_cast %scan3A_36 : i32 to index
      %swap3A_39 = arith.constant 0 : index
      %swap3A_40 = tpu.vector_load %arg16[%swap3A, %swap3A_39] {strides = array<i32>} : memref<25x128xf32, #tpu.memory_space<vmem>>, vector<16xf32>,
      tpu.vector_store %arg16[%swap3A, %swap3A_39], %broadcast_in_dim3A_38 {strides = array<i32>} : memref<25x128xf32, #tpu.memory_space<vmem>>, vector<16xf32>,
      %broadcast_in_dim3A_41 = arith.constant 0.000000e+00 : f32
      %broadcast_in_dim3A_42 = vector.broadcast %broadcast_in_dim3A_41 : f32 to vector<16xf32>
      %swap3A_43 = arith.index_cast %scan3A_36 : i32 to index
      %swap3A_44 = arith.constant 16 : index
      %swap3A_45 = tpu.vector_load %arg16[%swap3A_43, %swap3A_44] {strides = array<i32>} : memref<25x128xf32, #tpu.memory_space<vmem>>, vector<16xf32>,
      tpu.vector_store %arg16[%swap3A_43, %swap3A_44], %broadcast_in_dim3A_42 {strides = array<i32>} : memref<25x128xf32, #tpu.memory_space<vmem>>, vector<16xf32>,
      %broadcast_in_dim3A_46 = arith.constant 0.000000e+00 : f32
      %broadcast_in_dim3A_47 = vector.broadcast %broadcast_in_dim3A_46 : f32 to vector<16xf32>
      %swap3A_48 = arith.index_cast %scan3A_36 : i32 to index
      %swap3A_49 = arith.constant 32 : index
      %swap3A_50 = tpu.vector_load %arg16[%swap3A_48, %swap3A_49] {strides = array<i32>} : memref<25x128xf32, #tpu.memory_space<vmem>>, vector<16xf32>,
      tpu.vector_store %arg16[%swap3A_48, %swap3A_49], %broadcast_in_dim3A_47 {strides = array<i32>} : memref<25x128xf32, #tpu.memory_space<vmem>>, vector<16xf32>,
      %broadcast_in_dim3A_51 = arith.constant 0.000000e+00 : f32
      %broadcast_in_dim3A_52 = vector.broadcast %broadcast_in_dim3A_51 : f32 to vector<16xf32>
      %swap3A_53 = arith.index_cast %scan3A_36 : i32 to index
      %swap3A_54 = arith.constant 48 : index
      %swap3A_55 = tpu.vector_load %arg16[%swap3A_53, %swap3A_54] {strides = array<i32>} : memref<25x128xf32, #tpu.memory_space<vmem>>, vector<16xf32>,
      tpu.vector_store %arg16[%swap3A_53, %swap3A_54], %broadcast_in_dim3A_52 {strides = array<i32>} : memref<25x128xf32, #tpu.memory_space<vmem>>, vector<16xf32>,
      %broadcast_in_dim3A_56 = arith.constant 0.000000e+00 : f32
      %broadcast_in_dim3A_57 = vector.broadcast %broadcast_in_dim3A_56 : f32 to vector<16xf32>
      %swap3A_58 = arith.index_cast %scan3A_36 : i32 to index
      %swap3A_59 = arith.constant 64 : index
      %swap3A_60 = tpu.vector_load %arg16[%swap3A_58, %swap3A_59] {strides = array<i32>} : memref<25x128xf32, #tpu.memory_space<vmem>>, vector<16xf32>,
      tpu.vector_store %arg16[%swap3A_58, %swap3A_59], %broadcast_in_dim3A_57 {strides = array<i32>} : memref<25x128xf32, #tpu.memory_space<vmem>>, vector<16xf32>,
      %broadcast_in_dim3A_61 = arith.constant 0.000000e+00 : f32
      %broadcast_in_dim3A_62 = vector.broadcast %broadcast_in_dim3A_61 : f32 to vector<16xf32>
      %swap3A_63 = arith.index_cast %scan3A_36 : i32 to index
      %swap3A_64 = arith.constant 80 : index
      %swap3A_65 = tpu.vector_load %arg16[%swap3A_63, %swap3A_64] {strides = array<i32>} : memref<25x128xf32, #tpu.memory_space<vmem>>, vector<16xf32>,
      tpu.vector_store %arg16[%swap3A_63, %swap3A_64], %broadcast_in_dim3A_62 {strides = array<i32>} : memref<25x128xf32, #tpu.memory_space<vmem>>, vector<16xf32>,
      %broadcast_in_dim3A_66 = arith.constant 0.000000e+00 : f32
      %broadcast_in_dim3A_67 = vector.broadcast %broadcast_in_dim3A_66 : f32 to vector<16xf32>
      %swap3A_68 = arith.index_cast %scan3A_36 : i32 to index
      %swap3A_69 = arith.constant 96 : index
      %swap3A_70 = tpu.vector_load %arg16[%swap3A_68, %swap3A_69] {strides = array<i32>} : memref<25x128xf32, #tpu.memory_space<vmem>>, vector<16xf32>,
      tpu.vector_store %arg16[%swap3A_68, %swap3A_69], %broadcast_in_dim3A_67 {strides = array<i32>} : memref<25x128xf32, #tpu.memory_space<vmem>>, vector<16xf32>,
      %broadcast_in_dim3A_71 = arith.constant 0.000000e+00 : f32
      %broadcast_in_dim3A_72 = vector.broadcast %broadcast_in_dim3A_71 : f32 to vector<16xf32>
      %swap3A_73 = arith.index_cast %scan3A_36 : i32 to index
      %swap3A_74 = arith.constant 112 : index
      %swap3A_75 = tpu.vector_load %arg16[%swap3A_73, %swap3A_74] {strides = array<i32>} : memref<25x128xf32, #tpu.memory_space<vmem>>, vector<16xf32>,
      tpu.vector_store %arg16[%swap3A_73, %swap3A_74], %broadcast_in_dim3A_72 {strides = array<i32>} : memref<25x128xf32, #tpu.memory_space<vmem>>, vector<16xf32>,
      %scan3A_76 = arith.constant 0 : i32
      scf.yield %scan3A_76 : i32
    }
    %scan3A_5 = arith.constant 25 : i32
    %scan3A_6 = arith.constant 0 : i32
    %scan3A_7 = arith.constant 0 : i32
    %scan3A_8 = arith.constant 25 : i32
    %scan3A_9 = arith.addi %scan3A_7, %scan3A_8 : i32
    %scan3A_10 = arith.constant 1 : i32
    %scan3A_11 = scf.for %scan3A_36 = %scan3A_7 to %scan3A_9 step %scan3A_10 iter_args(%scan3A_37 = %scan3A_6) -> (i32)  : i32 {
      %mul3A_38 = arith.constant 625 : i32
      %mul3A_39 = arith.muli %arg1, %mul3A_38 : i32
      %mul3A_40 = arith.constant 25 : i32
      %mul3A_41 = arith.muli %scan3A_36, %mul3A_40 : i32
      %add3A = arith.addi %mul3A_39, %mul3A_41 : i32
      "tpu.region"() ({
        %run_scoped3A = tpu.sem_alloc : memref<!tpu.dma_semaphore, #tpu.memory_space<semaphore_mem>>
        %dma_start3A = arith.constant 0 : i32
        %dma_start3A_43 = tpu.memref_slice %arg8[%add3A, %dma_start3A] : memref<10000x128xf32, #tpu.memory_space<vmem_shared>> -> memref<25x128xf32, #tpu.memory_space<vmem_shared>>
        %dma_start3A_44 = arith.constant 0 : i32
        %dma_start3A_45 = tpu.memref_slice %arg8[%add3A, %dma_start3A_44] : memref<10000x128xf32, #tpu.memory_space<vmem_shared>> -> memref<25x128xf32, #tpu.memory_space<vmem_shared>>
        tpu.enqueue_dma source(%arg16 : memref<25x128xf32, #tpu.memory_space<vmem>>) target(%dma_start3A_45 : memref<25x128xf32, #tpu.memory_space<vmem_shared>>) target_semaphore(%run_scoped3A : memref<!tpu.dma_semaphore, #tpu.memory_space<semaphore_mem>>)
        %dma_wait3A = arith.constant 0 : i32
        %dma_wait3A_46 = tpu.memref_slice %arg8[%add3A, %dma_wait3A] : memref<10000x128xf32, #tpu.memory_space<vmem_shared>> -> memref<25x128xf32, #tpu.memory_space<vmem_shared>>
        %dma_wait3A_47 = arith.constant 0 : i32
        %dma_wait3A_48 = tpu.memref_slice %arg8[%add3A, %dma_wait3A_47] : memref<10000x128xf32, #tpu.memory_space<vmem_shared>> -> memref<25x128xf32, #tpu.memory_space<vmem_shared>>
        tpu.wait_dma2 semaphore(%run_scoped3A : memref<!tpu.dma_semaphore, #tpu.memory_space<semaphore_mem>>) src(%arg16 : memref<25x128xf32, #tpu.memory_space<vmem>>) dst(%dma_wait3A_48 : memref<25x128xf32, #tpu.memory_space<vmem_shared>>)
        tpu.yield
      }) : () -> ()
      %scan3A_42 = arith.constant 0 : i32
      scf.yield %scan3A_42 : i32
    }
    %scan3A_12 = arith.constant 25 : i32
    %mul3A = arith.constant 250 : i32
    %mul3A_13 = arith.muli %arg1, %mul3A : i32
    "tpu.region"() ({
      %run_scoped3A = tpu.sem_alloc : memref<!tpu.dma_semaphore, #tpu.memory_space<semaphore_mem>>
      %dma_start3A = arith.constant 0 : i32
      %dma_start3A_36 = tpu.memref_slice %arg4[%mul3A_13, %dma_start3A] : memref<4000x40xi32, #tpu.memory_space<hbm>> -> memref<250x40xi32, #tpu.memory_space<hbm>>
      %dma_start3A_37 = arith.constant 0 : i32
      %dma_start3A_38 = tpu.memref_slice %arg4[%mul3A_13, %dma_start3A_37] : memref<4000x40xi32, #tpu.memory_space<hbm>> -> memref<250x40xi32, #tpu.memory_space<hbm>>
      tpu.enqueue_dma source(%dma_start3A_38 : memref<250x40xi32, #tpu.memory_space<hbm>>) target(%arg9 : memref<250x40xi32, #tpu.memory_space<vmem>>) target_semaphore(%run_scoped3A : memref<!tpu.dma_semaphore, #tpu.memory_space<semaphore_mem>>)
      %dma_wait3A = arith.constant 0 : i32
      %dma_wait3A_39 = tpu.memref_slice %arg4[%mul3A_13, %dma_wait3A] : memref<4000x40xi32, #tpu.memory_space<hbm>> -> memref<250x40xi32, #tpu.memory_space<hbm>>
      %dma_wait3A_40 = arith.constant 0 : i32
      %dma_wait3A_41 = tpu.memref_slice %arg4[%mul3A_13, %dma_wait3A_40] : memref<4000x40xi32, #tpu.memory_space<hbm>> -> memref<250x40xi32, #tpu.memory_space<hbm>>
      tpu.wait_dma2 semaphore(%run_scoped3A : memref<!tpu.dma_semaphore, #tpu.memory_space<semaphore_mem>>) src(%dma_wait3A_41 : memref<250x40xi32, #tpu.memory_space<hbm>>) dst(%arg9 : memref<250x40xi32, #tpu.memory_space<vmem>>)
      tpu.yield
    }) : () -> ()
    %mul3A_14 = arith.constant 250 : i32
    %mul3A_15 = arith.muli %arg1, %mul3A_14 : i32
    "tpu.region"() ({
      %run_scoped3A = tpu.sem_alloc : memref<!tpu.dma_semaphore, #tpu.memory_space<semaphore_mem>>
      %dma_start3A = arith.constant 0 : i32
      %dma_start3A_36 = tpu.memref_slice %arg5[%mul3A_15, %dma_start3A] : memref<4000x40xi32, #tpu.memory_space<hbm>> -> memref<250x40xi32, #tpu.memory_space<hbm>>
      %dma_start3A_37 = arith.constant 0 : i32
      %dma_start3A_38 = tpu.memref_slice %arg5[%mul3A_15, %dma_start3A_37] : memref<4000x40xi32, #tpu.memory_space<hbm>> -> memref<250x40xi32, #tpu.memory_space<hbm>>
      tpu.enqueue_dma source(%dma_start3A_38 : memref<250x40xi32, #tpu.memory_space<hbm>>) target(%arg10 : memref<250x40xi32, #tpu.memory_space<vmem>>) target_semaphore(%run_scoped3A : memref<!tpu.dma_semaphore, #tpu.memory_space<semaphore_mem>>)
      %dma_wait3A = arith.constant 0 : i32
      %dma_wait3A_39 = tpu.memref_slice %arg5[%mul3A_15, %dma_wait3A] : memref<4000x40xi32, #tpu.memory_space<hbm>> -> memref<250x40xi32, #tpu.memory_space<hbm>>
      %dma_wait3A_40 = arith.constant 0 : i32
      %dma_wait3A_41 = tpu.memref_slice %arg5[%mul3A_15, %dma_wait3A_40] : memref<4000x40xi32, #tpu.memory_space<hbm>> -> memref<250x40xi32, #tpu.memory_space<hbm>>
      tpu.wait_dma2 semaphore(%run_scoped3A : memref<!tpu.dma_semaphore, #tpu.memory_space<semaphore_mem>>) src(%dma_wait3A_41 : memref<250x40xi32, #tpu.memory_space<hbm>>) dst(%arg10 : memref<250x40xi32, #tpu.memory_space<vmem>>)
      tpu.yield
    }) : () -> ()
    %barrier3A = arith.constant 0 : index
    tpu.barrier barrier_id(%barrier3A)
    %eq3A = arith.constant 0 : i32
    %eq3A_16 = arith.cmpi eq, %arg0, %eq3A : i32
    %convert_element_type3A = arith.extui %eq3A_16 : i1 to i32
    %cond3A = arith.constant 0 : i32
    %cond3A_17 = arith.cmpi ne, %convert_element_type3A, %cond3A : i32
    scf.if %cond3A_17 {
      %dma_start3A = arith.constant 0 : i32
      %dma_start3A_36 = arith.constant 0 : i32
      %dma_start3A_37 = tpu.memref_slice %arg9[%dma_start3A, %dma_start3A_36] : memref<250x40xi32, #tpu.memory_space<vmem>> -> memref<1x40xi32, #tpu.memory_space<vmem>>
      %dma_start3A_38 = tpu.memref_squeeze %dma_start3A_37 : memref<1x40xi32, #tpu.memory_space<vmem>> -> memref<40xi32, #tpu.memory_space<vmem>>
      %dma_start3A_39 = arith.constant 0 : i32
      %dma_start3A_40 = arith.constant 0 : i32
      %dma_start3A_41 = tpu.memref_slice %arg2[%dma_start3A_39, %dma_start3A_40] : memref<10000x128xf32, #tpu.memory_space<hbm>> -> memref<10000x128xf32, #tpu.memory_space<hbm>>
      tpu.enqueue_indirect_dma source(%dma_start3A_41 : memref<10000x128xf32, #tpu.memory_space<hbm>>) target(%arg11 : memref<40x128xf32, #tpu.memory_space<vmem>>) offsets(%dma_start3A_38 : memref<40xi32, #tpu.memory_space<vmem>>) semaphore(%arg17 : memref<!tpu.dma_semaphore, #tpu.memory_space<semaphore_mem>>)
      %dma_start3A_42 = arith.constant 1 : i32
      %dma_start3A_43 = arith.constant 0 : i32
      %dma_start3A_44 = tpu.memref_slice %arg9[%dma_start3A_42, %dma_start3A_43] : memref<250x40xi32, #tpu.memory_space<vmem>> -> memref<1x40xi32, #tpu.memory_space<vmem>>
      %dma_start3A_45 = tpu.memref_squeeze %dma_start3A_44 : memref<1x40xi32, #tpu.memory_space<vmem>> -> memref<40xi32, #tpu.memory_space<vmem>>
      %dma_start3A_46 = arith.constant 0 : i32
      %dma_start3A_47 = arith.constant 0 : i32
      %dma_start3A_48 = tpu.memref_slice %arg2[%dma_start3A_46, %dma_start3A_47] : memref<10000x128xf32, #tpu.memory_space<hbm>> -> memref<10000x128xf32, #tpu.memory_space<hbm>>
      tpu.enqueue_indirect_dma source(%dma_start3A_48 : memref<10000x128xf32, #tpu.memory_space<hbm>>) target(%arg12 : memref<40x128xf32, #tpu.memory_space<vmem>>) offsets(%dma_start3A_45 : memref<40xi32, #tpu.memory_space<vmem>>) semaphore(%arg18 : memref<!tpu.dma_semaphore, #tpu.memory_space<semaphore_mem>>)
      %dma_start3A_49 = arith.constant 2 : i32
      %dma_start3A_50 = arith.constant 0 : i32
      %dma_start3A_51 = tpu.memref_slice %arg9[%dma_start3A_49, %dma_start3A_50] : memref<250x40xi32, #tpu.memory_space<vmem>> -> memref<1x40xi32, #tpu.memory_space<vmem>>
      %dma_start3A_52 = tpu.memref_squeeze %dma_start3A_51 : memref<1x40xi32, #tpu.memory_space<vmem>> -> memref<40xi32, #tpu.memory_space<vmem>>
      %dma_start3A_53 = arith.constant 0 : i32
      %dma_start3A_54 = arith.constant 0 : i32
      %dma_start3A_55 = tpu.memref_slice %arg2[%dma_start3A_53, %dma_start3A_54] : memref<10000x128xf32, #tpu.memory_space<hbm>> -> memref<10000x128xf32, #tpu.memory_space<hbm>>
      tpu.enqueue_indirect_dma source(%dma_start3A_55 : memref<10000x128xf32, #tpu.memory_space<hbm>>) target(%arg13 : memref<40x128xf32, #tpu.memory_space<vmem>>) offsets(%dma_start3A_52 : memref<40xi32, #tpu.memory_space<vmem>>) semaphore(%arg19 : memref<!tpu.dma_semaphore, #tpu.memory_space<semaphore_mem>>)
      %dma_start3A_56 = arith.constant 3 : i32
      %dma_start3A_57 = arith.constant 0 : i32
      %dma_start3A_58 = tpu.memref_slice %arg9[%dma_start3A_56, %dma_start3A_57] : memref<250x40xi32, #tpu.memory_space<vmem>> -> memref<1x40xi32, #tpu.memory_space<vmem>>
      %dma_start3A_59 = tpu.memref_squeeze %dma_start3A_58 : memref<1x40xi32, #tpu.memory_space<vmem>> -> memref<40xi32, #tpu.memory_space<vmem>>
      %dma_start3A_60 = arith.constant 0 : i32
      %dma_start3A_61 = arith.constant 0 : i32
      %dma_start3A_62 = tpu.memref_slice %arg2[%dma_start3A_60, %dma_start3A_61] : memref<10000x128xf32, #tpu.memory_space<hbm>> -> memref<10000x128xf32, #tpu.memory_space<hbm>>
      tpu.enqueue_indirect_dma source(%dma_start3A_62 : memref<10000x128xf32, #tpu.memory_space<hbm>>) target(%arg14 : memref<40x128xf32, #tpu.memory_space<vmem>>) offsets(%dma_start3A_59 : memref<40xi32, #tpu.memory_space<vmem>>) semaphore(%arg20 : memref<!tpu.dma_semaphore, #tpu.memory_space<semaphore_mem>>)
      %dma_start3A_63 = arith.constant 4 : i32
      %dma_start3A_64 = arith.constant 0 : i32
      %dma_start3A_65 = tpu.memref_slice %arg9[%dma_start3A_63, %dma_start3A_64] : memref<250x40xi32, #tpu.memory_space<vmem>> -> memref<1x40xi32, #tpu.memory_space<vmem>>
      %dma_start3A_66 = tpu.memref_squeeze %dma_start3A_65 : memref<1x40xi32, #tpu.memory_space<vmem>> -> memref<40xi32, #tpu.memory_space<vmem>>
      %dma_start3A_67 = arith.constant 0 : i32
      %dma_start3A_68 = arith.constant 0 : i32
      %dma_start3A_69 = tpu.memref_slice %arg2[%dma_start3A_67, %dma_start3A_68] : memref<10000x128xf32, #tpu.memory_space<hbm>> -> memref<10000x128xf32, #tpu.memory_space<hbm>>
      tpu.enqueue_indirect_dma source(%dma_start3A_69 : memref<10000x128xf32, #tpu.memory_space<hbm>>) target(%arg15 : memref<40x128xf32, #tpu.memory_space<vmem>>) offsets(%dma_start3A_66 : memref<40xi32, #tpu.memory_space<vmem>>) semaphore(%arg21 : memref<!tpu.dma_semaphore, #tpu.memory_space<semaphore_mem>>)
      %scan3A_70 = arith.constant 0 : i32
      %scan3A_71 = arith.constant 0 : i32
      %scan3A_72 = arith.constant 50 : i32
      %scan3A_73 = arith.addi %scan3A_71, %scan3A_72 : i32
      %scan3A_74 = arith.constant 1 : i32
      %scan3A_75 = scf.for %scan3A_77 = %scan3A_71 to %scan3A_73 step %scan3A_74 iter_args(%scan3A_78 = %scan3A_70) -> (i32)  : i32 {
        %mul3A_79 = arith.constant 5 : i32
        %mul3A_80 = arith.muli %mul3A_79, %scan3A_77 : i32
        %dma_wait3A = arith.constant 0 : i32
        %dma_wait3A_81 = arith.constant 0 : i32
        %dma_wait3A_82 = tpu.memref_slice %arg9[%dma_wait3A, %dma_wait3A_81] : memref<250x40xi32, #tpu.memory_space<vmem>> -> memref<1x40xi32, #tpu.memory_space<vmem>>
        %dma_wait3A_83 = tpu.memref_squeeze %dma_wait3A_82 : memref<1x40xi32, #tpu.memory_space<vmem>> -> memref<40xi32, #tpu.memory_space<vmem>>
        %dma_wait3A_84 = arith.constant 0 : i32
        %dma_wait3A_85 = arith.constant 0 : i32
        %dma_wait3A_86 = tpu.memref_slice %arg2[%dma_wait3A_84, %dma_wait3A_85] : memref<10000x128xf32, #tpu.memory_space<hbm>> -> memref<10000x128xf32, #tpu.memory_space<hbm>>
        tpu.wait_indirect_dma semaphore(%arg17 : memref<!tpu.dma_semaphore, #tpu.memory_space<semaphore_mem>>) src(%dma_wait3A_86 : memref<10000x128xf32, #tpu.memory_space<hbm>>) dst(%arg11 : memref<40x128xf32, #tpu.memory_space<vmem>>)
        %add3A = arith.constant 0 : i32
        %add3A_87 = arith.addi %mul3A_80, %add3A : i32
        %dma_start3A_88 = arith.constant 0 : i32
        %dma_start3A_89 = tpu.memref_slice %arg10[%add3A_87, %dma_start3A_88] : memref<250x40xi32, #tpu.memory_space<vmem>> -> memref<1x40xi32, #tpu.memory_space<vmem>>
        %dma_start3A_90 = tpu.memref_squeeze %dma_start3A_89 : memref<1x40xi32, #tpu.memory_space<vmem>> -> memref<40xi32, #tpu.memory_space<vmem>>
        %dma_start3A_91 = arith.constant 0 : i32
        %dma_start3A_92 = arith.constant 0 : i32
        %dma_start3A_93 = tpu.memref_slice %arg8[%dma_start3A_91, %dma_start3A_92] : memref<10000x128xf32, #tpu.memory_space<vmem_shared>> -> memref<10000x128xf32, #tpu.memory_space<vmem_shared>>
        tpu.enqueue_indirect_dma source(%arg11 : memref<40x128xf32, #tpu.memory_space<vmem>>) target(%dma_start3A_93 : memref<10000x128xf32, #tpu.memory_space<vmem_shared>>) offsets(%dma_start3A_90 : memref<40xi32, #tpu.memory_space<vmem>>) semaphore(%arg22 : memref<!tpu.dma_semaphore, #tpu.memory_space<semaphore_mem>>) {add = true}
        %dma_wait3A_94 = arith.constant 0 : i32
        %dma_wait3A_95 = arith.constant 0 : i32
        %dma_wait3A_96 = tpu.memref_slice %arg9[%dma_wait3A_94, %dma_wait3A_95] : memref<250x40xi32, #tpu.memory_space<vmem>> -> memref<1x40xi32, #tpu.memory_space<vmem>>
        %dma_wait3A_97 = tpu.memref_squeeze %dma_wait3A_96 : memref<1x40xi32, #tpu.memory_space<vmem>> -> memref<40xi32, #tpu.memory_space<vmem>>
        %dma_wait3A_98 = arith.constant 0 : i32
        %dma_wait3A_99 = arith.constant 0 : i32
        %dma_wait3A_100 = tpu.memref_slice %arg2[%dma_wait3A_98, %dma_wait3A_99] : memref<10000x128xf32, #tpu.memory_space<hbm>> -> memref<10000x128xf32, #tpu.memory_space<hbm>>
        tpu.wait_indirect_dma semaphore(%arg18 : memref<!tpu.dma_semaphore, #tpu.memory_space<semaphore_mem>>) src(%dma_wait3A_100 : memref<10000x128xf32, #tpu.memory_space<hbm>>) dst(%arg12 : memref<40x128xf32, #tpu.memory_space<vmem>>)
        %add3A_101 = arith.constant 1 : i32
        %add3A_102 = arith.addi %mul3A_80, %add3A_101 : i32
        %dma_start3A_103 = arith.constant 0 : i32
        %dma_start3A_104 = tpu.memref_slice %arg10[%add3A_102, %dma_start3A_103] : memref<250x40xi32, #tpu.memory_space<vmem>> -> memref<1x40xi32, #tpu.memory_space<vmem>>
        %dma_start3A_105 = tpu.memref_squeeze %dma_start3A_104 : memref<1x40xi32, #tpu.memory_space<vmem>> -> memref<40xi32, #tpu.memory_space<vmem>>
        %dma_start3A_106 = arith.constant 0 : i32
        %dma_start3A_107 = arith.constant 0 : i32
        %dma_start3A_108 = tpu.memref_slice %arg8[%dma_start3A_106, %dma_start3A_107] : memref<10000x128xf32, #tpu.memory_space<vmem_shared>> -> memref<10000x128xf32, #tpu.memory_space<vmem_shared>>
        tpu.enqueue_indirect_dma source(%arg12 : memref<40x128xf32, #tpu.memory_space<vmem>>) target(%dma_start3A_108 : memref<10000x128xf32, #tpu.memory_space<vmem_shared>>) offsets(%dma_start3A_105 : memref<40xi32, #tpu.memory_space<vmem>>) semaphore(%arg23 : memref<!tpu.dma_semaphore, #tpu.memory_space<semaphore_mem>>) {add = true}
        %dma_wait3A_109 = arith.constant 0 : i32
        %dma_wait3A_110 = arith.constant 0 : i32
        %dma_wait3A_111 = tpu.memref_slice %arg9[%dma_wait3A_109, %dma_wait3A_110] : memref<250x40xi32, #tpu.memory_space<vmem>> -> memref<1x40xi32, #tpu.memory_space<vmem>>
        %dma_wait3A_112 = tpu.memref_squeeze %dma_wait3A_111 : memref<1x40xi32, #tpu.memory_space<vmem>> -> memref<40xi32, #tpu.memory_space<vmem>>
        %dma_wait3A_113 = arith.constant 0 : i32
        %dma_wait3A_114 = arith.constant 0 : i32
        %dma_wait3A_115 = tpu.memref_slice %arg2[%dma_wait3A_113, %dma_wait3A_114] : memref<10000x128xf32, #tpu.memory_space<hbm>> -> memref<10000x128xf32, #tpu.memory_space<hbm>>
        tpu.wait_indirect_dma semaphore(%arg19 : memref<!tpu.dma_semaphore, #tpu.memory_space<semaphore_mem>>) src(%dma_wait3A_115 : memref<10000x128xf32, #tpu.memory_space<hbm>>) dst(%arg13 : memref<40x128xf32, #tpu.memory_space<vmem>>)
        %add3A_116 = arith.constant 2 : i32
        %add3A_117 = arith.addi %mul3A_80, %add3A_116 : i32
        %dma_start3A_118 = arith.constant 0 : i32
        %dma_start3A_119 = tpu.memref_slice %arg10[%add3A_117, %dma_start3A_118] : memref<250x40xi32, #tpu.memory_space<vmem>> -> memref<1x40xi32, #tpu.memory_space<vmem>>
        %dma_start3A_120 = tpu.memref_squeeze %dma_start3A_119 : memref<1x40xi32, #tpu.memory_space<vmem>> -> memref<40xi32, #tpu.memory_space<vmem>>
        %dma_start3A_121 = arith.constant 0 : i32
        %dma_start3A_122 = arith.constant 0 : i32
        %dma_start3A_123 = tpu.memref_slice %arg8[%dma_start3A_121, %dma_start3A_122] : memref<10000x128xf32, #tpu.memory_space<vmem_shared>> -> memref<10000x128xf32, #tpu.memory_space<vmem_shared>>
        tpu.enqueue_indirect_dma source(%arg13 : memref<40x128xf32, #tpu.memory_space<vmem>>) target(%dma_start3A_123 : memref<10000x128xf32, #tpu.memory_space<vmem_shared>>) offsets(%dma_start3A_120 : memref<40xi32, #tpu.memory_space<vmem>>) semaphore(%arg24 : memref<!tpu.dma_semaphore, #tpu.memory_space<semaphore_mem>>) {add = true}
        %dma_wait3A_124 = arith.constant 0 : i32
        %dma_wait3A_125 = arith.constant 0 : i32
        %dma_wait3A_126 = tpu.memref_slice %arg9[%dma_wait3A_124, %dma_wait3A_125] : memref<250x40xi32, #tpu.memory_space<vmem>> -> memref<1x40xi32, #tpu.memory_space<vmem>>
        %dma_wait3A_127 = tpu.memref_squeeze %dma_wait3A_126 : memref<1x40xi32, #tpu.memory_space<vmem>> -> memref<40xi32, #tpu.memory_space<vmem>>
        %dma_wait3A_128 = arith.constant 0 : i32
        %dma_wait3A_129 = arith.constant 0 : i32
        %dma_wait3A_130 = tpu.memref_slice %arg2[%dma_wait3A_128, %dma_wait3A_129] : memref<10000x128xf32, #tpu.memory_space<hbm>> -> memref<10000x128xf32, #tpu.memory_space<hbm>>
        tpu.wait_indirect_dma semaphore(%arg20 : memref<!tpu.dma_semaphore, #tpu.memory_space<semaphore_mem>>) src(%dma_wait3A_130 : memref<10000x128xf32, #tpu.memory_space<hbm>>) dst(%arg14 : memref<40x128xf32, #tpu.memory_space<vmem>>)
        %add3A_131 = arith.constant 3 : i32
        %add3A_132 = arith.addi %mul3A_80, %add3A_131 : i32
        %dma_start3A_133 = arith.constant 0 : i32
        %dma_start3A_134 = tpu.memref_slice %arg10[%add3A_132, %dma_start3A_133] : memref<250x40xi32, #tpu.memory_space<vmem>> -> memref<1x40xi32, #tpu.memory_space<vmem>>
        %dma_start3A_135 = tpu.memref_squeeze %dma_start3A_134 : memref<1x40xi32, #tpu.memory_space<vmem>> -> memref<40xi32, #tpu.memory_space<vmem>>
        %dma_start3A_136 = arith.constant 0 : i32
        %dma_start3A_137 = arith.constant 0 : i32
        %dma_start3A_138 = tpu.memref_slice %arg8[%dma_start3A_136, %dma_start3A_137] : memref<10000x128xf32, #tpu.memory_space<vmem_shared>> -> memref<10000x128xf32, #tpu.memory_space<vmem_shared>>
        tpu.enqueue_indirect_dma source(%arg14 : memref<40x128xf32, #tpu.memory_space<vmem>>) target(%dma_start3A_138 : memref<10000x128xf32, #tpu.memory_space<vmem_shared>>) offsets(%dma_start3A_135 : memref<40xi32, #tpu.memory_space<vmem>>) semaphore(%arg25 : memref<!tpu.dma_semaphore, #tpu.memory_space<semaphore_mem>>) {add = true}
        %dma_wait3A_139 = arith.constant 0 : i32
        %dma_wait3A_140 = arith.constant 0 : i32
        %dma_wait3A_141 = tpu.memref_slice %arg9[%dma_wait3A_139, %dma_wait3A_140] : memref<250x40xi32, #tpu.memory_space<vmem>> -> memref<1x40xi32, #tpu.memory_space<vmem>>
        %dma_wait3A_142 = tpu.memref_squeeze %dma_wait3A_141 : memref<1x40xi32, #tpu.memory_space<vmem>> -> memref<40xi32, #tpu.memory_space<vmem>>
        %dma_wait3A_143 = arith.constant 0 : i32
        %dma_wait3A_144 = arith.constant 0 : i32
        %dma_wait3A_145 = tpu.memref_slice %arg2[%dma_wait3A_143, %dma_wait3A_144] : memref<10000x128xf32, #tpu.memory_space<hbm>> -> memref<10000x128xf32, #tpu.memory_space<hbm>>
        tpu.wait_indirect_dma semaphore(%arg21 : memref<!tpu.dma_semaphore, #tpu.memory_space<semaphore_mem>>) src(%dma_wait3A_145 : memref<10000x128xf32, #tpu.memory_space<hbm>>) dst(%arg15 : memref<40x128xf32, #tpu.memory_space<vmem>>)
        %add3A_146 = arith.constant 4 : i32
        %add3A_147 = arith.addi %mul3A_80, %add3A_146 : i32
        %dma_start3A_148 = arith.constant 0 : i32
        %dma_start3A_149 = tpu.memref_slice %arg10[%add3A_147, %dma_start3A_148] : memref<250x40xi32, #tpu.memory_space<vmem>> -> memref<1x40xi32, #tpu.memory_space<vmem>>
        %dma_start3A_150 = tpu.memref_squeeze %dma_start3A_149 : memref<1x40xi32, #tpu.memory_space<vmem>> -> memref<40xi32, #tpu.memory_space<vmem>>
        %dma_start3A_151 = arith.constant 0 : i32
        %dma_start3A_152 = arith.constant 0 : i32
        %dma_start3A_153 = tpu.memref_slice %arg8[%dma_start3A_151, %dma_start3A_152] : memref<10000x128xf32, #tpu.memory_space<vmem_shared>> -> memref<10000x128xf32, #tpu.memory_space<vmem_shared>>
        tpu.enqueue_indirect_dma source(%arg15 : memref<40x128xf32, #tpu.memory_space<vmem>>) target(%dma_start3A_153 : memref<10000x128xf32, #tpu.memory_space<vmem_shared>>) offsets(%dma_start3A_150 : memref<40xi32, #tpu.memory_space<vmem>>) semaphore(%arg26 : memref<!tpu.dma_semaphore, #tpu.memory_space<semaphore_mem>>) {add = true}
        %add3A_154 = arith.constant 5 : i32
        %add3A_155 = arith.addi %mul3A_80, %add3A_154 : i32
        %add3A_156 = arith.constant 0 : i32
        %add3A_157 = arith.addi %add3A_155, %add3A_156 : i32
        %dma_wait3A_158 = arith.constant 0 : i32
        %dma_wait3A_159 = arith.constant 0 : i32
        %dma_wait3A_160 = tpu.memref_slice %arg10[%dma_wait3A_158, %dma_wait3A_159] : memref<250x40xi32, #tpu.memory_space<vmem>> -> memref<1x40xi32, #tpu.memory_space<vmem>>
        %dma_wait3A_161 = tpu.memref_squeeze %dma_wait3A_160 : memref<1x40xi32, #tpu.memory_space<vmem>> -> memref<40xi32, #tpu.memory_space<vmem>>
        %dma_wait3A_162 = arith.constant 0 : i32
        %dma_wait3A_163 = arith.constant 0 : i32
        %dma_wait3A_164 = tpu.memref_slice %arg8[%dma_wait3A_162, %dma_wait3A_163] : memref<10000x128xf32, #tpu.memory_space<vmem_shared>> -> memref<10000x128xf32, #tpu.memory_space<vmem_shared>>
        tpu.wait_indirect_dma semaphore(%arg22 : memref<!tpu.dma_semaphore, #tpu.memory_space<semaphore_mem>>) src(%arg11 : memref<40x128xf32, #tpu.memory_space<vmem>>) dst(%dma_wait3A_164 : memref<10000x128xf32, #tpu.memory_space<vmem_shared>>)
        %lt3A = arith.constant 250 : i32
        %lt3A_165 = arith.cmpi slt, %add3A_157, %lt3A : i32
        %convert_element_type3A_166 = arith.extui %lt3A_165 : i1 to i32
        %cond3A_167 = arith.constant 0 : i32
        %cond3A_168 = arith.cmpi ne, %convert_element_type3A_166, %cond3A_167 : i32
        scf.if %cond3A_168 {
          %dma_start3A_234 = arith.constant 0 : i32
          %dma_start3A_235 = tpu.memref_slice %arg9[%add3A_157, %dma_start3A_234] : memref<250x40xi32, #tpu.memory_space<vmem>> -> memref<1x40xi32, #tpu.memory_space<vmem>>
          %dma_start3A_236 = tpu.memref_squeeze %dma_start3A_235 : memref<1x40xi32, #tpu.memory_space<vmem>> -> memref<40xi32, #tpu.memory_space<vmem>>
          %dma_start3A_237 = arith.constant 0 : i32
          %dma_start3A_238 = arith.constant 0 : i32
          %dma_start3A_239 = tpu.memref_slice %arg2[%dma_start3A_237, %dma_start3A_238] : memref<10000x128xf32, #tpu.memory_space<hbm>> -> memref<10000x128xf32, #tpu.memory_space<hbm>>
          tpu.enqueue_indirect_dma source(%dma_start3A_239 : memref<10000x128xf32, #tpu.memory_space<hbm>>) target(%arg11 : memref<40x128xf32, #tpu.memory_space<vmem>>) offsets(%dma_start3A_236 : memref<40xi32, #tpu.memory_space<vmem>>) semaphore(%arg17 : memref<!tpu.dma_semaphore, #tpu.memory_space<semaphore_mem>>)
        } else {
        }
        %add3A_169 = arith.constant 5 : i32
        %add3A_170 = arith.addi %mul3A_80, %add3A_169 : i32
        %add3A_171 = arith.constant 1 : i32
        %add3A_172 = arith.addi %add3A_170, %add3A_171 : i32
        %dma_wait3A_173 = arith.constant 0 : i32
        %dma_wait3A_174 = arith.constant 0 : i32
        %dma_wait3A_175 = tpu.memref_slice %arg10[%dma_wait3A_173, %dma_wait3A_174] : memref<250x40xi32, #tpu.memory_space<vmem>> -> memref<1x40xi32, #tpu.memory_space<vmem>>
        %dma_wait3A_176 = tpu.memref_squeeze %dma_wait3A_175 : memref<1x40xi32, #tpu.memory_space<vmem>> -> memref<40xi32, #tpu.memory_space<vmem>>
        %dma_wait3A_177 = arith.constant 0 : i32
        %dma_wait3A_178 = arith.constant 0 : i32
        %dma_wait3A_179 = tpu.memref_slice %arg8[%dma_wait3A_177, %dma_wait3A_178] : memref<10000x128xf32, #tpu.memory_space<vmem_shared>> -> memref<10000x128xf32, #tpu.memory_space<vmem_shared>>
        tpu.wait_indirect_dma semaphore(%arg23 : memref<!tpu.dma_semaphore, #tpu.memory_space<semaphore_mem>>) src(%arg12 : memref<40x128xf32, #tpu.memory_space<vmem>>) dst(%dma_wait3A_179 : memref<10000x128xf32, #tpu.memory_space<vmem_shared>>)
        %lt3A_180 = arith.constant 250 : i32
        %lt3A_181 = arith.cmpi slt, %add3A_172, %lt3A_180 : i32
        %convert_element_type3A_182 = arith.extui %lt3A_181 : i1 to i32
        %cond3A_183 = arith.constant 0 : i32
        %cond3A_184 = arith.cmpi ne, %convert_element_type3A_182, %cond3A_183 : i32
        scf.if %cond3A_184 {
          %dma_start3A_234 = arith.constant 0 : i32
          %dma_start3A_235 = tpu.memref_slice %arg9[%add3A_172, %dma_start3A_234] : memref<250x40xi32, #tpu.memory_space<vmem>> -> memref<1x40xi32, #tpu.memory_space<vmem>>
          %dma_start3A_236 = tpu.memref_squeeze %dma_start3A_235 : memref<1x40xi32, #tpu.memory_space<vmem>> -> memref<40xi32, #tpu.memory_space<vmem>>
          %dma_start3A_237 = arith.constant 0 : i32
          %dma_start3A_238 = arith.constant 0 : i32
          %dma_start3A_239 = tpu.memref_slice %arg2[%dma_start3A_237, %dma_start3A_238] : memref<10000x128xf32, #tpu.memory_space<hbm>> -> memref<10000x128xf32, #tpu.memory_space<hbm>>
          tpu.enqueue_indirect_dma source(%dma_start3A_239 : memref<10000x128xf32, #tpu.memory_space<hbm>>) target(%arg12 : memref<40x128xf32, #tpu.memory_space<vmem>>) offsets(%dma_start3A_236 : memref<40xi32, #tpu.memory_space<vmem>>) semaphore(%arg18 : memref<!tpu.dma_semaphore, #tpu.memory_space<semaphore_mem>>)
        } else {
        }
        %add3A_185 = arith.constant 5 : i32
        %add3A_186 = arith.addi %mul3A_80, %add3A_185 : i32
        %add3A_187 = arith.constant 2 : i32
        %add3A_188 = arith.addi %add3A_186, %add3A_187 : i32
        %dma_wait3A_189 = arith.constant 0 : i32
        %dma_wait3A_190 = arith.constant 0 : i32
        %dma_wait3A_191 = tpu.memref_slice %arg10[%dma_wait3A_189, %dma_wait3A_190] : memref<250x40xi32, #tpu.memory_space<vmem>> -> memref<1x40xi32, #tpu.memory_space<vmem>>
        %dma_wait3A_192 = tpu.memref_squeeze %dma_wait3A_191 : memref<1x40xi32, #tpu.memory_space<vmem>> -> memref<40xi32, #tpu.memory_space<vmem>>
        %dma_wait3A_193 = arith.constant 0 : i32
        %dma_wait3A_194 = arith.constant 0 : i32
        %dma_wait3A_195 = tpu.memref_slice %arg8[%dma_wait3A_193, %dma_wait3A_194] : memref<10000x128xf32, #tpu.memory_space<vmem_shared>> -> memref<10000x128xf32, #tpu.memory_space<vmem_shared>>
        tpu.wait_indirect_dma semaphore(%arg24 : memref<!tpu.dma_semaphore, #tpu.memory_space<semaphore_mem>>) src(%arg13 : memref<40x128xf32, #tpu.memory_space<vmem>>) dst(%dma_wait3A_195 : memref<10000x128xf32, #tpu.memory_space<vmem_shared>>)
        %lt3A_196 = arith.constant 250 : i32
        %lt3A_197 = arith.cmpi slt, %add3A_188, %lt3A_196 : i32
        %convert_element_type3A_198 = arith.extui %lt3A_197 : i1 to i32
        %cond3A_199 = arith.constant 0 : i32
        %cond3A_200 = arith.cmpi ne, %convert_element_type3A_198, %cond3A_199 : i32
        scf.if %cond3A_200 {
          %dma_start3A_234 = arith.constant 0 : i32
          %dma_start3A_235 = tpu.memref_slice %arg9[%add3A_188, %dma_start3A_234] : memref<250x40xi32, #tpu.memory_space<vmem>> -> memref<1x40xi32, #tpu.memory_space<vmem>>
          %dma_start3A_236 = tpu.memref_squeeze %dma_start3A_235 : memref<1x40xi32, #tpu.memory_space<vmem>> -> memref<40xi32, #tpu.memory_space<vmem>>
          %dma_start3A_237 = arith.constant 0 : i32
          %dma_start3A_238 = arith.constant 0 : i32
          %dma_start3A_239 = tpu.memref_slice %arg2[%dma_start3A_237, %dma_start3A_238] : memref<10000x128xf32, #tpu.memory_space<hbm>> -> memref<10000x128xf32, #tpu.memory_space<hbm>>
          tpu.enqueue_indirect_dma source(%dma_start3A_239 : memref<10000x128xf32, #tpu.memory_space<hbm>>) target(%arg13 : memref<40x128xf32, #tpu.memory_space<vmem>>) offsets(%dma_start3A_236 : memref<40xi32, #tpu.memory_space<vmem>>) semaphore(%arg19 : memref<!tpu.dma_semaphore, #tpu.memory_space<semaphore_mem>>)
        } else {
        }
        %add3A_201 = arith.constant 5 : i32
        %add3A_202 = arith.addi %mul3A_80, %add3A_201 : i32
        %add3A_203 = arith.constant 3 : i32
        %add3A_204 = arith.addi %add3A_202, %add3A_203 : i32
        %dma_wait3A_205 = arith.constant 0 : i32
        %dma_wait3A_206 = arith.constant 0 : i32
        %dma_wait3A_207 = tpu.memref_slice %arg10[%dma_wait3A_205, %dma_wait3A_206] : memref<250x40xi32, #tpu.memory_space<vmem>> -> memref<1x40xi32, #tpu.memory_space<vmem>>
        %dma_wait3A_208 = tpu.memref_squeeze %dma_wait3A_207 : memref<1x40xi32, #tpu.memory_space<vmem>> -> memref<40xi32, #tpu.memory_space<vmem>>
        %dma_wait3A_209 = arith.constant 0 : i32
        %dma_wait3A_210 = arith.constant 0 : i32
        %dma_wait3A_211 = tpu.memref_slice %arg8[%dma_wait3A_209, %dma_wait3A_210] : memref<10000x128xf32, #tpu.memory_space<vmem_shared>> -> memref<10000x128xf32, #tpu.memory_space<vmem_shared>>
        tpu.wait_indirect_dma semaphore(%arg25 : memref<!tpu.dma_semaphore, #tpu.memory_space<semaphore_mem>>) src(%arg14 : memref<40x128xf32, #tpu.memory_space<vmem>>) dst(%dma_wait3A_211 : memref<10000x128xf32, #tpu.memory_space<vmem_shared>>)
        %lt3A_212 = arith.constant 250 : i32
        %lt3A_213 = arith.cmpi slt, %add3A_204, %lt3A_212 : i32
        %convert_element_type3A_214 = arith.extui %lt3A_213 : i1 to i32
        %cond3A_215 = arith.constant 0 : i32
        %cond3A_216 = arith.cmpi ne, %convert_element_type3A_214, %cond3A_215 : i32
        scf.if %cond3A_216 {
          %dma_start3A_234 = arith.constant 0 : i32
          %dma_start3A_235 = tpu.memref_slice %arg9[%add3A_204, %dma_start3A_234] : memref<250x40xi32, #tpu.memory_space<vmem>> -> memref<1x40xi32, #tpu.memory_space<vmem>>
          %dma_start3A_236 = tpu.memref_squeeze %dma_start3A_235 : memref<1x40xi32, #tpu.memory_space<vmem>> -> memref<40xi32, #tpu.memory_space<vmem>>
          %dma_start3A_237 = arith.constant 0 : i32
          %dma_start3A_238 = arith.constant 0 : i32
          %dma_start3A_239 = tpu.memref_slice %arg2[%dma_start3A_237, %dma_start3A_238] : memref<10000x128xf32, #tpu.memory_space<hbm>> -> memref<10000x128xf32, #tpu.memory_space<hbm>>
          tpu.enqueue_indirect_dma source(%dma_start3A_239 : memref<10000x128xf32, #tpu.memory_space<hbm>>) target(%arg14 : memref<40x128xf32, #tpu.memory_space<vmem>>) offsets(%dma_start3A_236 : memref<40xi32, #tpu.memory_space<vmem>>) semaphore(%arg20 : memref<!tpu.dma_semaphore, #tpu.memory_space<semaphore_mem>>)
        } else {
        }
        %add3A_217 = arith.constant 5 : i32
        %add3A_218 = arith.addi %mul3A_80, %add3A_217 : i32
        %add3A_219 = arith.constant 4 : i32
        %add3A_220 = arith.addi %add3A_218, %add3A_219 : i32
        %dma_wait3A_221 = arith.constant 0 : i32
        %dma_wait3A_222 = arith.constant 0 : i32
        %dma_wait3A_223 = tpu.memref_slice %arg10[%dma_wait3A_221, %dma_wait3A_222] : memref<250x40xi32, #tpu.memory_space<vmem>> -> memref<1x40xi32, #tpu.memory_space<vmem>>
        %dma_wait3A_224 = tpu.memref_squeeze %dma_wait3A_223 : memref<1x40xi32, #tpu.memory_space<vmem>> -> memref<40xi32, #tpu.memory_space<vmem>>
        %dma_wait3A_225 = arith.constant 0 : i32
        %dma_wait3A_226 = arith.constant 0 : i32
        %dma_wait3A_227 = tpu.memref_slice %arg8[%dma_wait3A_225, %dma_wait3A_226] : memref<10000x128xf32, #tpu.memory_space<vmem_shared>> -> memref<10000x128xf32, #tpu.memory_space<vmem_shared>>
        tpu.wait_indirect_dma semaphore(%arg26 : memref<!tpu.dma_semaphore, #tpu.memory_space<semaphore_mem>>) src(%arg15 : memref<40x128xf32, #tpu.memory_space<vmem>>) dst(%dma_wait3A_227 : memref<10000x128xf32, #tpu.memory_space<vmem_shared>>)
        %lt3A_228 = arith.constant 250 : i32
        %lt3A_229 = arith.cmpi slt, %add3A_220, %lt3A_228 : i32
        %convert_element_type3A_230 = arith.extui %lt3A_229 : i1 to i32
        %cond3A_231 = arith.constant 0 : i32
        %cond3A_232 = arith.cmpi ne, %convert_element_type3A_230, %cond3A_231 : i32
        scf.if %cond3A_232 {
          %dma_start3A_234 = arith.constant 0 : i32
          %dma_start3A_235 = tpu.memref_slice %arg9[%add3A_220, %dma_start3A_234] : memref<250x40xi32, #tpu.memory_space<vmem>> -> memref<1x40xi32, #tpu.memory_space<vmem>>
          %dma_start3A_236 = tpu.memref_squeeze %dma_start3A_235 : memref<1x40xi32, #tpu.memory_space<vmem>> -> memref<40xi32, #tpu.memory_space<vmem>>
          %dma_start3A_237 = arith.constant 0 : i32
          %dma_start3A_238 = arith.constant 0 : i32
          %dma_start3A_239 = tpu.memref_slice %arg2[%dma_start3A_237, %dma_start3A_238] : memref<10000x128xf32, #tpu.memory_space<hbm>> -> memref<10000x128xf32, #tpu.memory_space<hbm>>
          tpu.enqueue_indirect_dma source(%dma_start3A_239 : memref<10000x128xf32, #tpu.memory_space<hbm>>) target(%arg15 : memref<40x128xf32, #tpu.memory_space<vmem>>) offsets(%dma_start3A_236 : memref<40xi32, #tpu.memory_space<vmem>>) semaphore(%arg21 : memref<!tpu.dma_semaphore, #tpu.memory_space<semaphore_mem>>)
        } else {
        }
        %scan3A_233 = arith.constant 0 : i32
        scf.yield %scan3A_233 : i32
      }
      %scan3A_76 = arith.constant 50 : i32
    } else {
    }
    %eq3A_18 = arith.constant 1 : i32
    %eq3A_19 = arith.cmpi eq, %arg0, %eq3A_18 : i32
    %convert_element_type3A_20 = arith.extui %eq3A_19 : i1 to i32
    %cond3A_21 = arith.constant 0 : i32
    %cond3A_22 = arith.cmpi ne, %convert_element_type3A_20, %cond3A_21 : i32
    scf.if %cond3A_22 {
      %dma_start3A = arith.constant 0 : i32
      %dma_start3A_36 = arith.constant 0 : i32
      %dma_start3A_37 = tpu.memref_slice %arg9[%dma_start3A, %dma_start3A_36] : memref<250x40xi32, #tpu.memory_space<vmem>> -> memref<1x40xi32, #tpu.memory_space<vmem>>
      %dma_start3A_38 = tpu.memref_squeeze %dma_start3A_37 : memref<1x40xi32, #tpu.memory_space<vmem>> -> memref<40xi32, #tpu.memory_space<vmem>>
      %dma_start3A_39 = arith.constant 0 : i32
      %dma_start3A_40 = arith.constant 0 : i32
      %dma_start3A_41 = tpu.memref_slice %arg3[%dma_start3A_39, %dma_start3A_40] : memref<10000x128xf32, #tpu.memory_space<hbm>> -> memref<10000x128xf32, #tpu.memory_space<hbm>>
      tpu.enqueue_indirect_dma source(%dma_start3A_41 : memref<10000x128xf32, #tpu.memory_space<hbm>>) target(%arg11 : memref<40x128xf32, #tpu.memory_space<vmem>>) offsets(%dma_start3A_38 : memref<40xi32, #tpu.memory_space<vmem>>) semaphore(%arg17 : memref<!tpu.dma_semaphore, #tpu.memory_space<semaphore_mem>>)
      %dma_start3A_42 = arith.constant 1 : i32
      %dma_start3A_43 = arith.constant 0 : i32
      %dma_start3A_44 = tpu.memref_slice %arg9[%dma_start3A_42, %dma_start3A_43] : memref<250x40xi32, #tpu.memory_space<vmem>> -> memref<1x40xi32, #tpu.memory_space<vmem>>
      %dma_start3A_45 = tpu.memref_squeeze %dma_start3A_44 : memref<1x40xi32, #tpu.memory_space<vmem>> -> memref<40xi32, #tpu.memory_space<vmem>>
      %dma_start3A_46 = arith.constant 0 : i32
      %dma_start3A_47 = arith.constant 0 : i32
      %dma_start3A_48 = tpu.memref_slice %arg3[%dma_start3A_46, %dma_start3A_47] : memref<10000x128xf32, #tpu.memory_space<hbm>> -> memref<10000x128xf32, #tpu.memory_space<hbm>>
      tpu.enqueue_indirect_dma source(%dma_start3A_48 : memref<10000x128xf32, #tpu.memory_space<hbm>>) target(%arg12 : memref<40x128xf32, #tpu.memory_space<vmem>>) offsets(%dma_start3A_45 : memref<40xi32, #tpu.memory_space<vmem>>) semaphore(%arg18 : memref<!tpu.dma_semaphore, #tpu.memory_space<semaphore_mem>>)
      %dma_start3A_49 = arith.constant 2 : i32
      %dma_start3A_50 = arith.constant 0 : i32
      %dma_start3A_51 = tpu.memref_slice %arg9[%dma_start3A_49, %dma_start3A_50] : memref<250x40xi32, #tpu.memory_space<vmem>> -> memref<1x40xi32, #tpu.memory_space<vmem>>
      %dma_start3A_52 = tpu.memref_squeeze %dma_start3A_51 : memref<1x40xi32, #tpu.memory_space<vmem>> -> memref<40xi32, #tpu.memory_space<vmem>>
      %dma_start3A_53 = arith.constant 0 : i32
      %dma_start3A_54 = arith.constant 0 : i32
      %dma_start3A_55 = tpu.memref_slice %arg3[%dma_start3A_53, %dma_start3A_54] : memref<10000x128xf32, #tpu.memory_space<hbm>> -> memref<10000x128xf32, #tpu.memory_space<hbm>>
      tpu.enqueue_indirect_dma source(%dma_start3A_55 : memref<10000x128xf32, #tpu.memory_space<hbm>>) target(%arg13 : memref<40x128xf32, #tpu.memory_space<vmem>>) offsets(%dma_start3A_52 : memref<40xi32, #tpu.memory_space<vmem>>) semaphore(%arg19 : memref<!tpu.dma_semaphore, #tpu.memory_space<semaphore_mem>>)
      %dma_start3A_56 = arith.constant 3 : i32
      %dma_start3A_57 = arith.constant 0 : i32
      %dma_start3A_58 = tpu.memref_slice %arg9[%dma_start3A_56, %dma_start3A_57] : memref<250x40xi32, #tpu.memory_space<vmem>> -> memref<1x40xi32, #tpu.memory_space<vmem>>
      %dma_start3A_59 = tpu.memref_squeeze %dma_start3A_58 : memref<1x40xi32, #tpu.memory_space<vmem>> -> memref<40xi32, #tpu.memory_space<vmem>>
      %dma_start3A_60 = arith.constant 0 : i32
      %dma_start3A_61 = arith.constant 0 : i32
      %dma_start3A_62 = tpu.memref_slice %arg3[%dma_start3A_60, %dma_start3A_61] : memref<10000x128xf32, #tpu.memory_space<hbm>> -> memref<10000x128xf32, #tpu.memory_space<hbm>>
      tpu.enqueue_indirect_dma source(%dma_start3A_62 : memref<10000x128xf32, #tpu.memory_space<hbm>>) target(%arg14 : memref<40x128xf32, #tpu.memory_space<vmem>>) offsets(%dma_start3A_59 : memref<40xi32, #tpu.memory_space<vmem>>) semaphore(%arg20 : memref<!tpu.dma_semaphore, #tpu.memory_space<semaphore_mem>>)
      %dma_start3A_63 = arith.constant 4 : i32
      %dma_start3A_64 = arith.constant 0 : i32
      %dma_start3A_65 = tpu.memref_slice %arg9[%dma_start3A_63, %dma_start3A_64] : memref<250x40xi32, #tpu.memory_space<vmem>> -> memref<1x40xi32, #tpu.memory_space<vmem>>
      %dma_start3A_66 = tpu.memref_squeeze %dma_start3A_65 : memref<1x40xi32, #tpu.memory_space<vmem>> -> memref<40xi32, #tpu.memory_space<vmem>>
      %dma_start3A_67 = arith.constant 0 : i32
      %dma_start3A_68 = arith.constant 0 : i32
      %dma_start3A_69 = tpu.memref_slice %arg3[%dma_start3A_67, %dma_start3A_68] : memref<10000x128xf32, #tpu.memory_space<hbm>> -> memref<10000x128xf32, #tpu.memory_space<hbm>>
      tpu.enqueue_indirect_dma source(%dma_start3A_69 : memref<10000x128xf32, #tpu.memory_space<hbm>>) target(%arg15 : memref<40x128xf32, #tpu.memory_space<vmem>>) offsets(%dma_start3A_66 : memref<40xi32, #tpu.memory_space<vmem>>) semaphore(%arg21 : memref<!tpu.dma_semaphore, #tpu.memory_space<semaphore_mem>>)
      %scan3A_70 = arith.constant 0 : i32
      %scan3A_71 = arith.constant 0 : i32
      %scan3A_72 = arith.constant 50 : i32
      %scan3A_73 = arith.addi %scan3A_71, %scan3A_72 : i32
      %scan3A_74 = arith.constant 1 : i32
      %scan3A_75 = scf.for %scan3A_77 = %scan3A_71 to %scan3A_73 step %scan3A_74 iter_args(%scan3A_78 = %scan3A_70) -> (i32)  : i32 {
        %mul3A_79 = arith.constant 5 : i32
        %mul3A_80 = arith.muli %mul3A_79, %scan3A_77 : i32
        %dma_wait3A = arith.constant 0 : i32
        %dma_wait3A_81 = arith.constant 0 : i32
        %dma_wait3A_82 = tpu.memref_slice %arg9[%dma_wait3A, %dma_wait3A_81] : memref<250x40xi32, #tpu.memory_space<vmem>> -> memref<1x40xi32, #tpu.memory_space<vmem>>
        %dma_wait3A_83 = tpu.memref_squeeze %dma_wait3A_82 : memref<1x40xi32, #tpu.memory_space<vmem>> -> memref<40xi32, #tpu.memory_space<vmem>>
        %dma_wait3A_84 = arith.constant 0 : i32
        %dma_wait3A_85 = arith.constant 0 : i32
        %dma_wait3A_86 = tpu.memref_slice %arg3[%dma_wait3A_84, %dma_wait3A_85] : memref<10000x128xf32, #tpu.memory_space<hbm>> -> memref<10000x128xf32, #tpu.memory_space<hbm>>
        tpu.wait_indirect_dma semaphore(%arg17 : memref<!tpu.dma_semaphore, #tpu.memory_space<semaphore_mem>>) src(%dma_wait3A_86 : memref<10000x128xf32, #tpu.memory_space<hbm>>) dst(%arg11 : memref<40x128xf32, #tpu.memory_space<vmem>>)
        %add3A = arith.constant 0 : i32
        %add3A_87 = arith.addi %mul3A_80, %add3A : i32
        %dma_start3A_88 = arith.constant 0 : i32
        %dma_start3A_89 = tpu.memref_slice %arg10[%add3A_87, %dma_start3A_88] : memref<250x40xi32, #tpu.memory_space<vmem>> -> memref<1x40xi32, #tpu.memory_space<vmem>>
        %dma_start3A_90 = tpu.memref_squeeze %dma_start3A_89 : memref<1x40xi32, #tpu.memory_space<vmem>> -> memref<40xi32, #tpu.memory_space<vmem>>
        %dma_start3A_91 = arith.constant 0 : i32
        %dma_start3A_92 = arith.constant 0 : i32
        %dma_start3A_93 = tpu.memref_slice %arg8[%dma_start3A_91, %dma_start3A_92] : memref<10000x128xf32, #tpu.memory_space<vmem_shared>> -> memref<10000x128xf32, #tpu.memory_space<vmem_shared>>
        tpu.enqueue_indirect_dma source(%arg11 : memref<40x128xf32, #tpu.memory_space<vmem>>) target(%dma_start3A_93 : memref<10000x128xf32, #tpu.memory_space<vmem_shared>>) offsets(%dma_start3A_90 : memref<40xi32, #tpu.memory_space<vmem>>) semaphore(%arg22 : memref<!tpu.dma_semaphore, #tpu.memory_space<semaphore_mem>>) {add = true}
        %dma_wait3A_94 = arith.constant 0 : i32
        %dma_wait3A_95 = arith.constant 0 : i32
        %dma_wait3A_96 = tpu.memref_slice %arg9[%dma_wait3A_94, %dma_wait3A_95] : memref<250x40xi32, #tpu.memory_space<vmem>> -> memref<1x40xi32, #tpu.memory_space<vmem>>
        %dma_wait3A_97 = tpu.memref_squeeze %dma_wait3A_96 : memref<1x40xi32, #tpu.memory_space<vmem>> -> memref<40xi32, #tpu.memory_space<vmem>>
        %dma_wait3A_98 = arith.constant 0 : i32
        %dma_wait3A_99 = arith.constant 0 : i32
        %dma_wait3A_100 = tpu.memref_slice %arg3[%dma_wait3A_98, %dma_wait3A_99] : memref<10000x128xf32, #tpu.memory_space<hbm>> -> memref<10000x128xf32, #tpu.memory_space<hbm>>
        tpu.wait_indirect_dma semaphore(%arg18 : memref<!tpu.dma_semaphore, #tpu.memory_space<semaphore_mem>>) src(%dma_wait3A_100 : memref<10000x128xf32, #tpu.memory_space<hbm>>) dst(%arg12 : memref<40x128xf32, #tpu.memory_space<vmem>>)
        %add3A_101 = arith.constant 1 : i32
        %add3A_102 = arith.addi %mul3A_80, %add3A_101 : i32
        %dma_start3A_103 = arith.constant 0 : i32
        %dma_start3A_104 = tpu.memref_slice %arg10[%add3A_102, %dma_start3A_103] : memref<250x40xi32, #tpu.memory_space<vmem>> -> memref<1x40xi32, #tpu.memory_space<vmem>>
        %dma_start3A_105 = tpu.memref_squeeze %dma_start3A_104 : memref<1x40xi32, #tpu.memory_space<vmem>> -> memref<40xi32, #tpu.memory_space<vmem>>
        %dma_start3A_106 = arith.constant 0 : i32
        %dma_start3A_107 = arith.constant 0 : i32
        %dma_start3A_108 = tpu.memref_slice %arg8[%dma_start3A_106, %dma_start3A_107] : memref<10000x128xf32, #tpu.memory_space<vmem_shared>> -> memref<10000x128xf32, #tpu.memory_space<vmem_shared>>
        tpu.enqueue_indirect_dma source(%arg12 : memref<40x128xf32, #tpu.memory_space<vmem>>) target(%dma_start3A_108 : memref<10000x128xf32, #tpu.memory_space<vmem_shared>>) offsets(%dma_start3A_105 : memref<40xi32, #tpu.memory_space<vmem>>) semaphore(%arg23 : memref<!tpu.dma_semaphore, #tpu.memory_space<semaphore_mem>>) {add = true}
        %dma_wait3A_109 = arith.constant 0 : i32
        %dma_wait3A_110 = arith.constant 0 : i32
        %dma_wait3A_111 = tpu.memref_slice %arg9[%dma_wait3A_109, %dma_wait3A_110] : memref<250x40xi32, #tpu.memory_space<vmem>> -> memref<1x40xi32, #tpu.memory_space<vmem>>
        %dma_wait3A_112 = tpu.memref_squeeze %dma_wait3A_111 : memref<1x40xi32, #tpu.memory_space<vmem>> -> memref<40xi32, #tpu.memory_space<vmem>>
        %dma_wait3A_113 = arith.constant 0 : i32
        %dma_wait3A_114 = arith.constant 0 : i32
        %dma_wait3A_115 = tpu.memref_slice %arg3[%dma_wait3A_113, %dma_wait3A_114] : memref<10000x128xf32, #tpu.memory_space<hbm>> -> memref<10000x128xf32, #tpu.memory_space<hbm>>
        tpu.wait_indirect_dma semaphore(%arg19 : memref<!tpu.dma_semaphore, #tpu.memory_space<semaphore_mem>>) src(%dma_wait3A_115 : memref<10000x128xf32, #tpu.memory_space<hbm>>) dst(%arg13 : memref<40x128xf32, #tpu.memory_space<vmem>>)
        %add3A_116 = arith.constant 2 : i32
        %add3A_117 = arith.addi %mul3A_80, %add3A_116 : i32
        %dma_start3A_118 = arith.constant 0 : i32
        %dma_start3A_119 = tpu.memref_slice %arg10[%add3A_117, %dma_start3A_118] : memref<250x40xi32, #tpu.memory_space<vmem>> -> memref<1x40xi32, #tpu.memory_space<vmem>>
        %dma_start3A_120 = tpu.memref_squeeze %dma_start3A_119 : memref<1x40xi32, #tpu.memory_space<vmem>> -> memref<40xi32, #tpu.memory_space<vmem>>
        %dma_start3A_121 = arith.constant 0 : i32
        %dma_start3A_122 = arith.constant 0 : i32
        %dma_start3A_123 = tpu.memref_slice %arg8[%dma_start3A_121, %dma_start3A_122] : memref<10000x128xf32, #tpu.memory_space<vmem_shared>> -> memref<10000x128xf32, #tpu.memory_space<vmem_shared>>
        tpu.enqueue_indirect_dma source(%arg13 : memref<40x128xf32, #tpu.memory_space<vmem>>) target(%dma_start3A_123 : memref<10000x128xf32, #tpu.memory_space<vmem_shared>>) offsets(%dma_start3A_120 : memref<40xi32, #tpu.memory_space<vmem>>) semaphore(%arg24 : memref<!tpu.dma_semaphore, #tpu.memory_space<semaphore_mem>>) {add = true}
        %dma_wait3A_124 = arith.constant 0 : i32
        %dma_wait3A_125 = arith.constant 0 : i32
        %dma_wait3A_126 = tpu.memref_slice %arg9[%dma_wait3A_124, %dma_wait3A_125] : memref<250x40xi32, #tpu.memory_space<vmem>> -> memref<1x40xi32, #tpu.memory_space<vmem>>
        %dma_wait3A_127 = tpu.memref_squeeze %dma_wait3A_126 : memref<1x40xi32, #tpu.memory_space<vmem>> -> memref<40xi32, #tpu.memory_space<vmem>>
        %dma_wait3A_128 = arith.constant 0 : i32
        %dma_wait3A_129 = arith.constant 0 : i32
        %dma_wait3A_130 = tpu.memref_slice %arg3[%dma_wait3A_128, %dma_wait3A_129] : memref<10000x128xf32, #tpu.memory_space<hbm>> -> memref<10000x128xf32, #tpu.memory_space<hbm>>
        tpu.wait_indirect_dma semaphore(%arg20 : memref<!tpu.dma_semaphore, #tpu.memory_space<semaphore_mem>>) src(%dma_wait3A_130 : memref<10000x128xf32, #tpu.memory_space<hbm>>) dst(%arg14 : memref<40x128xf32, #tpu.memory_space<vmem>>)
        %add3A_131 = arith.constant 3 : i32
        %add3A_132 = arith.addi %mul3A_80, %add3A_131 : i32
        %dma_start3A_133 = arith.constant 0 : i32
        %dma_start3A_134 = tpu.memref_slice %arg10[%add3A_132, %dma_start3A_133] : memref<250x40xi32, #tpu.memory_space<vmem>> -> memref<1x40xi32, #tpu.memory_space<vmem>>
        %dma_start3A_135 = tpu.memref_squeeze %dma_start3A_134 : memref<1x40xi32, #tpu.memory_space<vmem>> -> memref<40xi32, #tpu.memory_space<vmem>>
        %dma_start3A_136 = arith.constant 0 : i32
        %dma_start3A_137 = arith.constant 0 : i32
        %dma_start3A_138 = tpu.memref_slice %arg8[%dma_start3A_136, %dma_start3A_137] : memref<10000x128xf32, #tpu.memory_space<vmem_shared>> -> memref<10000x128xf32, #tpu.memory_space<vmem_shared>>
        tpu.enqueue_indirect_dma source(%arg14 : memref<40x128xf32, #tpu.memory_space<vmem>>) target(%dma_start3A_138 : memref<10000x128xf32, #tpu.memory_space<vmem_shared>>) offsets(%dma_start3A_135 : memref<40xi32, #tpu.memory_space<vmem>>) semaphore(%arg25 : memref<!tpu.dma_semaphore, #tpu.memory_space<semaphore_mem>>) {add = true}
        %dma_wait3A_139 = arith.constant 0 : i32
        %dma_wait3A_140 = arith.constant 0 : i32
        %dma_wait3A_141 = tpu.memref_slice %arg9[%dma_wait3A_139, %dma_wait3A_140] : memref<250x40xi32, #tpu.memory_space<vmem>> -> memref<1x40xi32, #tpu.memory_space<vmem>>
        %dma_wait3A_142 = tpu.memref_squeeze %dma_wait3A_141 : memref<1x40xi32, #tpu.memory_space<vmem>> -> memref<40xi32, #tpu.memory_space<vmem>>
        %dma_wait3A_143 = arith.constant 0 : i32
        %dma_wait3A_144 = arith.constant 0 : i32
        %dma_wait3A_145 = tpu.memref_slice %arg3[%dma_wait3A_143, %dma_wait3A_144] : memref<10000x128xf32, #tpu.memory_space<hbm>> -> memref<10000x128xf32, #tpu.memory_space<hbm>>
        tpu.wait_indirect_dma semaphore(%arg21 : memref<!tpu.dma_semaphore, #tpu.memory_space<semaphore_mem>>) src(%dma_wait3A_145 : memref<10000x128xf32, #tpu.memory_space<hbm>>) dst(%arg15 : memref<40x128xf32, #tpu.memory_space<vmem>>)
        %add3A_146 = arith.constant 4 : i32
        %add3A_147 = arith.addi %mul3A_80, %add3A_146 : i32
        %dma_start3A_148 = arith.constant 0 : i32
        %dma_start3A_149 = tpu.memref_slice %arg10[%add3A_147, %dma_start3A_148] : memref<250x40xi32, #tpu.memory_space<vmem>> -> memref<1x40xi32, #tpu.memory_space<vmem>>
        %dma_start3A_150 = tpu.memref_squeeze %dma_start3A_149 : memref<1x40xi32, #tpu.memory_space<vmem>> -> memref<40xi32, #tpu.memory_space<vmem>>
        %dma_start3A_151 = arith.constant 0 : i32
        %dma_start3A_152 = arith.constant 0 : i32
        %dma_start3A_153 = tpu.memref_slice %arg8[%dma_start3A_151, %dma_start3A_152] : memref<10000x128xf32, #tpu.memory_space<vmem_shared>> -> memref<10000x128xf32, #tpu.memory_space<vmem_shared>>
        tpu.enqueue_indirect_dma source(%arg15 : memref<40x128xf32, #tpu.memory_space<vmem>>) target(%dma_start3A_153 : memref<10000x128xf32, #tpu.memory_space<vmem_shared>>) offsets(%dma_start3A_150 : memref<40xi32, #tpu.memory_space<vmem>>) semaphore(%arg26 : memref<!tpu.dma_semaphore, #tpu.memory_space<semaphore_mem>>) {add = true}
        %add3A_154 = arith.constant 5 : i32
        %add3A_155 = arith.addi %mul3A_80, %add3A_154 : i32
        %add3A_156 = arith.constant 0 : i32
        %add3A_157 = arith.addi %add3A_155, %add3A_156 : i32
        %dma_wait3A_158 = arith.constant 0 : i32
        %dma_wait3A_159 = arith.constant 0 : i32
        %dma_wait3A_160 = tpu.memref_slice %arg10[%dma_wait3A_158, %dma_wait3A_159] : memref<250x40xi32, #tpu.memory_space<vmem>> -> memref<1x40xi32, #tpu.memory_space<vmem>>
        %dma_wait3A_161 = tpu.memref_squeeze %dma_wait3A_160 : memref<1x40xi32, #tpu.memory_space<vmem>> -> memref<40xi32, #tpu.memory_space<vmem>>
        %dma_wait3A_162 = arith.constant 0 : i32
        %dma_wait3A_163 = arith.constant 0 : i32
        %dma_wait3A_164 = tpu.memref_slice %arg8[%dma_wait3A_162, %dma_wait3A_163] : memref<10000x128xf32, #tpu.memory_space<vmem_shared>> -> memref<10000x128xf32, #tpu.memory_space<vmem_shared>>
        tpu.wait_indirect_dma semaphore(%arg22 : memref<!tpu.dma_semaphore, #tpu.memory_space<semaphore_mem>>) src(%arg11 : memref<40x128xf32, #tpu.memory_space<vmem>>) dst(%dma_wait3A_164 : memref<10000x128xf32, #tpu.memory_space<vmem_shared>>)
        %lt3A = arith.constant 250 : i32
        %lt3A_165 = arith.cmpi slt, %add3A_157, %lt3A : i32
        %convert_element_type3A_166 = arith.extui %lt3A_165 : i1 to i32
        %cond3A_167 = arith.constant 0 : i32
        %cond3A_168 = arith.cmpi ne, %convert_element_type3A_166, %cond3A_167 : i32
        scf.if %cond3A_168 {
          %dma_start3A_234 = arith.constant 0 : i32
          %dma_start3A_235 = tpu.memref_slice %arg9[%add3A_157, %dma_start3A_234] : memref<250x40xi32, #tpu.memory_space<vmem>> -> memref<1x40xi32, #tpu.memory_space<vmem>>
          %dma_start3A_236 = tpu.memref_squeeze %dma_start3A_235 : memref<1x40xi32, #tpu.memory_space<vmem>> -> memref<40xi32, #tpu.memory_space<vmem>>
          %dma_start3A_237 = arith.constant 0 : i32
          %dma_start3A_238 = arith.constant 0 : i32
          %dma_start3A_239 = tpu.memref_slice %arg3[%dma_start3A_237, %dma_start3A_238] : memref<10000x128xf32, #tpu.memory_space<hbm>> -> memref<10000x128xf32, #tpu.memory_space<hbm>>
          tpu.enqueue_indirect_dma source(%dma_start3A_239 : memref<10000x128xf32, #tpu.memory_space<hbm>>) target(%arg11 : memref<40x128xf32, #tpu.memory_space<vmem>>) offsets(%dma_start3A_236 : memref<40xi32, #tpu.memory_space<vmem>>) semaphore(%arg17 : memref<!tpu.dma_semaphore, #tpu.memory_space<semaphore_mem>>)
        } else {
        }
        %add3A_169 = arith.constant 5 : i32
        %add3A_170 = arith.addi %mul3A_80, %add3A_169 : i32
        %add3A_171 = arith.constant 1 : i32
        %add3A_172 = arith.addi %add3A_170, %add3A_171 : i32
        %dma_wait3A_173 = arith.constant 0 : i32
        %dma_wait3A_174 = arith.constant 0 : i32
        %dma_wait3A_175 = tpu.memref_slice %arg10[%dma_wait3A_173, %dma_wait3A_174] : memref<250x40xi32, #tpu.memory_space<vmem>> -> memref<1x40xi32, #tpu.memory_space<vmem>>
        %dma_wait3A_176 = tpu.memref_squeeze %dma_wait3A_175 : memref<1x40xi32, #tpu.memory_space<vmem>> -> memref<40xi32, #tpu.memory_space<vmem>>
        %dma_wait3A_177 = arith.constant 0 : i32
        %dma_wait3A_178 = arith.constant 0 : i32
        %dma_wait3A_179 = tpu.memref_slice %arg8[%dma_wait3A_177, %dma_wait3A_178] : memref<10000x128xf32, #tpu.memory_space<vmem_shared>> -> memref<10000x128xf32, #tpu.memory_space<vmem_shared>>
        tpu.wait_indirect_dma semaphore(%arg23 : memref<!tpu.dma_semaphore, #tpu.memory_space<semaphore_mem>>) src(%arg12 : memref<40x128xf32, #tpu.memory_space<vmem>>) dst(%dma_wait3A_179 : memref<10000x128xf32, #tpu.memory_space<vmem_shared>>)
        %lt3A_180 = arith.constant 250 : i32
        %lt3A_181 = arith.cmpi slt, %add3A_172, %lt3A_180 : i32
        %convert_element_type3A_182 = arith.extui %lt3A_181 : i1 to i32
        %cond3A_183 = arith.constant 0 : i32
        %cond3A_184 = arith.cmpi ne, %convert_element_type3A_182, %cond3A_183 : i32
        scf.if %cond3A_184 {
          %dma_start3A_234 = arith.constant 0 : i32
          %dma_start3A_235 = tpu.memref_slice %arg9[%add3A_172, %dma_start3A_234] : memref<250x40xi32, #tpu.memory_space<vmem>> -> memref<1x40xi32, #tpu.memory_space<vmem>>
          %dma_start3A_236 = tpu.memref_squeeze %dma_start3A_235 : memref<1x40xi32, #tpu.memory_space<vmem>> -> memref<40xi32, #tpu.memory_space<vmem>>
          %dma_start3A_237 = arith.constant 0 : i32
          %dma_start3A_238 = arith.constant 0 : i32
          %dma_start3A_239 = tpu.memref_slice %arg3[%dma_start3A_237, %dma_start3A_238] : memref<10000x128xf32, #tpu.memory_space<hbm>> -> memref<10000x128xf32, #tpu.memory_space<hbm>>
          tpu.enqueue_indirect_dma source(%dma_start3A_239 : memref<10000x128xf32, #tpu.memory_space<hbm>>) target(%arg12 : memref<40x128xf32, #tpu.memory_space<vmem>>) offsets(%dma_start3A_236 : memref<40xi32, #tpu.memory_space<vmem>>) semaphore(%arg18 : memref<!tpu.dma_semaphore, #tpu.memory_space<semaphore_mem>>)
        } else {
        }
        %add3A_185 = arith.constant 5 : i32
        %add3A_186 = arith.addi %mul3A_80, %add3A_185 : i32
        %add3A_187 = arith.constant 2 : i32
        %add3A_188 = arith.addi %add3A_186, %add3A_187 : i32
        %dma_wait3A_189 = arith.constant 0 : i32
        %dma_wait3A_190 = arith.constant 0 : i32
        %dma_wait3A_191 = tpu.memref_slice %arg10[%dma_wait3A_189, %dma_wait3A_190] : memref<250x40xi32, #tpu.memory_space<vmem>> -> memref<1x40xi32, #tpu.memory_space<vmem>>
        %dma_wait3A_192 = tpu.memref_squeeze %dma_wait3A_191 : memref<1x40xi32, #tpu.memory_space<vmem>> -> memref<40xi32, #tpu.memory_space<vmem>>
        %dma_wait3A_193 = arith.constant 0 : i32
        %dma_wait3A_194 = arith.constant 0 : i32
        %dma_wait3A_195 = tpu.memref_slice %arg8[%dma_wait3A_193, %dma_wait3A_194] : memref<10000x128xf32, #tpu.memory_space<vmem_shared>> -> memref<10000x128xf32, #tpu.memory_space<vmem_shared>>
        tpu.wait_indirect_dma semaphore(%arg24 : memref<!tpu.dma_semaphore, #tpu.memory_space<semaphore_mem>>) src(%arg13 : memref<40x128xf32, #tpu.memory_space<vmem>>) dst(%dma_wait3A_195 : memref<10000x128xf32, #tpu.memory_space<vmem_shared>>)
        %lt3A_196 = arith.constant 250 : i32
        %lt3A_197 = arith.cmpi slt, %add3A_188, %lt3A_196 : i32
        %convert_element_type3A_198 = arith.extui %lt3A_197 : i1 to i32
        %cond3A_199 = arith.constant 0 : i32
        %cond3A_200 = arith.cmpi ne, %convert_element_type3A_198, %cond3A_199 : i32
        scf.if %cond3A_200 {
          %dma_start3A_234 = arith.constant 0 : i32
          %dma_start3A_235 = tpu.memref_slice %arg9[%add3A_188, %dma_start3A_234] : memref<250x40xi32, #tpu.memory_space<vmem>> -> memref<1x40xi32, #tpu.memory_space<vmem>>
          %dma_start3A_236 = tpu.memref_squeeze %dma_start3A_235 : memref<1x40xi32, #tpu.memory_space<vmem>> -> memref<40xi32, #tpu.memory_space<vmem>>
          %dma_start3A_237 = arith.constant 0 : i32
          %dma_start3A_238 = arith.constant 0 : i32
          %dma_start3A_239 = tpu.memref_slice %arg3[%dma_start3A_237, %dma_start3A_238] : memref<10000x128xf32, #tpu.memory_space<hbm>> -> memref<10000x128xf32, #tpu.memory_space<hbm>>
          tpu.enqueue_indirect_dma source(%dma_start3A_239 : memref<10000x128xf32, #tpu.memory_space<hbm>>) target(%arg13 : memref<40x128xf32, #tpu.memory_space<vmem>>) offsets(%dma_start3A_236 : memref<40xi32, #tpu.memory_space<vmem>>) semaphore(%arg19 : memref<!tpu.dma_semaphore, #tpu.memory_space<semaphore_mem>>)
        } else {
        }
        %add3A_201 = arith.constant 5 : i32
        %add3A_202 = arith.addi %mul3A_80, %add3A_201 : i32
        %add3A_203 = arith.constant 3 : i32
        %add3A_204 = arith.addi %add3A_202, %add3A_203 : i32
        %dma_wait3A_205 = arith.constant 0 : i32
        %dma_wait3A_206 = arith.constant 0 : i32
        %dma_wait3A_207 = tpu.memref_slice %arg10[%dma_wait3A_205, %dma_wait3A_206] : memref<250x40xi32, #tpu.memory_space<vmem>> -> memref<1x40xi32, #tpu.memory_space<vmem>>
        %dma_wait3A_208 = tpu.memref_squeeze %dma_wait3A_207 : memref<1x40xi32, #tpu.memory_space<vmem>> -> memref<40xi32, #tpu.memory_space<vmem>>
        %dma_wait3A_209 = arith.constant 0 : i32
        %dma_wait3A_210 = arith.constant 0 : i32
        %dma_wait3A_211 = tpu.memref_slice %arg8[%dma_wait3A_209, %dma_wait3A_210] : memref<10000x128xf32, #tpu.memory_space<vmem_shared>> -> memref<10000x128xf32, #tpu.memory_space<vmem_shared>>
        tpu.wait_indirect_dma semaphore(%arg25 : memref<!tpu.dma_semaphore, #tpu.memory_space<semaphore_mem>>) src(%arg14 : memref<40x128xf32, #tpu.memory_space<vmem>>) dst(%dma_wait3A_211 : memref<10000x128xf32, #tpu.memory_space<vmem_shared>>)
        %lt3A_212 = arith.constant 250 : i32
        %lt3A_213 = arith.cmpi slt, %add3A_204, %lt3A_212 : i32
        %convert_element_type3A_214 = arith.extui %lt3A_213 : i1 to i32
        %cond3A_215 = arith.constant 0 : i32
        %cond3A_216 = arith.cmpi ne, %convert_element_type3A_214, %cond3A_215 : i32
        scf.if %cond3A_216 {
          %dma_start3A_234 = arith.constant 0 : i32
          %dma_start3A_235 = tpu.memref_slice %arg9[%add3A_204, %dma_start3A_234] : memref<250x40xi32, #tpu.memory_space<vmem>> -> memref<1x40xi32, #tpu.memory_space<vmem>>
          %dma_start3A_236 = tpu.memref_squeeze %dma_start3A_235 : memref<1x40xi32, #tpu.memory_space<vmem>> -> memref<40xi32, #tpu.memory_space<vmem>>
          %dma_start3A_237 = arith.constant 0 : i32
          %dma_start3A_238 = arith.constant 0 : i32
          %dma_start3A_239 = tpu.memref_slice %arg3[%dma_start3A_237, %dma_start3A_238] : memref<10000x128xf32, #tpu.memory_space<hbm>> -> memref<10000x128xf32, #tpu.memory_space<hbm>>
          tpu.enqueue_indirect_dma source(%dma_start3A_239 : memref<10000x128xf32, #tpu.memory_space<hbm>>) target(%arg14 : memref<40x128xf32, #tpu.memory_space<vmem>>) offsets(%dma_start3A_236 : memref<40xi32, #tpu.memory_space<vmem>>) semaphore(%arg20 : memref<!tpu.dma_semaphore, #tpu.memory_space<semaphore_mem>>)
        } else {
        }
        %add3A_217 = arith.constant 5 : i32
        %add3A_218 = arith.addi %mul3A_80, %add3A_217 : i32
        %add3A_219 = arith.constant 4 : i32
        %add3A_220 = arith.addi %add3A_218, %add3A_219 : i32
        %dma_wait3A_221 = arith.constant 0 : i32
        %dma_wait3A_222 = arith.constant 0 : i32
        %dma_wait3A_223 = tpu.memref_slice %arg10[%dma_wait3A_221, %dma_wait3A_222] : memref<250x40xi32, #tpu.memory_space<vmem>> -> memref<1x40xi32, #tpu.memory_space<vmem>>
        %dma_wait3A_224 = tpu.memref_squeeze %dma_wait3A_223 : memref<1x40xi32, #tpu.memory_space<vmem>> -> memref<40xi32, #tpu.memory_space<vmem>>
        %dma_wait3A_225 = arith.constant 0 : i32
        %dma_wait3A_226 = arith.constant 0 : i32
        %dma_wait3A_227 = tpu.memref_slice %arg8[%dma_wait3A_225, %dma_wait3A_226] : memref<10000x128xf32, #tpu.memory_space<vmem_shared>> -> memref<10000x128xf32, #tpu.memory_space<vmem_shared>>
        tpu.wait_indirect_dma semaphore(%arg26 : memref<!tpu.dma_semaphore, #tpu.memory_space<semaphore_mem>>) src(%arg15 : memref<40x128xf32, #tpu.memory_space<vmem>>) dst(%dma_wait3A_227 : memref<10000x128xf32, #tpu.memory_space<vmem_shared>>)
        %lt3A_228 = arith.constant 250 : i32
        %lt3A_229 = arith.cmpi slt, %add3A_220, %lt3A_228 : i32
        %convert_element_type3A_230 = arith.extui %lt3A_229 : i1 to i32
        %cond3A_231 = arith.constant 0 : i32
        %cond3A_232 = arith.cmpi ne, %convert_element_type3A_230, %cond3A_231 : i32
        scf.if %cond3A_232 {
          %dma_start3A_234 = arith.constant 0 : i32
          %dma_start3A_235 = tpu.memref_slice %arg9[%add3A_220, %dma_start3A_234] : memref<250x40xi32, #tpu.memory_space<vmem>> -> memref<1x40xi32, #tpu.memory_space<vmem>>
          %dma_start3A_236 = tpu.memref_squeeze %dma_start3A_235 : memref<1x40xi32, #tpu.memory_space<vmem>> -> memref<40xi32, #tpu.memory_space<vmem>>
          %dma_start3A_237 = arith.constant 0 : i32
          %dma_start3A_238 = arith.constant 0 : i32
          %dma_start3A_239 = tpu.memref_slice %arg3[%dma_start3A_237, %dma_start3A_238] : memref<10000x128xf32, #tpu.memory_space<hbm>> -> memref<10000x128xf32, #tpu.memory_space<hbm>>
          tpu.enqueue_indirect_dma source(%dma_start3A_239 : memref<10000x128xf32, #tpu.memory_space<hbm>>) target(%arg15 : memref<40x128xf32, #tpu.memory_space<vmem>>) offsets(%dma_start3A_236 : memref<40xi32, #tpu.memory_space<vmem>>) semaphore(%arg21 : memref<!tpu.dma_semaphore, #tpu.memory_space<semaphore_mem>>)
        } else {
        }
        %scan3A_233 = arith.constant 0 : i32
        scf.yield %scan3A_233 : i32
      }
      %scan3A_76 = arith.constant 50 : i32
    } else {
    }
    %barrier3A_23 = arith.constant 0 : index
    tpu.barrier barrier_id(%barrier3A_23)
    %mul3A_24 = arith.constant 625 : i32
    %mul3A_25 = arith.muli %arg1, %mul3A_24 : i32
    %eq3A_26 = arith.constant 0 : i32
    %eq3A_27 = arith.cmpi eq, %arg0, %eq3A_26 : i32
    %convert_element_type3A_28 = arith.extui %eq3A_27 : i1 to i32
    %cond3A_29 = arith.constant 0 : i32
    %cond3A_30 = arith.cmpi ne, %convert_element_type3A_28, %cond3A_29 : i32
    scf.if %cond3A_30 {
      "tpu.region"() ({
        %run_scoped3A = tpu.sem_alloc : memref<!tpu.dma_semaphore, #tpu.memory_space<semaphore_mem>>
        %dma_start3A = arith.constant 0 : i32
        %dma_start3A_36 = tpu.memref_slice %arg6[%mul3A_25, %dma_start3A] : memref<10000x128xf32, #tpu.memory_space<hbm>> -> memref<625x128xf32, #tpu.memory_space<hbm>>
        %dma_start3A_37 = arith.constant 0 : i32
        %dma_start3A_38 = tpu.memref_slice %arg8[%mul3A_25, %dma_start3A_37] : memref<10000x128xf32, #tpu.memory_space<vmem_shared>> -> memref<625x128xf32, #tpu.memory_space<vmem_shared>>
        tpu.enqueue_dma source(%dma_start3A_38 : memref<625x128xf32, #tpu.memory_space<vmem_shared>>) target(%dma_start3A_36 : memref<625x128xf32, #tpu.memory_space<hbm>>) target_semaphore(%run_scoped3A : memref<!tpu.dma_semaphore, #tpu.memory_space<semaphore_mem>>)
        %dma_wait3A = arith.constant 0 : i32
        %dma_wait3A_39 = tpu.memref_slice %arg6[%mul3A_25, %dma_wait3A] : memref<10000x128xf32, #tpu.memory_space<hbm>> -> memref<625x128xf32, #tpu.memory_space<hbm>>
        %dma_wait3A_40 = arith.constant 0 : i32
        %dma_wait3A_41 = tpu.memref_slice %arg8[%mul3A_25, %dma_wait3A_40] : memref<10000x128xf32, #tpu.memory_space<vmem_shared>> -> memref<625x128xf32, #tpu.memory_space<vmem_shared>>
        tpu.wait_dma2 semaphore(%run_scoped3A : memref<!tpu.dma_semaphore, #tpu.memory_space<semaphore_mem>>) src(%dma_wait3A_41 : memref<625x128xf32, #tpu.memory_space<vmem_shared>>) dst(%dma_wait3A_39 : memref<625x128xf32, #tpu.memory_space<hbm>>)
        tpu.yield
      }) : () -> ()
    } else {
    }
    %eq3A_31 = arith.constant 1 : i32
    %eq3A_32 = arith.cmpi eq, %arg0, %eq3A_31 : i32
    %convert_element_type3A_33 = arith.extui %eq3A_32 : i1 to i32
    %cond3A_34 = arith.constant 0 : i32
    %cond3A_35 = arith.cmpi ne, %convert_element_type3A_33, %cond3A_34 : i32
    scf.if %cond3A_35 {
      "tpu.region"() ({
        %run_scoped3A = tpu.sem_alloc : memref<!tpu.dma_semaphore, #tpu.memory_space<semaphore_mem>>
        %dma_start3A = arith.constant 0 : i32
        %dma_start3A_36 = tpu.memref_slice %arg7[%mul3A_25, %dma_start3A] : memref<10000x128xf32, #tpu.memory_space<hbm>> -> memref<625x128xf32, #tpu.memory_space<hbm>>
        %dma_start3A_37 = arith.constant 0 : i32
        %dma_start3A_38 = tpu.memref_slice %arg8[%mul3A_25, %dma_start3A_37] : memref<10000x128xf32, #tpu.memory_space<vmem_shared>> -> memref<625x128xf32, #tpu.memory_space<vmem_shared>>
        tpu.enqueue_dma source(%dma_start3A_38 : memref<625x128xf32, #tpu.memory_space<vmem_shared>>) target(%dma_start3A_36 : memref<625x128xf32, #tpu.memory_space<hbm>>) target_semaphore(%run_scoped3A : memref<!tpu.dma_semaphore, #tpu.memory_space<semaphore_mem>>)
        %dma_wait3A = arith.constant 0 : i32
        %dma_wait3A_39 = tpu.memref_slice %arg7[%mul3A_25, %dma_wait3A] : memref<10000x128xf32, #tpu.memory_space<hbm>> -> memref<625x128xf32, #tpu.memory_space<hbm>>
        %dma_wait3A_40 = arith.constant 0 : i32
        %dma_wait3A_41 = tpu.memref_slice %arg8[%mul3A_25, %dma_wait3A_40] : memref<10000x128xf32, #tpu.memory_space<vmem_shared>> -> memref<625x128xf32, #tpu.memory_space<vmem_shared>>
        tpu.wait_dma2 semaphore(%run_scoped3A : memref<!tpu.dma_semaphore, #tpu.memory_space<semaphore_mem>>) src(%dma_wait3A_41 : memref<625x128xf32, #tpu.memory_space<vmem_shared>>) dst(%dma_wait3A_39 : memref<625x128xf32, #tpu.memory_space<hbm>>)
        tpu.yield
      }) : () -> ()
    } else {
    }
    return
  }
}

#map = affine_map<(d0, d1) -> (0, 0)>
module attributes {stable_mosaic.version = 14 : i64} {
  func.func @_scatter_body(%arg0: i32, %arg1: i32, %arg2: memref<10000x128xf32, #tpu.memory_space<hbm>>, %arg3: memref<10000x128xf32, #tpu.memory_space<hbm>>, %arg4: memref<4000x40xi32, #tpu.memory_space<hbm>>, %arg5: memref<4000x40xi32, #tpu.memory_space<hbm>>, %arg6: memref<10000x128xf32, #tpu.memory_space<hbm>>, %arg7: memref<10000x128xf32, #tpu.memory_space<hbm>>, %arg8: memref<10000x128xf32, #tpu.memory_space<vmem_shared>>, %arg9: memref<250x40xi32, #tpu.memory_space<vmem>>, %arg10: memref<250x40xi32, #tpu.memory_space<vmem>>, %arg11: memref<40x128xf32, #tpu.memory_space<vmem>>, %arg12: memref<40x128xf32, #tpu.memory_space<vmem>>, %arg13: memref<40x128xf32, #tpu.memory_space<vmem>>, %arg14: memref<40x128xf32, #tpu.memory_space<vmem>>, %arg15: memref<40x128xf32, #tpu.memory_space<vmem>>, %arg16: memref<25x128xf32, #tpu.memory_space<vmem>>, %arg17: memref<!tpu.dma_semaphore, #tpu.memory_space<semaphore_mem>>, %arg18: memref<!tpu.dma_semaphore, #tpu.memory_space<semaphore_mem>>, %arg19: memref<!tpu.dma_semaphore, #tpu.memory_space<semaphore_mem>>, %arg20: memref<!tpu.dma_semaphore, #tpu.memory_space<semaphore_mem>>, %arg21: memref<!tpu.dma_semaphore, #tpu.memory_space<semaphore_mem>>, %arg22: memref<!tpu.dma_semaphore, #tpu.memory_space<semaphore_mem>>, %arg23: memref<!tpu.dma_semaphore, #tpu.memory_space<semaphore_mem>>, %arg24: memref<!tpu.dma_semaphore, #tpu.memory_space<semaphore_mem>>, %arg25: memref<!tpu.dma_semaphore, #tpu.memory_space<semaphore_mem>>, %arg26: memref<!tpu.dma_semaphore, #tpu.memory_space<semaphore_mem>>) attributes {dimension_semantics = [#tpu.dimension_semantics<core_parallel>, #tpu.dimension_semantics<subcore_parallel>], iteration_bounds = array<i64: 2, 16>, scalar_prefetch = 0 : i64, scratch_operands = 19 : i64, tpu.core_type = #tpu.core_type<sc_vector_subcore>, window_params = [{transform_indices = #map}, {transform_indices = #map}, {transform_indices = #map}, {transform_indices = #map}, {transform_indices = #map}, {transform_indices = #map}]} {
    %scan3A = arith.constant 0 : i32
    %scan3A_0 = arith.constant 0 : i32
    %scan3A_1 = arith.constant 25 : i32
    %scan3A_2 = arith.addi %scan3A_0, %scan3A_1 : i32
    %scan3A_3 = arith.constant 1 : i32
    %scan3A_4 = scf.for %scan3A_36 = %scan3A_0 to %scan3A_2 step %scan3A_3 iter_args(%scan3A_37 = %scan3A) -> (i32)  : i32 {
      %broadcast_in_dim3A = arith.constant 0.000000e+00 : f32
      %broadcast_in_dim3A_38 = vector.broadcast %broadcast_in_dim3A : f32 to vector<16xf32>
      %swap3A = arith.index_cast %scan3A_36 : i32 to index
      %swap3A_39 = arith.constant 0 : index
      %swap3A_40 = tpu.vector_load %arg16[%swap3A, %swap3A_39] {strides = array<i32>} : memref<25x128xf32, #tpu.memory_space<vmem>>, vector<16xf32>,
      tpu.vector_store %arg16[%swap3A, %swap3A_39], %broadcast_in_dim3A_38 {strides = array<i32>} : memref<25x128xf32, #tpu.memory_space<vmem>>, vector<16xf32>,
      %broadcast_in_dim3A_41 = arith.constant 0.000000e+00 : f32
      %broadcast_in_dim3A_42 = vector.broadcast %broadcast_in_dim3A_41 : f32 to vector<16xf32>
      %swap3A_43 = arith.index_cast %scan3A_36 : i32 to index
      %swap3A_44 = arith.constant 16 : index
      %swap3A_45 = tpu.vector_load %arg16[%swap3A_43, %swap3A_44] {strides = array<i32>} : memref<25x128xf32, #tpu.memory_space<vmem>>, vector<16xf32>,
      tpu.vector_store %arg16[%swap3A_43, %swap3A_44], %broadcast_in_dim3A_42 {strides = array<i32>} : memref<25x128xf32, #tpu.memory_space<vmem>>, vector<16xf32>,
      %broadcast_in_dim3A_46 = arith.constant 0.000000e+00 : f32
      %broadcast_in_dim3A_47 = vector.broadcast %broadcast_in_dim3A_46 : f32 to vector<16xf32>
      %swap3A_48 = arith.index_cast %scan3A_36 : i32 to index
      %swap3A_49 = arith.constant 32 : index
      %swap3A_50 = tpu.vector_load %arg16[%swap3A_48, %swap3A_49] {strides = array<i32>} : memref<25x128xf32, #tpu.memory_space<vmem>>, vector<16xf32>,
      tpu.vector_store %arg16[%swap3A_48, %swap3A_49], %broadcast_in_dim3A_47 {strides = array<i32>} : memref<25x128xf32, #tpu.memory_space<vmem>>, vector<16xf32>,
      %broadcast_in_dim3A_51 = arith.constant 0.000000e+00 : f32
      %broadcast_in_dim3A_52 = vector.broadcast %broadcast_in_dim3A_51 : f32 to vector<16xf32>
      %swap3A_53 = arith.index_cast %scan3A_36 : i32 to index
      %swap3A_54 = arith.constant 48 : index
      %swap3A_55 = tpu.vector_load %arg16[%swap3A_53, %swap3A_54] {strides = array<i32>} : memref<25x128xf32, #tpu.memory_space<vmem>>, vector<16xf32>,
      tpu.vector_store %arg16[%swap3A_53, %swap3A_54], %broadcast_in_dim3A_52 {strides = array<i32>} : memref<25x128xf32, #tpu.memory_space<vmem>>, vector<16xf32>,
      %broadcast_in_dim3A_56 = arith.constant 0.000000e+00 : f32
      %broadcast_in_dim3A_57 = vector.broadcast %broadcast_in_dim3A_56 : f32 to vector<16xf32>
      %swap3A_58 = arith.index_cast %scan3A_36 : i32 to index
      %swap3A_59 = arith.constant 64 : index
      %swap3A_60 = tpu.vector_load %arg16[%swap3A_58, %swap3A_59] {strides = array<i32>} : memref<25x128xf32, #tpu.memory_space<vmem>>, vector<16xf32>,
      tpu.vector_store %arg16[%swap3A_58, %swap3A_59], %broadcast_in_dim3A_57 {strides = array<i32>} : memref<25x128xf32, #tpu.memory_space<vmem>>, vector<16xf32>,
      %broadcast_in_dim3A_61 = arith.constant 0.000000e+00 : f32
      %broadcast_in_dim3A_62 = vector.broadcast %broadcast_in_dim3A_61 : f32 to vector<16xf32>
      %swap3A_63 = arith.index_cast %scan3A_36 : i32 to index
      %swap3A_64 = arith.constant 80 : index
      %swap3A_65 = tpu.vector_load %arg16[%swap3A_63, %swap3A_64] {strides = array<i32>} : memref<25x128xf32, #tpu.memory_space<vmem>>, vector<16xf32>,
      tpu.vector_store %arg16[%swap3A_63, %swap3A_64], %broadcast_in_dim3A_62 {strides = array<i32>} : memref<25x128xf32, #tpu.memory_space<vmem>>, vector<16xf32>,
      %broadcast_in_dim3A_66 = arith.constant 0.000000e+00 : f32
      %broadcast_in_dim3A_67 = vector.broadcast %broadcast_in_dim3A_66 : f32 to vector<16xf32>
      %swap3A_68 = arith.index_cast %scan3A_36 : i32 to index
      %swap3A_69 = arith.constant 96 : index
      %swap3A_70 = tpu.vector_load %arg16[%swap3A_68, %swap3A_69] {strides = array<i32>} : memref<25x128xf32, #tpu.memory_space<vmem>>, vector<16xf32>,
      tpu.vector_store %arg16[%swap3A_68, %swap3A_69], %broadcast_in_dim3A_67 {strides = array<i32>} : memref<25x128xf32, #tpu.memory_space<vmem>>, vector<16xf32>,
      %broadcast_in_dim3A_71 = arith.constant 0.000000e+00 : f32
      %broadcast_in_dim3A_72 = vector.broadcast %broadcast_in_dim3A_71 : f32 to vector<16xf32>
      %swap3A_73 = arith.index_cast %scan3A_36 : i32 to index
      %swap3A_74 = arith.constant 112 : index
      %swap3A_75 = tpu.vector_load %arg16[%swap3A_73, %swap3A_74] {strides = array<i32>} : memref<25x128xf32, #tpu.memory_space<vmem>>, vector<16xf32>,
      tpu.vector_store %arg16[%swap3A_73, %swap3A_74], %broadcast_in_dim3A_72 {strides = array<i32>} : memref<25x128xf32, #tpu.memory_space<vmem>>, vector<16xf32>,
      %scan3A_76 = arith.constant 0 : i32
      scf.yield %scan3A_76 : i32
    }
    %scan3A_5 = arith.constant 25 : i32
    %scan3A_6 = arith.constant 0 : i32
    %scan3A_7 = arith.constant 0 : i32
    %scan3A_8 = arith.constant 25 : i32
    %scan3A_9 = arith.addi %scan3A_7, %scan3A_8 : i32
    %scan3A_10 = arith.constant 1 : i32
    %scan3A_11 = scf.for %scan3A_36 = %scan3A_7 to %scan3A_9 step %scan3A_10 iter_args(%scan3A_37 = %scan3A_6) -> (i32)  : i32 {
      %mul3A_38 = arith.constant 625 : i32
      %mul3A_39 = arith.muli %arg1, %mul3A_38 : i32
      %mul3A_40 = arith.constant 25 : i32
      %mul3A_41 = arith.muli %scan3A_36, %mul3A_40 : i32
      %add3A = arith.addi %mul3A_39, %mul3A_41 : i32
      "tpu.region"() ({
        %run_scoped3A = tpu.sem_alloc : memref<!tpu.dma_semaphore, #tpu.memory_space<semaphore_mem>>
        %dma_start3A = arith.constant 0 : i32
        %dma_start3A_43 = tpu.memref_slice %arg8[%add3A, %dma_start3A] : memref<10000x128xf32, #tpu.memory_space<vmem_shared>> -> memref<25x128xf32, #tpu.memory_space<vmem_shared>>
        %dma_start3A_44 = arith.constant 0 : i32
        %dma_start3A_45 = tpu.memref_slice %arg8[%add3A, %dma_start3A_44] : memref<10000x128xf32, #tpu.memory_space<vmem_shared>> -> memref<25x128xf32, #tpu.memory_space<vmem_shared>>
        tpu.enqueue_dma source(%arg16 : memref<25x128xf32, #tpu.memory_space<vmem>>) target(%dma_start3A_45 : memref<25x128xf32, #tpu.memory_space<vmem_shared>>) target_semaphore(%run_scoped3A : memref<!tpu.dma_semaphore, #tpu.memory_space<semaphore_mem>>)
        %dma_wait3A = arith.constant 0 : i32
        %dma_wait3A_46 = tpu.memref_slice %arg8[%add3A, %dma_wait3A] : memref<10000x128xf32, #tpu.memory_space<vmem_shared>> -> memref<25x128xf32, #tpu.memory_space<vmem_shared>>
        %dma_wait3A_47 = arith.constant 0 : i32
        %dma_wait3A_48 = tpu.memref_slice %arg8[%add3A, %dma_wait3A_47] : memref<10000x128xf32, #tpu.memory_space<vmem_shared>> -> memref<25x128xf32, #tpu.memory_space<vmem_shared>>
        tpu.wait_dma2 semaphore(%run_scoped3A : memref<!tpu.dma_semaphore, #tpu.memory_space<semaphore_mem>>) src(%arg16 : memref<25x128xf32, #tpu.memory_space<vmem>>) dst(%dma_wait3A_48 : memref<25x128xf32, #tpu.memory_space<vmem_shared>>)
        tpu.yield
      }) : () -> ()
      %scan3A_42 = arith.constant 0 : i32
      scf.yield %scan3A_42 : i32
    }
    %scan3A_12 = arith.constant 25 : i32
    %mul3A = arith.constant 250 : i32
    %mul3A_13 = arith.muli %arg1, %mul3A : i32
    "tpu.region"() ({
      %run_scoped3A = tpu.sem_alloc : memref<!tpu.dma_semaphore, #tpu.memory_space<semaphore_mem>>
      %dma_start3A = arith.constant 0 : i32
      %dma_start3A_36 = tpu.memref_slice %arg4[%mul3A_13, %dma_start3A] : memref<4000x40xi32, #tpu.memory_space<hbm>> -> memref<250x40xi32, #tpu.memory_space<hbm>>
      %dma_start3A_37 = arith.constant 0 : i32
      %dma_start3A_38 = tpu.memref_slice %arg4[%mul3A_13, %dma_start3A_37] : memref<4000x40xi32, #tpu.memory_space<hbm>> -> memref<250x40xi32, #tpu.memory_space<hbm>>
      tpu.enqueue_dma source(%dma_start3A_38 : memref<250x40xi32, #tpu.memory_space<hbm>>) target(%arg9 : memref<250x40xi32, #tpu.memory_space<vmem>>) target_semaphore(%run_scoped3A : memref<!tpu.dma_semaphore, #tpu.memory_space<semaphore_mem>>)
      %dma_wait3A = arith.constant 0 : i32
      %dma_wait3A_39 = tpu.memref_slice %arg4[%mul3A_13, %dma_wait3A] : memref<4000x40xi32, #tpu.memory_space<hbm>> -> memref<250x40xi32, #tpu.memory_space<hbm>>
      %dma_wait3A_40 = arith.constant 0 : i32
      %dma_wait3A_41 = tpu.memref_slice %arg4[%mul3A_13, %dma_wait3A_40] : memref<4000x40xi32, #tpu.memory_space<hbm>> -> memref<250x40xi32, #tpu.memory_space<hbm>>
      tpu.wait_dma2 semaphore(%run_scoped3A : memref<!tpu.dma_semaphore, #tpu.memory_space<semaphore_mem>>) src(%dma_wait3A_41 : memref<250x40xi32, #tpu.memory_space<hbm>>) dst(%arg9 : memref<250x40xi32, #tpu.memory_space<vmem>>)
      tpu.yield
    }) : () -> ()
    %mul3A_14 = arith.constant 250 : i32
    %mul3A_15 = arith.muli %arg1, %mul3A_14 : i32
    "tpu.region"() ({
      %run_scoped3A = tpu.sem_alloc : memref<!tpu.dma_semaphore, #tpu.memory_space<semaphore_mem>>
      %dma_start3A = arith.constant 0 : i32
      %dma_start3A_36 = tpu.memref_slice %arg5[%mul3A_15, %dma_start3A] : memref<4000x40xi32, #tpu.memory_space<hbm>> -> memref<250x40xi32, #tpu.memory_space<hbm>>
      %dma_start3A_37 = arith.constant 0 : i32
      %dma_start3A_38 = tpu.memref_slice %arg5[%mul3A_15, %dma_start3A_37] : memref<4000x40xi32, #tpu.memory_space<hbm>> -> memref<250x40xi32, #tpu.memory_space<hbm>>
      tpu.enqueue_dma source(%dma_start3A_38 : memref<250x40xi32, #tpu.memory_space<hbm>>) target(%arg10 : memref<250x40xi32, #tpu.memory_space<vmem>>) target_semaphore(%run_scoped3A : memref<!tpu.dma_semaphore, #tpu.memory_space<semaphore_mem>>)
      %dma_wait3A = arith.constant 0 : i32
      %dma_wait3A_39 = tpu.memref_slice %arg5[%mul3A_15, %dma_wait3A] : memref<4000x40xi32, #tpu.memory_space<hbm>> -> memref<250x40xi32, #tpu.memory_space<hbm>>
      %dma_wait3A_40 = arith.constant 0 : i32
      %dma_wait3A_41 = tpu.memref_slice %arg5[%mul3A_15, %dma_wait3A_40] : memref<4000x40xi32, #tpu.memory_space<hbm>> -> memref<250x40xi32, #tpu.memory_space<hbm>>
      tpu.wait_dma2 semaphore(%run_scoped3A : memref<!tpu.dma_semaphore, #tpu.memory_space<semaphore_mem>>) src(%dma_wait3A_41 : memref<250x40xi32, #tpu.memory_space<hbm>>) dst(%arg10 : memref<250x40xi32, #tpu.memory_space<vmem>>)
      tpu.yield
    }) : () -> ()
    %barrier3A = arith.constant 0 : index
    tpu.barrier barrier_id(%barrier3A)
    %eq3A = arith.constant 0 : i32
    %eq3A_16 = arith.cmpi eq, %arg0, %eq3A : i32
    %convert_element_type3A = arith.extui %eq3A_16 : i1 to i32
    %cond3A = arith.constant 0 : i32
    %cond3A_17 = arith.cmpi ne, %convert_element_type3A, %cond3A : i32
    scf.if %cond3A_17 {
      %dma_start3A = arith.constant 0 : i32
      %dma_start3A_36 = arith.constant 0 : i32
      %dma_start3A_37 = tpu.memref_slice %arg9[%dma_start3A, %dma_start3A_36] : memref<250x40xi32, #tpu.memory_space<vmem>> -> memref<1x40xi32, #tpu.memory_space<vmem>>
      %dma_start3A_38 = tpu.memref_squeeze %dma_start3A_37 : memref<1x40xi32, #tpu.memory_space<vmem>> -> memref<40xi32, #tpu.memory_space<vmem>>
      %dma_start3A_39 = arith.constant 0 : i32
      %dma_start3A_40 = arith.constant 0 : i32
      %dma_start3A_41 = tpu.memref_slice %arg2[%dma_start3A_39, %dma_start3A_40] : memref<10000x128xf32, #tpu.memory_space<hbm>> -> memref<10000x128xf32, #tpu.memory_space<hbm>>
      tpu.enqueue_indirect_dma source(%dma_start3A_41 : memref<10000x128xf32, #tpu.memory_space<hbm>>) target(%arg11 : memref<40x128xf32, #tpu.memory_space<vmem>>) offsets(%dma_start3A_38 : memref<40xi32, #tpu.memory_space<vmem>>) semaphore(%arg17 : memref<!tpu.dma_semaphore, #tpu.memory_space<semaphore_mem>>)
      %dma_start3A_42 = arith.constant 1 : i32
      %dma_start3A_43 = arith.constant 0 : i32
      %dma_start3A_44 = tpu.memref_slice %arg9[%dma_start3A_42, %dma_start3A_43] : memref<250x40xi32, #tpu.memory_space<vmem>> -> memref<1x40xi32, #tpu.memory_space<vmem>>
      %dma_start3A_45 = tpu.memref_squeeze %dma_start3A_44 : memref<1x40xi32, #tpu.memory_space<vmem>> -> memref<40xi32, #tpu.memory_space<vmem>>
      %dma_start3A_46 = arith.constant 0 : i32
      %dma_start3A_47 = arith.constant 0 : i32
      %dma_start3A_48 = tpu.memref_slice %arg2[%dma_start3A_46, %dma_start3A_47] : memref<10000x128xf32, #tpu.memory_space<hbm>> -> memref<10000x128xf32, #tpu.memory_space<hbm>>
      tpu.enqueue_indirect_dma source(%dma_start3A_48 : memref<10000x128xf32, #tpu.memory_space<hbm>>) target(%arg12 : memref<40x128xf32, #tpu.memory_space<vmem>>) offsets(%dma_start3A_45 : memref<40xi32, #tpu.memory_space<vmem>>) semaphore(%arg18 : memref<!tpu.dma_semaphore, #tpu.memory_space<semaphore_mem>>)
      %dma_start3A_49 = arith.constant 2 : i32
      %dma_start3A_50 = arith.constant 0 : i32
      %dma_start3A_51 = tpu.memref_slice %arg9[%dma_start3A_49, %dma_start3A_50] : memref<250x40xi32, #tpu.memory_space<vmem>> -> memref<1x40xi32, #tpu.memory_space<vmem>>
      %dma_start3A_52 = tpu.memref_squeeze %dma_start3A_51 : memref<1x40xi32, #tpu.memory_space<vmem>> -> memref<40xi32, #tpu.memory_space<vmem>>
      %dma_start3A_53 = arith.constant 0 : i32
      %dma_start3A_54 = arith.constant 0 : i32
      %dma_start3A_55 = tpu.memref_slice %arg2[%dma_start3A_53, %dma_start3A_54] : memref<10000x128xf32, #tpu.memory_space<hbm>> -> memref<10000x128xf32, #tpu.memory_space<hbm>>
      tpu.enqueue_indirect_dma source(%dma_start3A_55 : memref<10000x128xf32, #tpu.memory_space<hbm>>) target(%arg13 : memref<40x128xf32, #tpu.memory_space<vmem>>) offsets(%dma_start3A_52 : memref<40xi32, #tpu.memory_space<vmem>>) semaphore(%arg19 : memref<!tpu.dma_semaphore, #tpu.memory_space<semaphore_mem>>)
      %dma_start3A_56 = arith.constant 3 : i32
      %dma_start3A_57 = arith.constant 0 : i32
      %dma_start3A_58 = tpu.memref_slice %arg9[%dma_start3A_56, %dma_start3A_57] : memref<250x40xi32, #tpu.memory_space<vmem>> -> memref<1x40xi32, #tpu.memory_space<vmem>>
      %dma_start3A_59 = tpu.memref_squeeze %dma_start3A_58 : memref<1x40xi32, #tpu.memory_space<vmem>> -> memref<40xi32, #tpu.memory_space<vmem>>
      %dma_start3A_60 = arith.constant 0 : i32
      %dma_start3A_61 = arith.constant 0 : i32
      %dma_start3A_62 = tpu.memref_slice %arg2[%dma_start3A_60, %dma_start3A_61] : memref<10000x128xf32, #tpu.memory_space<hbm>> -> memref<10000x128xf32, #tpu.memory_space<hbm>>
      tpu.enqueue_indirect_dma source(%dma_start3A_62 : memref<10000x128xf32, #tpu.memory_space<hbm>>) target(%arg14 : memref<40x128xf32, #tpu.memory_space<vmem>>) offsets(%dma_start3A_59 : memref<40xi32, #tpu.memory_space<vmem>>) semaphore(%arg20 : memref<!tpu.dma_semaphore, #tpu.memory_space<semaphore_mem>>)
      %dma_start3A_63 = arith.constant 4 : i32
      %dma_start3A_64 = arith.constant 0 : i32
      %dma_start3A_65 = tpu.memref_slice %arg9[%dma_start3A_63, %dma_start3A_64] : memref<250x40xi32, #tpu.memory_space<vmem>> -> memref<1x40xi32, #tpu.memory_space<vmem>>
      %dma_start3A_66 = tpu.memref_squeeze %dma_start3A_65 : memref<1x40xi32, #tpu.memory_space<vmem>> -> memref<40xi32, #tpu.memory_space<vmem>>
      %dma_start3A_67 = arith.constant 0 : i32
      %dma_start3A_68 = arith.constant 0 : i32
      %dma_start3A_69 = tpu.memref_slice %arg2[%dma_start3A_67, %dma_start3A_68] : memref<10000x128xf32, #tpu.memory_space<hbm>> -> memref<10000x128xf32, #tpu.memory_space<hbm>>
      tpu.enqueue_indirect_dma source(%dma_start3A_69 : memref<10000x128xf32, #tpu.memory_space<hbm>>) target(%arg15 : memref<40x128xf32, #tpu.memory_space<vmem>>) offsets(%dma_start3A_66 : memref<40xi32, #tpu.memory_space<vmem>>) semaphore(%arg21 : memref<!tpu.dma_semaphore, #tpu.memory_space<semaphore_mem>>)
      %scan3A_70 = arith.constant 0 : i32
      %scan3A_71 = arith.constant 0 : i32
      %scan3A_72 = arith.constant 50 : i32
      %scan3A_73 = arith.addi %scan3A_71, %scan3A_72 : i32
      %scan3A_74 = arith.constant 1 : i32
      %scan3A_75 = scf.for %scan3A_77 = %scan3A_71 to %scan3A_73 step %scan3A_74 iter_args(%scan3A_78 = %scan3A_70) -> (i32)  : i32 {
        %mul3A_79 = arith.constant 5 : i32
        %mul3A_80 = arith.muli %mul3A_79, %scan3A_77 : i32
        %dma_wait3A = arith.constant 0 : i32
        %dma_wait3A_81 = arith.constant 0 : i32
        %dma_wait3A_82 = tpu.memref_slice %arg9[%dma_wait3A, %dma_wait3A_81] : memref<250x40xi32, #tpu.memory_space<vmem>> -> memref<1x40xi32, #tpu.memory_space<vmem>>
        %dma_wait3A_83 = tpu.memref_squeeze %dma_wait3A_82 : memref<1x40xi32, #tpu.memory_space<vmem>> -> memref<40xi32, #tpu.memory_space<vmem>>
        %dma_wait3A_84 = arith.constant 0 : i32
        %dma_wait3A_85 = arith.constant 0 : i32
        %dma_wait3A_86 = tpu.memref_slice %arg2[%dma_wait3A_84, %dma_wait3A_85] : memref<10000x128xf32, #tpu.memory_space<hbm>> -> memref<10000x128xf32, #tpu.memory_space<hbm>>
        tpu.wait_indirect_dma semaphore(%arg17 : memref<!tpu.dma_semaphore, #tpu.memory_space<semaphore_mem>>) src(%dma_wait3A_86 : memref<10000x128xf32, #tpu.memory_space<hbm>>) dst(%arg11 : memref<40x128xf32, #tpu.memory_space<vmem>>)
        %add3A = arith.constant 0 : i32
        %add3A_87 = arith.addi %mul3A_80, %add3A : i32
        %dma_start3A_88 = arith.constant 0 : i32
        %dma_start3A_89 = tpu.memref_slice %arg10[%add3A_87, %dma_start3A_88] : memref<250x40xi32, #tpu.memory_space<vmem>> -> memref<1x40xi32, #tpu.memory_space<vmem>>
        %dma_start3A_90 = tpu.memref_squeeze %dma_start3A_89 : memref<1x40xi32, #tpu.memory_space<vmem>> -> memref<40xi32, #tpu.memory_space<vmem>>
        %dma_start3A_91 = arith.constant 0 : i32
        %dma_start3A_92 = arith.constant 0 : i32
        %dma_start3A_93 = tpu.memref_slice %arg8[%dma_start3A_91, %dma_start3A_92] : memref<10000x128xf32, #tpu.memory_space<vmem_shared>> -> memref<10000x128xf32, #tpu.memory_space<vmem_shared>>
        tpu.enqueue_indirect_dma source(%arg11 : memref<40x128xf32, #tpu.memory_space<vmem>>) target(%dma_start3A_93 : memref<10000x128xf32, #tpu.memory_space<vmem_shared>>) offsets(%dma_start3A_90 : memref<40xi32, #tpu.memory_space<vmem>>) semaphore(%arg22 : memref<!tpu.dma_semaphore, #tpu.memory_space<semaphore_mem>>) {add = true}
        %dma_wait3A_94 = arith.constant 0 : i32
        %dma_wait3A_95 = arith.constant 0 : i32
        %dma_wait3A_96 = tpu.memref_slice %arg9[%dma_wait3A_94, %dma_wait3A_95] : memref<250x40xi32, #tpu.memory_space<vmem>> -> memref<1x40xi32, #tpu.memory_space<vmem>>
        %dma_wait3A_97 = tpu.memref_squeeze %dma_wait3A_96 : memref<1x40xi32, #tpu.memory_space<vmem>> -> memref<40xi32, #tpu.memory_space<vmem>>
        %dma_wait3A_98 = arith.constant 0 : i32
        %dma_wait3A_99 = arith.constant 0 : i32
        %dma_wait3A_100 = tpu.memref_slice %arg2[%dma_wait3A_98, %dma_wait3A_99] : memref<10000x128xf32, #tpu.memory_space<hbm>> -> memref<10000x128xf32, #tpu.memory_space<hbm>>
        tpu.wait_indirect_dma semaphore(%arg18 : memref<!tpu.dma_semaphore, #tpu.memory_space<semaphore_mem>>) src(%dma_wait3A_100 : memref<10000x128xf32, #tpu.memory_space<hbm>>) dst(%arg12 : memref<40x128xf32, #tpu.memory_space<vmem>>)
        %add3A_101 = arith.constant 1 : i32
        %add3A_102 = arith.addi %mul3A_80, %add3A_101 : i32
        %dma_start3A_103 = arith.constant 0 : i32
        %dma_start3A_104 = tpu.memref_slice %arg10[%add3A_102, %dma_start3A_103] : memref<250x40xi32, #tpu.memory_space<vmem>> -> memref<1x40xi32, #tpu.memory_space<vmem>>
        %dma_start3A_105 = tpu.memref_squeeze %dma_start3A_104 : memref<1x40xi32, #tpu.memory_space<vmem>> -> memref<40xi32, #tpu.memory_space<vmem>>
        %dma_start3A_106 = arith.constant 0 : i32
        %dma_start3A_107 = arith.constant 0 : i32
        %dma_start3A_108 = tpu.memref_slice %arg8[%dma_start3A_106, %dma_start3A_107] : memref<10000x128xf32, #tpu.memory_space<vmem_shared>> -> memref<10000x128xf32, #tpu.memory_space<vmem_shared>>
        tpu.enqueue_indirect_dma source(%arg12 : memref<40x128xf32, #tpu.memory_space<vmem>>) target(%dma_start3A_108 : memref<10000x128xf32, #tpu.memory_space<vmem_shared>>) offsets(%dma_start3A_105 : memref<40xi32, #tpu.memory_space<vmem>>) semaphore(%arg23 : memref<!tpu.dma_semaphore, #tpu.memory_space<semaphore_mem>>) {add = true}
        %dma_wait3A_109 = arith.constant 0 : i32
        %dma_wait3A_110 = arith.constant 0 : i32
        %dma_wait3A_111 = tpu.memref_slice %arg9[%dma_wait3A_109, %dma_wait3A_110] : memref<250x40xi32, #tpu.memory_space<vmem>> -> memref<1x40xi32, #tpu.memory_space<vmem>>
        %dma_wait3A_112 = tpu.memref_squeeze %dma_wait3A_111 : memref<1x40xi32, #tpu.memory_space<vmem>> -> memref<40xi32, #tpu.memory_space<vmem>>
        %dma_wait3A_113 = arith.constant 0 : i32
        %dma_wait3A_114 = arith.constant 0 : i32
        %dma_wait3A_115 = tpu.memref_slice %arg2[%dma_wait3A_113, %dma_wait3A_114] : memref<10000x128xf32, #tpu.memory_space<hbm>> -> memref<10000x128xf32, #tpu.memory_space<hbm>>
        tpu.wait_indirect_dma semaphore(%arg19 : memref<!tpu.dma_semaphore, #tpu.memory_space<semaphore_mem>>) src(%dma_wait3A_115 : memref<10000x128xf32, #tpu.memory_space<hbm>>) dst(%arg13 : memref<40x128xf32, #tpu.memory_space<vmem>>)
        %add3A_116 = arith.constant 2 : i32
        %add3A_117 = arith.addi %mul3A_80, %add3A_116 : i32
        %dma_start3A_118 = arith.constant 0 : i32
        %dma_start3A_119 = tpu.memref_slice %arg10[%add3A_117, %dma_start3A_118] : memref<250x40xi32, #tpu.memory_space<vmem>> -> memref<1x40xi32, #tpu.memory_space<vmem>>
        %dma_start3A_120 = tpu.memref_squeeze %dma_start3A_119 : memref<1x40xi32, #tpu.memory_space<vmem>> -> memref<40xi32, #tpu.memory_space<vmem>>
        %dma_start3A_121 = arith.constant 0 : i32
        %dma_start3A_122 = arith.constant 0 : i32
        %dma_start3A_123 = tpu.memref_slice %arg8[%dma_start3A_121, %dma_start3A_122] : memref<10000x128xf32, #tpu.memory_space<vmem_shared>> -> memref<10000x128xf32, #tpu.memory_space<vmem_shared>>
        tpu.enqueue_indirect_dma source(%arg13 : memref<40x128xf32, #tpu.memory_space<vmem>>) target(%dma_start3A_123 : memref<10000x128xf32, #tpu.memory_space<vmem_shared>>) offsets(%dma_start3A_120 : memref<40xi32, #tpu.memory_space<vmem>>) semaphore(%arg24 : memref<!tpu.dma_semaphore, #tpu.memory_space<semaphore_mem>>) {add = true}
        %dma_wait3A_124 = arith.constant 0 : i32
        %dma_wait3A_125 = arith.constant 0 : i32
        %dma_wait3A_126 = tpu.memref_slice %arg9[%dma_wait3A_124, %dma_wait3A_125] : memref<250x40xi32, #tpu.memory_space<vmem>> -> memref<1x40xi32, #tpu.memory_space<vmem>>
        %dma_wait3A_127 = tpu.memref_squeeze %dma_wait3A_126 : memref<1x40xi32, #tpu.memory_space<vmem>> -> memref<40xi32, #tpu.memory_space<vmem>>
        %dma_wait3A_128 = arith.constant 0 : i32
        %dma_wait3A_129 = arith.constant 0 : i32
        %dma_wait3A_130 = tpu.memref_slice %arg2[%dma_wait3A_128, %dma_wait3A_129] : memref<10000x128xf32, #tpu.memory_space<hbm>> -> memref<10000x128xf32, #tpu.memory_space<hbm>>
        tpu.wait_indirect_dma semaphore(%arg20 : memref<!tpu.dma_semaphore, #tpu.memory_space<semaphore_mem>>) src(%dma_wait3A_130 : memref<10000x128xf32, #tpu.memory_space<hbm>>) dst(%arg14 : memref<40x128xf32, #tpu.memory_space<vmem>>)
        %add3A_131 = arith.constant 3 : i32
        %add3A_132 = arith.addi %mul3A_80, %add3A_131 : i32
        %dma_start3A_133 = arith.constant 0 : i32
        %dma_start3A_134 = tpu.memref_slice %arg10[%add3A_132, %dma_start3A_133] : memref<250x40xi32, #tpu.memory_space<vmem>> -> memref<1x40xi32, #tpu.memory_space<vmem>>
        %dma_start3A_135 = tpu.memref_squeeze %dma_start3A_134 : memref<1x40xi32, #tpu.memory_space<vmem>> -> memref<40xi32, #tpu.memory_space<vmem>>
        %dma_start3A_136 = arith.constant 0 : i32
        %dma_start3A_137 = arith.constant 0 : i32
        %dma_start3A_138 = tpu.memref_slice %arg8[%dma_start3A_136, %dma_start3A_137] : memref<10000x128xf32, #tpu.memory_space<vmem_shared>> -> memref<10000x128xf32, #tpu.memory_space<vmem_shared>>
        tpu.enqueue_indirect_dma source(%arg14 : memref<40x128xf32, #tpu.memory_space<vmem>>) target(%dma_start3A_138 : memref<10000x128xf32, #tpu.memory_space<vmem_shared>>) offsets(%dma_start3A_135 : memref<40xi32, #tpu.memory_space<vmem>>) semaphore(%arg25 : memref<!tpu.dma_semaphore, #tpu.memory_space<semaphore_mem>>) {add = true}
        %dma_wait3A_139 = arith.constant 0 : i32
        %dma_wait3A_140 = arith.constant 0 : i32
        %dma_wait3A_141 = tpu.memref_slice %arg9[%dma_wait3A_139, %dma_wait3A_140] : memref<250x40xi32, #tpu.memory_space<vmem>> -> memref<1x40xi32, #tpu.memory_space<vmem>>
        %dma_wait3A_142 = tpu.memref_squeeze %dma_wait3A_141 : memref<1x40xi32, #tpu.memory_space<vmem>> -> memref<40xi32, #tpu.memory_space<vmem>>
        %dma_wait3A_143 = arith.constant 0 : i32
        %dma_wait3A_144 = arith.constant 0 : i32
        %dma_wait3A_145 = tpu.memref_slice %arg2[%dma_wait3A_143, %dma_wait3A_144] : memref<10000x128xf32, #tpu.memory_space<hbm>> -> memref<10000x128xf32, #tpu.memory_space<hbm>>
        tpu.wait_indirect_dma semaphore(%arg21 : memref<!tpu.dma_semaphore, #tpu.memory_space<semaphore_mem>>) src(%dma_wait3A_145 : memref<10000x128xf32, #tpu.memory_space<hbm>>) dst(%arg15 : memref<40x128xf32, #tpu.memory_space<vmem>>)
        %add3A_146 = arith.constant 4 : i32
        %add3A_147 = arith.addi %mul3A_80, %add3A_146 : i32
        %dma_start3A_148 = arith.constant 0 : i32
        %dma_start3A_149 = tpu.memref_slice %arg10[%add3A_147, %dma_start3A_148] : memref<250x40xi32, #tpu.memory_space<vmem>> -> memref<1x40xi32, #tpu.memory_space<vmem>>
        %dma_start3A_150 = tpu.memref_squeeze %dma_start3A_149 : memref<1x40xi32, #tpu.memory_space<vmem>> -> memref<40xi32, #tpu.memory_space<vmem>>
        %dma_start3A_151 = arith.constant 0 : i32
        %dma_start3A_152 = arith.constant 0 : i32
        %dma_start3A_153 = tpu.memref_slice %arg8[%dma_start3A_151, %dma_start3A_152] : memref<10000x128xf32, #tpu.memory_space<vmem_shared>> -> memref<10000x128xf32, #tpu.memory_space<vmem_shared>>
        tpu.enqueue_indirect_dma source(%arg15 : memref<40x128xf32, #tpu.memory_space<vmem>>) target(%dma_start3A_153 : memref<10000x128xf32, #tpu.memory_space<vmem_shared>>) offsets(%dma_start3A_150 : memref<40xi32, #tpu.memory_space<vmem>>) semaphore(%arg26 : memref<!tpu.dma_semaphore, #tpu.memory_space<semaphore_mem>>) {add = true}
        %add3A_154 = arith.constant 5 : i32
        %add3A_155 = arith.addi %mul3A_80, %add3A_154 : i32
        %add3A_156 = arith.constant 0 : i32
        %add3A_157 = arith.addi %add3A_155, %add3A_156 : i32
        %dma_wait3A_158 = arith.constant 0 : i32
        %dma_wait3A_159 = arith.constant 0 : i32
        %dma_wait3A_160 = tpu.memref_slice %arg10[%dma_wait3A_158, %dma_wait3A_159] : memref<250x40xi32, #tpu.memory_space<vmem>> -> memref<1x40xi32, #tpu.memory_space<vmem>>
        %dma_wait3A_161 = tpu.memref_squeeze %dma_wait3A_160 : memref<1x40xi32, #tpu.memory_space<vmem>> -> memref<40xi32, #tpu.memory_space<vmem>>
        %dma_wait3A_162 = arith.constant 0 : i32
        %dma_wait3A_163 = arith.constant 0 : i32
        %dma_wait3A_164 = tpu.memref_slice %arg8[%dma_wait3A_162, %dma_wait3A_163] : memref<10000x128xf32, #tpu.memory_space<vmem_shared>> -> memref<10000x128xf32, #tpu.memory_space<vmem_shared>>
        tpu.wait_indirect_dma semaphore(%arg22 : memref<!tpu.dma_semaphore, #tpu.memory_space<semaphore_mem>>) src(%arg11 : memref<40x128xf32, #tpu.memory_space<vmem>>) dst(%dma_wait3A_164 : memref<10000x128xf32, #tpu.memory_space<vmem_shared>>)
        %lt3A = arith.constant 250 : i32
        %lt3A_165 = arith.cmpi slt, %add3A_157, %lt3A : i32
        %convert_element_type3A_166 = arith.extui %lt3A_165 : i1 to i32
        %cond3A_167 = arith.constant 0 : i32
        %cond3A_168 = arith.cmpi ne, %convert_element_type3A_166, %cond3A_167 : i32
        scf.if %cond3A_168 {
          %dma_start3A_234 = arith.constant 0 : i32
          %dma_start3A_235 = tpu.memref_slice %arg9[%add3A_157, %dma_start3A_234] : memref<250x40xi32, #tpu.memory_space<vmem>> -> memref<1x40xi32, #tpu.memory_space<vmem>>
          %dma_start3A_236 = tpu.memref_squeeze %dma_start3A_235 : memref<1x40xi32, #tpu.memory_space<vmem>> -> memref<40xi32, #tpu.memory_space<vmem>>
          %dma_start3A_237 = arith.constant 0 : i32
          %dma_start3A_238 = arith.constant 0 : i32
          %dma_start3A_239 = tpu.memref_slice %arg2[%dma_start3A_237, %dma_start3A_238] : memref<10000x128xf32, #tpu.memory_space<hbm>> -> memref<10000x128xf32, #tpu.memory_space<hbm>>
          tpu.enqueue_indirect_dma source(%dma_start3A_239 : memref<10000x128xf32, #tpu.memory_space<hbm>>) target(%arg11 : memref<40x128xf32, #tpu.memory_space<vmem>>) offsets(%dma_start3A_236 : memref<40xi32, #tpu.memory_space<vmem>>) semaphore(%arg17 : memref<!tpu.dma_semaphore, #tpu.memory_space<semaphore_mem>>)
        } else {
        }
        %add3A_169 = arith.constant 5 : i32
        %add3A_170 = arith.addi %mul3A_80, %add3A_169 : i32
        %add3A_171 = arith.constant 1 : i32
        %add3A_172 = arith.addi %add3A_170, %add3A_171 : i32
        %dma_wait3A_173 = arith.constant 0 : i32
        %dma_wait3A_174 = arith.constant 0 : i32
        %dma_wait3A_175 = tpu.memref_slice %arg10[%dma_wait3A_173, %dma_wait3A_174] : memref<250x40xi32, #tpu.memory_space<vmem>> -> memref<1x40xi32, #tpu.memory_space<vmem>>
        %dma_wait3A_176 = tpu.memref_squeeze %dma_wait3A_175 : memref<1x40xi32, #tpu.memory_space<vmem>> -> memref<40xi32, #tpu.memory_space<vmem>>
        %dma_wait3A_177 = arith.constant 0 : i32
        %dma_wait3A_178 = arith.constant 0 : i32
        %dma_wait3A_179 = tpu.memref_slice %arg8[%dma_wait3A_177, %dma_wait3A_178] : memref<10000x128xf32, #tpu.memory_space<vmem_shared>> -> memref<10000x128xf32, #tpu.memory_space<vmem_shared>>
        tpu.wait_indirect_dma semaphore(%arg23 : memref<!tpu.dma_semaphore, #tpu.memory_space<semaphore_mem>>) src(%arg12 : memref<40x128xf32, #tpu.memory_space<vmem>>) dst(%dma_wait3A_179 : memref<10000x128xf32, #tpu.memory_space<vmem_shared>>)
        %lt3A_180 = arith.constant 250 : i32
        %lt3A_181 = arith.cmpi slt, %add3A_172, %lt3A_180 : i32
        %convert_element_type3A_182 = arith.extui %lt3A_181 : i1 to i32
        %cond3A_183 = arith.constant 0 : i32
        %cond3A_184 = arith.cmpi ne, %convert_element_type3A_182, %cond3A_183 : i32
        scf.if %cond3A_184 {
          %dma_start3A_234 = arith.constant 0 : i32
          %dma_start3A_235 = tpu.memref_slice %arg9[%add3A_172, %dma_start3A_234] : memref<250x40xi32, #tpu.memory_space<vmem>> -> memref<1x40xi32, #tpu.memory_space<vmem>>
          %dma_start3A_236 = tpu.memref_squeeze %dma_start3A_235 : memref<1x40xi32, #tpu.memory_space<vmem>> -> memref<40xi32, #tpu.memory_space<vmem>>
          %dma_start3A_237 = arith.constant 0 : i32
          %dma_start3A_238 = arith.constant 0 : i32
          %dma_start3A_239 = tpu.memref_slice %arg2[%dma_start3A_237, %dma_start3A_238] : memref<10000x128xf32, #tpu.memory_space<hbm>> -> memref<10000x128xf32, #tpu.memory_space<hbm>>
          tpu.enqueue_indirect_dma source(%dma_start3A_239 : memref<10000x128xf32, #tpu.memory_space<hbm>>) target(%arg12 : memref<40x128xf32, #tpu.memory_space<vmem>>) offsets(%dma_start3A_236 : memref<40xi32, #tpu.memory_space<vmem>>) semaphore(%arg18 : memref<!tpu.dma_semaphore, #tpu.memory_space<semaphore_mem>>)
        } else {
        }
        %add3A_185 = arith.constant 5 : i32
        %add3A_186 = arith.addi %mul3A_80, %add3A_185 : i32
        %add3A_187 = arith.constant 2 : i32
        %add3A_188 = arith.addi %add3A_186, %add3A_187 : i32
        %dma_wait3A_189 = arith.constant 0 : i32
        %dma_wait3A_190 = arith.constant 0 : i32
        %dma_wait3A_191 = tpu.memref_slice %arg10[%dma_wait3A_189, %dma_wait3A_190] : memref<250x40xi32, #tpu.memory_space<vmem>> -> memref<1x40xi32, #tpu.memory_space<vmem>>
        %dma_wait3A_192 = tpu.memref_squeeze %dma_wait3A_191 : memref<1x40xi32, #tpu.memory_space<vmem>> -> memref<40xi32, #tpu.memory_space<vmem>>
        %dma_wait3A_193 = arith.constant 0 : i32
        %dma_wait3A_194 = arith.constant 0 : i32
        %dma_wait3A_195 = tpu.memref_slice %arg8[%dma_wait3A_193, %dma_wait3A_194] : memref<10000x128xf32, #tpu.memory_space<vmem_shared>> -> memref<10000x128xf32, #tpu.memory_space<vmem_shared>>
        tpu.wait_indirect_dma semaphore(%arg24 : memref<!tpu.dma_semaphore, #tpu.memory_space<semaphore_mem>>) src(%arg13 : memref<40x128xf32, #tpu.memory_space<vmem>>) dst(%dma_wait3A_195 : memref<10000x128xf32, #tpu.memory_space<vmem_shared>>)
        %lt3A_196 = arith.constant 250 : i32
        %lt3A_197 = arith.cmpi slt, %add3A_188, %lt3A_196 : i32
        %convert_element_type3A_198 = arith.extui %lt3A_197 : i1 to i32
        %cond3A_199 = arith.constant 0 : i32
        %cond3A_200 = arith.cmpi ne, %convert_element_type3A_198, %cond3A_199 : i32
        scf.if %cond3A_200 {
          %dma_start3A_234 = arith.constant 0 : i32
          %dma_start3A_235 = tpu.memref_slice %arg9[%add3A_188, %dma_start3A_234] : memref<250x40xi32, #tpu.memory_space<vmem>> -> memref<1x40xi32, #tpu.memory_space<vmem>>
          %dma_start3A_236 = tpu.memref_squeeze %dma_start3A_235 : memref<1x40xi32, #tpu.memory_space<vmem>> -> memref<40xi32, #tpu.memory_space<vmem>>
          %dma_start3A_237 = arith.constant 0 : i32
          %dma_start3A_238 = arith.constant 0 : i32
          %dma_start3A_239 = tpu.memref_slice %arg2[%dma_start3A_237, %dma_start3A_238] : memref<10000x128xf32, #tpu.memory_space<hbm>> -> memref<10000x128xf32, #tpu.memory_space<hbm>>
          tpu.enqueue_indirect_dma source(%dma_start3A_239 : memref<10000x128xf32, #tpu.memory_space<hbm>>) target(%arg13 : memref<40x128xf32, #tpu.memory_space<vmem>>) offsets(%dma_start3A_236 : memref<40xi32, #tpu.memory_space<vmem>>) semaphore(%arg19 : memref<!tpu.dma_semaphore, #tpu.memory_space<semaphore_mem>>)
        } else {
        }
        %add3A_201 = arith.constant 5 : i32
        %add3A_202 = arith.addi %mul3A_80, %add3A_201 : i32
        %add3A_203 = arith.constant 3 : i32
        %add3A_204 = arith.addi %add3A_202, %add3A_203 : i32
        %dma_wait3A_205 = arith.constant 0 : i32
        %dma_wait3A_206 = arith.constant 0 : i32
        %dma_wait3A_207 = tpu.memref_slice %arg10[%dma_wait3A_205, %dma_wait3A_206] : memref<250x40xi32, #tpu.memory_space<vmem>> -> memref<1x40xi32, #tpu.memory_space<vmem>>
        %dma_wait3A_208 = tpu.memref_squeeze %dma_wait3A_207 : memref<1x40xi32, #tpu.memory_space<vmem>> -> memref<40xi32, #tpu.memory_space<vmem>>
        %dma_wait3A_209 = arith.constant 0 : i32
        %dma_wait3A_210 = arith.constant 0 : i32
        %dma_wait3A_211 = tpu.memref_slice %arg8[%dma_wait3A_209, %dma_wait3A_210] : memref<10000x128xf32, #tpu.memory_space<vmem_shared>> -> memref<10000x128xf32, #tpu.memory_space<vmem_shared>>
        tpu.wait_indirect_dma semaphore(%arg25 : memref<!tpu.dma_semaphore, #tpu.memory_space<semaphore_mem>>) src(%arg14 : memref<40x128xf32, #tpu.memory_space<vmem>>) dst(%dma_wait3A_211 : memref<10000x128xf32, #tpu.memory_space<vmem_shared>>)
        %lt3A_212 = arith.constant 250 : i32
        %lt3A_213 = arith.cmpi slt, %add3A_204, %lt3A_212 : i32
        %convert_element_type3A_214 = arith.extui %lt3A_213 : i1 to i32
        %cond3A_215 = arith.constant 0 : i32
        %cond3A_216 = arith.cmpi ne, %convert_element_type3A_214, %cond3A_215 : i32
        scf.if %cond3A_216 {
          %dma_start3A_234 = arith.constant 0 : i32
          %dma_start3A_235 = tpu.memref_slice %arg9[%add3A_204, %dma_start3A_234] : memref<250x40xi32, #tpu.memory_space<vmem>> -> memref<1x40xi32, #tpu.memory_space<vmem>>
          %dma_start3A_236 = tpu.memref_squeeze %dma_start3A_235 : memref<1x40xi32, #tpu.memory_space<vmem>> -> memref<40xi32, #tpu.memory_space<vmem>>
          %dma_start3A_237 = arith.constant 0 : i32
          %dma_start3A_238 = arith.constant 0 : i32
          %dma_start3A_239 = tpu.memref_slice %arg2[%dma_start3A_237, %dma_start3A_238] : memref<10000x128xf32, #tpu.memory_space<hbm>> -> memref<10000x128xf32, #tpu.memory_space<hbm>>
          tpu.enqueue_indirect_dma source(%dma_start3A_239 : memref<10000x128xf32, #tpu.memory_space<hbm>>) target(%arg14 : memref<40x128xf32, #tpu.memory_space<vmem>>) offsets(%dma_start3A_236 : memref<40xi32, #tpu.memory_space<vmem>>) semaphore(%arg20 : memref<!tpu.dma_semaphore, #tpu.memory_space<semaphore_mem>>)
        } else {
        }
        %add3A_217 = arith.constant 5 : i32
        %add3A_218 = arith.addi %mul3A_80, %add3A_217 : i32
        %add3A_219 = arith.constant 4 : i32
        %add3A_220 = arith.addi %add3A_218, %add3A_219 : i32
        %dma_wait3A_221 = arith.constant 0 : i32
        %dma_wait3A_222 = arith.constant 0 : i32
        %dma_wait3A_223 = tpu.memref_slice %arg10[%dma_wait3A_221, %dma_wait3A_222] : memref<250x40xi32, #tpu.memory_space<vmem>> -> memref<1x40xi32, #tpu.memory_space<vmem>>
        %dma_wait3A_224 = tpu.memref_squeeze %dma_wait3A_223 : memref<1x40xi32, #tpu.memory_space<vmem>> -> memref<40xi32, #tpu.memory_space<vmem>>
        %dma_wait3A_225 = arith.constant 0 : i32
        %dma_wait3A_226 = arith.constant 0 : i32
        %dma_wait3A_227 = tpu.memref_slice %arg8[%dma_wait3A_225, %dma_wait3A_226] : memref<10000x128xf32, #tpu.memory_space<vmem_shared>> -> memref<10000x128xf32, #tpu.memory_space<vmem_shared>>
        tpu.wait_indirect_dma semaphore(%arg26 : memref<!tpu.dma_semaphore, #tpu.memory_space<semaphore_mem>>) src(%arg15 : memref<40x128xf32, #tpu.memory_space<vmem>>) dst(%dma_wait3A_227 : memref<10000x128xf32, #tpu.memory_space<vmem_shared>>)
        %lt3A_228 = arith.constant 250 : i32
        %lt3A_229 = arith.cmpi slt, %add3A_220, %lt3A_228 : i32
        %convert_element_type3A_230 = arith.extui %lt3A_229 : i1 to i32
        %cond3A_231 = arith.constant 0 : i32
        %cond3A_232 = arith.cmpi ne, %convert_element_type3A_230, %cond3A_231 : i32
        scf.if %cond3A_232 {
          %dma_start3A_234 = arith.constant 0 : i32
          %dma_start3A_235 = tpu.memref_slice %arg9[%add3A_220, %dma_start3A_234] : memref<250x40xi32, #tpu.memory_space<vmem>> -> memref<1x40xi32, #tpu.memory_space<vmem>>
          %dma_start3A_236 = tpu.memref_squeeze %dma_start3A_235 : memref<1x40xi32, #tpu.memory_space<vmem>> -> memref<40xi32, #tpu.memory_space<vmem>>
          %dma_start3A_237 = arith.constant 0 : i32
          %dma_start3A_238 = arith.constant 0 : i32
          %dma_start3A_239 = tpu.memref_slice %arg2[%dma_start3A_237, %dma_start3A_238] : memref<10000x128xf32, #tpu.memory_space<hbm>> -> memref<10000x128xf32, #tpu.memory_space<hbm>>
          tpu.enqueue_indirect_dma source(%dma_start3A_239 : memref<10000x128xf32, #tpu.memory_space<hbm>>) target(%arg15 : memref<40x128xf32, #tpu.memory_space<vmem>>) offsets(%dma_start3A_236 : memref<40xi32, #tpu.memory_space<vmem>>) semaphore(%arg21 : memref<!tpu.dma_semaphore, #tpu.memory_space<semaphore_mem>>)
        } else {
        }
        %scan3A_233 = arith.constant 0 : i32
        scf.yield %scan3A_233 : i32
      }
      %scan3A_76 = arith.constant 50 : i32
    } else {
    }
    %eq3A_18 = arith.constant 1 : i32
    %eq3A_19 = arith.cmpi eq, %arg0, %eq3A_18 : i32
    %convert_element_type3A_20 = arith.extui %eq3A_19 : i1 to i32
    %cond3A_21 = arith.constant 0 : i32
    %cond3A_22 = arith.cmpi ne, %convert_element_type3A_20, %cond3A_21 : i32
    scf.if %cond3A_22 {
      %dma_start3A = arith.constant 0 : i32
      %dma_start3A_36 = arith.constant 0 : i32
      %dma_start3A_37 = tpu.memref_slice %arg9[%dma_start3A, %dma_start3A_36] : memref<250x40xi32, #tpu.memory_space<vmem>> -> memref<1x40xi32, #tpu.memory_space<vmem>>
      %dma_start3A_38 = tpu.memref_squeeze %dma_start3A_37 : memref<1x40xi32, #tpu.memory_space<vmem>> -> memref<40xi32, #tpu.memory_space<vmem>>
      %dma_start3A_39 = arith.constant 0 : i32
      %dma_start3A_40 = arith.constant 0 : i32
      %dma_start3A_41 = tpu.memref_slice %arg3[%dma_start3A_39, %dma_start3A_40] : memref<10000x128xf32, #tpu.memory_space<hbm>> -> memref<10000x128xf32, #tpu.memory_space<hbm>>
      tpu.enqueue_indirect_dma source(%dma_start3A_41 : memref<10000x128xf32, #tpu.memory_space<hbm>>) target(%arg11 : memref<40x128xf32, #tpu.memory_space<vmem>>) offsets(%dma_start3A_38 : memref<40xi32, #tpu.memory_space<vmem>>) semaphore(%arg17 : memref<!tpu.dma_semaphore, #tpu.memory_space<semaphore_mem>>)
      %dma_start3A_42 = arith.constant 1 : i32
      %dma_start3A_43 = arith.constant 0 : i32
      %dma_start3A_44 = tpu.memref_slice %arg9[%dma_start3A_42, %dma_start3A_43] : memref<250x40xi32, #tpu.memory_space<vmem>> -> memref<1x40xi32, #tpu.memory_space<vmem>>
      %dma_start3A_45 = tpu.memref_squeeze %dma_start3A_44 : memref<1x40xi32, #tpu.memory_space<vmem>> -> memref<40xi32, #tpu.memory_space<vmem>>
      %dma_start3A_46 = arith.constant 0 : i32
      %dma_start3A_47 = arith.constant 0 : i32
      %dma_start3A_48 = tpu.memref_slice %arg3[%dma_start3A_46, %dma_start3A_47] : memref<10000x128xf32, #tpu.memory_space<hbm>> -> memref<10000x128xf32, #tpu.memory_space<hbm>>
      tpu.enqueue_indirect_dma source(%dma_start3A_48 : memref<10000x128xf32, #tpu.memory_space<hbm>>) target(%arg12 : memref<40x128xf32, #tpu.memory_space<vmem>>) offsets(%dma_start3A_45 : memref<40xi32, #tpu.memory_space<vmem>>) semaphore(%arg18 : memref<!tpu.dma_semaphore, #tpu.memory_space<semaphore_mem>>)
      %dma_start3A_49 = arith.constant 2 : i32
      %dma_start3A_50 = arith.constant 0 : i32
      %dma_start3A_51 = tpu.memref_slice %arg9[%dma_start3A_49, %dma_start3A_50] : memref<250x40xi32, #tpu.memory_space<vmem>> -> memref<1x40xi32, #tpu.memory_space<vmem>>
      %dma_start3A_52 = tpu.memref_squeeze %dma_start3A_51 : memref<1x40xi32, #tpu.memory_space<vmem>> -> memref<40xi32, #tpu.memory_space<vmem>>
      %dma_start3A_53 = arith.constant 0 : i32
      %dma_start3A_54 = arith.constant 0 : i32
      %dma_start3A_55 = tpu.memref_slice %arg3[%dma_start3A_53, %dma_start3A_54] : memref<10000x128xf32, #tpu.memory_space<hbm>> -> memref<10000x128xf32, #tpu.memory_space<hbm>>
      tpu.enqueue_indirect_dma source(%dma_start3A_55 : memref<10000x128xf32, #tpu.memory_space<hbm>>) target(%arg13 : memref<40x128xf32, #tpu.memory_space<vmem>>) offsets(%dma_start3A_52 : memref<40xi32, #tpu.memory_space<vmem>>) semaphore(%arg19 : memref<!tpu.dma_semaphore, #tpu.memory_space<semaphore_mem>>)
      %dma_start3A_56 = arith.constant 3 : i32
      %dma_start3A_57 = arith.constant 0 : i32
      %dma_start3A_58 = tpu.memref_slice %arg9[%dma_start3A_56, %dma_start3A_57] : memref<250x40xi32, #tpu.memory_space<vmem>> -> memref<1x40xi32, #tpu.memory_space<vmem>>
      %dma_start3A_59 = tpu.memref_squeeze %dma_start3A_58 : memref<1x40xi32, #tpu.memory_space<vmem>> -> memref<40xi32, #tpu.memory_space<vmem>>
      %dma_start3A_60 = arith.constant 0 : i32
      %dma_start3A_61 = arith.constant 0 : i32
      %dma_start3A_62 = tpu.memref_slice %arg3[%dma_start3A_60, %dma_start3A_61] : memref<10000x128xf32, #tpu.memory_space<hbm>> -> memref<10000x128xf32, #tpu.memory_space<hbm>>
      tpu.enqueue_indirect_dma source(%dma_start3A_62 : memref<10000x128xf32, #tpu.memory_space<hbm>>) target(%arg14 : memref<40x128xf32, #tpu.memory_space<vmem>>) offsets(%dma_start3A_59 : memref<40xi32, #tpu.memory_space<vmem>>) semaphore(%arg20 : memref<!tpu.dma_semaphore, #tpu.memory_space<semaphore_mem>>)
      %dma_start3A_63 = arith.constant 4 : i32
      %dma_start3A_64 = arith.constant 0 : i32
      %dma_start3A_65 = tpu.memref_slice %arg9[%dma_start3A_63, %dma_start3A_64] : memref<250x40xi32, #tpu.memory_space<vmem>> -> memref<1x40xi32, #tpu.memory_space<vmem>>
      %dma_start3A_66 = tpu.memref_squeeze %dma_start3A_65 : memref<1x40xi32, #tpu.memory_space<vmem>> -> memref<40xi32, #tpu.memory_space<vmem>>
      %dma_start3A_67 = arith.constant 0 : i32
      %dma_start3A_68 = arith.constant 0 : i32
      %dma_start3A_69 = tpu.memref_slice %arg3[%dma_start3A_67, %dma_start3A_68] : memref<10000x128xf32, #tpu.memory_space<hbm>> -> memref<10000x128xf32, #tpu.memory_space<hbm>>
      tpu.enqueue_indirect_dma source(%dma_start3A_69 : memref<10000x128xf32, #tpu.memory_space<hbm>>) target(%arg15 : memref<40x128xf32, #tpu.memory_space<vmem>>) offsets(%dma_start3A_66 : memref<40xi32, #tpu.memory_space<vmem>>) semaphore(%arg21 : memref<!tpu.dma_semaphore, #tpu.memory_space<semaphore_mem>>)
      %scan3A_70 = arith.constant 0 : i32
      %scan3A_71 = arith.constant 0 : i32
      %scan3A_72 = arith.constant 50 : i32
      %scan3A_73 = arith.addi %scan3A_71, %scan3A_72 : i32
      %scan3A_74 = arith.constant 1 : i32
      %scan3A_75 = scf.for %scan3A_77 = %scan3A_71 to %scan3A_73 step %scan3A_74 iter_args(%scan3A_78 = %scan3A_70) -> (i32)  : i32 {
        %mul3A_79 = arith.constant 5 : i32
        %mul3A_80 = arith.muli %mul3A_79, %scan3A_77 : i32
        %dma_wait3A = arith.constant 0 : i32
        %dma_wait3A_81 = arith.constant 0 : i32
        %dma_wait3A_82 = tpu.memref_slice %arg9[%dma_wait3A, %dma_wait3A_81] : memref<250x40xi32, #tpu.memory_space<vmem>> -> memref<1x40xi32, #tpu.memory_space<vmem>>
        %dma_wait3A_83 = tpu.memref_squeeze %dma_wait3A_82 : memref<1x40xi32, #tpu.memory_space<vmem>> -> memref<40xi32, #tpu.memory_space<vmem>>
        %dma_wait3A_84 = arith.constant 0 : i32
        %dma_wait3A_85 = arith.constant 0 : i32
        %dma_wait3A_86 = tpu.memref_slice %arg3[%dma_wait3A_84, %dma_wait3A_85] : memref<10000x128xf32, #tpu.memory_space<hbm>> -> memref<10000x128xf32, #tpu.memory_space<hbm>>
        tpu.wait_indirect_dma semaphore(%arg17 : memref<!tpu.dma_semaphore, #tpu.memory_space<semaphore_mem>>) src(%dma_wait3A_86 : memref<10000x128xf32, #tpu.memory_space<hbm>>) dst(%arg11 : memref<40x128xf32, #tpu.memory_space<vmem>>)
        %add3A = arith.constant 0 : i32
        %add3A_87 = arith.addi %mul3A_80, %add3A : i32
        %dma_start3A_88 = arith.constant 0 : i32
        %dma_start3A_89 = tpu.memref_slice %arg10[%add3A_87, %dma_start3A_88] : memref<250x40xi32, #tpu.memory_space<vmem>> -> memref<1x40xi32, #tpu.memory_space<vmem>>
        %dma_start3A_90 = tpu.memref_squeeze %dma_start3A_89 : memref<1x40xi32, #tpu.memory_space<vmem>> -> memref<40xi32, #tpu.memory_space<vmem>>
        %dma_start3A_91 = arith.constant 0 : i32
        %dma_start3A_92 = arith.constant 0 : i32
        %dma_start3A_93 = tpu.memref_slice %arg8[%dma_start3A_91, %dma_start3A_92] : memref<10000x128xf32, #tpu.memory_space<vmem_shared>> -> memref<10000x128xf32, #tpu.memory_space<vmem_shared>>
        tpu.enqueue_indirect_dma source(%arg11 : memref<40x128xf32, #tpu.memory_space<vmem>>) target(%dma_start3A_93 : memref<10000x128xf32, #tpu.memory_space<vmem_shared>>) offsets(%dma_start3A_90 : memref<40xi32, #tpu.memory_space<vmem>>) semaphore(%arg22 : memref<!tpu.dma_semaphore, #tpu.memory_space<semaphore_mem>>) {add = true}
        %dma_wait3A_94 = arith.constant 0 : i32
        %dma_wait3A_95 = arith.constant 0 : i32
        %dma_wait3A_96 = tpu.memref_slice %arg9[%dma_wait3A_94, %dma_wait3A_95] : memref<250x40xi32, #tpu.memory_space<vmem>> -> memref<1x40xi32, #tpu.memory_space<vmem>>
        %dma_wait3A_97 = tpu.memref_squeeze %dma_wait3A_96 : memref<1x40xi32, #tpu.memory_space<vmem>> -> memref<40xi32, #tpu.memory_space<vmem>>
        %dma_wait3A_98 = arith.constant 0 : i32
        %dma_wait3A_99 = arith.constant 0 : i32
        %dma_wait3A_100 = tpu.memref_slice %arg3[%dma_wait3A_98, %dma_wait3A_99] : memref<10000x128xf32, #tpu.memory_space<hbm>> -> memref<10000x128xf32, #tpu.memory_space<hbm>>
        tpu.wait_indirect_dma semaphore(%arg18 : memref<!tpu.dma_semaphore, #tpu.memory_space<semaphore_mem>>) src(%dma_wait3A_100 : memref<10000x128xf32, #tpu.memory_space<hbm>>) dst(%arg12 : memref<40x128xf32, #tpu.memory_space<vmem>>)
        %add3A_101 = arith.constant 1 : i32
        %add3A_102 = arith.addi %mul3A_80, %add3A_101 : i32
        %dma_start3A_103 = arith.constant 0 : i32
        %dma_start3A_104 = tpu.memref_slice %arg10[%add3A_102, %dma_start3A_103] : memref<250x40xi32, #tpu.memory_space<vmem>> -> memref<1x40xi32, #tpu.memory_space<vmem>>
        %dma_start3A_105 = tpu.memref_squeeze %dma_start3A_104 : memref<1x40xi32, #tpu.memory_space<vmem>> -> memref<40xi32, #tpu.memory_space<vmem>>
        %dma_start3A_106 = arith.constant 0 : i32
        %dma_start3A_107 = arith.constant 0 : i32
        %dma_start3A_108 = tpu.memref_slice %arg8[%dma_start3A_106, %dma_start3A_107] : memref<10000x128xf32, #tpu.memory_space<vmem_shared>> -> memref<10000x128xf32, #tpu.memory_space<vmem_shared>>
        tpu.enqueue_indirect_dma source(%arg12 : memref<40x128xf32, #tpu.memory_space<vmem>>) target(%dma_start3A_108 : memref<10000x128xf32, #tpu.memory_space<vmem_shared>>) offsets(%dma_start3A_105 : memref<40xi32, #tpu.memory_space<vmem>>) semaphore(%arg23 : memref<!tpu.dma_semaphore, #tpu.memory_space<semaphore_mem>>) {add = true}
        %dma_wait3A_109 = arith.constant 0 : i32
        %dma_wait3A_110 = arith.constant 0 : i32
        %dma_wait3A_111 = tpu.memref_slice %arg9[%dma_wait3A_109, %dma_wait3A_110] : memref<250x40xi32, #tpu.memory_space<vmem>> -> memref<1x40xi32, #tpu.memory_space<vmem>>
        %dma_wait3A_112 = tpu.memref_squeeze %dma_wait3A_111 : memref<1x40xi32, #tpu.memory_space<vmem>> -> memref<40xi32, #tpu.memory_space<vmem>>
        %dma_wait3A_113 = arith.constant 0 : i32
        %dma_wait3A_114 = arith.constant 0 : i32
        %dma_wait3A_115 = tpu.memref_slice %arg3[%dma_wait3A_113, %dma_wait3A_114] : memref<10000x128xf32, #tpu.memory_space<hbm>> -> memref<10000x128xf32, #tpu.memory_space<hbm>>
        tpu.wait_indirect_dma semaphore(%arg19 : memref<!tpu.dma_semaphore, #tpu.memory_space<semaphore_mem>>) src(%dma_wait3A_115 : memref<10000x128xf32, #tpu.memory_space<hbm>>) dst(%arg13 : memref<40x128xf32, #tpu.memory_space<vmem>>)
        %add3A_116 = arith.constant 2 : i32
        %add3A_117 = arith.addi %mul3A_80, %add3A_116 : i32
        %dma_start3A_118 = arith.constant 0 : i32
        %dma_start3A_119 = tpu.memref_slice %arg10[%add3A_117, %dma_start3A_118] : memref<250x40xi32, #tpu.memory_space<vmem>> -> memref<1x40xi32, #tpu.memory_space<vmem>>
        %dma_start3A_120 = tpu.memref_squeeze %dma_start3A_119 : memref<1x40xi32, #tpu.memory_space<vmem>> -> memref<40xi32, #tpu.memory_space<vmem>>
        %dma_start3A_121 = arith.constant 0 : i32
        %dma_start3A_122 = arith.constant 0 : i32
        %dma_start3A_123 = tpu.memref_slice %arg8[%dma_start3A_121, %dma_start3A_122] : memref<10000x128xf32, #tpu.memory_space<vmem_shared>> -> memref<10000x128xf32, #tpu.memory_space<vmem_shared>>
        tpu.enqueue_indirect_dma source(%arg13 : memref<40x128xf32, #tpu.memory_space<vmem>>) target(%dma_start3A_123 : memref<10000x128xf32, #tpu.memory_space<vmem_shared>>) offsets(%dma_start3A_120 : memref<40xi32, #tpu.memory_space<vmem>>) semaphore(%arg24 : memref<!tpu.dma_semaphore, #tpu.memory_space<semaphore_mem>>) {add = true}
        %dma_wait3A_124 = arith.constant 0 : i32
        %dma_wait3A_125 = arith.constant 0 : i32
        %dma_wait3A_126 = tpu.memref_slice %arg9[%dma_wait3A_124, %dma_wait3A_125] : memref<250x40xi32, #tpu.memory_space<vmem>> -> memref<1x40xi32, #tpu.memory_space<vmem>>
        %dma_wait3A_127 = tpu.memref_squeeze %dma_wait3A_126 : memref<1x40xi32, #tpu.memory_space<vmem>> -> memref<40xi32, #tpu.memory_space<vmem>>
        %dma_wait3A_128 = arith.constant 0 : i32
        %dma_wait3A_129 = arith.constant 0 : i32
        %dma_wait3A_130 = tpu.memref_slice %arg3[%dma_wait3A_128, %dma_wait3A_129] : memref<10000x128xf32, #tpu.memory_space<hbm>> -> memref<10000x128xf32, #tpu.memory_space<hbm>>
        tpu.wait_indirect_dma semaphore(%arg20 : memref<!tpu.dma_semaphore, #tpu.memory_space<semaphore_mem>>) src(%dma_wait3A_130 : memref<10000x128xf32, #tpu.memory_space<hbm>>) dst(%arg14 : memref<40x128xf32, #tpu.memory_space<vmem>>)
        %add3A_131 = arith.constant 3 : i32
        %add3A_132 = arith.addi %mul3A_80, %add3A_131 : i32
        %dma_start3A_133 = arith.constant 0 : i32
        %dma_start3A_134 = tpu.memref_slice %arg10[%add3A_132, %dma_start3A_133] : memref<250x40xi32, #tpu.memory_space<vmem>> -> memref<1x40xi32, #tpu.memory_space<vmem>>
        %dma_start3A_135 = tpu.memref_squeeze %dma_start3A_134 : memref<1x40xi32, #tpu.memory_space<vmem>> -> memref<40xi32, #tpu.memory_space<vmem>>
        %dma_start3A_136 = arith.constant 0 : i32
        %dma_start3A_137 = arith.constant 0 : i32
        %dma_start3A_138 = tpu.memref_slice %arg8[%dma_start3A_136, %dma_start3A_137] : memref<10000x128xf32, #tpu.memory_space<vmem_shared>> -> memref<10000x128xf32, #tpu.memory_space<vmem_shared>>
        tpu.enqueue_indirect_dma source(%arg14 : memref<40x128xf32, #tpu.memory_space<vmem>>) target(%dma_start3A_138 : memref<10000x128xf32, #tpu.memory_space<vmem_shared>>) offsets(%dma_start3A_135 : memref<40xi32, #tpu.memory_space<vmem>>) semaphore(%arg25 : memref<!tpu.dma_semaphore, #tpu.memory_space<semaphore_mem>>) {add = true}
        %dma_wait3A_139 = arith.constant 0 : i32
        %dma_wait3A_140 = arith.constant 0 : i32
        %dma_wait3A_141 = tpu.memref_slice %arg9[%dma_wait3A_139, %dma_wait3A_140] : memref<250x40xi32, #tpu.memory_space<vmem>> -> memref<1x40xi32, #tpu.memory_space<vmem>>
        %dma_wait3A_142 = tpu.memref_squeeze %dma_wait3A_141 : memref<1x40xi32, #tpu.memory_space<vmem>> -> memref<40xi32, #tpu.memory_space<vmem>>
        %dma_wait3A_143 = arith.constant 0 : i32
        %dma_wait3A_144 = arith.constant 0 : i32
        %dma_wait3A_145 = tpu.memref_slice %arg3[%dma_wait3A_143, %dma_wait3A_144] : memref<10000x128xf32, #tpu.memory_space<hbm>> -> memref<10000x128xf32, #tpu.memory_space<hbm>>
        tpu.wait_indirect_dma semaphore(%arg21 : memref<!tpu.dma_semaphore, #tpu.memory_space<semaphore_mem>>) src(%dma_wait3A_145 : memref<10000x128xf32, #tpu.memory_space<hbm>>) dst(%arg15 : memref<40x128xf32, #tpu.memory_space<vmem>>)
        %add3A_146 = arith.constant 4 : i32
        %add3A_147 = arith.addi %mul3A_80, %add3A_146 : i32
        %dma_start3A_148 = arith.constant 0 : i32
        %dma_start3A_149 = tpu.memref_slice %arg10[%add3A_147, %dma_start3A_148] : memref<250x40xi32, #tpu.memory_space<vmem>> -> memref<1x40xi32, #tpu.memory_space<vmem>>
        %dma_start3A_150 = tpu.memref_squeeze %dma_start3A_149 : memref<1x40xi32, #tpu.memory_space<vmem>> -> memref<40xi32, #tpu.memory_space<vmem>>
        %dma_start3A_151 = arith.constant 0 : i32
        %dma_start3A_152 = arith.constant 0 : i32
        %dma_start3A_153 = tpu.memref_slice %arg8[%dma_start3A_151, %dma_start3A_152] : memref<10000x128xf32, #tpu.memory_space<vmem_shared>> -> memref<10000x128xf32, #tpu.memory_space<vmem_shared>>
        tpu.enqueue_indirect_dma source(%arg15 : memref<40x128xf32, #tpu.memory_space<vmem>>) target(%dma_start3A_153 : memref<10000x128xf32, #tpu.memory_space<vmem_shared>>) offsets(%dma_start3A_150 : memref<40xi32, #tpu.memory_space<vmem>>) semaphore(%arg26 : memref<!tpu.dma_semaphore, #tpu.memory_space<semaphore_mem>>) {add = true}
        %add3A_154 = arith.constant 5 : i32
        %add3A_155 = arith.addi %mul3A_80, %add3A_154 : i32
        %add3A_156 = arith.constant 0 : i32
        %add3A_157 = arith.addi %add3A_155, %add3A_156 : i32
        %dma_wait3A_158 = arith.constant 0 : i32
        %dma_wait3A_159 = arith.constant 0 : i32
        %dma_wait3A_160 = tpu.memref_slice %arg10[%dma_wait3A_158, %dma_wait3A_159] : memref<250x40xi32, #tpu.memory_space<vmem>> -> memref<1x40xi32, #tpu.memory_space<vmem>>
        %dma_wait3A_161 = tpu.memref_squeeze %dma_wait3A_160 : memref<1x40xi32, #tpu.memory_space<vmem>> -> memref<40xi32, #tpu.memory_space<vmem>>
        %dma_wait3A_162 = arith.constant 0 : i32
        %dma_wait3A_163 = arith.constant 0 : i32
        %dma_wait3A_164 = tpu.memref_slice %arg8[%dma_wait3A_162, %dma_wait3A_163] : memref<10000x128xf32, #tpu.memory_space<vmem_shared>> -> memref<10000x128xf32, #tpu.memory_space<vmem_shared>>
        tpu.wait_indirect_dma semaphore(%arg22 : memref<!tpu.dma_semaphore, #tpu.memory_space<semaphore_mem>>) src(%arg11 : memref<40x128xf32, #tpu.memory_space<vmem>>) dst(%dma_wait3A_164 : memref<10000x128xf32, #tpu.memory_space<vmem_shared>>)
        %lt3A = arith.constant 250 : i32
        %lt3A_165 = arith.cmpi slt, %add3A_157, %lt3A : i32
        %convert_element_type3A_166 = arith.extui %lt3A_165 : i1 to i32
        %cond3A_167 = arith.constant 0 : i32
        %cond3A_168 = arith.cmpi ne, %convert_element_type3A_166, %cond3A_167 : i32
        scf.if %cond3A_168 {
          %dma_start3A_234 = arith.constant 0 : i32
          %dma_start3A_235 = tpu.memref_slice %arg9[%add3A_157, %dma_start3A_234] : memref<250x40xi32, #tpu.memory_space<vmem>> -> memref<1x40xi32, #tpu.memory_space<vmem>>
          %dma_start3A_236 = tpu.memref_squeeze %dma_start3A_235 : memref<1x40xi32, #tpu.memory_space<vmem>> -> memref<40xi32, #tpu.memory_space<vmem>>
          %dma_start3A_237 = arith.constant 0 : i32
          %dma_start3A_238 = arith.constant 0 : i32
          %dma_start3A_239 = tpu.memref_slice %arg3[%dma_start3A_237, %dma_start3A_238] : memref<10000x128xf32, #tpu.memory_space<hbm>> -> memref<10000x128xf32, #tpu.memory_space<hbm>>
          tpu.enqueue_indirect_dma source(%dma_start3A_239 : memref<10000x128xf32, #tpu.memory_space<hbm>>) target(%arg11 : memref<40x128xf32, #tpu.memory_space<vmem>>) offsets(%dma_start3A_236 : memref<40xi32, #tpu.memory_space<vmem>>) semaphore(%arg17 : memref<!tpu.dma_semaphore, #tpu.memory_space<semaphore_mem>>)
        } else {
        }
        %add3A_169 = arith.constant 5 : i32
        %add3A_170 = arith.addi %mul3A_80, %add3A_169 : i32
        %add3A_171 = arith.constant 1 : i32
        %add3A_172 = arith.addi %add3A_170, %add3A_171 : i32
        %dma_wait3A_173 = arith.constant 0 : i32
        %dma_wait3A_174 = arith.constant 0 : i32
        %dma_wait3A_175 = tpu.memref_slice %arg10[%dma_wait3A_173, %dma_wait3A_174] : memref<250x40xi32, #tpu.memory_space<vmem>> -> memref<1x40xi32, #tpu.memory_space<vmem>>
        %dma_wait3A_176 = tpu.memref_squeeze %dma_wait3A_175 : memref<1x40xi32, #tpu.memory_space<vmem>> -> memref<40xi32, #tpu.memory_space<vmem>>
        %dma_wait3A_177 = arith.constant 0 : i32
        %dma_wait3A_178 = arith.constant 0 : i32
        %dma_wait3A_179 = tpu.memref_slice %arg8[%dma_wait3A_177, %dma_wait3A_178] : memref<10000x128xf32, #tpu.memory_space<vmem_shared>> -> memref<10000x128xf32, #tpu.memory_space<vmem_shared>>
        tpu.wait_indirect_dma semaphore(%arg23 : memref<!tpu.dma_semaphore, #tpu.memory_space<semaphore_mem>>) src(%arg12 : memref<40x128xf32, #tpu.memory_space<vmem>>) dst(%dma_wait3A_179 : memref<10000x128xf32, #tpu.memory_space<vmem_shared>>)
        %lt3A_180 = arith.constant 250 : i32
        %lt3A_181 = arith.cmpi slt, %add3A_172, %lt3A_180 : i32
        %convert_element_type3A_182 = arith.extui %lt3A_181 : i1 to i32
        %cond3A_183 = arith.constant 0 : i32
        %cond3A_184 = arith.cmpi ne, %convert_element_type3A_182, %cond3A_183 : i32
        scf.if %cond3A_184 {
          %dma_start3A_234 = arith.constant 0 : i32
          %dma_start3A_235 = tpu.memref_slice %arg9[%add3A_172, %dma_start3A_234] : memref<250x40xi32, #tpu.memory_space<vmem>> -> memref<1x40xi32, #tpu.memory_space<vmem>>
          %dma_start3A_236 = tpu.memref_squeeze %dma_start3A_235 : memref<1x40xi32, #tpu.memory_space<vmem>> -> memref<40xi32, #tpu.memory_space<vmem>>
          %dma_start3A_237 = arith.constant 0 : i32
          %dma_start3A_238 = arith.constant 0 : i32
          %dma_start3A_239 = tpu.memref_slice %arg3[%dma_start3A_237, %dma_start3A_238] : memref<10000x128xf32, #tpu.memory_space<hbm>> -> memref<10000x128xf32, #tpu.memory_space<hbm>>
          tpu.enqueue_indirect_dma source(%dma_start3A_239 : memref<10000x128xf32, #tpu.memory_space<hbm>>) target(%arg12 : memref<40x128xf32, #tpu.memory_space<vmem>>) offsets(%dma_start3A_236 : memref<40xi32, #tpu.memory_space<vmem>>) semaphore(%arg18 : memref<!tpu.dma_semaphore, #tpu.memory_space<semaphore_mem>>)
        } else {
        }
        %add3A_185 = arith.constant 5 : i32
        %add3A_186 = arith.addi %mul3A_80, %add3A_185 : i32
        %add3A_187 = arith.constant 2 : i32
        %add3A_188 = arith.addi %add3A_186, %add3A_187 : i32
        %dma_wait3A_189 = arith.constant 0 : i32
        %dma_wait3A_190 = arith.constant 0 : i32
        %dma_wait3A_191 = tpu.memref_slice %arg10[%dma_wait3A_189, %dma_wait3A_190] : memref<250x40xi32, #tpu.memory_space<vmem>> -> memref<1x40xi32, #tpu.memory_space<vmem>>
        %dma_wait3A_192 = tpu.memref_squeeze %dma_wait3A_191 : memref<1x40xi32, #tpu.memory_space<vmem>> -> memref<40xi32, #tpu.memory_space<vmem>>
        %dma_wait3A_193 = arith.constant 0 : i32
        %dma_wait3A_194 = arith.constant 0 : i32
        %dma_wait3A_195 = tpu.memref_slice %arg8[%dma_wait3A_193, %dma_wait3A_194] : memref<10000x128xf32, #tpu.memory_space<vmem_shared>> -> memref<10000x128xf32, #tpu.memory_space<vmem_shared>>
        tpu.wait_indirect_dma semaphore(%arg24 : memref<!tpu.dma_semaphore, #tpu.memory_space<semaphore_mem>>) src(%arg13 : memref<40x128xf32, #tpu.memory_space<vmem>>) dst(%dma_wait3A_195 : memref<10000x128xf32, #tpu.memory_space<vmem_shared>>)
        %lt3A_196 = arith.constant 250 : i32
        %lt3A_197 = arith.cmpi slt, %add3A_188, %lt3A_196 : i32
        %convert_element_type3A_198 = arith.extui %lt3A_197 : i1 to i32
        %cond3A_199 = arith.constant 0 : i32
        %cond3A_200 = arith.cmpi ne, %convert_element_type3A_198, %cond3A_199 : i32
        scf.if %cond3A_200 {
          %dma_start3A_234 = arith.constant 0 : i32
          %dma_start3A_235 = tpu.memref_slice %arg9[%add3A_188, %dma_start3A_234] : memref<250x40xi32, #tpu.memory_space<vmem>> -> memref<1x40xi32, #tpu.memory_space<vmem>>
          %dma_start3A_236 = tpu.memref_squeeze %dma_start3A_235 : memref<1x40xi32, #tpu.memory_space<vmem>> -> memref<40xi32, #tpu.memory_space<vmem>>
          %dma_start3A_237 = arith.constant 0 : i32
          %dma_start3A_238 = arith.constant 0 : i32
          %dma_start3A_239 = tpu.memref_slice %arg3[%dma_start3A_237, %dma_start3A_238] : memref<10000x128xf32, #tpu.memory_space<hbm>> -> memref<10000x128xf32, #tpu.memory_space<hbm>>
          tpu.enqueue_indirect_dma source(%dma_start3A_239 : memref<10000x128xf32, #tpu.memory_space<hbm>>) target(%arg13 : memref<40x128xf32, #tpu.memory_space<vmem>>) offsets(%dma_start3A_236 : memref<40xi32, #tpu.memory_space<vmem>>) semaphore(%arg19 : memref<!tpu.dma_semaphore, #tpu.memory_space<semaphore_mem>>)
        } else {
        }
        %add3A_201 = arith.constant 5 : i32
        %add3A_202 = arith.addi %mul3A_80, %add3A_201 : i32
        %add3A_203 = arith.constant 3 : i32
        %add3A_204 = arith.addi %add3A_202, %add3A_203 : i32
        %dma_wait3A_205 = arith.constant 0 : i32
        %dma_wait3A_206 = arith.constant 0 : i32
        %dma_wait3A_207 = tpu.memref_slice %arg10[%dma_wait3A_205, %dma_wait3A_206] : memref<250x40xi32, #tpu.memory_space<vmem>> -> memref<1x40xi32, #tpu.memory_space<vmem>>
        %dma_wait3A_208 = tpu.memref_squeeze %dma_wait3A_207 : memref<1x40xi32, #tpu.memory_space<vmem>> -> memref<40xi32, #tpu.memory_space<vmem>>
        %dma_wait3A_209 = arith.constant 0 : i32
        %dma_wait3A_210 = arith.constant 0 : i32
        %dma_wait3A_211 = tpu.memref_slice %arg8[%dma_wait3A_209, %dma_wait3A_210] : memref<10000x128xf32, #tpu.memory_space<vmem_shared>> -> memref<10000x128xf32, #tpu.memory_space<vmem_shared>>
        tpu.wait_indirect_dma semaphore(%arg25 : memref<!tpu.dma_semaphore, #tpu.memory_space<semaphore_mem>>) src(%arg14 : memref<40x128xf32, #tpu.memory_space<vmem>>) dst(%dma_wait3A_211 : memref<10000x128xf32, #tpu.memory_space<vmem_shared>>)
        %lt3A_212 = arith.constant 250 : i32
        %lt3A_213 = arith.cmpi slt, %add3A_204, %lt3A_212 : i32
        %convert_element_type3A_214 = arith.extui %lt3A_213 : i1 to i32
        %cond3A_215 = arith.constant 0 : i32
        %cond3A_216 = arith.cmpi ne, %convert_element_type3A_214, %cond3A_215 : i32
        scf.if %cond3A_216 {
          %dma_start3A_234 = arith.constant 0 : i32
          %dma_start3A_235 = tpu.memref_slice %arg9[%add3A_204, %dma_start3A_234] : memref<250x40xi32, #tpu.memory_space<vmem>> -> memref<1x40xi32, #tpu.memory_space<vmem>>
          %dma_start3A_236 = tpu.memref_squeeze %dma_start3A_235 : memref<1x40xi32, #tpu.memory_space<vmem>> -> memref<40xi32, #tpu.memory_space<vmem>>
          %dma_start3A_237 = arith.constant 0 : i32
          %dma_start3A_238 = arith.constant 0 : i32
          %dma_start3A_239 = tpu.memref_slice %arg3[%dma_start3A_237, %dma_start3A_238] : memref<10000x128xf32, #tpu.memory_space<hbm>> -> memref<10000x128xf32, #tpu.memory_space<hbm>>
          tpu.enqueue_indirect_dma source(%dma_start3A_239 : memref<10000x128xf32, #tpu.memory_space<hbm>>) target(%arg14 : memref<40x128xf32, #tpu.memory_space<vmem>>) offsets(%dma_start3A_236 : memref<40xi32, #tpu.memory_space<vmem>>) semaphore(%arg20 : memref<!tpu.dma_semaphore, #tpu.memory_space<semaphore_mem>>)
        } else {
        }
        %add3A_217 = arith.constant 5 : i32
        %add3A_218 = arith.addi %mul3A_80, %add3A_217 : i32
        %add3A_219 = arith.constant 4 : i32
        %add3A_220 = arith.addi %add3A_218, %add3A_219 : i32
        %dma_wait3A_221 = arith.constant 0 : i32
        %dma_wait3A_222 = arith.constant 0 : i32
        %dma_wait3A_223 = tpu.memref_slice %arg10[%dma_wait3A_221, %dma_wait3A_222] : memref<250x40xi32, #tpu.memory_space<vmem>> -> memref<1x40xi32, #tpu.memory_space<vmem>>
        %dma_wait3A_224 = tpu.memref_squeeze %dma_wait3A_223 : memref<1x40xi32, #tpu.memory_space<vmem>> -> memref<40xi32, #tpu.memory_space<vmem>>
        %dma_wait3A_225 = arith.constant 0 : i32
        %dma_wait3A_226 = arith.constant 0 : i32
        %dma_wait3A_227 = tpu.memref_slice %arg8[%dma_wait3A_225, %dma_wait3A_226] : memref<10000x128xf32, #tpu.memory_space<vmem_shared>> -> memref<10000x128xf32, #tpu.memory_space<vmem_shared>>
        tpu.wait_indirect_dma semaphore(%arg26 : memref<!tpu.dma_semaphore, #tpu.memory_space<semaphore_mem>>) src(%arg15 : memref<40x128xf32, #tpu.memory_space<vmem>>) dst(%dma_wait3A_227 : memref<10000x128xf32, #tpu.memory_space<vmem_shared>>)
        %lt3A_228 = arith.constant 250 : i32
        %lt3A_229 = arith.cmpi slt, %add3A_220, %lt3A_228 : i32
        %convert_element_type3A_230 = arith.extui %lt3A_229 : i1 to i32
        %cond3A_231 = arith.constant 0 : i32
        %cond3A_232 = arith.cmpi ne, %convert_element_type3A_230, %cond3A_231 : i32
        scf.if %cond3A_232 {
          %dma_start3A_234 = arith.constant 0 : i32
          %dma_start3A_235 = tpu.memref_slice %arg9[%add3A_220, %dma_start3A_234] : memref<250x40xi32, #tpu.memory_space<vmem>> -> memref<1x40xi32, #tpu.memory_space<vmem>>
          %dma_start3A_236 = tpu.memref_squeeze %dma_start3A_235 : memref<1x40xi32, #tpu.memory_space<vmem>> -> memref<40xi32, #tpu.memory_space<vmem>>
          %dma_start3A_237 = arith.constant 0 : i32
          %dma_start3A_238 = arith.constant 0 : i32
          %dma_start3A_239 = tpu.memref_slice %arg3[%dma_start3A_237, %dma_start3A_238] : memref<10000x128xf32, #tpu.memory_space<hbm>> -> memref<10000x128xf32, #tpu.memory_space<hbm>>
          tpu.enqueue_indirect_dma source(%dma_start3A_239 : memref<10000x128xf32, #tpu.memory_space<hbm>>) target(%arg15 : memref<40x128xf32, #tpu.memory_space<vmem>>) offsets(%dma_start3A_236 : memref<40xi32, #tpu.memory_space<vmem>>) semaphore(%arg21 : memref<!tpu.dma_semaphore, #tpu.memory_space<semaphore_mem>>)
        } else {
        }
        %scan3A_233 = arith.constant 0 : i32
        scf.yield %scan3A_233 : i32
      }
      %scan3A_76 = arith.constant 50 : i32
    } else {
    }
    %barrier3A_23 = arith.constant 0 : index
    tpu.barrier barrier_id(%barrier3A_23)
    %mul3A_24 = arith.constant 625 : i32
    %mul3A_25 = arith.muli %arg1, %mul3A_24 : i32
    %eq3A_26 = arith.constant 0 : i32
    %eq3A_27 = arith.cmpi eq, %arg0, %eq3A_26 : i32
    %convert_element_type3A_28 = arith.extui %eq3A_27 : i1 to i32
    %cond3A_29 = arith.constant 0 : i32
    %cond3A_30 = arith.cmpi ne, %convert_element_type3A_28, %cond3A_29 : i32
    scf.if %cond3A_30 {
      "tpu.region"() ({
        %run_scoped3A = tpu.sem_alloc : memref<!tpu.dma_semaphore, #tpu.memory_space<semaphore_mem>>
        %dma_start3A = arith.constant 0 : i32
        %dma_start3A_36 = tpu.memref_slice %arg6[%mul3A_25, %dma_start3A] : memref<10000x128xf32, #tpu.memory_space<hbm>> -> memref<625x128xf32, #tpu.memory_space<hbm>>
        %dma_start3A_37 = arith.constant 0 : i32
        %dma_start3A_38 = tpu.memref_slice %arg8[%mul3A_25, %dma_start3A_37] : memref<10000x128xf32, #tpu.memory_space<vmem_shared>> -> memref<625x128xf32, #tpu.memory_space<vmem_shared>>
        tpu.enqueue_dma source(%dma_start3A_38 : memref<625x128xf32, #tpu.memory_space<vmem_shared>>) target(%dma_start3A_36 : memref<625x128xf32, #tpu.memory_space<hbm>>) target_semaphore(%run_scoped3A : memref<!tpu.dma_semaphore, #tpu.memory_space<semaphore_mem>>)
        %dma_wait3A = arith.constant 0 : i32
        %dma_wait3A_39 = tpu.memref_slice %arg6[%mul3A_25, %dma_wait3A] : memref<10000x128xf32, #tpu.memory_space<hbm>> -> memref<625x128xf32, #tpu.memory_space<hbm>>
        %dma_wait3A_40 = arith.constant 0 : i32
        %dma_wait3A_41 = tpu.memref_slice %arg8[%mul3A_25, %dma_wait3A_40] : memref<10000x128xf32, #tpu.memory_space<vmem_shared>> -> memref<625x128xf32, #tpu.memory_space<vmem_shared>>
        tpu.wait_dma2 semaphore(%run_scoped3A : memref<!tpu.dma_semaphore, #tpu.memory_space<semaphore_mem>>) src(%dma_wait3A_41 : memref<625x128xf32, #tpu.memory_space<vmem_shared>>) dst(%dma_wait3A_39 : memref<625x128xf32, #tpu.memory_space<hbm>>)
        tpu.yield
      }) : () -> ()
    } else {
    }
    %eq3A_31 = arith.constant 1 : i32
    %eq3A_32 = arith.cmpi eq, %arg0, %eq3A_31 : i32
    %convert_element_type3A_33 = arith.extui %eq3A_32 : i1 to i32
    %cond3A_34 = arith.constant 0 : i32
    %cond3A_35 = arith.cmpi ne, %convert_element_type3A_33, %cond3A_34 : i32
    scf.if %cond3A_35 {
      "tpu.region"() ({
        %run_scoped3A = tpu.sem_alloc : memref<!tpu.dma_semaphore, #tpu.memory_space<semaphore_mem>>
        %dma_start3A = arith.constant 0 : i32
        %dma_start3A_36 = tpu.memref_slice %arg7[%mul3A_25, %dma_start3A] : memref<10000x128xf32, #tpu.memory_space<hbm>> -> memref<625x128xf32, #tpu.memory_space<hbm>>
        %dma_start3A_37 = arith.constant 0 : i32
        %dma_start3A_38 = tpu.memref_slice %arg8[%mul3A_25, %dma_start3A_37] : memref<10000x128xf32, #tpu.memory_space<vmem_shared>> -> memref<625x128xf32, #tpu.memory_space<vmem_shared>>
        tpu.enqueue_dma source(%dma_start3A_38 : memref<625x128xf32, #tpu.memory_space<vmem_shared>>) target(%dma_start3A_36 : memref<625x128xf32, #tpu.memory_space<hbm>>) target_semaphore(%run_scoped3A : memref<!tpu.dma_semaphore, #tpu.memory_space<semaphore_mem>>)
        %dma_wait3A = arith.constant 0 : i32
        %dma_wait3A_39 = tpu.memref_slice %arg7[%mul3A_25, %dma_wait3A] : memref<10000x128xf32, #tpu.memory_space<hbm>> -> memref<625x128xf32, #tpu.memory_space<hbm>>
        %dma_wait3A_40 = arith.constant 0 : i32
        %dma_wait3A_41 = tpu.memref_slice %arg8[%mul3A_25, %dma_wait3A_40] : memref<10000x128xf32, #tpu.memory_space<vmem_shared>> -> memref<625x128xf32, #tpu.memory_space<vmem_shared>>
        tpu.wait_dma2 semaphore(%run_scoped3A : memref<!tpu.dma_semaphore, #tpu.memory_space<semaphore_mem>>) src(%dma_wait3A_41 : memref<625x128xf32, #tpu.memory_space<vmem_shared>>) dst(%dma_wait3A_39 : memref<625x128xf32, #tpu.memory_space<hbm>>)
        tpu.yield
      }) : () -> ()
    } else {
    }
    return
  }
}

module attributes {stable_mosaic.version = 14 : i64} {
  func.func @_mm_body(%arg0: i32, %arg1: memref<1000x256xf32, #tpu.memory_space<vmem>>, %arg2: memref<1000x1xf32, #tpu.memory_space<vmem>>, %arg3: memref<256x256xf32, #tpu.memory_space<vmem>>, %arg4: memref<1000x128xf32, #tpu.memory_space<vmem>>, %arg5: memref<1000x128xf32, #tpu.memory_space<vmem>>) attributes {dimension_semantics = [#tpu.dimension_semantics<arbitrary>], iteration_bounds = array<i64: 10>, scalar_prefetch = 0 : i64, scratch_operands = 0 : i64, tpu.core_type = #tpu.core_type<tc>, window_params = [{transform_indices = @transform_0, window_bounds = array<i64: 1000, 256>}, {transform_indices = @transform_1, window_bounds = array<i64: 1000, 1>}, {pipeline_mode = #tpu.pipeline_mode<synchronous>, transform_indices = @transform_2, window_bounds = array<i64: 256, 256>}, {transform_indices = @transform_3, window_bounds = array<i64: 1000, 128>}, {transform_indices = @transform_4, window_bounds = array<i64: 1000, 128>}]} {
    %get3A = arith.constant 0 : index
    %get3A_0 = arith.constant 0 : index
    %get3A_1 = vector.load %arg2[%get3A, %get3A_0] : memref<1000x1xf32, #tpu.memory_space<vmem>>, vector<1000x1xf32>
    %gt3A = arith.constant 0.000000e+00 : f32
    %gt3A_2 = vector.broadcast %gt3A : f32 to vector<1000x1xf32>
    %gt3A_3 = arith.cmpf ogt, %get3A_1, %gt3A_2 : vector<1000x1xf32>
    %max3A = arith.constant 9.99999996E-13 : f32
    %max3A_4 = vector.broadcast %max3A : f32 to vector<1000x1xf32>
    %max3A_5 = arith.maximumf %get3A_1, %max3A_4 : vector<1000x1xf32>
    %rsqrt3A = math.rsqrt %max3A_5 : vector<1000x1xf32>
    %jit3A = arith.constant 0.000000e+00 : f32
    %broadcast_in_dim3A = vector.broadcast %jit3A : f32 to vector<1000x1xf32>
    %select_n3A = arith.select %gt3A_3, %rsqrt3A, %broadcast_in_dim3A : vector<1000x1xi1>, vector<1000x1xf32>
    %get3A_6 = arith.constant 0 : index
    %get3A_7 = arith.constant 0 : index
    %get3A_8 = vector.load %arg1[%get3A_6, %get3A_7] : memref<1000x256xf32, #tpu.memory_space<vmem>>, vector<1000x256xf32>
    %mul3A = vector.broadcast %select_n3A : vector<1000x1xf32> to vector<1000x256xf32>
    %mul3A_9 = arith.mulf %get3A_8, %mul3A : vector<1000x256xf32>
    %get3A_10 = arith.constant 0 : index
    %get3A_11 = arith.constant 0 : index
    %get3A_12 = vector.load %arg3[%get3A_10, %get3A_11] : memref<256x256xf32, #tpu.memory_space<vmem>>, vector<256x256xf32>
    %dot_general3A = arith.constant dense<0.000000e+00> : vector<1000x256xf32>
    %dot_general3A_13 = tpu.matmul %mul3A_9, %get3A_12, %dot_general3A {dimension_numbers = #tpu.dot_dimension_numbers<[1], [0], [0], [1], [0, 0, 1, 1], [], []>, transpose_lhs_hint = false} : vector<1000x256xf32>, vector<256x256xf32>, vector<1000x256xf32> -> vector<1000x256xf32>
    %slice3A = vector.extract_strided_slice %dot_general3A_13 {offsets = [0, 0], sizes = [1000, 128], strides = [1, 1]} : vector<1000x256xf32> to vector<1000x128xf32>
    %swap3A = arith.constant 0 : index
    %swap3A_14 = arith.constant 0 : index
    %swap3A_15 = vector.load %arg4[%swap3A, %swap3A_14] : memref<1000x128xf32, #tpu.memory_space<vmem>>, vector<1000x128xf32>
    tpu.vector_store %arg4[%swap3A, %swap3A_14], %slice3A {strides = array<i32>} : memref<1000x128xf32, #tpu.memory_space<vmem>>, vector<1000x128xf32>,
    %slice3A_16 = vector.extract_strided_slice %dot_general3A_13 {offsets = [0, 128], sizes = [1000, 128], strides = [1, 1]} : vector<1000x256xf32> to vector<1000x128xf32>
    %swap3A_17 = arith.constant 0 : index
    %swap3A_18 = arith.constant 0 : index
    %swap3A_19 = vector.load %arg5[%swap3A_17, %swap3A_18] : memref<1000x128xf32, #tpu.memory_space<vmem>>, vector<1000x128xf32>
    tpu.vector_store %arg5[%swap3A_17, %swap3A_18], %slice3A_16 {strides = array<i32>} : memref<1000x128xf32, #tpu.memory_space<vmem>>, vector<1000x128xf32>,
    return
  }
  func.func @transform_0(%arg0: i32) -> (i32, i32) {
    %c0_i32 = arith.constant 0 : i32
    %c0_i32_0 = arith.constant 0 : i32
    return %arg0, %c0_i32 : i32, i32
  }
  func.func @transform_1(%arg0: i32) -> (i32, i32) {
    %c0_i32 = arith.constant 0 : i32
    %c0_i32_0 = arith.constant 0 : i32
    return %arg0, %c0_i32 : i32, i32
  }
  func.func @transform_2(%arg0: i32) -> (i32, i32) {
    %c0_i32 = arith.constant 0 : i32
    %c0_i32_0 = arith.constant 0 : i32
    %c0_i32_1 = arith.constant 0 : i32
    return %c0_i32, %c0_i32_0 : i32, i32
  }
  func.func @transform_3(%arg0: i32) -> (i32, i32) {
    %c0_i32 = arith.constant 0 : i32
    %c0_i32_0 = arith.constant 0 : i32
    return %arg0, %c0_i32 : i32, i32
  }
  func.func @transform_4(%arg0: i32) -> (i32, i32) {
    %c0_i32 = arith.constant 0 : i32
    %c0_i32_0 = arith.constant 0 : i32
    return %arg0, %c0_i32 : i32, i32
  }
}

module attributes {stable_mosaic.version = 14 : i64} {
  func.func @_epilogue_body(%arg0: i32, %arg1: memref<1000x128xf32, #tpu.memory_space<vmem>>, %arg2: memref<1000x128xf32, #tpu.memory_space<vmem>>, %arg3: memref<1000x128xf32, #tpu.memory_space<vmem>>, %arg4: memref<1000x128xf32, #tpu.memory_space<vmem>>, %arg5: memref<1000x1xf32, #tpu.memory_space<vmem>>, %arg6: memref<1000x1xf32, #tpu.memory_space<vmem>>, %arg7: memref<256xf32, #tpu.memory_space<vmem>>, %arg8: memref<256xf32, #tpu.memory_space<vmem>>, %arg9: memref<256xf32, #tpu.memory_space<vmem>>, %arg10: memref<256xf32, #tpu.memory_space<vmem>>, %arg11: memref<1000x256xf32, #tpu.memory_space<vmem>>) attributes {dimension_semantics = [#tpu.dimension_semantics<arbitrary>], iteration_bounds = array<i64: 10>, scalar_prefetch = 0 : i64, scratch_operands = 0 : i64, tpu.core_type = #tpu.core_type<tc>, window_params = [{transform_indices = @transform_0, window_bounds = array<i64: 1000, 128>}, {transform_indices = @transform_1, window_bounds = array<i64: 1000, 128>}, {transform_indices = @transform_2, window_bounds = array<i64: 1000, 128>}, {transform_indices = @transform_3, window_bounds = array<i64: 1000, 128>}, {transform_indices = @transform_4, window_bounds = array<i64: 1000, 1>}, {transform_indices = @transform_5, window_bounds = array<i64: 1000, 1>}, {pipeline_mode = #tpu.pipeline_mode<synchronous>, transform_indices = @transform_6, window_bounds = array<i64: 256>}, {pipeline_mode = #tpu.pipeline_mode<synchronous>, transform_indices = @transform_7, window_bounds = array<i64: 256>}, {pipeline_mode = #tpu.pipeline_mode<synchronous>, transform_indices = @transform_8, window_bounds = array<i64: 256>}, {pipeline_mode = #tpu.pipeline_mode<synchronous>, transform_indices = @transform_9, window_bounds = array<i64: 256>}, {transform_indices = @transform_10, window_bounds = array<i64: 1000, 256>}]} {
    %get3A = arith.constant 0 : index
    %get3A_0 = arith.constant 0 : index
    %get3A_1 = vector.load %arg1[%get3A, %get3A_0] : memref<1000x128xf32, #tpu.memory_space<vmem>>, vector<1000x128xf32>
    %get3A_2 = arith.constant 0 : index
    %get3A_3 = arith.constant 0 : index
    %get3A_4 = vector.load %arg2[%get3A_2, %get3A_3] : memref<1000x128xf32, #tpu.memory_space<vmem>>, vector<1000x128xf32>
    %concatenate3A = tpu.concatenate %get3A_1, %get3A_4 in 1 : vector<1000x128xf32>, vector<1000x128xf32> -> vector<1000x256xf32>
    %get3A_5 = arith.constant 0 : index
    %get3A_6 = arith.constant 0 : index
    %get3A_7 = vector.load %arg5[%get3A_5, %get3A_6] : memref<1000x1xf32, #tpu.memory_space<vmem>>, vector<1000x1xf32>
    %gt3A = arith.constant 0.000000e+00 : f32
    %gt3A_8 = vector.broadcast %gt3A : f32 to vector<1000x1xf32>
    %gt3A_9 = arith.cmpf ogt, %get3A_7, %gt3A_8 : vector<1000x1xf32>
    %max3A = arith.constant 9.99999996E-13 : f32
    %max3A_10 = vector.broadcast %max3A : f32 to vector<1000x1xf32>
    %max3A_11 = arith.maximumf %get3A_7, %max3A_10 : vector<1000x1xf32>
    %rsqrt3A = math.rsqrt %max3A_11 : vector<1000x1xf32>
    %jit3A = arith.constant 0.000000e+00 : f32
    %broadcast_in_dim3A = vector.broadcast %jit3A : f32 to vector<1000x1xf32>
    %select_n3A = arith.select %gt3A_9, %rsqrt3A, %broadcast_in_dim3A : vector<1000x1xi1>, vector<1000x1xf32>
    %mul3A = vector.broadcast %select_n3A : vector<1000x1xf32> to vector<1000x256xf32>
    %mul3A_12 = arith.mulf %concatenate3A, %mul3A : vector<1000x256xf32>
    %get3A_13 = arith.constant 0 : index
    %get3A_14 = vector.load %arg7[%get3A_13] : memref<256xf32, #tpu.memory_space<vmem>>, vector<256xf32>
    %broadcast_in_dim3A_15 = vector.shape_cast %get3A_14 : vector<256xf32> to vector<1x256xf32>
    %add3A = vector.broadcast %broadcast_in_dim3A_15 : vector<1x256xf32> to vector<1000x256xf32>
    %add3A_16 = arith.addf %mul3A_12, %add3A : vector<1000x256xf32>
    %max3A_17 = arith.constant 0.000000e+00 : f32
    %max3A_18 = vector.broadcast %max3A_17 : f32 to vector<1000x256xf32>
    %max3A_19 = arith.maximumf %add3A_16, %max3A_18 : vector<1000x256xf32>
    %get3A_20 = arith.constant 0 : index
    %get3A_21 = arith.constant 0 : index
    %get3A_22 = vector.load %arg3[%get3A_20, %get3A_21] : memref<1000x128xf32, #tpu.memory_space<vmem>>, vector<1000x128xf32>
    %get3A_23 = arith.constant 0 : index
    %get3A_24 = arith.constant 0 : index
    %get3A_25 = vector.load %arg4[%get3A_23, %get3A_24] : memref<1000x128xf32, #tpu.memory_space<vmem>>, vector<1000x128xf32>
    %concatenate3A_26 = tpu.concatenate %get3A_22, %get3A_25 in 1 : vector<1000x128xf32>, vector<1000x128xf32> -> vector<1000x256xf32>
    %get3A_27 = arith.constant 0 : index
    %get3A_28 = arith.constant 0 : index
    %get3A_29 = vector.load %arg6[%get3A_27, %get3A_28] : memref<1000x1xf32, #tpu.memory_space<vmem>>, vector<1000x1xf32>
    %gt3A_30 = arith.constant 0.000000e+00 : f32
    %gt3A_31 = vector.broadcast %gt3A_30 : f32 to vector<1000x1xf32>
    %gt3A_32 = arith.cmpf ogt, %get3A_29, %gt3A_31 : vector<1000x1xf32>
    %max3A_33 = arith.constant 9.99999996E-13 : f32
    %max3A_34 = vector.broadcast %max3A_33 : f32 to vector<1000x1xf32>
    %max3A_35 = arith.maximumf %get3A_29, %max3A_34 : vector<1000x1xf32>
    %rsqrt3A_36 = math.rsqrt %max3A_35 : vector<1000x1xf32>
    %jit3A_37 = arith.constant 0.000000e+00 : f32
    %broadcast_in_dim3A_38 = vector.broadcast %jit3A_37 : f32 to vector<1000x1xf32>
    %select_n3A_39 = arith.select %gt3A_32, %rsqrt3A_36, %broadcast_in_dim3A_38 : vector<1000x1xi1>, vector<1000x1xf32>
    %mul3A_40 = vector.broadcast %select_n3A_39 : vector<1000x1xf32> to vector<1000x256xf32>
    %mul3A_41 = arith.mulf %concatenate3A_26, %mul3A_40 : vector<1000x256xf32>
    %get3A_42 = arith.constant 0 : index
    %get3A_43 = vector.load %arg8[%get3A_42] : memref<256xf32, #tpu.memory_space<vmem>>, vector<256xf32>
    %broadcast_in_dim3A_44 = vector.shape_cast %get3A_43 : vector<256xf32> to vector<1x256xf32>
    %add3A_45 = vector.broadcast %broadcast_in_dim3A_44 : vector<1x256xf32> to vector<1000x256xf32>
    %add3A_46 = arith.addf %mul3A_41, %add3A_45 : vector<1000x256xf32>
    %max3A_47 = arith.constant 0.000000e+00 : f32
    %max3A_48 = vector.broadcast %max3A_47 : f32 to vector<1000x256xf32>
    %max3A_49 = arith.maximumf %add3A_46, %max3A_48 : vector<1000x256xf32>
    %max3A_50 = arith.maximumf %max3A_19, %max3A_49 : vector<1000x256xf32>
    %sub3A = arith.subf %max3A_19, %max3A_49 : vector<1000x256xf32>
    %abs3A = math.absf %sub3A : vector<1000x256xf32>
    %neg3A = arith.constant 0.000000e+00 : f32
    %neg3A_51 = vector.broadcast %neg3A : f32 to vector<1000x256xf32>
    %neg3A_52 = arith.subf %neg3A_51, %abs3A : vector<1000x256xf32>
    %exp3A = math.exp %neg3A_52 : vector<1000x256xf32>
    %log1p3A = math.log1p %exp3A : vector<1000x256xf32>
    %add3A_53 = arith.addf %max3A_50, %log1p3A : vector<1000x256xf32>
    %reduce_sum3A = arith.constant dense<0.000000e+00> : vector<1000xf32>
    %reduce_sum3A_54 = vector.multi_reduction <add>, %add3A_53, %reduce_sum3A [1] : vector<1000x256xf32> to vector<1000xf32>
    %broadcast_in_dim3A_55 = vector.shape_cast %reduce_sum3A_54 : vector<1000xf32> to vector<1000x1xf32>
    %div3A = arith.constant 2.560000e+02 : f32
    %div3A_56 = vector.broadcast %div3A : f32 to vector<1000x1xf32>
    %div3A_57 = arith.divf %broadcast_in_dim3A_55, %div3A_56 : vector<1000x1xf32>
    %sub3A_58 = vector.broadcast %div3A_57 : vector<1000x1xf32> to vector<1000x256xf32>
    %sub3A_59 = arith.subf %add3A_53, %sub3A_58 : vector<1000x256xf32>
    %mul3A_60 = arith.mulf %sub3A_59, %sub3A_59 : vector<1000x256xf32>
    %reduce_sum3A_61 = arith.constant dense<0.000000e+00> : vector<1000xf32>
    %reduce_sum3A_62 = vector.multi_reduction <add>, %mul3A_60, %reduce_sum3A_61 [1] : vector<1000x256xf32> to vector<1000xf32>
    %broadcast_in_dim3A_63 = vector.shape_cast %reduce_sum3A_62 : vector<1000xf32> to vector<1000x1xf32>
    %div3A_64 = arith.constant 2.560000e+02 : f32
    %div3A_65 = vector.broadcast %div3A_64 : f32 to vector<1000x1xf32>
    %div3A_66 = arith.divf %broadcast_in_dim3A_63, %div3A_65 : vector<1000x1xf32>
    %add3A_67 = arith.constant 9.99999997E-7 : f32
    %add3A_68 = vector.broadcast %add3A_67 : f32 to vector<1000x1xf32>
    %add3A_69 = arith.addf %div3A_66, %add3A_68 : vector<1000x1xf32>
    %rsqrt3A_70 = math.rsqrt %add3A_69 : vector<1000x1xf32>
    %mul3A_71 = vector.broadcast %rsqrt3A_70 : vector<1000x1xf32> to vector<1000x256xf32>
    %mul3A_72 = arith.mulf %sub3A_59, %mul3A_71 : vector<1000x256xf32>
    %get3A_73 = arith.constant 0 : index
    %get3A_74 = vector.load %arg9[%get3A_73] : memref<256xf32, #tpu.memory_space<vmem>>, vector<256xf32>
    %broadcast_in_dim3A_75 = vector.shape_cast %get3A_74 : vector<256xf32> to vector<1x256xf32>
    %mul3A_76 = vector.broadcast %broadcast_in_dim3A_75 : vector<1x256xf32> to vector<1000x256xf32>
    %mul3A_77 = arith.mulf %mul3A_72, %mul3A_76 : vector<1000x256xf32>
    %get3A_78 = arith.constant 0 : index
    %get3A_79 = vector.load %arg10[%get3A_78] : memref<256xf32, #tpu.memory_space<vmem>>, vector<256xf32>
    %broadcast_in_dim3A_80 = vector.shape_cast %get3A_79 : vector<256xf32> to vector<1x256xf32>
    %add3A_81 = vector.broadcast %broadcast_in_dim3A_80 : vector<1x256xf32> to vector<1000x256xf32>
    %add3A_82 = arith.addf %mul3A_77, %add3A_81 : vector<1000x256xf32>
    %swap3A = arith.constant 0 : index
    %swap3A_83 = arith.constant 0 : index
    %swap3A_84 = vector.load %arg11[%swap3A, %swap3A_83] : memref<1000x256xf32, #tpu.memory_space<vmem>>, vector<1000x256xf32>
    tpu.vector_store %arg11[%swap3A, %swap3A_83], %add3A_82 {strides = array<i32>} : memref<1000x256xf32, #tpu.memory_space<vmem>>, vector<1000x256xf32>,
    return
  }
  func.func @transform_0(%arg0: i32) -> (i32, i32) {
    %c0_i32 = arith.constant 0 : i32
    %c0_i32_0 = arith.constant 0 : i32
    return %arg0, %c0_i32 : i32, i32
  }
  func.func @transform_1(%arg0: i32) -> (i32, i32) {
    %c0_i32 = arith.constant 0 : i32
    %c0_i32_0 = arith.constant 0 : i32
    return %arg0, %c0_i32 : i32, i32
  }
  func.func @transform_2(%arg0: i32) -> (i32, i32) {
    %c0_i32 = arith.constant 0 : i32
    %c0_i32_0 = arith.constant 0 : i32
    return %arg0, %c0_i32 : i32, i32
  }
  func.func @transform_3(%arg0: i32) -> (i32, i32) {
    %c0_i32 = arith.constant 0 : i32
    %c0_i32_0 = arith.constant 0 : i32
    return %arg0, %c0_i32 : i32, i32
  }
  func.func @transform_4(%arg0: i32) -> (i32, i32) {
    %c0_i32 = arith.constant 0 : i32
    %c0_i32_0 = arith.constant 0 : i32
    return %arg0, %c0_i32 : i32, i32
  }
  func.func @transform_5(%arg0: i32) -> (i32, i32) {
    %c0_i32 = arith.constant 0 : i32
    %c0_i32_0 = arith.constant 0 : i32
    return %arg0, %c0_i32 : i32, i32
  }
  func.func @transform_6(%arg0: i32) -> i32 {
    %c0_i32 = arith.constant 0 : i32
    %c0_i32_0 = arith.constant 0 : i32
    return %c0_i32 : i32
  }
  func.func @transform_7(%arg0: i32) -> i32 {
    %c0_i32 = arith.constant 0 : i32
    %c0_i32_0 = arith.constant 0 : i32
    return %c0_i32 : i32
  }
  func.func @transform_8(%arg0: i32) -> i32 {
    %c0_i32 = arith.constant 0 : i32
    %c0_i32_0 = arith.constant 0 : i32
    return %c0_i32 : i32
  }
  func.func @transform_9(%arg0: i32) -> i32 {
    %c0_i32 = arith.constant 0 : i32
    %c0_i32_0 = arith.constant 0 : i32
    return %c0_i32 : i32
  }
  func.func @transform_10(%arg0: i32) -> (i32, i32) {
    %c0_i32 = arith.constant 0 : i32
    %c0_i32_0 = arith.constant 0 : i32
    return %arg0, %c0_i32 : i32, i32
  }
}

</mosaic_0001>

<sc_bundles>
// kernel: kernel.11.cloned.1.call-start
scs
__scs_entry_jumppad:
0x0: {  	(pc) =	sbr.rel $0x88, $3  }
0x1: {  	(tag) =	ssettag $0x0;
	lr =	simm.s32 $0x1  }
0x2: {  	[smem:$0x3F97] =	sst lr;
	_ =	strace $0xD0000000  }
0x3: {  	_ = 	snop  }
0x4: {  	_ = 	snop  }
0x5: {  	_ = 	snop  }
0x6: {  	_ = 	snop  }
0x7: {  	_ = 	snop  }
__scs_overlays_trampoline_lowered:
0x8: {  	[smem:$0x3FA6] =	sst s0  }
0x9: {  	[smem:$0x3FA7] =	sst s1  }
0xa: {  	[smem:$0x3FA8] =	sst s2  }
0xb: {  	[smem:$0x3FA9] =	sst s3  }
0xc: {  	[smem:$0x3FAA] =	sst s4  }
0xd: {  	[smem:$0x3FAB] =	sst s5  }
0xe: {  	[smem:$0x3FAC] =	sst s6  }
0xf: {  	[smem:$0x3FAD] =	sst s7  }
0x10: {  	[smem:$0x3FAE] =	sst s8  }
0x11: {  	[smem:$0x3FAF] =	sst s9;
	s0 =	simm.s32 @!p0 $0x0  }
0x12: {  	s1 =	sld [smem:$0x3F95];
	s0 =	simm.s32 @p0 $0x1  }
0x13: {  	[smem:$0x3FB0] =	sst s0;
	s0 =	simm.s32 @!p1 $0x0  }
0x14: {  	s2 =	sld [smem:$0x3F94];
	s0 =	simm.s32 @p1 $0x1  }
0x15: {  	[smem:$0x3FB1] =	sst s0;
	s0 =	simm.s32 @!p2 $0x0  }
0x16: {  	s3 =	sld [smem:$0x3FDB];
	s0 =	simm.s32 @p2 $0x1  }
0x17: {  	s4 =	simm.s32 $0x1BF5;
	[smem:$0x3FB3] =	sst s0  }
0x18: {  	s0 =	sld [smem:$0x3F96];
	_ =	swait.ge [sflag:s4], $0x0  }
0x19: {  	s7 =	sld [smem:$0x3F97]  }
0x1a: {  	s8 =	sadd.s32 $0xFFFFE003, lr  }
0x1b: {  	s9 =	sadd.s32 $0xFFFFFEF7, lr;
	s5 =	simm.s32 $0xFFFFFFFF;
	p2 =	slt.u32 s8, $0xFFFFF086  }
0x1c: {  	p1 =	slt.u32 s9, $0xF7A;
	s5 =	simm.s32 @!p2 $0x0  }
0x1d: {  	s5 =	simm.s32 @p1 $0x1;
	p0 =	seq.s32 s7, s2  }
0x1e: {  	s7 =	smul.u32 @!p0 $0xF7A, s2;
	p2 =	seq.s32 @!p0 s5, $0x0  }
0x1f: {  	s9 =	smul.u32 $0xF7A, s1;
	s8 =	simm.s32 @!p0 $0x1BF5;
	p2 =	por !p2, p0  }
0x20: {  	[sflag:s8] =	ssyncset.s32 @!p0 $0xFFFFF086;
	s6 =	sadd.s32 @!p0 s3, s7;
	s7 =	simm.s32 @!p0 $0x108  }
0x21: {  	s3 =	sadd.s32 s3, s9;
	s6 =	sadd.s32 @!p0 $0x88, s6;
	s7 =	simm.s32 @p2 $0x1082  }
0x22: {  	[simem:s7], [sflag:s8] =	dma.local @!p0 [hbm:s6], $0xF7A  }
0x23: {  	s9 =	sor.u32 $0xD0000000, s2;
	s6 =	simm.s32 $0x108;
	_ =	swait.ge @!p0 [sflag:s8], $0x0  }
0x24: {  	s3 =	sadd.s32 $0x88, s3;
	s6 =	simm.s32 @!p1 $0x1082;
	[sflag:s4] =	ssyncset.s32 $0xFFFFF086  }
0x25: {  	[simem:s6], [sflag:s4] =	dma.local [hbm:s3], $0xF7A  }
0x26: {  	[smem:$0x3F97] =	sst s1;
	(tag) =	ssettag s2;
	_ =	strace s9  }
0x27: {  	s1 =	sld [smem:$0x3FA7]  }
0x28: {  	s2 =	sld [smem:$0x3FA8]  }
0x29: {  	s4 =	sld [smem:$0x3FAA]  }
0x2a: {  	p0 =	seq.s32 s5, $0x0;
	s5 =	sld [smem:$0x3FAB]  }
0x2b: {  	s6 =	sld [smem:$0x3FAC]  }
0x2c: {  	s7 =	sld [smem:$0x3FAD]  }
0x2d: {  	s3 =	simm.s32 $0x108;
	s8 =	sld [smem:$0x3FAE]  }
0x2e: {  	s3 =	simm.s32 @!p0 $0x1082;
	s9 =	sld [smem:$0x3FAF]  }
0x2f: {  	lr =	sadd.s32 s0, s3;
	s0 =	sld [smem:$0x3FA6]  }
0x30: {  	s3 =	sld [smem:$0x3FA9]  }
0x31: {  	[smem:$0x3FB2] =	sst s10  }
0x32: {  	s10 =	sld [smem:$0x3FB0];
	_ =	sdelay $0x3  }
0x33: {  	p0 =	seq.s32 s10, $0x1;
	s10 =	sld [smem:$0x3FB2];
	_ =	sdelay $0x3  }
0x34: {  	[smem:$0x3FB2] =	sst s10  }
0x35: {  	s10 =	sld [smem:$0x3FB1];
	_ =	sdelay $0x3  }
0x36: {  	p1 =	seq.s32 s10, $0x1;
	s10 =	sld [smem:$0x3FB2];
	_ =	sdelay $0x3  }
0x37: {  	[smem:$0x3FB2] =	sst s10  }
0x38: {  	s10 =	sld [smem:$0x3FB3]  }
0x39: {  	_ = 	snop;
	(pc) =	sbr.ind lr, $3  }
0x3a: {  	_ = 	snop  }
0x3b: {  	_ = 	snop  }
0x3c: {  	p2 =	seq.s32 s10, $0x1;
	s10 =	sld [smem:$0x3FB2]  }
0x3d: {  	_ =	shalt  }
0x3e: {  	_ =	shalt  }
0x3f: {  	_ =	shalt  }
0x40: {  	_ =	shalt  }
0x41: {  	_ =	shalt  }
0x42: {  	_ =	shalt  }
0x43: {  	_ =	shalt  }
0x44: {  	_ =	shalt  }
0x45: {  	_ =	shalt  }
0x46: {  	_ =	shalt  }
0x47: {  	_ =	shalt  }
0x48: {  	_ =	shalt  }
0x49: {  	_ =	shalt  }
0x4a: {  	_ =	shalt  }
0x4b: {  	_ =	shalt  }
0x4c: {  	_ =	shalt  }
0x4d: {  	_ =	shalt  }
0x4e: {  	_ =	shalt  }
0x4f: {  	_ =	shalt  }
0x50: {  	_ =	shalt  }
0x51: {  	_ =	shalt  }
0x52: {  	_ =	shalt  }
0x53: {  	_ =	shalt  }
0x54: {  	_ =	shalt  }
0x55: {  	_ =	shalt  }
0x56: {  	_ =	shalt  }
0x57: {  	_ =	shalt  }
0x58: {  	_ =	shalt  }
0x59: {  	_ =	shalt  }
0x5a: {  	_ =	shalt  }
0x5b: {  	_ =	shalt  }
0x5c: {  	_ =	shalt  }
0x5d: {  	_ =	shalt  }
0x5e: {  	_ =	shalt  }
0x5f: {  	_ =	shalt  }
0x60: {  	_ =	shalt  }
0x61: {  	_ =	shalt  }
0x62: {  	_ =	shalt  }
0x63: {  	_ =	shalt  }
0x64: {  	_ =	shalt  }
0x65: {  	_ =	shalt  }
0x66: {  	_ =	shalt  }
0x67: {  	_ =	shalt  }
0x68: {  	_ =	shalt  }
0x69: {  	_ =	shalt  }
0x6a: {  	_ =	shalt  }
0x6b: {  	_ =	shalt  }
0x6c: {  	_ =	shalt  }
0x6d: {  	_ =	shalt  }
0x6e: {  	_ =	shalt  }
0x6f: {  	_ =	shalt  }
0x70: {  	_ =	shalt  }
0x71: {  	_ =	shalt  }
0x72: {  	_ =	shalt  }
0x73: {  	_ =	shalt  }
0x74: {  	_ =	shalt  }
0x75: {  	_ =	shalt  }
0x76: {  	_ =	shalt  }
0x77: {  	_ =	shalt  }
0x78: {  	_ =	shalt  }
0x79: {  	_ =	shalt  }
0x7a: {  	_ =	shalt  }
0x7b: {  	_ =	shalt  }
0x7c: {  	_ =	shalt  }
0x7d: {  	_ =	shalt  }
0x7e: {  	_ =	shalt  }
0x7f: {  	_ =	shalt  }
0x80: {  	_ =	shalt  }
0x81: {  	_ =	shalt  }
0x82: {  	_ =	shalt  }
0x83: {  	_ =	shalt  }
0x84: {  	_ =	shalt  }
0x85: {  	_ =	shalt  }
0x86: {  	_ =	shalt  }
0x87: {  	_ =	shalt  }
.Lfunc_end0:
.L_simem_size_0:
called_computation.1_lowered:
.L_overlay_start_0:
0x88: {  	s2 =	sld [smem:$0x3FD9]  }
0x89: {  	s3 =	sld [smem:$0x3FFE];
	_ =	sdelay $0x1  }
0x8a: {  	s1 =	srdreg.scid  }
0x8b: {  	s0 =	sand.u32 $0x1, s1  }
0x8c: {  	s17 =	sshll.u32 s0, $0xA;
	s2 =	sadd.s32 s3, s2  }
0x8d: {  	s2 =	sadd.s32 s2, s17  }
0x8e: {  	[smem:$0x3FBE] =	sst s2  }
0x8f: {  	_ = 	snop  }
0x90: {  	s18 =	sld [smem:$0x3FD0];
	(tm) =	ssettm $0x1  }
0x91: {  	s19 =	sld [smem:$0x3FFB];
	_ =	sdelay $0x3  }
0x92: {  	_ =	strace s19  }
0x93: {  	s2 =	sld [smem:$0x3FFC];
	_ =	sdelay $0x3  }
0x94: {  	_ =	strace s2  }
0x95: {  	s2 =	sld [smem:$0x3FFD];
	_ =	sdelay $0x3  }
0x96: {  	_ =	strace s2  }
0x97: {  	_ =	strace $0x8FFFFFFF  }
0x98: {  	s20 =	sld [smem:$0x3FDB];
	_ =	sdelay $0x1  }
0x99: {  	s4 =	simm.s32 $_scs_section_size  }
0x9a: {  	s5 =	simm.s32 $_size__tile_overlayer_lowered;
	s6 =	simm.s32 $_tile_overlayer_lowered  }
0x9b: {  	s7 =	simm.s32 $0x1BFF;
	s21 =	sshll.u32 s6, $0x1;
	s4 =	sadd.s32 s4, s20  }
0x9c: {  	s22 =	simm.s32 $0x0;
	s5 =	sshll.u32 s5, $0x1;
	s6 =	sadd.s32 s21, s4  }
0x9d: {  	[timem:s22], [sflag:s7] =	dma.local [hbm:s6], s5  }
0x9e: {  	_ =	swait.ge [sflag:s7], s5  }
0x9f: {  	s5 =	ssub.s32 $0x0, s5;
	[sflag:s7] =	ssyncset.done $0x0  }
0xa0: {  	[sflag:s7] =	ssyncadd.s32 s5;
	_ =	sdelay $0x1  }
0xa1: {  	s23 =	simm.s32 $0x1B8B  }
0xa2: {  	_ =	swait.ge [sflag:s23], $0x1  }
0xa3: {  	[sflag:s23] =	ssyncset.done $0x0  }
0xa4: {  	[sflag:s23] =	ssyncadd.s32 $0xFFFFFFFF  }
0xa5: {  	s5 =	sld [smem:$0x0]  }
0xa6: {  	s6 =	sand.u32 $0xFFFFFFFE, s1  }
0xa7: {  	p0 =	sne.s32 s1, s6  }
0xa8: {  	s6 =	sshll.u32 @p0 s6, $0xE  }
0xa9: {  	s6 =	sadd.s32 @p0 $0x11B8D, s6;
	s7 =	sshll.u32 @p0 s5, $0x11  }
0xaa: {  	s6 =	sor.u32 @p0 s7, s6  }
0xab: {  	[sflag:s6] =	ssyncadd.remote.s32 @p0 $0x1;
	_ =	sdelay $0x1  }
0xac: {  	s6 =	simm.s32 @p0 $0x1B8D  }
0xad: {  	_ =	swait.eq @p0 [sflag:s6], $0x1  }
0xae: {  	[sflag:s6] =	ssyncadd.s32 @p0 $0xFFFFFFFF  }
0xaf: {  	s7 =	sshll.u32 @!p0 s1, $0xE  }
0xb0: {  	s7 =	sor.u32 @!p0 $0x4000, s7;
	s6 =	simm.s32 @!p0 $0x1B8D  }
0xb1: {  	s5 =	sshll.u32 @!p0 s5, $0x11;
	s7 =	sadd.s32 @!p0 $0x11B8D, s7;
	_ =	swait.eq @!p0 [sflag:s6], $0x1  }
0xb2: {  	s5 =	sor.u32 @!p0 s5, s7;
	[sflag:s6] =	ssyncadd.s32 @!p0 $0xFFFFFFFF  }
0xb3: {  	s25 =	simm.s32 $0x1B8E;
	s24 =	sld [smem:$0x3FFE];
	[sflag:s5] =	ssyncadd.remote.s32 @!p0 $0x1  }
0xb4: {  	s26 =	simm.s32 $execute0_lowered;
	[smem:$0x3FD2] =	sst s25  }
0xb5: {  	s6 =	sshll.u32 s26, $0x1;
	_ =	strace $0x8000004C;
	[dreg:$0x1] =	wrdreg $0xFFFFFFFF  }
0xb6: {  	s28 =	simm.s32 $_size_execute0_lowered;
	s4 =	sadd.s32 s4, s6;
	[dreg:$0x0] =	wrdreg $0x0  }
0xb7: {  	s6 =	sshll.u32 s28, $0x1;
	[dreg:$0x2] =	wrdreg s4  }
0xb8: {  	[dreg:$0x3] =	wrdreg s6  }
0xb9: {  	[dreg:$0x4] =	wrdreg $0xC0  }
0xba: {  	_ =	task [dreg:s22], $0x5FFFF  }
0xbb: {  	[dreg:$0x1] =	wrdreg $0xFFFFFFFF  }
0xbc: {  	[dreg:$0x0] =	wrdreg $0x60  }
0xbd: {  	[dreg:$0x2] =	wrdreg s18  }
0xbe: {  	[dreg:$0x3] =	wrdreg s24  }
0xbf: {  	[dreg:$0x4] =	wrdreg $0x0  }
0xc0: {  	[dreg:$0x5] =	wrdreg $0x9  }
0xc1: {  	_ =	task.clear_ibuf [dreg:s22], $0x6FFFF;
	_ =	strace $0x9000004C  }
0xc2: {  	s29 =	simm.s32 $0x9;
	_ =	strace $0x8000004E  }
0xc3: {  	_ =	swait.ge [sflag:s29], $0x1  }
0xc4: {  	[sflag:s29] =	ssyncadd.s32 $0xFFFFFFFF  }
0xc5: {  	_ =	strace $0x9000004E  }
0xc6: {  	_ =	sfence  }
0xc7: {  	s30 =	sld [smem:$0x0];
	_ =	sdelay $0x2  }
0xc8: {  	s31 =	sshll.u32 s1, $0xD;
	s1 =	sshrl.u32 s1, $0x2  }
0xc9: {  	s4 =	sand.u32 $0x4000, s31;
	s1 =	sadd.s32 s1, s30  }
0xca: {  	s0 =	sor.u32 s4, s0;
	s1 =	sshll.u32 s1, $0x11  }
0xcb: {  	s0 =	sor.u32 s1, s0  }
0xcc: {  	s0 =	sadd.s32 $0x8F2B, s0  }
0xcd: {  	[sflag:s0] =	ssyncadd.remote.s32 $0x1  }
0xce: {  	_ =	sfence.sel $0xFFFF  }
0xcf: {  	[dreg:$0x0] =	wrdreg $0xFFFFFFFF;
	(pc) =	sbr.abs _section_cstart, $3  }
0xd0: {  	[dreg:$0x1] =	wrdreg $0xFFFFFFFF  }
0xd1: {  	_ =	task.clear_ibuf [dreg:s22], $0x2FFFF;
	_ =	strace $0x9FFFFFFF  }
0xd2: {  	(tm) =	ssettm $0x7FFFFFFF  }
0xd3: {  	_ =	shalt  }
tec
execute0_lowered:
.L_overlay_start_1:
0x0: {  	(tag) =	ssettag $0x1  }
0x1: {  	s1 =	rddreg [dreg:$0x0]  }
0x2: {  	s0 =	rddreg [dreg:$0x1]  }
0x3: {  	s3 =	rddreg [dreg:$0x2];
	s2 =	simm.s32 $0x0  }
0x4: {  	s8 =	stileid.u32;
	s4 =	srdreg.scid;
	s13 =	simm.s32 $0x1EAA0  }
0x5: {  	s14 =	simm.s32 $0xB;
	s15 =	simm.s32 $0x13880;
	s17 =	simm.s32 $0x28  }
0x6: {  	s18 =	simm.s32 $0x186A0;
	s28 =	simm.s32 $0x1D6A0;
	s29 =	simm.s32 $0x1  }
0x7: {  	s30 =	simm.s32 $0x2;
	s31 =	simm.s32 $0x3;
	s16 =	simm.s32 $0x5  }
0x8: {  	s19 =	simm.s32 $0x7;
	[smem:$0x7FF] =	sst s2;
	s20 =	smul.u32 $0x4E2, s8  }
0x9: {  	s4 =	sand.u32 $0x1, s4;
	s5 =	sadd.s32 $0xB4600, s0;
	s11 =	smul.u32 $0x13880, s8  }
0xa: {  	s7 =	sadd.s32 $0xDB800, s0;
	s23 =	smul.u32 $0x4E200, s8;
	_ =	strace $0x8000004D  }
0xb: {  	s6 =	ssub.s32 $0x2, s4;
	[dreg:$0x4] =	wrdreg s7;
	p0 =	sne.s32 s4, $0x0  }
0xc: {  	s7 =	simm.s32 $0x9;
	s2 =	sadd.s32 s20, s0;
	s21 =	sshrl.u32 s6, $0x1  }
0xd: {  	s0 =	sadd.s32 $0x102A00, s0;
	s10 =	sshrl.u32 s11, $0x3;
	s25 =	sadd.s32 s11, s3  }
0xe: {  	s26 =	sshrl.u32 s23, $0x2;
	s20 =	simm.s32 $0x19AA0;
	s23 =	simm.s32 $0xA  }
.Ltmp0:
0xf: {  	[dreg:$0x5] =	wrdreg s0;
	s22 =	ssub.s32 s6, s21;
	(pc) =	sbr.rel .LBB2_1-.Ltmp0, $4  }
0x10: {  	s24 =	sadd.s32 $0x11C00, s2;
	s9 =	sadd.s32 $0xCC00, s2;
	s12 =	sadd.s32 s26, s3  }
0x11: {  	s25 =	sshrl.u32 s25, $0x3;
	s0 =	simm.s32 $0x4;
	s6 =	simm.s32 $0x6  }
0x12: {  	s21 =	simm.s32 $0x8;
	s2 =	simm.s32 $0x0;
	[dreg:$0x6] =	wrdreg s24  }
0x13: {  	v0 =	vimm.f32 $0.0e+00;
	s11 =	smax.u32 s22, $0x1;
	s22 =	simm.s32 $0x1AEA0;
	s24 =	simm.s32 $0x1C2A0  }
.LBB2_11:
0x14: {  	[tilespmem:s28], [sflag:$0x5] =	stream.indirect.gather [hbm4b:s5+s17], $0x80, s4, s17, $0xb8;
	[tilespmem:$0x1F720] =	vst v63  }
0x15: {  	s4 =	rddreg [dreg:$0x5]  }
.LBB2_12:
0x16: {  	_ =	swait.ge [sflag:s29], $0x1400  }
0x17: {  	[sflag:s29] =	ssyncset.done $0x0  }
0x18: {  	s8 =	simm.s32 $0x185D8;
	[sflag:s29] =	ssyncadd.s32 $0xFFFFEC00  }
0x19: {  	[spmem:s3] =	stream.indirect.scatter.add.f32 [tilespmem:s18], [sflag:$0x6], $0x80, s8, s17, $0xb8;
	[tilespmem:$0x1F720] =	vst v63  }
0x1a: {  	_ =	swait.ge [sflag:s30], $0x1400  }
0x1b: {  	[sflag:s30] =	ssyncset.done $0x0  }
0x1c: {  	s26 =	simm.s32 $0x18600;
	[sflag:s30] =	ssyncadd.s32 $0xFFFFEC00  }
0x1d: {  	[spmem:s3] =	stream.indirect.scatter.add.f32 [tilespmem:s20], [sflag:$0x7], $0x80, s26, s17, $0xb8;
	[tilespmem:$0x1F720] =	vst v63  }
0x1e: {  	_ =	swait.ge [sflag:s31], $0x1400  }
0x1f: {  	[sflag:s31] =	ssyncset.done $0x0  }
0x20: {  	s26 =	simm.s32 $0x18628;
	[sflag:s31] =	ssyncadd.s32 $0xFFFFEC00  }
0x21: {  	[spmem:s3] =	stream.indirect.scatter.add.f32 [tilespmem:s22], [sflag:$0x8], $0x80, s26, s17, $0xb8;
	[tilespmem:$0x1F720] =	vst v63  }
0x22: {  	_ =	swait.ge [sflag:s0], $0x1400  }
0x23: {  	[sflag:s0] =	ssyncset.done $0x0  }
0x24: {  	s26 =	simm.s32 $0x18650;
	[sflag:s0] =	ssyncadd.s32 $0xFFFFEC00  }
0x25: {  	[spmem:s3] =	stream.indirect.scatter.add.f32 [tilespmem:s24], [sflag:$0x9], $0x80, s26, s17, $0xb8;
	[tilespmem:$0x1F720] =	vst v63  }
0x26: {  	_ =	swait.ge [sflag:s16], $0x1400  }
0x27: {  	[sflag:s16] =	ssyncset.done $0x0  }
0x28: {  	s26 =	simm.s32 $0x18678;
	[sflag:s16] =	ssyncadd.s32 $0xFFFFEC00  }
0x29: {  	[spmem:s3] =	stream.indirect.scatter.add.f32 [tilespmem:s28], [sflag:$0xA], $0x80, s26, s17, $0xb8;
	[tilespmem:$0x1F720] =	vst v63  }
0x2a: {  	_ =	swait.ge [sflag:s6], $0x1400  }
0x2b: {  	[sflag:s6] =	ssyncset.done $0x0  }
0x2c: {  	[sflag:s6] =	ssyncadd.s32 $0xFFFFEC00  }
0x2d: {  	_ =	swait.ge [sflag:s19], $0x1400  }
0x2e: {  	[sflag:s19] =	ssyncset.done $0x0  }
0x2f: {  	[sflag:s19] =	ssyncadd.s32 $0xFFFFEC00  }
0x30: {  	_ =	swait.ge [sflag:s21], $0x1400  }
0x31: {  	[sflag:s21] =	ssyncset.done $0x0  }
0x32: {  	[sflag:s21] =	ssyncadd.s32 $0xFFFFEC00  }
0x33: {  	_ =	swait.ge [sflag:s7], $0x1400  }
0x34: {  	[sflag:s7] =	ssyncset.done $0x0  }
0x35: {  	[sflag:s7] =	ssyncadd.s32 $0xFFFFEC00  }
0x36: {  	s4 =	sadd.s32 s4, s10;
	_ =	swait.ge [sflag:s23], $0x1400  }
0x37: {  	s2 =	sadd.s32 $0x1, s2;
	s26 =	stileid.u32;
	[sflag:s23] =	ssyncset.done $0x0  }
0x38: {  	p1 =	sne.s32 s2, s11;
	s8 =	sshll.u32 s26, $0x6;
	[sflag:s23] =	ssyncadd.s32 $0xFFFFEC00  }
.Ltmp1:
0x39: {  	s8 =	sor.u32 $0x1C0B, s8;
	[bflag:$0x0] =	sbarrier.arrive $0xFFFF;
	(pc) =	sbr.rel @!p1 .LBB2_13-.Ltmp1, $4  }
0x3a: {  	[hbm:s4], [sflag:s8] =	dma.local [spmem:s25], $0x2710  }
0x3b: {  	_ =	swait.ge [sflag:s14], $0x2710  }
0x3c: {  	[sflag:s14] =	ssyncset.done $0x0  }
0x3d: {  	[sflag:s14] =	ssyncadd.s32 $0xFFFFD8F0  }
.LBB2_1:
0x3e: {  	s4 =	simm.s32 $0x0;
	s26 =	simm.s32 $0x200  }
.LBB2_2:
0x3f: {  	p1 =	sne.s32 s26, $0x3000;
	[tilespmem:s4+$0x1EB10] =	vst v0  }
0x40: {  	[tilespmem:s4+$0x1EAA0] =	vst v0  }
0x41: {  	[tilespmem:s4+$0x1EAB0] =	vst v0  }
.Ltmp2:
0x42: {  	[tilespmem:s4+$0x1EAC0] =	vst v0;
	(pc) =	sbr.rel @p1 .LBB2_2-.Ltmp2, $4  }
0x43: {  	[tilespmem:s4+$0x1EAD0] =	vst v0  }
0x44: {  	[tilespmem:s4+$0x1EAE0] =	vst v0  }
0x45: {  	[tilespmem:s4+$0x1EAF0] =	vst v0  }
0x46: {  	[tilespmem:s4+$0x1EB00] =	vst v0;
	s4 =	sshra.s32 s26, $0x2;
	s26 =	sadd.s32 $0x200, s26  }
0x47: {  	[tilespmem:s4+$0x1EB10] =	vst v0  }
0x48: {  	[tilespmem:s4+$0x1EAA0] =	vst v0  }
0x49: {  	[tilespmem:s4+$0x1EAB0] =	vst v0  }
0x4a: {  	[tilespmem:s4+$0x1EAC0] =	vst v0  }
0x4b: {  	[tilespmem:s4+$0x1EAD0] =	vst v0  }
0x4c: {  	[tilespmem:s4+$0x1EAE0] =	vst v0  }
0x4d: {  	[tilespmem:s4+$0x1EAF0] =	vst v0  }
0x4e: {  	[tilespmem:s4+$0x1EB00] =	vst v0;
	s26 =	sadd.s32 $0x0, s12  }
0x4f: {  	[spmem:s26] =	stream.linear.scatter [tilespmem:s13], [sflag:$0xB], $0xC80, $0x38;
	[tilespmem:$0x1F720] =	vst v63  }
0x50: {  	s4 =	simm.s32 $0x3200;
	_ =	swait.ge [sflag:s14], $0xC80  }
.LBB2_4:
0x51: {  	s26 =	sshra.s32 s4, $0x2;
	[sflag:s14] =	ssyncset.done $0x0;
	p1 =	sne.s32 s4, $0x4B000  }
.Ltmp3:
0x52: {  	s26 =	sadd.s32 s26, s12;
	[sflag:s14] =	ssyncadd.s32 $0xFFFFF380;
	(pc) =	sbr.rel @p1 .LBB2_4-.Ltmp3, $3  }
0x53: {  	[spmem:s26] =	stream.linear.scatter [tilespmem:s13], [sflag:$0xB], $0xC80, $0x38;
	[tilespmem:$0x1F720] =	vst v63  }
0x54: {  	s4 =	sadd.s32 $0x3200, s4;
	_ =	sdelay $0x1  }
0x55: {  	_ =	swait.ge [sflag:s14], $0xC80  }
0x56: {  	[sflag:s14] =	ssyncset.done $0x0  }
0x57: {  	s4 =	simm.s32 $0x0;
	s8 =	rddreg [dreg:$0x6];
	[sflag:s14] =	ssyncadd.s32 $0xFFFFF380  }
0x58: {  	[tilespmem:s15], [sflag:$0xB] =	stream.linear.gather [hbm4b:s8+s4], $0x2710, $0x38;
	[tilespmem:$0x1F720] =	vst v63  }
0x59: {  	_ =	swait.ge [sflag:s14], $0x2710  }
0x5a: {  	[sflag:s14] =	ssyncset.done $0x0  }
0x5b: {  	s26 =	simm.s32 $0x15F90;
	[sflag:s14] =	ssyncadd.s32 $0xFFFFD8F0  }
0x5c: {  	[tilespmem:s26], [sflag:$0xB] =	stream.linear.gather [hbm4b:s9+s4], $0x2710, $0x38;
	[tilespmem:$0x1F720] =	vst v63  }
.Ltmp4:
0x5d: {  	_ =	swait.ge [sflag:s14], $0x2710;
	(pc) =	sbr.rel @p0 .LBB2_9-.Ltmp4, $3  }
0x5e: {  	[sflag:s14] =	ssyncset.done $0x0  }
0x5f: {  	[sflag:s14] =	ssyncadd.s32 $0xFFFFD8F0  }
0x60: {  	[bflag:$0x0] =	sbarrier.arrive $0xFFFF;
	_ =	sdelay $0x1  }
0x61: {  	[tilespmem:s18], [sflag:$0x1] =	stream.indirect.gather [hbm4b:s1+s17], $0x80, s15, s17, $0xb8;
	[tilespmem:$0x1F720] =	vst v63  }
0x62: {  	s4 =	simm.s32 $0x138A8  }
0x63: {  	[tilespmem:s20], [sflag:$0x2] =	stream.indirect.gather [hbm4b:s1+s17], $0x80, s4, s17, $0xb8;
	[tilespmem:$0x1F720] =	vst v63  }
0x64: {  	s8 =	simm.s32 $0x138D0  }
0x65: {  	[tilespmem:s22], [sflag:$0x3] =	stream.indirect.gather [hbm4b:s1+s17], $0x80, s8, s17, $0xb8;
	[tilespmem:$0x1F720] =	vst v63  }
0x66: {  	s26 =	simm.s32 $0x138F8  }
0x67: {  	[tilespmem:s24], [sflag:$0x4] =	stream.indirect.gather [hbm4b:s1+s17], $0x80, s26, s17, $0xb8;
	[tilespmem:$0x1F720] =	vst v63  }
0x68: {  	s8 =	simm.s32 $0x13920  }
0x69: {  	[tilespmem:s28], [sflag:$0x5] =	stream.indirect.gather [hbm4b:s1+s17], $0x80, s8, s17, $0xb8;
	[tilespmem:$0x1F720] =	vst v63  }
0x6a: {  	_ =	swait.ge [sflag:s29], $0x1400  }
0x6b: {  	[sflag:s29] =	ssyncset.done $0x0  }
0x6c: {  	s26 =	simm.s32 $0x15F90;
	[sflag:s29] =	ssyncadd.s32 $0xFFFFEC00  }
0x6d: {  	[spmem:s3] =	stream.indirect.scatter.add.f32 [tilespmem:s18], [sflag:$0x6], $0x80, s26, s17, $0xb8;
	[tilespmem:$0x1F720] =	vst v63  }
0x6e: {  	_ =	swait.ge [sflag:s30], $0x1400  }
0x6f: {  	[sflag:s30] =	ssyncset.done $0x0  }
0x70: {  	s8 =	simm.s32 $0x15FB8;
	[sflag:s30] =	ssyncadd.s32 $0xFFFFEC00  }
0x71: {  	[spmem:s3] =	stream.indirect.scatter.add.f32 [tilespmem:s20], [sflag:$0x7], $0x80, s8, s17, $0xb8;
	[tilespmem:$0x1F720] =	vst v63  }
0x72: {  	_ =	swait.ge [sflag:s31], $0x1400  }
0x73: {  	[sflag:s31] =	ssyncset.done $0x0  }
0x74: {  	s26 =	simm.s32 $0x15FE0;
	[sflag:s31] =	ssyncadd.s32 $0xFFFFEC00  }
0x75: {  	[spmem:s3] =	stream.indirect.scatter.add.f32 [tilespmem:s22], [sflag:$0x8], $0x80, s26, s17, $0xb8;
	[tilespmem:$0x1F720] =	vst v63  }
0x76: {  	_ =	swait.ge [sflag:s0], $0x1400  }
0x77: {  	[sflag:s0] =	ssyncset.done $0x0  }
0x78: {  	s8 =	simm.s32 $0x16008;
	[sflag:s0] =	ssyncadd.s32 $0xFFFFEC00  }
0x79: {  	[spmem:s3] =	stream.indirect.scatter.add.f32 [tilespmem:s24], [sflag:$0x9], $0x80, s8, s17, $0xb8;
	[tilespmem:$0x1F720] =	vst v63  }
0x7a: {  	_ =	swait.ge [sflag:s16], $0x1400  }
0x7b: {  	[sflag:s16] =	ssyncset.done $0x0  }
0x7c: {  	s26 =	simm.s32 $0x16030;
	[sflag:s16] =	ssyncadd.s32 $0xFFFFEC00  }
0x7d: {  	[spmem:s3] =	stream.indirect.scatter.add.f32 [tilespmem:s28], [sflag:$0xA], $0x80, s26, s17, $0xb8;
	[tilespmem:$0x1F720] =	vst v63  }
0x7e: {  	_ =	swait.ge [sflag:s6], $0x1400  }
0x7f: {  	[sflag:s6] =	ssyncset.done $0x0  }
0x80: {  	s8 =	simm.s32 $0x13948;
	[sflag:s6] =	ssyncadd.s32 $0xFFFFEC00  }
0x81: {  	[tilespmem:s18], [sflag:$0x1] =	stream.indirect.gather [hbm4b:s1+s17], $0x80, s8, s17, $0xb8;
	[tilespmem:$0x1F720] =	vst v63  }
0x82: {  	_ =	swait.ge [sflag:s19], $0x1400  }
0x83: {  	[sflag:s19] =	ssyncset.done $0x0  }
0x84: {  	s26 =	simm.s32 $0x13970;
	[sflag:s19] =	ssyncadd.s32 $0xFFFFEC00  }
0x85: {  	[tilespmem:s20], [sflag:$0x2] =	stream.indirect.gather [hbm4b:s1+s17], $0x80, s26, s17, $0xb8;
	[tilespmem:$0x1F720] =	vst v63  }
0x86: {  	_ =	swait.ge [sflag:s21], $0x1400  }
0x87: {  	[sflag:s21] =	ssyncset.done $0x0  }
0x88: {  	s8 =	simm.s32 $0x13998;
	[sflag:s21] =	ssyncadd.s32 $0xFFFFEC00  }
0x89: {  	[tilespmem:s22], [sflag:$0x3] =	stream.indirect.gather [hbm4b:s1+s17], $0x80, s8, s17, $0xb8;
	[tilespmem:$0x1F720] =	vst v63  }
0x8a: {  	_ =	swait.ge [sflag:s7], $0x1400  }
0x8b: {  	[sflag:s7] =	ssyncset.done $0x0  }
0x8c: {  	s26 =	simm.s32 $0x139C0;
	[sflag:s7] =	ssyncadd.s32 $0xFFFFEC00  }
0x8d: {  	[tilespmem:s24], [sflag:$0x4] =	stream.indirect.gather [hbm4b:s1+s17], $0x80, s26, s17, $0xb8;
	[tilespmem:$0x1F720] =	vst v63  }
0x8e: {  	_ =	swait.ge [sflag:s23], $0x1400  }
0x8f: {  	[sflag:s23] =	ssyncset.done $0x0  }
0x90: {  	s4 =	simm.s32 $0x139E8;
	s26 =	simm.s32 $0x320;
	[sflag:s23] =	ssyncadd.s32 $0xFFFFEC00  }
.LBB2_7:
0x91: {  	[tilespmem:s28], [sflag:$0x5] =	stream.indirect.gather [hbm4b:s1+s17], $0x80, s4, s17, $0xb8;
	[tilespmem:$0x1F720] =	vst v63  }
0x92: {  	s4 =	smov.u32 s26  }
0x93: {  	p1 =	seq.s32 s26, $0x9600;
	s26 =	sadd.s32 $0x320, s26;
	_ =	swait.ge [sflag:s29], $0x1400  }
0x94: {  	s4 =	sshra.s32 s4, $0x2;
	[sflag:s29] =	ssyncset.done $0x0  }
0x95: {  	s8 =	sadd.s32 $0x15F90, s4;
	[sflag:s29] =	ssyncadd.s32 $0xFFFFEC00  }
0x96: {  	[spmem:s3] =	stream.indirect.scatter.add.f32 [tilespmem:s18], [sflag:$0x6], $0x80, s8, s17, $0xb8;
	[tilespmem:$0x1F720] =	vst v63  }
0x97: {  	_ =	swait.ge [sflag:s30], $0x1400  }
0x98: {  	[sflag:s30] =	ssyncset.done $0x0  }
0x99: {  	s8 =	sadd.s32 $0x15FB8, s4;
	[sflag:s30] =	ssyncadd.s32 $0xFFFFEC00  }
0x9a: {  	[spmem:s3] =	stream.indirect.scatter.add.f32 [tilespmem:s20], [sflag:$0x7], $0x80, s8, s17, $0xb8;
	[tilespmem:$0x1F720] =	vst v63  }
0x9b: {  	_ =	swait.ge [sflag:s31], $0x1400  }
0x9c: {  	[sflag:s31] =	ssyncset.done $0x0  }
0x9d: {  	s8 =	sadd.s32 $0x15FE0, s4;
	[sflag:s31] =	ssyncadd.s32 $0xFFFFEC00  }
0x9e: {  	[spmem:s3] =	stream.indirect.scatter.add.f32 [tilespmem:s22], [sflag:$0x8], $0x80, s8, s17, $0xb8;
	[tilespmem:$0x1F720] =	vst v63  }
0x9f: {  	_ =	swait.ge [sflag:s0], $0x1400  }
0xa0: {  	[sflag:s0] =	ssyncset.done $0x0  }
0xa1: {  	s8 =	sadd.s32 $0x16008, s4;
	[sflag:s0] =	ssyncadd.s32 $0xFFFFEC00  }
0xa2: {  	[spmem:s3] =	stream.indirect.scatter.add.f32 [tilespmem:s24], [sflag:$0x9], $0x80, s8, s17, $0xb8;
	[tilespmem:$0x1F720] =	vst v63  }
0xa3: {  	_ =	swait.ge [sflag:s16], $0x1400  }
0xa4: {  	[sflag:s16] =	ssyncset.done $0x0  }
0xa5: {  	s8 =	sadd.s32 $0x16030, s4;
	[sflag:s16] =	ssyncadd.s32 $0xFFFFEC00  }
0xa6: {  	[spmem:s3] =	stream.indirect.scatter.add.f32 [tilespmem:s28], [sflag:$0xA], $0x80, s8, s17, $0xb8;
	[tilespmem:$0x1F720] =	vst v63  }
0xa7: {  	_ =	swait.ge [sflag:s6], $0x1400  }
0xa8: {  	[sflag:s6] =	ssyncset.done $0x0  }
0xa9: {  	s8 =	sadd.s32 $0x13948, s4;
	[sflag:s6] =	ssyncadd.s32 $0xFFFFEC00  }
0xaa: {  	[tilespmem:s18], [sflag:$0x1] =	stream.indirect.gather [hbm4b:s1+s17], $0x80, s8, s17, $0xb8;
	[tilespmem:$0x1F720] =	vst v63  }
0xab: {  	_ =	swait.ge [sflag:s19], $0x1400  }
0xac: {  	[sflag:s19] =	ssyncset.done $0x0  }
0xad: {  	s8 =	sadd.s32 $0x13970, s4;
	[sflag:s19] =	ssyncadd.s32 $0xFFFFEC00  }
0xae: {  	[tilespmem:s20], [sflag:$0x2] =	stream.indirect.gather [hbm4b:s1+s17], $0x80, s8, s17, $0xb8;
	[tilespmem:$0x1F720] =	vst v63  }
0xaf: {  	_ =	swait.ge [sflag:s21], $0x1400  }
0xb0: {  	[sflag:s21] =	ssyncset.done $0x0  }
0xb1: {  	s8 =	sadd.s32 $0x13998, s4;
	[sflag:s21] =	ssyncadd.s32 $0xFFFFEC00  }
0xb2: {  	[tilespmem:s22], [sflag:$0x3] =	stream.indirect.gather [hbm4b:s1+s17], $0x80, s8, s17, $0xb8;
	[tilespmem:$0x1F720] =	vst v63  }
0xb3: {  	_ =	swait.ge [sflag:s7], $0x1400  }
0xb4: {  	[sflag:s7] =	ssyncset.done $0x0  }
.Ltmp5:
0xb5: {  	s8 =	sadd.s32 $0x139C0, s4;
	[sflag:s7] =	ssyncadd.s32 $0xFFFFEC00;
	(pc) =	sbr.rel @!p1 .LBB2_7-.Ltmp5, $4  }
0xb6: {  	[tilespmem:s24], [sflag:$0x4] =	stream.indirect.gather [hbm4b:s1+s17], $0x80, s8, s17, $0xb8;
	[tilespmem:$0x1F720] =	vst v63  }
0xb7: {  	_ =	swait.ge [sflag:s23], $0x1400  }
0xb8: {  	[sflag:s23] =	ssyncset.done $0x0  }
0xb9: {  	s4 =	sadd.s32 $0x139E8, s4;
	[sflag:s23] =	ssyncadd.s32 $0xFFFFEC00  }
.Ltmp6:
0xba: {  	(pc) =	sbr.rel .LBB2_12-.Ltmp6, $3  }
0xbb: {  	_ =	sdelay $0x1  }
0xbc: {  	[tilespmem:s28], [sflag:$0x5] =	stream.indirect.gather [hbm4b:s1+s17], $0x80, s4, s17, $0xb8;
	[tilespmem:$0x1F720] =	vst v63  }
0xbd: {  	s4 =	rddreg [dreg:$0x4]  }
.LBB2_9:
0xbe: {  	[tilespmem:s18], [sflag:$0x1] =	stream.indirect.gather [hbm4b:s5+s17], $0x80, s15, s17, $0xb8;
	[tilespmem:$0x1F720] =	vst v63  }
0xbf: {  	s4 =	simm.s32 $0x138A8  }
0xc0: {  	[tilespmem:s20], [sflag:$0x2] =	stream.indirect.gather [hbm4b:s5+s17], $0x80, s4, s17, $0xb8;
	[tilespmem:$0x1F720] =	vst v63  }
0xc1: {  	s8 =	simm.s32 $0x138D0  }
0xc2: {  	[tilespmem:s22], [sflag:$0x3] =	stream.indirect.gather [hbm4b:s5+s17], $0x80, s8, s17, $0xb8;
	[tilespmem:$0x1F720] =	vst v63  }
0xc3: {  	s26 =	simm.s32 $0x138F8  }
0xc4: {  	[tilespmem:s24], [sflag:$0x4] =	stream.indirect.gather [hbm4b:s5+s17], $0x80, s26, s17, $0xb8;
	[tilespmem:$0x1F720] =	vst v63  }
0xc5: {  	s8 =	simm.s32 $0x13920  }
0xc6: {  	[tilespmem:s28], [sflag:$0x5] =	stream.indirect.gather [hbm4b:s5+s17], $0x80, s8, s17, $0xb8;
	[tilespmem:$0x1F720] =	vst v63  }
0xc7: {  	_ =	swait.ge [sflag:s29], $0x1400  }
0xc8: {  	[sflag:s29] =	ssyncset.done $0x0  }
0xc9: {  	s26 =	simm.s32 $0x15F90;
	[sflag:s29] =	ssyncadd.s32 $0xFFFFEC00  }
0xca: {  	[spmem:s3] =	stream.indirect.scatter.add.f32 [tilespmem:s18], [sflag:$0x6], $0x80, s26, s17, $0xb8;
	[tilespmem:$0x1F720] =	vst v63  }
0xcb: {  	_ =	swait.ge [sflag:s30], $0x1400  }
0xcc: {  	[sflag:s30] =	ssyncset.done $0x0  }
0xcd: {  	s8 =	simm.s32 $0x15FB8;
	[sflag:s30] =	ssyncadd.s32 $0xFFFFEC00  }
0xce: {  	[spmem:s3] =	stream.indirect.scatter.add.f32 [tilespmem:s20], [sflag:$0x7], $0x80, s8, s17, $0xb8;
	[tilespmem:$0x1F720] =	vst v63  }
0xcf: {  	_ =	swait.ge [sflag:s31], $0x1400  }
0xd0: {  	[sflag:s31] =	ssyncset.done $0x0  }
0xd1: {  	s26 =	simm.s32 $0x15FE0;
	[sflag:s31] =	ssyncadd.s32 $0xFFFFEC00  }
0xd2: {  	[spmem:s3] =	stream.indirect.scatter.add.f32 [tilespmem:s22], [sflag:$0x8], $0x80, s26, s17, $0xb8;
	[tilespmem:$0x1F720] =	vst v63  }
0xd3: {  	_ =	swait.ge [sflag:s0], $0x1400  }
0xd4: {  	[sflag:s0] =	ssyncset.done $0x0  }
0xd5: {  	s8 =	simm.s32 $0x16008;
	[sflag:s0] =	ssyncadd.s32 $0xFFFFEC00  }
0xd6: {  	[spmem:s3] =	stream.indirect.scatter.add.f32 [tilespmem:s24], [sflag:$0x9], $0x80, s8, s17, $0xb8;
	[tilespmem:$0x1F720] =	vst v63  }
0xd7: {  	_ =	swait.ge [sflag:s16], $0x1400  }
0xd8: {  	[sflag:s16] =	ssyncset.done $0x0  }
0xd9: {  	s26 =	simm.s32 $0x16030;
	[sflag:s16] =	ssyncadd.s32 $0xFFFFEC00  }
0xda: {  	[spmem:s3] =	stream.indirect.scatter.add.f32 [tilespmem:s28], [sflag:$0xA], $0x80, s26, s17, $0xb8;
	[tilespmem:$0x1F720] =	vst v63  }
0xdb: {  	_ =	swait.ge [sflag:s6], $0x1400  }
0xdc: {  	[sflag:s6] =	ssyncset.done $0x0  }
0xdd: {  	s8 =	simm.s32 $0x13948;
	[sflag:s6] =	ssyncadd.s32 $0xFFFFEC00  }
0xde: {  	[tilespmem:s18], [sflag:$0x1] =	stream.indirect.gather [hbm4b:s5+s17], $0x80, s8, s17, $0xb8;
	[tilespmem:$0x1F720] =	vst v63  }
0xdf: {  	_ =	swait.ge [sflag:s19], $0x1400  }
0xe0: {  	[sflag:s19] =	ssyncset.done $0x0  }
0xe1: {  	s26 =	simm.s32 $0x13970;
	[sflag:s19] =	ssyncadd.s32 $0xFFFFEC00  }
0xe2: {  	[tilespmem:s20], [sflag:$0x2] =	stream.indirect.gather [hbm4b:s5+s17], $0x80, s26, s17, $0xb8;
	[tilespmem:$0x1F720] =	vst v63  }
0xe3: {  	_ =	swait.ge [sflag:s21], $0x1400  }
0xe4: {  	[sflag:s21] =	ssyncset.done $0x0  }
0xe5: {  	s8 =	simm.s32 $0x13998;
	[sflag:s21] =	ssyncadd.s32 $0xFFFFEC00  }
0xe6: {  	[tilespmem:s22], [sflag:$0x3] =	stream.indirect.gather [hbm4b:s5+s17], $0x80, s8, s17, $0xb8;
	[tilespmem:$0x1F720] =	vst v63  }
0xe7: {  	_ =	swait.ge [sflag:s7], $0x1400  }
0xe8: {  	[sflag:s7] =	ssyncset.done $0x0  }
0xe9: {  	s26 =	simm.s32 $0x139C0;
	[sflag:s7] =	ssyncadd.s32 $0xFFFFEC00  }
0xea: {  	[tilespmem:s24], [sflag:$0x4] =	stream.indirect.gather [hbm4b:s5+s17], $0x80, s26, s17, $0xb8;
	[tilespmem:$0x1F720] =	vst v63  }
0xeb: {  	_ =	swait.ge [sflag:s23], $0x1400  }
0xec: {  	[sflag:s23] =	ssyncset.done $0x0  }
0xed: {  	s4 =	simm.s32 $0x139E8;
	s26 =	simm.s32 $0x320;
	[sflag:s23] =	ssyncadd.s32 $0xFFFFEC00  }
.LBB2_10:
0xee: {  	[tilespmem:s28], [sflag:$0x5] =	stream.indirect.gather [hbm4b:s5+s17], $0x80, s4, s17, $0xb8;
	[tilespmem:$0x1F720] =	vst v63  }
0xef: {  	s4 =	smov.u32 s26  }
0xf0: {  	p1 =	sne.s32 s26, $0x9600;
	s26 =	sadd.s32 $0x320, s26;
	_ =	swait.ge [sflag:s29], $0x1400  }
0xf1: {  	s4 =	sshra.s32 s4, $0x2;
	[sflag:s29] =	ssyncset.done $0x0  }
0xf2: {  	s8 =	sadd.s32 $0x15F90, s4;
	[sflag:s29] =	ssyncadd.s32 $0xFFFFEC00  }
0xf3: {  	[spmem:s3] =	stream.indirect.scatter.add.f32 [tilespmem:s18], [sflag:$0x6], $0x80, s8, s17, $0xb8;
	[tilespmem:$0x1F720] =	vst v63  }
0xf4: {  	_ =	swait.ge [sflag:s30], $0x1400  }
0xf5: {  	[sflag:s30] =	ssyncset.done $0x0  }
0xf6: {  	s8 =	sadd.s32 $0x15FB8, s4;
	[sflag:s30] =	ssyncadd.s32 $0xFFFFEC00  }
0xf7: {  	[spmem:s3] =	stream.indirect.scatter.add.f32 [tilespmem:s20], [sflag:$0x7], $0x80, s8, s17, $0xb8;
	[tilespmem:$0x1F720] =	vst v63  }
0xf8: {  	_ =	swait.ge [sflag:s31], $0x1400  }
0xf9: {  	[sflag:s31] =	ssyncset.done $0x0  }
0xfa: {  	s8 =	sadd.s32 $0x15FE0, s4;
	[sflag:s31] =	ssyncadd.s32 $0xFFFFEC00  }
0xfb: {  	[spmem:s3] =	stream.indirect.scatter.add.f32 [tilespmem:s22], [sflag:$0x8], $0x80, s8, s17, $0xb8;
	[tilespmem:$0x1F720] =	vst v63  }
0xfc: {  	_ =	swait.ge [sflag:s0], $0x1400  }
0xfd: {  	[sflag:s0] =	ssyncset.done $0x0  }
0xfe: {  	s8 =	sadd.s32 $0x16008, s4;
	[sflag:s0] =	ssyncadd.s32 $0xFFFFEC00  }
0xff: {  	[spmem:s3] =	stream.indirect.scatter.add.f32 [tilespmem:s24], [sflag:$0x9], $0x80, s8, s17, $0xb8;
	[tilespmem:$0x1F720] =	vst v63  }
0x100: {  	_ =	swait.ge [sflag:s16], $0x1400  }
0x101: {  	[sflag:s16] =	ssyncset.done $0x0  }
0x102: {  	s8 =	sadd.s32 $0x16030, s4;
	[sflag:s16] =	ssyncadd.s32 $0xFFFFEC00  }
0x103: {  	[spmem:s3] =	stream.indirect.scatter.add.f32 [tilespmem:s28], [sflag:$0xA], $0x80, s8, s17, $0xb8;
	[tilespmem:$0x1F720] =	vst v63  }
0x104: {  	_ =	swait.ge [sflag:s6], $0x1400  }
0x105: {  	[sflag:s6] =	ssyncset.done $0x0  }
0x106: {  	s8 =	sadd.s32 $0x13948, s4;
	[sflag:s6] =	ssyncadd.s32 $0xFFFFEC00  }
0x107: {  	[tilespmem:s18], [sflag:$0x1] =	stream.indirect.gather [hbm4b:s5+s17], $0x80, s8, s17, $0xb8;
	[tilespmem:$0x1F720] =	vst v63  }
0x108: {  	_ =	swait.ge [sflag:s19], $0x1400  }
0x109: {  	[sflag:s19] =	ssyncset.done $0x0  }
0x10a: {  	s8 =	sadd.s32 $0x13970, s4;
	[sflag:s19] =	ssyncadd.s32 $0xFFFFEC00  }
0x10b: {  	[tilespmem:s20], [sflag:$0x2] =	stream.indirect.gather [hbm4b:s5+s17], $0x80, s8, s17, $0xb8;
	[tilespmem:$0x1F720] =	vst v63  }
0x10c: {  	_ =	swait.ge [sflag:s21], $0x1400  }
0x10d: {  	[sflag:s21] =	ssyncset.done $0x0  }
0x10e: {  	s8 =	sadd.s32 $0x13998, s4;
	[sflag:s21] =	ssyncadd.s32 $0xFFFFEC00  }
0x10f: {  	[tilespmem:s22], [sflag:$0x3] =	stream.indirect.gather [hbm4b:s5+s17], $0x80, s8, s17, $0xb8;
	[tilespmem:$0x1F720] =	vst v63  }
0x110: {  	_ =	swait.ge [sflag:s7], $0x1400  }
0x111: {  	[sflag:s7] =	ssyncset.done $0x0  }
.Ltmp7:
0x112: {  	s8 =	sadd.s32 $0x139C0, s4;
	[sflag:s7] =	ssyncadd.s32 $0xFFFFEC00;
	(pc) =	sbr.rel @p1 .LBB2_10-.Ltmp7, $4  }
0x113: {  	[tilespmem:s24], [sflag:$0x4] =	stream.indirect.gather [hbm4b:s5+s17], $0x80, s8, s17, $0xb8;
	[tilespmem:$0x1F720] =	vst v63  }
0x114: {  	_ =	swait.ge [sflag:s23], $0x1400  }
0x115: {  	[sflag:s23] =	ssyncset.done $0x0  }
0x116: {  	s4 =	sadd.s32 $0x139E8, s4;
	[sflag:s23] =	ssyncadd.s32 $0xFFFFEC00  }
.Ltmp8:
0x117: {  	_ = 	snop;
	(pc) =	sbr.rel .LBB2_11-.Ltmp8, $1  }
0x118: {  	_ =	sdelay $0x3  }
.LBB2_13:
0x119: {  	_ =	sfence.sel $0x180000  }
0x11a: {  	[bflag:$0x0] =	sbarrier.arrive $0xFFFF  }
0x11b: {  	_ =	strace $0x9000004D  }
0x11c: {  	s0 =	stileid.u32;
	[bflag:$0x2] =	sbarrier.arrive $0xFFFF  }
0x11d: {  	p0 =	sne.s32 s0, $0x0;
	s0 =	rddreg [dreg:$0x3]  }
0x11e: {  	s0 =	sadd.s32 @!p0 $0x100000, s0  }
0x11f: {  	[sflag:s0] =	ssyncadd.tile.s32 @!p0 $0x1;
	_ =	shalt  }
.Lfunc_end2:
_tile_overlayer_lowered:
.L_overlay_start_2:
0x120: {  	(tag) =	ssettag $0x2  }
0x121: {  	s0 =	rddreg [dreg:$0x0];
	s2 =	stileid.u32  }
0x122: {  	s1 =	rddreg [dreg:$0x1];
	p0 =	sne.s32 s2, $0x0  }
0x123: {  	s3 =	rddreg [dreg:$0x2];
	[bflag:$0x3] =	sbarrier.arrive $0xFFFF;
	s2 =	simm.s32 @!p0 $0x1C0B  }
0x124: {  	[timem:s3], [sflag:s2] =	dma.local @!p0 [hbm:s0], s1  }
0x125: {  	s0 =	simm.s32 @!p0 $0xB  }
0x126: {  	_ =	swait.ge @!p0 [sflag:s0], s1  }
0x127: {  	s1 =	ssub.s32 @!p0 $0x0, s1;
	[sflag:s0] =	ssyncset.done @!p0 $0x0  }
0x128: {  	[sflag:s0] =	ssyncadd.s32 @!p0 s1  }
0x129: {  	[bflag:$0x3] =	sbarrier.arrive $0xFFFF  }
0x12a: {  	_ =	shalt  }

// kernel: kernel.14.cloned.1.call-start
scs
__scs_entry_jumppad:
0x0: {  	(pc) =	sbr.rel $0x88, $3  }
0x1: {  	(tag) =	ssettag $0x0;
	lr =	simm.s32 $0x1  }
0x2: {  	[smem:$0x3F97] =	sst lr;
	_ =	strace $0xD0000000  }
0x3: {  	_ = 	snop  }
0x4: {  	_ = 	snop  }
0x5: {  	_ = 	snop  }
0x6: {  	_ = 	snop  }
0x7: {  	_ = 	snop  }
__scs_overlays_trampoline_lowered:
0x8: {  	[smem:$0x3FA6] =	sst s0  }
0x9: {  	[smem:$0x3FA7] =	sst s1  }
0xa: {  	[smem:$0x3FA8] =	sst s2  }
0xb: {  	[smem:$0x3FA9] =	sst s3  }
0xc: {  	[smem:$0x3FAA] =	sst s4  }
0xd: {  	[smem:$0x3FAB] =	sst s5  }
0xe: {  	[smem:$0x3FAC] =	sst s6  }
0xf: {  	[smem:$0x3FAD] =	sst s7  }
0x10: {  	[smem:$0x3FAE] =	sst s8  }
0x11: {  	[smem:$0x3FAF] =	sst s9;
	s0 =	simm.s32 @!p0 $0x0  }
0x12: {  	s1 =	sld [smem:$0x3F95];
	s0 =	simm.s32 @p0 $0x1  }
0x13: {  	[smem:$0x3FB0] =	sst s0;
	s0 =	simm.s32 @!p1 $0x0  }
0x14: {  	s2 =	sld [smem:$0x3F94];
	s0 =	simm.s32 @p1 $0x1  }
0x15: {  	[smem:$0x3FB1] =	sst s0;
	s0 =	simm.s32 @!p2 $0x0  }
0x16: {  	s3 =	sld [smem:$0x3FDB];
	s0 =	simm.s32 @p2 $0x1  }
0x17: {  	s4 =	simm.s32 $0x1BF5;
	[smem:$0x3FB3] =	sst s0  }
0x18: {  	s0 =	sld [smem:$0x3F96];
	_ =	swait.ge [sflag:s4], $0x0  }
0x19: {  	s7 =	sld [smem:$0x3F97]  }
0x1a: {  	s8 =	sadd.s32 $0xFFFFE003, lr  }
0x1b: {  	s9 =	sadd.s32 $0xFFFFFEF7, lr;
	s5 =	simm.s32 $0xFFFFFFFF;
	p2 =	slt.u32 s8, $0xFFFFF086  }
0x1c: {  	p1 =	slt.u32 s9, $0xF7A;
	s5 =	simm.s32 @!p2 $0x0  }
0x1d: {  	s5 =	simm.s32 @p1 $0x1;
	p0 =	seq.s32 s7, s2  }
0x1e: {  	s7 =	smul.u32 @!p0 $0xF7A, s2;
	p2 =	seq.s32 @!p0 s5, $0x0  }
0x1f: {  	s9 =	smul.u32 $0xF7A, s1;
	s8 =	simm.s32 @!p0 $0x1BF5;
	p2 =	por !p2, p0  }
0x20: {  	[sflag:s8] =	ssyncset.s32 @!p0 $0xFFFFF086;
	s6 =	sadd.s32 @!p0 s3, s7;
	s7 =	simm.s32 @!p0 $0x108  }
0x21: {  	s3 =	sadd.s32 s3, s9;
	s6 =	sadd.s32 @!p0 $0x88, s6;
	s7 =	simm.s32 @p2 $0x1082  }
0x22: {  	[simem:s7], [sflag:s8] =	dma.local @!p0 [hbm:s6], $0xF7A  }
0x23: {  	s9 =	sor.u32 $0xD0000000, s2;
	s6 =	simm.s32 $0x108;
	_ =	swait.ge @!p0 [sflag:s8], $0x0  }
0x24: {  	s3 =	sadd.s32 $0x88, s3;
	s6 =	simm.s32 @!p1 $0x1082;
	[sflag:s4] =	ssyncset.s32 $0xFFFFF086  }
0x25: {  	[simem:s6], [sflag:s4] =	dma.local [hbm:s3], $0xF7A  }
0x26: {  	[smem:$0x3F97] =	sst s1;
	(tag) =	ssettag s2;
	_ =	strace s9  }
0x27: {  	s1 =	sld [smem:$0x3FA7]  }
0x28: {  	s2 =	sld [smem:$0x3FA8]  }
0x29: {  	s4 =	sld [smem:$0x3FAA]  }
0x2a: {  	p0 =	seq.s32 s5, $0x0;
	s5 =	sld [smem:$0x3FAB]  }
0x2b: {  	s6 =	sld [smem:$0x3FAC]  }
0x2c: {  	s7 =	sld [smem:$0x3FAD]  }
0x2d: {  	s3 =	simm.s32 $0x108;
	s8 =	sld [smem:$0x3FAE]  }
0x2e: {  	s3 =	simm.s32 @!p0 $0x1082;
	s9 =	sld [smem:$0x3FAF]  }
0x2f: {  	lr =	sadd.s32 s0, s3;
	s0 =	sld [smem:$0x3FA6]  }
0x30: {  	s3 =	sld [smem:$0x3FA9]  }
0x31: {  	[smem:$0x3FB2] =	sst s10  }
0x32: {  	s10 =	sld [smem:$0x3FB0];
	_ =	sdelay $0x3  }
0x33: {  	p0 =	seq.s32 s10, $0x1;
	s10 =	sld [smem:$0x3FB2];
	_ =	sdelay $0x3  }
0x34: {  	[smem:$0x3FB2] =	sst s10  }
0x35: {  	s10 =	sld [smem:$0x3FB1];
	_ =	sdelay $0x3  }
0x36: {  	p1 =	seq.s32 s10, $0x1;
	s10 =	sld [smem:$0x3FB2];
	_ =	sdelay $0x3  }
0x37: {  	[smem:$0x3FB2] =	sst s10  }
0x38: {  	s10 =	sld [smem:$0x3FB3]  }
0x39: {  	_ = 	snop;
	(pc) =	sbr.ind lr, $3  }
0x3a: {  	_ = 	snop  }
0x3b: {  	_ = 	snop  }
0x3c: {  	p2 =	seq.s32 s10, $0x1;
	s10 =	sld [smem:$0x3FB2]  }
0x3d: {  	_ =	shalt  }
0x3e: {  	_ =	shalt  }
0x3f: {  	_ =	shalt  }
0x40: {  	_ =	shalt  }
0x41: {  	_ =	shalt  }
0x42: {  	_ =	shalt  }
0x43: {  	_ =	shalt  }
0x44: {  	_ =	shalt  }
0x45: {  	_ =	shalt  }
0x46: {  	_ =	shalt  }
0x47: {  	_ =	shalt  }
0x48: {  	_ =	shalt  }
0x49: {  	_ =	shalt  }
0x4a: {  	_ =	shalt  }
0x4b: {  	_ =	shalt  }
0x4c: {  	_ =	shalt  }
0x4d: {  	_ =	shalt  }
0x4e: {  	_ =	shalt  }
0x4f: {  	_ =	shalt  }
0x50: {  	_ =	shalt  }
0x51: {  	_ =	shalt  }
0x52: {  	_ =	shalt  }
0x53: {  	_ =	shalt  }
0x54: {  	_ =	shalt  }
0x55: {  	_ =	shalt  }
0x56: {  	_ =	shalt  }
0x57: {  	_ =	shalt  }
0x58: {  	_ =	shalt  }
0x59: {  	_ =	shalt  }
0x5a: {  	_ =	shalt  }
0x5b: {  	_ =	shalt  }
0x5c: {  	_ =	shalt  }
0x5d: {  	_ =	shalt  }
0x5e: {  	_ =	shalt  }
0x5f: {  	_ =	shalt  }
0x60: {  	_ =	shalt  }
0x61: {  	_ =	shalt  }
0x62: {  	_ =	shalt  }
0x63: {  	_ =	shalt  }
0x64: {  	_ =	shalt  }
0x65: {  	_ =	shalt  }
0x66: {  	_ =	shalt  }
0x67: {  	_ =	shalt  }
0x68: {  	_ =	shalt  }
0x69: {  	_ =	shalt  }
0x6a: {  	_ =	shalt  }
0x6b: {  	_ =	shalt  }
0x6c: {  	_ =	shalt  }
0x6d: {  	_ =	shalt  }
0x6e: {  	_ =	shalt  }
0x6f: {  	_ =	shalt  }
0x70: {  	_ =	shalt  }
0x71: {  	_ =	shalt  }
0x72: {  	_ =	shalt  }
0x73: {  	_ =	shalt  }
0x74: {  	_ =	shalt  }
0x75: {  	_ =	shalt  }
0x76: {  	_ =	shalt  }
0x77: {  	_ =	shalt  }
0x78: {  	_ =	shalt  }
0x79: {  	_ =	shalt  }
0x7a: {  	_ =	shalt  }
0x7b: {  	_ =	shalt  }
0x7c: {  	_ =	shalt  }
0x7d: {  	_ =	shalt  }
0x7e: {  	_ =	shalt  }
0x7f: {  	_ =	shalt  }
0x80: {  	_ =	shalt  }
0x81: {  	_ =	shalt  }
0x82: {  	_ =	shalt  }
0x83: {  	_ =	shalt  }
0x84: {  	_ =	shalt  }
0x85: {  	_ =	shalt  }
0x86: {  	_ =	shalt  }
0x87: {  	_ =	shalt  }
.Lfunc_end0:
.L_simem_size_0:
called_computation.2_lowered:
.L_overlay_start_0:
0x88: {  	s2 =	sld [smem:$0x3FD9]  }
0x89: {  	s3 =	sld [smem:$0x3FFE];
	_ =	sdelay $0x1  }
0x8a: {  	s1 =	srdreg.scid  }
0x8b: {  	s0 =	sand.u32 $0x1, s1  }
0x8c: {  	s16 =	sshll.u32 s0, $0xA;
	s2 =	sadd.s32 s3, s2  }
0x8d: {  	s2 =	sadd.s32 s2, s16  }
0x8e: {  	[smem:$0x3FBE] =	sst s2  }
0x8f: {  	_ = 	snop  }
0x90: {  	(tm) =	ssettm $0x1  }
0x91: {  	s17 =	sld [smem:$0x3FFB];
	_ =	sdelay $0x3  }
0x92: {  	_ =	strace s17  }
0x93: {  	s2 =	sld [smem:$0x3FFC];
	_ =	sdelay $0x3  }
0x94: {  	_ =	strace s2  }
0x95: {  	s2 =	sld [smem:$0x3FFD];
	_ =	sdelay $0x3  }
0x96: {  	_ =	strace s2  }
0x97: {  	_ =	strace $0x8FFFFFFF  }
0x98: {  	s18 =	sld [smem:$0x3FDB];
	_ =	sdelay $0x1  }
0x99: {  	s19 =	simm.s32 $_scs_section_size  }
0x9a: {  	s4 =	simm.s32 $_size__tile_overlayer_lowered;
	s5 =	simm.s32 $_tile_overlayer_lowered  }
0x9b: {  	s22 =	simm.s32 $0x1BFF;
	s21 =	sshll.u32 s5, $0x1;
	s2 =	sadd.s32 s19, s18  }
0x9c: {  	s6 =	simm.s32 $0x0;
	s20 =	sshll.u32 s4, $0x1;
	s4 =	sadd.s32 s21, s2  }
0x9d: {  	[timem:s6], [sflag:s22] =	dma.local [hbm:s4], s20  }
0x9e: {  	_ =	swait.ge [sflag:s22], s20  }
0x9f: {  	s3 =	ssub.s32 $0x0, s20;
	[sflag:s22] =	ssyncset.done $0x0  }
0xa0: {  	[sflag:s22] =	ssyncadd.s32 s3;
	_ =	sdelay $0x1  }
0xa1: {  	s23 =	simm.s32 $0x1B8B  }
0xa2: {  	_ =	swait.ge [sflag:s23], $0x1  }
0xa3: {  	[sflag:s23] =	ssyncset.done $0x0  }
0xa4: {  	s25 =	simm.s32 $0x1B8E;
	s24 =	sld [smem:$0x3FFE];
	[sflag:s23] =	ssyncadd.s32 $0xFFFFFFFF  }
0xa5: {  	s26 =	simm.s32 $execute0_lowered;
	[smem:$0x3FD2] =	sst s25  }
0xa6: {  	s4 =	sshll.u32 s26, $0x1;
	_ =	strace $0x80000049;
	[dreg:$0x1] =	wrdreg $0xFFFFFFFF  }
0xa7: {  	s28 =	simm.s32 $_size_execute0_lowered;
	s2 =	sadd.s32 s2, s4;
	[dreg:$0x0] =	wrdreg $0x0  }
0xa8: {  	s4 =	sshll.u32 s28, $0x1;
	[dreg:$0x2] =	wrdreg s2  }
0xa9: {  	[dreg:$0x3] =	wrdreg s4  }
0xaa: {  	[dreg:$0x4] =	wrdreg $0xC0  }
0xab: {  	_ =	task [dreg:s6], $0x5FFFF  }
0xac: {  	[dreg:$0x1] =	wrdreg $0xFFFFFFFF  }
0xad: {  	[dreg:$0x0] =	wrdreg $0x60  }
0xae: {  	[dreg:$0x2] =	wrdreg s24  }
0xaf: {  	[dreg:$0x3] =	wrdreg $0x0  }
0xb0: {  	[dreg:$0x4] =	wrdreg $0xA  }
0xb1: {  	_ =	task.clear_ibuf [dreg:s6], $0x5FFFF;
	_ =	strace $0x90000049  }
0xb2: {  	s29 =	simm.s32 $0xA;
	_ =	strace $0x8000004B  }
0xb3: {  	_ =	swait.ge [sflag:s29], $0x1  }
0xb4: {  	[sflag:s29] =	ssyncadd.s32 $0xFFFFFFFF  }
0xb5: {  	_ =	strace $0x9000004B  }
0xb6: {  	_ =	sfence  }
0xb7: {  	s30 =	sld [smem:$0x0];
	_ =	sdelay $0x2  }
0xb8: {  	s31 =	sshll.u32 s1, $0xD;
	s1 =	sshrl.u32 s1, $0x2  }
0xb9: {  	s3 =	sand.u32 $0x4000, s31;
	s1 =	sadd.s32 s1, s30  }
0xba: {  	s0 =	sor.u32 s3, s0;
	s1 =	sshll.u32 s1, $0x11  }
0xbb: {  	s0 =	sor.u32 s1, s0  }
0xbc: {  	s0 =	sadd.s32 $0x8F2B, s0  }
0xbd: {  	[sflag:s0] =	ssyncadd.remote.s32 $0x1  }
0xbe: {  	_ =	sfence.sel $0xFFFF  }
0xbf: {  	[dreg:$0x0] =	wrdreg $0xFFFFFFFF;
	(pc) =	sbr.abs _section_cstart, $3  }
0xc0: {  	[dreg:$0x1] =	wrdreg $0xFFFFFFFF  }
0xc1: {  	_ =	task.clear_ibuf [dreg:s6], $0x2FFFF;
	_ =	strace $0x9FFFFFFF  }
0xc2: {  	(tm) =	ssettm $0x7FFFFFFF  }
0xc3: {  	_ =	shalt  }
tec
execute0_lowered:
.L_overlay_start_1:
0x0: {  	(tag) =	ssettag $0x1  }
0x1: {  	s0 =	rddreg [dreg:$0x0]  }
0x2: {  	s2 =	rddreg [dreg:$0x1];
	s1 =	simm.s32 $0x0;
	s8 =	stileid.u32  }
0x3: {  	s3 =	srdreg.scid;
	s13 =	simm.s32 $0x1EAA0;
	s14 =	simm.s32 $0xB  }
0x4: {  	s15 =	simm.s32 $0x13880;
	s17 =	simm.s32 $0x28;
	s18 =	simm.s32 $0x186A0  }
0x5: {  	s28 =	simm.s32 $0x1D6A0;
	s29 =	simm.s32 $0x1;
	s30 =	simm.s32 $0x2  }
0x6: {  	s31 =	simm.s32 $0x3;
	s16 =	simm.s32 $0x5;
	s19 =	simm.s32 $0x7  }
0x7: {  	[smem:$0x7FF] =	sst s1;
	s20 =	smul.u32 $0x4E2, s8;
	s4 =	sadd.s32 $0x17E00, s0  }
0x8: {  	s3 =	sand.u32 $0x1, s3;
	s5 =	sadd.s32 $0x3F000, s0;
	s11 =	smul.u32 $0x13880, s8  }
0x9: {  	s7 =	sadd.s32 $0x66200, s0;
	s23 =	smul.u32 $0x4E200, s8;
	_ =	strace $0x8000004A  }
0xa: {  	s6 =	ssub.s32 $0x2, s3;
	[dreg:$0x3] =	wrdreg s7;
	p0 =	sne.s32 s3, $0x0  }
0xb: {  	s7 =	simm.s32 $0x9;
	s1 =	sadd.s32 s20, s0;
	s21 =	sshrl.u32 s6, $0x1  }
0xc: {  	s0 =	sadd.s32 $0x8D400, s0;
	s10 =	sshrl.u32 s11, $0x3;
	s25 =	sadd.s32 s11, s2  }
0xd: {  	s26 =	sshrl.u32 s23, $0x2;
	s20 =	simm.s32 $0x19AA0;
	s23 =	simm.s32 $0xA  }
.Ltmp0:
0xe: {  	[dreg:$0x4] =	wrdreg s0;
	s22 =	ssub.s32 s6, s21;
	(pc) =	sbr.rel .LBB2_1-.Ltmp0, $4  }
0xf: {  	s24 =	sadd.s32 $0x7C00, s1;
	s9 =	sadd.s32 $0x2C00, s1;
	s12 =	sadd.s32 s26, s2  }
0x10: {  	s25 =	sshrl.u32 s25, $0x3;
	s0 =	simm.s32 $0x4;
	s6 =	simm.s32 $0x6  }
0x11: {  	s21 =	simm.s32 $0x8;
	s26 =	simm.s32 $0x0;
	[dreg:$0x5] =	wrdreg s24  }
0x12: {  	v0 =	vimm.f32 $0.0e+00;
	s11 =	smax.u32 s22, $0x1;
	s22 =	simm.s32 $0x1AEA0;
	s24 =	simm.s32 $0x1C2A0  }
.LBB2_11:
0x13: {  	[tilespmem:s28], [sflag:$0x5] =	stream.indirect.gather [hbm4b:s5+s17], $0x80, s3, s17, $0xb8;
	[tilespmem:$0x1F720] =	vst v63  }
0x14: {  	s1 =	rddreg [dreg:$0x4]  }
.LBB2_12:
0x15: {  	_ =	swait.ge [sflag:s29], $0x1400  }
0x16: {  	[sflag:s29] =	ssyncset.done $0x0  }
0x17: {  	s3 =	simm.s32 $0x185D8;
	[sflag:s29] =	ssyncadd.s32 $0xFFFFEC00  }
0x18: {  	[spmem:s2] =	stream.indirect.scatter.add.f32 [tilespmem:s18], [sflag:$0x6], $0x80, s3, s17, $0xb8;
	[tilespmem:$0x1F720] =	vst v63  }
0x19: {  	_ =	swait.ge [sflag:s30], $0x1400  }
0x1a: {  	[sflag:s30] =	ssyncset.done $0x0  }
0x1b: {  	s8 =	simm.s32 $0x18600;
	[sflag:s30] =	ssyncadd.s32 $0xFFFFEC00  }
0x1c: {  	[spmem:s2] =	stream.indirect.scatter.add.f32 [tilespmem:s20], [sflag:$0x7], $0x80, s8, s17, $0xb8;
	[tilespmem:$0x1F720] =	vst v63  }
0x1d: {  	_ =	swait.ge [sflag:s31], $0x1400  }
0x1e: {  	[sflag:s31] =	ssyncset.done $0x0  }
0x1f: {  	s8 =	simm.s32 $0x18628;
	[sflag:s31] =	ssyncadd.s32 $0xFFFFEC00  }
0x20: {  	[spmem:s2] =	stream.indirect.scatter.add.f32 [tilespmem:s22], [sflag:$0x8], $0x80, s8, s17, $0xb8;
	[tilespmem:$0x1F720] =	vst v63  }
0x21: {  	_ =	swait.ge [sflag:s0], $0x1400  }
0x22: {  	[sflag:s0] =	ssyncset.done $0x0  }
0x23: {  	s8 =	simm.s32 $0x18650;
	[sflag:s0] =	ssyncadd.s32 $0xFFFFEC00  }
0x24: {  	[spmem:s2] =	stream.indirect.scatter.add.f32 [tilespmem:s24], [sflag:$0x9], $0x80, s8, s17, $0xb8;
	[tilespmem:$0x1F720] =	vst v63  }
0x25: {  	_ =	swait.ge [sflag:s16], $0x1400  }
0x26: {  	[sflag:s16] =	ssyncset.done $0x0  }
0x27: {  	s8 =	simm.s32 $0x18678;
	[sflag:s16] =	ssyncadd.s32 $0xFFFFEC00  }
0x28: {  	[spmem:s2] =	stream.indirect.scatter.add.f32 [tilespmem:s28], [sflag:$0xA], $0x80, s8, s17, $0xb8;
	[tilespmem:$0x1F720] =	vst v63  }
0x29: {  	_ =	swait.ge [sflag:s6], $0x1400  }
0x2a: {  	[sflag:s6] =	ssyncset.done $0x0  }
0x2b: {  	[sflag:s6] =	ssyncadd.s32 $0xFFFFEC00  }
0x2c: {  	_ =	swait.ge [sflag:s19], $0x1400  }
0x2d: {  	[sflag:s19] =	ssyncset.done $0x0  }
0x2e: {  	[sflag:s19] =	ssyncadd.s32 $0xFFFFEC00  }
0x2f: {  	_ =	swait.ge [sflag:s21], $0x1400  }
0x30: {  	[sflag:s21] =	ssyncset.done $0x0  }
0x31: {  	[sflag:s21] =	ssyncadd.s32 $0xFFFFEC00  }
0x32: {  	_ =	swait.ge [sflag:s7], $0x1400  }
0x33: {  	[sflag:s7] =	ssyncset.done $0x0  }
0x34: {  	[sflag:s7] =	ssyncadd.s32 $0xFFFFEC00  }
0x35: {  	s1 =	sadd.s32 s1, s10;
	_ =	swait.ge [sflag:s23], $0x1400  }
0x36: {  	s26 =	sadd.s32 $0x1, s26;
	s8 =	stileid.u32;
	[sflag:s23] =	ssyncset.done $0x0  }
0x37: {  	p1 =	sne.s32 s26, s11;
	s3 =	sshll.u32 s8, $0x6;
	[sflag:s23] =	ssyncadd.s32 $0xFFFFEC00  }
.Ltmp1:
0x38: {  	s3 =	sor.u32 $0x1C0B, s3;
	[bflag:$0x0] =	sbarrier.arrive $0xFFFF;
	(pc) =	sbr.rel @!p1 .LBB2_13-.Ltmp1, $4  }
0x39: {  	[hbm:s1], [sflag:s3] =	dma.local [spmem:s25], $0x2710  }
0x3a: {  	_ =	swait.ge [sflag:s14], $0x2710  }
0x3b: {  	[sflag:s14] =	ssyncset.done $0x0  }
0x3c: {  	[sflag:s14] =	ssyncadd.s32 $0xFFFFD8F0  }
.LBB2_1:
0x3d: {  	s1 =	simm.s32 $0x0;
	s3 =	simm.s32 $0x200  }
.LBB2_2:
0x3e: {  	p1 =	sne.s32 s3, $0x3000;
	[tilespmem:s1+$0x1EB10] =	vst v0  }
0x3f: {  	[tilespmem:s1+$0x1EAA0] =	vst v0  }
0x40: {  	[tilespmem:s1+$0x1EAB0] =	vst v0  }
.Ltmp2:
0x41: {  	[tilespmem:s1+$0x1EAC0] =	vst v0;
	(pc) =	sbr.rel @p1 .LBB2_2-.Ltmp2, $4  }
0x42: {  	[tilespmem:s1+$0x1EAD0] =	vst v0  }
0x43: {  	[tilespmem:s1+$0x1EAE0] =	vst v0  }
0x44: {  	[tilespmem:s1+$0x1EAF0] =	vst v0  }
0x45: {  	[tilespmem:s1+$0x1EB00] =	vst v0;
	s1 =	sshra.s32 s3, $0x2;
	s3 =	sadd.s32 $0x200, s3  }
0x46: {  	[tilespmem:s1+$0x1EB10] =	vst v0  }
0x47: {  	[tilespmem:s1+$0x1EAA0] =	vst v0  }
0x48: {  	[tilespmem:s1+$0x1EAB0] =	vst v0  }
0x49: {  	[tilespmem:s1+$0x1EAC0] =	vst v0  }
0x4a: {  	[tilespmem:s1+$0x1EAD0] =	vst v0  }
0x4b: {  	[tilespmem:s1+$0x1EAE0] =	vst v0  }
0x4c: {  	[tilespmem:s1+$0x1EAF0] =	vst v0  }
0x4d: {  	[tilespmem:s1+$0x1EB00] =	vst v0;
	s8 =	sadd.s32 $0x0, s12  }
0x4e: {  	[spmem:s8] =	stream.linear.scatter [tilespmem:s13], [sflag:$0xB], $0xC80, $0x38;
	[tilespmem:$0x1F720] =	vst v63  }
0x4f: {  	s1 =	simm.s32 $0x3200;
	_ =	swait.ge [sflag:s14], $0xC80  }
.LBB2_4:
0x50: {  	s3 =	sshra.s32 s1, $0x2;
	[sflag:s14] =	ssyncset.done $0x0;
	p1 =	sne.s32 s1, $0x4B000  }
.Ltmp3:
0x51: {  	s3 =	sadd.s32 s3, s12;
	[sflag:s14] =	ssyncadd.s32 $0xFFFFF380;
	(pc) =	sbr.rel @p1 .LBB2_4-.Ltmp3, $3  }
0x52: {  	[spmem:s3] =	stream.linear.scatter [tilespmem:s13], [sflag:$0xB], $0xC80, $0x38;
	[tilespmem:$0x1F720] =	vst v63  }
0x53: {  	s1 =	sadd.s32 $0x3200, s1;
	_ =	sdelay $0x1  }
0x54: {  	_ =	swait.ge [sflag:s14], $0xC80  }
0x55: {  	[sflag:s14] =	ssyncset.done $0x0  }
0x56: {  	s1 =	simm.s32 $0x0;
	s3 =	rddreg [dreg:$0x5];
	[sflag:s14] =	ssyncadd.s32 $0xFFFFF380  }
0x57: {  	[tilespmem:s15], [sflag:$0xB] =	stream.linear.gather [hbm4b:s3+s1], $0x2710, $0x38;
	[tilespmem:$0x1F720] =	vst v63  }
0x58: {  	_ =	swait.ge [sflag:s14], $0x2710  }
0x59: {  	[sflag:s14] =	ssyncset.done $0x0  }
0x5a: {  	s8 =	simm.s32 $0x15F90;
	[sflag:s14] =	ssyncadd.s32 $0xFFFFD8F0  }
0x5b: {  	[tilespmem:s8], [sflag:$0xB] =	stream.linear.gather [hbm4b:s9+s1], $0x2710, $0x38;
	[tilespmem:$0x1F720] =	vst v63  }
.Ltmp4:
0x5c: {  	_ =	swait.ge [sflag:s14], $0x2710;
	(pc) =	sbr.rel @p0 .LBB2_9-.Ltmp4, $3  }
0x5d: {  	[sflag:s14] =	ssyncset.done $0x0  }
0x5e: {  	[sflag:s14] =	ssyncadd.s32 $0xFFFFD8F0  }
0x5f: {  	[bflag:$0x0] =	sbarrier.arrive $0xFFFF;
	_ =	sdelay $0x1  }
0x60: {  	[tilespmem:s18], [sflag:$0x1] =	stream.indirect.gather [hbm4b:s4+s17], $0x80, s15, s17, $0xb8;
	[tilespmem:$0x1F720] =	vst v63  }
0x61: {  	s1 =	simm.s32 $0x138A8  }
0x62: {  	[tilespmem:s20], [sflag:$0x2] =	stream.indirect.gather [hbm4b:s4+s17], $0x80, s1, s17, $0xb8;
	[tilespmem:$0x1F720] =	vst v63  }
0x63: {  	s3 =	simm.s32 $0x138D0  }
0x64: {  	[tilespmem:s22], [sflag:$0x3] =	stream.indirect.gather [hbm4b:s4+s17], $0x80, s3, s17, $0xb8;
	[tilespmem:$0x1F720] =	vst v63  }
0x65: {  	s8 =	simm.s32 $0x138F8  }
0x66: {  	[tilespmem:s24], [sflag:$0x4] =	stream.indirect.gather [hbm4b:s4+s17], $0x80, s8, s17, $0xb8;
	[tilespmem:$0x1F720] =	vst v63  }
0x67: {  	s3 =	simm.s32 $0x13920  }
0x68: {  	[tilespmem:s28], [sflag:$0x5] =	stream.indirect.gather [hbm4b:s4+s17], $0x80, s3, s17, $0xb8;
	[tilespmem:$0x1F720] =	vst v63  }
0x69: {  	_ =	swait.ge [sflag:s29], $0x1400  }
0x6a: {  	[sflag:s29] =	ssyncset.done $0x0  }
0x6b: {  	s8 =	simm.s32 $0x15F90;
	[sflag:s29] =	ssyncadd.s32 $0xFFFFEC00  }
0x6c: {  	[spmem:s2] =	stream.indirect.scatter.add.f32 [tilespmem:s18], [sflag:$0x6], $0x80, s8, s17, $0xb8;
	[tilespmem:$0x1F720] =	vst v63  }
0x6d: {  	_ =	swait.ge [sflag:s30], $0x1400  }
0x6e: {  	[sflag:s30] =	ssyncset.done $0x0  }
0x6f: {  	s3 =	simm.s32 $0x15FB8;
	[sflag:s30] =	ssyncadd.s32 $0xFFFFEC00  }
0x70: {  	[spmem:s2] =	stream.indirect.scatter.add.f32 [tilespmem:s20], [sflag:$0x7], $0x80, s3, s17, $0xb8;
	[tilespmem:$0x1F720] =	vst v63  }
0x71: {  	_ =	swait.ge [sflag:s31], $0x1400  }
0x72: {  	[sflag:s31] =	ssyncset.done $0x0  }
0x73: {  	s8 =	simm.s32 $0x15FE0;
	[sflag:s31] =	ssyncadd.s32 $0xFFFFEC00  }
0x74: {  	[spmem:s2] =	stream.indirect.scatter.add.f32 [tilespmem:s22], [sflag:$0x8], $0x80, s8, s17, $0xb8;
	[tilespmem:$0x1F720] =	vst v63  }
0x75: {  	_ =	swait.ge [sflag:s0], $0x1400  }
0x76: {  	[sflag:s0] =	ssyncset.done $0x0  }
0x77: {  	s3 =	simm.s32 $0x16008;
	[sflag:s0] =	ssyncadd.s32 $0xFFFFEC00  }
0x78: {  	[spmem:s2] =	stream.indirect.scatter.add.f32 [tilespmem:s24], [sflag:$0x9], $0x80, s3, s17, $0xb8;
	[tilespmem:$0x1F720] =	vst v63  }
0x79: {  	_ =	swait.ge [sflag:s16], $0x1400  }
0x7a: {  	[sflag:s16] =	ssyncset.done $0x0  }
0x7b: {  	s8 =	simm.s32 $0x16030;
	[sflag:s16] =	ssyncadd.s32 $0xFFFFEC00  }
0x7c: {  	[spmem:s2] =	stream.indirect.scatter.add.f32 [tilespmem:s28], [sflag:$0xA], $0x80, s8, s17, $0xb8;
	[tilespmem:$0x1F720] =	vst v63  }
0x7d: {  	_ =	swait.ge [sflag:s6], $0x1400  }
0x7e: {  	[sflag:s6] =	ssyncset.done $0x0  }
0x7f: {  	s3 =	simm.s32 $0x13948;
	[sflag:s6] =	ssyncadd.s32 $0xFFFFEC00  }
0x80: {  	[tilespmem:s18], [sflag:$0x1] =	stream.indirect.gather [hbm4b:s4+s17], $0x80, s3, s17, $0xb8;
	[tilespmem:$0x1F720] =	vst v63  }
0x81: {  	_ =	swait.ge [sflag:s19], $0x1400  }
0x82: {  	[sflag:s19] =	ssyncset.done $0x0  }
0x83: {  	s8 =	simm.s32 $0x13970;
	[sflag:s19] =	ssyncadd.s32 $0xFFFFEC00  }
0x84: {  	[tilespmem:s20], [sflag:$0x2] =	stream.indirect.gather [hbm4b:s4+s17], $0x80, s8, s17, $0xb8;
	[tilespmem:$0x1F720] =	vst v63  }
0x85: {  	_ =	swait.ge [sflag:s21], $0x1400  }
0x86: {  	[sflag:s21] =	ssyncset.done $0x0  }
0x87: {  	s3 =	simm.s32 $0x13998;
	[sflag:s21] =	ssyncadd.s32 $0xFFFFEC00  }
0x88: {  	[tilespmem:s22], [sflag:$0x3] =	stream.indirect.gather [hbm4b:s4+s17], $0x80, s3, s17, $0xb8;
	[tilespmem:$0x1F720] =	vst v63  }
0x89: {  	_ =	swait.ge [sflag:s7], $0x1400  }
0x8a: {  	[sflag:s7] =	ssyncset.done $0x0  }
0x8b: {  	s8 =	simm.s32 $0x139C0;
	[sflag:s7] =	ssyncadd.s32 $0xFFFFEC00  }
0x8c: {  	[tilespmem:s24], [sflag:$0x4] =	stream.indirect.gather [hbm4b:s4+s17], $0x80, s8, s17, $0xb8;
	[tilespmem:$0x1F720] =	vst v63  }
0x8d: {  	_ =	swait.ge [sflag:s23], $0x1400  }
0x8e: {  	[sflag:s23] =	ssyncset.done $0x0  }
0x8f: {  	s1 =	simm.s32 $0x320;
	s3 =	simm.s32 $0x139E8;
	[sflag:s23] =	ssyncadd.s32 $0xFFFFEC00  }
.LBB2_7:
0x90: {  	[tilespmem:s28], [sflag:$0x5] =	stream.indirect.gather [hbm4b:s4+s17], $0x80, s3, s17, $0xb8;
	[tilespmem:$0x1F720] =	vst v63  }
0x91: {  	s3 =	smov.u32 s1  }
0x92: {  	p1 =	seq.s32 s1, $0x9600;
	s1 =	sadd.s32 $0x320, s1;
	_ =	swait.ge [sflag:s29], $0x1400  }
0x93: {  	s3 =	sshra.s32 s3, $0x2;
	[sflag:s29] =	ssyncset.done $0x0  }
0x94: {  	s8 =	sadd.s32 $0x15F90, s3;
	[sflag:s29] =	ssyncadd.s32 $0xFFFFEC00  }
0x95: {  	[spmem:s2] =	stream.indirect.scatter.add.f32 [tilespmem:s18], [sflag:$0x6], $0x80, s8, s17, $0xb8;
	[tilespmem:$0x1F720] =	vst v63  }
0x96: {  	_ =	swait.ge [sflag:s30], $0x1400  }
0x97: {  	[sflag:s30] =	ssyncset.done $0x0  }
0x98: {  	s8 =	sadd.s32 $0x15FB8, s3;
	[sflag:s30] =	ssyncadd.s32 $0xFFFFEC00  }
0x99: {  	[spmem:s2] =	stream.indirect.scatter.add.f32 [tilespmem:s20], [sflag:$0x7], $0x80, s8, s17, $0xb8;
	[tilespmem:$0x1F720] =	vst v63  }
0x9a: {  	_ =	swait.ge [sflag:s31], $0x1400  }
0x9b: {  	[sflag:s31] =	ssyncset.done $0x0  }
0x9c: {  	s8 =	sadd.s32 $0x15FE0, s3;
	[sflag:s31] =	ssyncadd.s32 $0xFFFFEC00  }
0x9d: {  	[spmem:s2] =	stream.indirect.scatter.add.f32 [tilespmem:s22], [sflag:$0x8], $0x80, s8, s17, $0xb8;
	[tilespmem:$0x1F720] =	vst v63  }
0x9e: {  	_ =	swait.ge [sflag:s0], $0x1400  }
0x9f: {  	[sflag:s0] =	ssyncset.done $0x0  }
0xa0: {  	s8 =	sadd.s32 $0x16008, s3;
	[sflag:s0] =	ssyncadd.s32 $0xFFFFEC00  }
0xa1: {  	[spmem:s2] =	stream.indirect.scatter.add.f32 [tilespmem:s24], [sflag:$0x9], $0x80, s8, s17, $0xb8;
	[tilespmem:$0x1F720] =	vst v63  }
0xa2: {  	_ =	swait.ge [sflag:s16], $0x1400  }
0xa3: {  	[sflag:s16] =	ssyncset.done $0x0  }
0xa4: {  	s8 =	sadd.s32 $0x16030, s3;
	[sflag:s16] =	ssyncadd.s32 $0xFFFFEC00  }
0xa5: {  	[spmem:s2] =	stream.indirect.scatter.add.f32 [tilespmem:s28], [sflag:$0xA], $0x80, s8, s17, $0xb8;
	[tilespmem:$0x1F720] =	vst v63  }
0xa6: {  	_ =	swait.ge [sflag:s6], $0x1400  }
0xa7: {  	[sflag:s6] =	ssyncset.done $0x0  }
0xa8: {  	s8 =	sadd.s32 $0x13948, s3;
	[sflag:s6] =	ssyncadd.s32 $0xFFFFEC00  }
0xa9: {  	[tilespmem:s18], [sflag:$0x1] =	stream.indirect.gather [hbm4b:s4+s17], $0x80, s8, s17, $0xb8;
	[tilespmem:$0x1F720] =	vst v63  }
0xaa: {  	_ =	swait.ge [sflag:s19], $0x1400  }
0xab: {  	[sflag:s19] =	ssyncset.done $0x0  }
0xac: {  	s8 =	sadd.s32 $0x13970, s3;
	[sflag:s19] =	ssyncadd.s32 $0xFFFFEC00  }
0xad: {  	[tilespmem:s20], [sflag:$0x2] =	stream.indirect.gather [hbm4b:s4+s17], $0x80, s8, s17, $0xb8;
	[tilespmem:$0x1F720] =	vst v63  }
0xae: {  	_ =	swait.ge [sflag:s21], $0x1400  }
0xaf: {  	[sflag:s21] =	ssyncset.done $0x0  }
0xb0: {  	s8 =	sadd.s32 $0x13998, s3;
	[sflag:s21] =	ssyncadd.s32 $0xFFFFEC00  }
0xb1: {  	[tilespmem:s22], [sflag:$0x3] =	stream.indirect.gather [hbm4b:s4+s17], $0x80, s8, s17, $0xb8;
	[tilespmem:$0x1F720] =	vst v63  }
0xb2: {  	_ =	swait.ge [sflag:s7], $0x1400  }
0xb3: {  	[sflag:s7] =	ssyncset.done $0x0  }
.Ltmp5:
0xb4: {  	s8 =	sadd.s32 $0x139C0, s3;
	[sflag:s7] =	ssyncadd.s32 $0xFFFFEC00;
	(pc) =	sbr.rel @!p1 .LBB2_7-.Ltmp5, $4  }
0xb5: {  	[tilespmem:s24], [sflag:$0x4] =	stream.indirect.gather [hbm4b:s4+s17], $0x80, s8, s17, $0xb8;
	[tilespmem:$0x1F720] =	vst v63  }
0xb6: {  	_ =	swait.ge [sflag:s23], $0x1400  }
0xb7: {  	[sflag:s23] =	ssyncset.done $0x0  }
0xb8: {  	s3 =	sadd.s32 $0x139E8, s3;
	[sflag:s23] =	ssyncadd.s32 $0xFFFFEC00  }
.Ltmp6:
0xb9: {  	(pc) =	sbr.rel .LBB2_12-.Ltmp6, $3  }
0xba: {  	_ =	sdelay $0x1  }
0xbb: {  	[tilespmem:s28], [sflag:$0x5] =	stream.indirect.gather [hbm4b:s4+s17], $0x80, s3, s17, $0xb8;
	[tilespmem:$0x1F720] =	vst v63  }
0xbc: {  	s1 =	rddreg [dreg:$0x3]  }
.LBB2_9:
0xbd: {  	[tilespmem:s18], [sflag:$0x1] =	stream.indirect.gather [hbm4b:s5+s17], $0x80, s15, s17, $0xb8;
	[tilespmem:$0x1F720] =	vst v63  }
0xbe: {  	s1 =	simm.s32 $0x138A8  }
0xbf: {  	[tilespmem:s20], [sflag:$0x2] =	stream.indirect.gather [hbm4b:s5+s17], $0x80, s1, s17, $0xb8;
	[tilespmem:$0x1F720] =	vst v63  }
0xc0: {  	s3 =	simm.s32 $0x138D0  }
0xc1: {  	[tilespmem:s22], [sflag:$0x3] =	stream.indirect.gather [hbm4b:s5+s17], $0x80, s3, s17, $0xb8;
	[tilespmem:$0x1F720] =	vst v63  }
0xc2: {  	s8 =	simm.s32 $0x138F8  }
0xc3: {  	[tilespmem:s24], [sflag:$0x4] =	stream.indirect.gather [hbm4b:s5+s17], $0x80, s8, s17, $0xb8;
	[tilespmem:$0x1F720] =	vst v63  }
0xc4: {  	s3 =	simm.s32 $0x13920  }
0xc5: {  	[tilespmem:s28], [sflag:$0x5] =	stream.indirect.gather [hbm4b:s5+s17], $0x80, s3, s17, $0xb8;
	[tilespmem:$0x1F720] =	vst v63  }
0xc6: {  	_ =	swait.ge [sflag:s29], $0x1400  }
0xc7: {  	[sflag:s29] =	ssyncset.done $0x0  }
0xc8: {  	s8 =	simm.s32 $0x15F90;
	[sflag:s29] =	ssyncadd.s32 $0xFFFFEC00  }
0xc9: {  	[spmem:s2] =	stream.indirect.scatter.add.f32 [tilespmem:s18], [sflag:$0x6], $0x80, s8, s17, $0xb8;
	[tilespmem:$0x1F720] =	vst v63  }
0xca: {  	_ =	swait.ge [sflag:s30], $0x1400  }
0xcb: {  	[sflag:s30] =	ssyncset.done $0x0  }
0xcc: {  	s3 =	simm.s32 $0x15FB8;
	[sflag:s30] =	ssyncadd.s32 $0xFFFFEC00  }
0xcd: {  	[spmem:s2] =	stream.indirect.scatter.add.f32 [tilespmem:s20], [sflag:$0x7], $0x80, s3, s17, $0xb8;
	[tilespmem:$0x1F720] =	vst v63  }
0xce: {  	_ =	swait.ge [sflag:s31], $0x1400  }
0xcf: {  	[sflag:s31] =	ssyncset.done $0x0  }
0xd0: {  	s8 =	simm.s32 $0x15FE0;
	[sflag:s31] =	ssyncadd.s32 $0xFFFFEC00  }
0xd1: {  	[spmem:s2] =	stream.indirect.scatter.add.f32 [tilespmem:s22], [sflag:$0x8], $0x80, s8, s17, $0xb8;
	[tilespmem:$0x1F720] =	vst v63  }
0xd2: {  	_ =	swait.ge [sflag:s0], $0x1400  }
0xd3: {  	[sflag:s0] =	ssyncset.done $0x0  }
0xd4: {  	s3 =	simm.s32 $0x16008;
	[sflag:s0] =	ssyncadd.s32 $0xFFFFEC00  }
0xd5: {  	[spmem:s2] =	stream.indirect.scatter.add.f32 [tilespmem:s24], [sflag:$0x9], $0x80, s3, s17, $0xb8;
	[tilespmem:$0x1F720] =	vst v63  }
0xd6: {  	_ =	swait.ge [sflag:s16], $0x1400  }
0xd7: {  	[sflag:s16] =	ssyncset.done $0x0  }
0xd8: {  	s8 =	simm.s32 $0x16030;
	[sflag:s16] =	ssyncadd.s32 $0xFFFFEC00  }
0xd9: {  	[spmem:s2] =	stream.indirect.scatter.add.f32 [tilespmem:s28], [sflag:$0xA], $0x80, s8, s17, $0xb8;
	[tilespmem:$0x1F720] =	vst v63  }
0xda: {  	_ =	swait.ge [sflag:s6], $0x1400  }
0xdb: {  	[sflag:s6] =	ssyncset.done $0x0  }
0xdc: {  	s3 =	simm.s32 $0x13948;
	[sflag:s6] =	ssyncadd.s32 $0xFFFFEC00  }
0xdd: {  	[tilespmem:s18], [sflag:$0x1] =	stream.indirect.gather [hbm4b:s5+s17], $0x80, s3, s17, $0xb8;
	[tilespmem:$0x1F720] =	vst v63  }
0xde: {  	_ =	swait.ge [sflag:s19], $0x1400  }
0xdf: {  	[sflag:s19] =	ssyncset.done $0x0  }
0xe0: {  	s8 =	simm.s32 $0x13970;
	[sflag:s19] =	ssyncadd.s32 $0xFFFFEC00  }
0xe1: {  	[tilespmem:s20], [sflag:$0x2] =	stream.indirect.gather [hbm4b:s5+s17], $0x80, s8, s17, $0xb8;
	[tilespmem:$0x1F720] =	vst v63  }
0xe2: {  	_ =	swait.ge [sflag:s21], $0x1400  }
0xe3: {  	[sflag:s21] =	ssyncset.done $0x0  }
0xe4: {  	s3 =	simm.s32 $0x13998;
	[sflag:s21] =	ssyncadd.s32 $0xFFFFEC00  }
0xe5: {  	[tilespmem:s22], [sflag:$0x3] =	stream.indirect.gather [hbm4b:s5+s17], $0x80, s3, s17, $0xb8;
	[tilespmem:$0x1F720] =	vst v63  }
0xe6: {  	_ =	swait.ge [sflag:s7], $0x1400  }
0xe7: {  	[sflag:s7] =	ssyncset.done $0x0  }
0xe8: {  	s8 =	simm.s32 $0x139C0;
	[sflag:s7] =	ssyncadd.s32 $0xFFFFEC00  }
0xe9: {  	[tilespmem:s24], [sflag:$0x4] =	stream.indirect.gather [hbm4b:s5+s17], $0x80, s8, s17, $0xb8;
	[tilespmem:$0x1F720] =	vst v63  }
0xea: {  	_ =	swait.ge [sflag:s23], $0x1400  }
0xeb: {  	[sflag:s23] =	ssyncset.done $0x0  }
0xec: {  	s1 =	simm.s32 $0x320;
	s3 =	simm.s32 $0x139E8;
	[sflag:s23] =	ssyncadd.s32 $0xFFFFEC00  }
.LBB2_10:
0xed: {  	[tilespmem:s28], [sflag:$0x5] =	stream.indirect.gather [hbm4b:s5+s17], $0x80, s3, s17, $0xb8;
	[tilespmem:$0x1F720] =	vst v63  }
0xee: {  	s3 =	smov.u32 s1  }
0xef: {  	p1 =	sne.s32 s1, $0x9600;
	s1 =	sadd.s32 $0x320, s1;
	_ =	swait.ge [sflag:s29], $0x1400  }
0xf0: {  	s3 =	sshra.s32 s3, $0x2;
	[sflag:s29] =	ssyncset.done $0x0  }
0xf1: {  	s8 =	sadd.s32 $0x15F90, s3;
	[sflag:s29] =	ssyncadd.s32 $0xFFFFEC00  }
0xf2: {  	[spmem:s2] =	stream.indirect.scatter.add.f32 [tilespmem:s18], [sflag:$0x6], $0x80, s8, s17, $0xb8;
	[tilespmem:$0x1F720] =	vst v63  }
0xf3: {  	_ =	swait.ge [sflag:s30], $0x1400  }
0xf4: {  	[sflag:s30] =	ssyncset.done $0x0  }
0xf5: {  	s8 =	sadd.s32 $0x15FB8, s3;
	[sflag:s30] =	ssyncadd.s32 $0xFFFFEC00  }
0xf6: {  	[spmem:s2] =	stream.indirect.scatter.add.f32 [tilespmem:s20], [sflag:$0x7], $0x80, s8, s17, $0xb8;
	[tilespmem:$0x1F720] =	vst v63  }
0xf7: {  	_ =	swait.ge [sflag:s31], $0x1400  }
0xf8: {  	[sflag:s31] =	ssyncset.done $0x0  }
0xf9: {  	s8 =	sadd.s32 $0x15FE0, s3;
	[sflag:s31] =	ssyncadd.s32 $0xFFFFEC00  }
0xfa: {  	[spmem:s2] =	stream.indirect.scatter.add.f32 [tilespmem:s22], [sflag:$0x8], $0x80, s8, s17, $0xb8;
	[tilespmem:$0x1F720] =	vst v63  }
0xfb: {  	_ =	swait.ge [sflag:s0], $0x1400  }
0xfc: {  	[sflag:s0] =	ssyncset.done $0x0  }
0xfd: {  	s8 =	sadd.s32 $0x16008, s3;
	[sflag:s0] =	ssyncadd.s32 $0xFFFFEC00  }
0xfe: {  	[spmem:s2] =	stream.indirect.scatter.add.f32 [tilespmem:s24], [sflag:$0x9], $0x80, s8, s17, $0xb8;
	[tilespmem:$0x1F720] =	vst v63  }
0xff: {  	_ =	swait.ge [sflag:s16], $0x1400  }
0x100: {  	[sflag:s16] =	ssyncset.done $0x0  }
0x101: {  	s8 =	sadd.s32 $0x16030, s3;
	[sflag:s16] =	ssyncadd.s32 $0xFFFFEC00  }
0x102: {  	[spmem:s2] =	stream.indirect.scatter.add.f32 [tilespmem:s28], [sflag:$0xA], $0x80, s8, s17, $0xb8;
	[tilespmem:$0x1F720] =	vst v63  }
0x103: {  	_ =	swait.ge [sflag:s6], $0x1400  }
0x104: {  	[sflag:s6] =	ssyncset.done $0x0  }
0x105: {  	s8 =	sadd.s32 $0x13948, s3;
	[sflag:s6] =	ssyncadd.s32 $0xFFFFEC00  }
0x106: {  	[tilespmem:s18], [sflag:$0x1] =	stream.indirect.gather [hbm4b:s5+s17], $0x80, s8, s17, $0xb8;
	[tilespmem:$0x1F720] =	vst v63  }
0x107: {  	_ =	swait.ge [sflag:s19], $0x1400  }
0x108: {  	[sflag:s19] =	ssyncset.done $0x0  }
0x109: {  	s8 =	sadd.s32 $0x13970, s3;
	[sflag:s19] =	ssyncadd.s32 $0xFFFFEC00  }
0x10a: {  	[tilespmem:s20], [sflag:$0x2] =	stream.indirect.gather [hbm4b:s5+s17], $0x80, s8, s17, $0xb8;
	[tilespmem:$0x1F720] =	vst v63  }
0x10b: {  	_ =	swait.ge [sflag:s21], $0x1400  }
0x10c: {  	[sflag:s21] =	ssyncset.done $0x0  }
0x10d: {  	s8 =	sadd.s32 $0x13998, s3;
	[sflag:s21] =	ssyncadd.s32 $0xFFFFEC00  }
0x10e: {  	[tilespmem:s22], [sflag:$0x3] =	stream.indirect.gather [hbm4b:s5+s17], $0x80, s8, s17, $0xb8;
	[tilespmem:$0x1F720] =	vst v63  }
0x10f: {  	_ =	swait.ge [sflag:s7], $0x1400  }
0x110: {  	[sflag:s7] =	ssyncset.done $0x0  }
.Ltmp7:
0x111: {  	s8 =	sadd.s32 $0x139C0, s3;
	[sflag:s7] =	ssyncadd.s32 $0xFFFFEC00;
	(pc) =	sbr.rel @p1 .LBB2_10-.Ltmp7, $4  }
0x112: {  	[tilespmem:s24], [sflag:$0x4] =	stream.indirect.gather [hbm4b:s5+s17], $0x80, s8, s17, $0xb8;
	[tilespmem:$0x1F720] =	vst v63  }
0x113: {  	_ =	swait.ge [sflag:s23], $0x1400  }
0x114: {  	[sflag:s23] =	ssyncset.done $0x0  }
0x115: {  	s3 =	sadd.s32 $0x139E8, s3;
	[sflag:s23] =	ssyncadd.s32 $0xFFFFEC00  }
.Ltmp8:
0x116: {  	_ = 	snop;
	(pc) =	sbr.rel .LBB2_11-.Ltmp8, $1  }
0x117: {  	_ =	sdelay $0x3  }
.LBB2_13:
0x118: {  	_ =	sfence.sel $0x180000  }
0x119: {  	[bflag:$0x0] =	sbarrier.arrive $0xFFFF  }
0x11a: {  	_ =	strace $0x9000004A  }
0x11b: {  	s0 =	stileid.u32;
	[bflag:$0x2] =	sbarrier.arrive $0xFFFF  }
0x11c: {  	p0 =	sne.s32 s0, $0x0;
	s0 =	rddreg [dreg:$0x2]  }
0x11d: {  	s0 =	sadd.s32 @!p0 $0x100000, s0  }
0x11e: {  	[sflag:s0] =	ssyncadd.tile.s32 @!p0 $0x1;
	_ =	shalt  }
.Lfunc_end2:
_tile_overlayer_lowered:
.L_overlay_start_2:
0x11f: {  	(tag) =	ssettag $0x2  }
0x120: {  	s0 =	rddreg [dreg:$0x0];
	s2 =	stileid.u32  }
0x121: {  	s1 =	rddreg [dreg:$0x1];
	p0 =	sne.s32 s2, $0x0  }
0x122: {  	s3 =	rddreg [dreg:$0x2];
	[bflag:$0x3] =	sbarrier.arrive $0xFFFF;
	s2 =	simm.s32 @!p0 $0x1C0B  }
0x123: {  	[timem:s3], [sflag:s2] =	dma.local @!p0 [hbm:s0], s1  }
0x124: {  	s0 =	simm.s32 @!p0 $0xB  }
0x125: {  	_ =	swait.ge @!p0 [sflag:s0], s1  }
0x126: {  	s1 =	ssub.s32 @!p0 $0x0, s1;
	[sflag:s0] =	ssyncset.done @!p0 $0x0  }
0x127: {  	[sflag:s0] =	ssyncadd.s32 @!p0 s1  }
0x128: {  	[bflag:$0x3] =	sbarrier.arrive $0xFFFF  }
0x129: {  	_ =	shalt  }

// kernel: kernel.8.cloned.1.call-start
scs
__scs_entry_jumppad:
0x0: {  	(pc) =	sbr.rel $0x88, $3  }
0x1: {  	(tag) =	ssettag $0x0;
	lr =	simm.s32 $0x1  }
0x2: {  	[smem:$0x3F97] =	sst lr;
	_ =	strace $0xD0000000  }
0x3: {  	_ = 	snop  }
0x4: {  	_ = 	snop  }
0x5: {  	_ = 	snop  }
0x6: {  	_ = 	snop  }
0x7: {  	_ = 	snop  }
__scs_overlays_trampoline_lowered:
0x8: {  	[smem:$0x3FA6] =	sst s0  }
0x9: {  	[smem:$0x3FA7] =	sst s1  }
0xa: {  	[smem:$0x3FA8] =	sst s2  }
0xb: {  	[smem:$0x3FA9] =	sst s3  }
0xc: {  	[smem:$0x3FAA] =	sst s4  }
0xd: {  	[smem:$0x3FAB] =	sst s5  }
0xe: {  	[smem:$0x3FAC] =	sst s6  }
0xf: {  	[smem:$0x3FAD] =	sst s7  }
0x10: {  	[smem:$0x3FAE] =	sst s8  }
0x11: {  	[smem:$0x3FAF] =	sst s9;
	s0 =	simm.s32 @!p0 $0x0  }
0x12: {  	s1 =	sld [smem:$0x3F95];
	s0 =	simm.s32 @p0 $0x1  }
0x13: {  	[smem:$0x3FB0] =	sst s0;
	s0 =	simm.s32 @!p1 $0x0  }
0x14: {  	s2 =	sld [smem:$0x3F94];
	s0 =	simm.s32 @p1 $0x1  }
0x15: {  	[smem:$0x3FB1] =	sst s0;
	s0 =	simm.s32 @!p2 $0x0  }
0x16: {  	s3 =	sld [smem:$0x3FDB];
	s0 =	simm.s32 @p2 $0x1  }
0x17: {  	s4 =	simm.s32 $0x1BF5;
	[smem:$0x3FB3] =	sst s0  }
0x18: {  	s0 =	sld [smem:$0x3F96];
	_ =	swait.ge [sflag:s4], $0x0  }
0x19: {  	s7 =	sld [smem:$0x3F97]  }
0x1a: {  	s8 =	sadd.s32 $0xFFFFE003, lr  }
0x1b: {  	s9 =	sadd.s32 $0xFFFFFEF7, lr;
	s5 =	simm.s32 $0xFFFFFFFF;
	p2 =	slt.u32 s8, $0xFFFFF086  }
0x1c: {  	p1 =	slt.u32 s9, $0xF7A;
	s5 =	simm.s32 @!p2 $0x0  }
0x1d: {  	s5 =	simm.s32 @p1 $0x1;
	p0 =	seq.s32 s7, s2  }
0x1e: {  	s7 =	smul.u32 @!p0 $0xF7A, s2;
	p2 =	seq.s32 @!p0 s5, $0x0  }
0x1f: {  	s9 =	smul.u32 $0xF7A, s1;
	s8 =	simm.s32 @!p0 $0x1BF5;
	p2 =	por !p2, p0  }
0x20: {  	[sflag:s8] =	ssyncset.s32 @!p0 $0xFFFFF086;
	s6 =	sadd.s32 @!p0 s3, s7;
	s7 =	simm.s32 @!p0 $0x108  }
0x21: {  	s3 =	sadd.s32 s3, s9;
	s6 =	sadd.s32 @!p0 $0x88, s6;
	s7 =	simm.s32 @p2 $0x1082  }
0x22: {  	[simem:s7], [sflag:s8] =	dma.local @!p0 [hbm:s6], $0xF7A  }
0x23: {  	s9 =	sor.u32 $0xD0000000, s2;
	s6 =	simm.s32 $0x108;
	_ =	swait.ge @!p0 [sflag:s8], $0x0  }
0x24: {  	s3 =	sadd.s32 $0x88, s3;
	s6 =	simm.s32 @!p1 $0x1082;
	[sflag:s4] =	ssyncset.s32 $0xFFFFF086  }
0x25: {  	[simem:s6], [sflag:s4] =	dma.local [hbm:s3], $0xF7A  }
0x26: {  	[smem:$0x3F97] =	sst s1;
	(tag) =	ssettag s2;
	_ =	strace s9  }
0x27: {  	s1 =	sld [smem:$0x3FA7]  }
0x28: {  	s2 =	sld [smem:$0x3FA8]  }
0x29: {  	s4 =	sld [smem:$0x3FAA]  }
0x2a: {  	p0 =	seq.s32 s5, $0x0;
	s5 =	sld [smem:$0x3FAB]  }
0x2b: {  	s6 =	sld [smem:$0x3FAC]  }
0x2c: {  	s7 =	sld [smem:$0x3FAD]  }
0x2d: {  	s3 =	simm.s32 $0x108;
	s8 =	sld [smem:$0x3FAE]  }
0x2e: {  	s3 =	simm.s32 @!p0 $0x1082;
	s9 =	sld [smem:$0x3FAF]  }
0x2f: {  	lr =	sadd.s32 s0, s3;
	s0 =	sld [smem:$0x3FA6]  }
0x30: {  	s3 =	sld [smem:$0x3FA9]  }
0x31: {  	[smem:$0x3FB2] =	sst s10  }
0x32: {  	s10 =	sld [smem:$0x3FB0];
	_ =	sdelay $0x3  }
0x33: {  	p0 =	seq.s32 s10, $0x1;
	s10 =	sld [smem:$0x3FB2];
	_ =	sdelay $0x3  }
0x34: {  	[smem:$0x3FB2] =	sst s10  }
0x35: {  	s10 =	sld [smem:$0x3FB1];
	_ =	sdelay $0x3  }
0x36: {  	p1 =	seq.s32 s10, $0x1;
	s10 =	sld [smem:$0x3FB2];
	_ =	sdelay $0x3  }
0x37: {  	[smem:$0x3FB2] =	sst s10  }
0x38: {  	s10 =	sld [smem:$0x3FB3]  }
0x39: {  	_ = 	snop;
	(pc) =	sbr.ind lr, $3  }
0x3a: {  	_ = 	snop  }
0x3b: {  	_ = 	snop  }
0x3c: {  	p2 =	seq.s32 s10, $0x1;
	s10 =	sld [smem:$0x3FB2]  }
0x3d: {  	_ =	shalt  }
0x3e: {  	_ =	shalt  }
0x3f: {  	_ =	shalt  }
0x40: {  	_ =	shalt  }
0x41: {  	_ =	shalt  }
0x42: {  	_ =	shalt  }
0x43: {  	_ =	shalt  }
0x44: {  	_ =	shalt  }
0x45: {  	_ =	shalt  }
0x46: {  	_ =	shalt  }
0x47: {  	_ =	shalt  }
0x48: {  	_ =	shalt  }
0x49: {  	_ =	shalt  }
0x4a: {  	_ =	shalt  }
0x4b: {  	_ =	shalt  }
0x4c: {  	_ =	shalt  }
0x4d: {  	_ =	shalt  }
0x4e: {  	_ =	shalt  }
0x4f: {  	_ =	shalt  }
0x50: {  	_ =	shalt  }
0x51: {  	_ =	shalt  }
0x52: {  	_ =	shalt  }
0x53: {  	_ =	shalt  }
0x54: {  	_ =	shalt  }
0x55: {  	_ =	shalt  }
0x56: {  	_ =	shalt  }
0x57: {  	_ =	shalt  }
0x58: {  	_ =	shalt  }
0x59: {  	_ =	shalt  }
0x5a: {  	_ =	shalt  }
0x5b: {  	_ =	shalt  }
0x5c: {  	_ =	shalt  }
0x5d: {  	_ =	shalt  }
0x5e: {  	_ =	shalt  }
0x5f: {  	_ =	shalt  }
0x60: {  	_ =	shalt  }
0x61: {  	_ =	shalt  }
0x62: {  	_ =	shalt  }
0x63: {  	_ =	shalt  }
0x64: {  	_ =	shalt  }
0x65: {  	_ =	shalt  }
0x66: {  	_ =	shalt  }
0x67: {  	_ =	shalt  }
0x68: {  	_ =	shalt  }
0x69: {  	_ =	shalt  }
0x6a: {  	_ =	shalt  }
0x6b: {  	_ =	shalt  }
0x6c: {  	_ =	shalt  }
0x6d: {  	_ =	shalt  }
0x6e: {  	_ =	shalt  }
0x6f: {  	_ =	shalt  }
0x70: {  	_ =	shalt  }
0x71: {  	_ =	shalt  }
0x72: {  	_ =	shalt  }
0x73: {  	_ =	shalt  }
0x74: {  	_ =	shalt  }
0x75: {  	_ =	shalt  }
0x76: {  	_ =	shalt  }
0x77: {  	_ =	shalt  }
0x78: {  	_ =	shalt  }
0x79: {  	_ =	shalt  }
0x7a: {  	_ =	shalt  }
0x7b: {  	_ =	shalt  }
0x7c: {  	_ =	shalt  }
0x7d: {  	_ =	shalt  }
0x7e: {  	_ =	shalt  }
0x7f: {  	_ =	shalt  }
0x80: {  	_ =	shalt  }
0x81: {  	_ =	shalt  }
0x82: {  	_ =	shalt  }
0x83: {  	_ =	shalt  }
0x84: {  	_ =	shalt  }
0x85: {  	_ =	shalt  }
0x86: {  	_ =	shalt  }
0x87: {  	_ =	shalt  }
.Lfunc_end0:
.L_simem_size_0:
called_computation_lowered:
.L_overlay_start_0:
0x88: {  	s2 =	sld [smem:$0x3FD9]  }
0x89: {  	s3 =	sld [smem:$0x3FFE];
	_ =	sdelay $0x1  }
0x8a: {  	s1 =	srdreg.scid  }
0x8b: {  	s0 =	sand.u32 $0x1, s1  }
0x8c: {  	s17 =	sshll.u32 s0, $0xA;
	s2 =	sadd.s32 s3, s2  }
0x8d: {  	s2 =	sadd.s32 s2, s17  }
0x8e: {  	[smem:$0x3FBE] =	sst s2  }
0x8f: {  	_ = 	snop  }
0x90: {  	s2 =	sld [smem:$0x3FD0];
	(tm) =	ssettm $0x1  }
0x91: {  	s18 =	sld [smem:$0x3FFB];
	_ =	sdelay $0x3  }
0x92: {  	_ =	strace s18  }
0x93: {  	s3 =	sld [smem:$0x3FFC];
	_ =	sdelay $0x3  }
0x94: {  	_ =	strace s3  }
0x95: {  	s3 =	sld [smem:$0x3FFD];
	_ =	sdelay $0x3  }
0x96: {  	_ =	strace s3  }
0x97: {  	_ =	strace $0x8FFFFFFF  }
0x98: {  	s19 =	sld [smem:$0x3FDB];
	_ =	sdelay $0x1  }
0x99: {  	s4 =	simm.s32 $_scs_section_size  }
0x9a: {  	s5 =	simm.s32 $_size__tile_overlayer_lowered;
	s6 =	simm.s32 $_tile_overlayer_lowered  }
0x9b: {  	s22 =	simm.s32 $0x1BFF;
	s21 =	sshll.u32 s6, $0x1;
	s3 =	sadd.s32 s4, s19  }
0x9c: {  	s7 =	simm.s32 $0x0;
	s20 =	sshll.u32 s5, $0x1;
	s5 =	sadd.s32 s21, s3  }
0x9d: {  	[timem:s7], [sflag:s22] =	dma.local [hbm:s5], s20  }
0x9e: {  	_ =	swait.ge [sflag:s22], s20  }
0x9f: {  	s4 =	ssub.s32 $0x0, s20;
	[sflag:s22] =	ssyncset.done $0x0  }
0xa0: {  	[sflag:s22] =	ssyncadd.s32 s4;
	_ =	sdelay $0x1  }
0xa1: {  	s23 =	simm.s32 $0x1B8B  }
0xa2: {  	_ =	swait.ge [sflag:s23], $0x1  }
0xa3: {  	[sflag:s23] =	ssyncset.done $0x0  }
0xa4: {  	s25 =	simm.s32 $0x1B8E;
	s24 =	sld [smem:$0x3FFE];
	[sflag:s23] =	ssyncadd.s32 $0xFFFFFFFF  }
0xa5: {  	s26 =	simm.s32 $execute0_lowered;
	[smem:$0x3FD2] =	sst s25  }
0xa6: {  	s5 =	sshll.u32 s26, $0x1;
	_ =	strace $0x80000046;
	[dreg:$0x1] =	wrdreg $0xFFFFFFFF  }
0xa7: {  	s28 =	simm.s32 $_size_execute0_lowered;
	s3 =	sadd.s32 s3, s5;
	[dreg:$0x0] =	wrdreg $0x0  }
0xa8: {  	s5 =	sshll.u32 s28, $0x1;
	[dreg:$0x2] =	wrdreg s3  }
0xa9: {  	[dreg:$0x3] =	wrdreg s5  }
0xaa: {  	[dreg:$0x4] =	wrdreg $0xC0  }
0xab: {  	_ =	task [dreg:s7], $0x5FFFF  }
0xac: {  	[dreg:$0x1] =	wrdreg $0xFFFFFFFF  }
0xad: {  	[dreg:$0x0] =	wrdreg $0x60  }
0xae: {  	[dreg:$0x2] =	wrdreg s24  }
0xaf: {  	[dreg:$0x3] =	wrdreg s2  }
0xb0: {  	[dreg:$0x4] =	wrdreg $0x77100  }
0xb1: {  	[dreg:$0x5] =	wrdreg $0x9  }
0xb2: {  	_ =	task.clear_ibuf [dreg:s7], $0x6FFFF;
	_ =	strace $0x90000046  }
0xb3: {  	s29 =	simm.s32 $0x9;
	_ =	strace $0x80000048  }
0xb4: {  	_ =	swait.ge [sflag:s29], $0x1  }
0xb5: {  	[sflag:s29] =	ssyncadd.s32 $0xFFFFFFFF  }
0xb6: {  	_ =	strace $0x90000048  }
0xb7: {  	_ =	sfence  }
0xb8: {  	s30 =	sld [smem:$0x0];
	_ =	sdelay $0x2  }
0xb9: {  	s31 =	sshll.u32 s1, $0xD;
	s1 =	sshrl.u32 s1, $0x2  }
0xba: {  	s3 =	sand.u32 $0x4000, s31;
	s1 =	sadd.s32 s1, s30  }
0xbb: {  	s0 =	sor.u32 s3, s0;
	s1 =	sshll.u32 s1, $0x11  }
0xbc: {  	s0 =	sor.u32 s1, s0  }
0xbd: {  	s0 =	sadd.s32 $0x8F2B, s0  }
0xbe: {  	[sflag:s0] =	ssyncadd.remote.s32 $0x1  }
0xbf: {  	_ =	sfence.sel $0xFFFF  }
0xc0: {  	[dreg:$0x0] =	wrdreg $0xFFFFFFFF;
	(pc) =	sbr.abs _section_cstart, $3  }
0xc1: {  	[dreg:$0x1] =	wrdreg $0xFFFFFFFF  }
0xc2: {  	_ =	task.clear_ibuf [dreg:s7], $0x2FFFF;
	_ =	strace $0x9FFFFFFF  }
0xc3: {  	(tm) =	ssettm $0x7FFFFFFF  }
tec
execute0_lowered:
.L_overlay_start_1:
0x0: {  	(tag) =	ssettag $0x1  }
0x1: {  	s5 =	rddreg [dreg:$0x0]  }
0x2: {  	s11 =	rddreg [dreg:$0x1]  }
0x3: {  	s10 =	rddreg [dreg:$0x2]  }
0x4: {  	s0 =	rddreg [dreg:$0x3];
	s2 =	simm.s32 $0x0;
	s1 =	stileid.u32  }
0x5: {  	s4 =	srdreg.scid;
	s17 =	simm.s32 $0x5000;
	s18 =	simm.s32 $0x1  }
0x6: {  	s19 =	simm.s32 $0x2800;
	s20 =	simm.s32 $0x280;
	s21 =	simm.s32 $0xC710  }
0x7: {  	s22 =	simm.s32 $0xEF10;
	s23 =	simm.s32 $0x0;
	s3 =	smul.u32 $0x4E2, s1  }
0x8: {  	[smem:$0x7FF] =	sst s2;
	s12 =	smul.u32 $0x280, s1;
	s6 =	sand.u32 $0x1, s4  }
0x9: {  	s8 =	smul.u32 $0x14000, s1;
	_ =	strace $0x80000047;
	s7 =	ssub.s32 $0x2, s6  }
0xa: {  	p0 =	seq.s32 s6, $0x1;
	s14 =	sadd.s32 s3, s5;
	s3 =	sadd.s32 $0x17200, s5  }
0xb: {  	s4 =	sshrl.u32 s12, $0x3;
	s9 =	sshrl.u32 s7, $0x1;
	s8 =	sshrl.u32 s8, $0x2  }
.Ltmp0:
0xc: {  	s15 =	sadd.s32 s4, s5;
	s5 =	sadd.s32 $0x17800, s5;
	(pc) =	sbr.rel .LBB2_1-.Ltmp0, $4  }
0xd: {  	s16 =	ssub.s32 s7, s9;
	s6 =	sadd.s32 $0x11C00, s14;
	s7 =	sadd.s32 $0xCC00, s14  }
0xe: {  	s8 =	sadd.s32 s8, s10;
	s10 =	sadd.s32 s12, s10;
	s11 =	sadd.s32 s11, s4  }
0xf: {  	s13 =	sadd.s32 $0x7C00, s14;
	s14 =	sadd.s32 $0x2C00, s14;
	s9 =	sadd.s32 $0x2800, s8  }
0x10: {  	v0 =	vimm.f32 $0.0e+00;
	v1 =	vimm.f32 $1.000000000e+00;
	s12 =	sadd.s32 $0x2800, s10;
	s15 =	sadd.s32 $0x16C00, s15;
	s16 =	smax.u32 s16, $0x1  }
.LBB2_25:
0x11: {  	v9 =	vld [tilespmem:s26+$0xC990]  }
0x12: {  	v10 =	vld [tilespmem:s24+$0xE010];
	v4 =	vadd.f32 v4, v8  }
0x13: {  	v49 =	vld [tilespmem:s26+$0xCC10]  }
0x14: {  	v11 =	vld [tilespmem:s24+$0xE290];
	v5 =	vadd.f32 v5, v7;
	[tilespmem:s25+$0xEF10] =	vst v4  }
0x15: {  	v4 =	vld [tilespmem:s26+$0xCE90]  }
0x16: {  	v5 =	vadd.f32 v6, v5;
	v3 =	vadd.f32 v9, v3  }
0x17: {  	v50 =	vld [tilespmem:s26+$0xD110]  }
0x18: {  	v51 =	vld [tilespmem:s24+$0xE510];
	v2 =	vadd.f32 v2, v5;
	v3 =	vadd.f32 v49, v3  }
0x19: {  	v52 =	vld [tilespmem:s26+$0xD390]  }
0x1a: {  	v53 =	vld [tilespmem:s24+$0xE790];
	v2 =	vadd.f32 v10, v2;
	v3 =	vadd.f32 v4, v3  }
0x1b: {  	v54 =	vld [tilespmem:s26+$0xD610]  }
0x1c: {  	v55 =	vld [tilespmem:s24+$0xEA10];
	v2 =	vadd.f32 v11, v2;
	v3 =	vadd.f32 v50, v3  }
0x1d: {  	v56 =	vld [tilespmem:s26+$0xD890]  }
0x1e: {  	v57 =	vld [tilespmem:s24+$0xEC90];
	v2 =	vadd.f32 v51, v2;
	v3 =	vadd.f32 v52, v3  }
0x1f: {  	v58 =	vld [tilespmem:s26+$0xDB10]  }
0x20: {  	v2 =	vadd.f32 v53, v2;
	v3 =	vadd.f32 v54, v3  }
0x21: {  	v59 =	vld [tilespmem:s26+$0xDD90]  }
0x22: {  	v2 =	vadd.f32 v55, v2;
	v3 =	vadd.f32 v56, v3  }
0x23: {  	v60 =	vld [tilespmem:s26+$0xE010]  }
0x24: {  	v2 =	vadd.f32 v57, v2;
	v3 =	vadd.f32 v58, v3  }
0x25: {  	v61 =	vld [tilespmem:s26+$0xE290]  }
0x26: {  	[tilespmem:s24+$0xEF10] =	vst v2;
	v2 =	vadd.f32 v59, v3  }
0x27: {  	v3 =	vld [tilespmem:s26+$0xE510]  }
0x28: {  	v2 =	vadd.f32 v60, v2  }
0x29: {  	v62 =	vld [tilespmem:s26+$0xE790]  }
0x2a: {  	v2 =	vadd.f32 v61, v2  }
0x2b: {  	v63 =	vld [tilespmem:s26+$0xEA10]  }
0x2c: {  	v2 =	vadd.f32 v3, v2  }
0x2d: {  	v3 =	vld [tilespmem:s26+$0xEC90]  }
0x2e: {  	v2 =	vadd.f32 v62, v2;
	_ =	sdelay $0x1  }
0x2f: {  	v2 =	vadd.f32 v63, v2;
	_ =	sdelay $0x1  }
0x30: {  	v2 =	vadd.f32 v3, v2;
	_ =	sdelay $0x1  }
0x31: {  	s24 =	smov.u32 s5;
	[tilespmem:s26+$0xEF10] =	vst v2  }
.LBB2_26:
0x32: {  	s23 =	sadd.s32 $0x1, s23  }
0x33: {  	p1 =	sne.s32 s23, s16  }
.Ltmp1:
0x34: {  	s24 =	sadd.s32 s24, s4;
	(pc) =	sbr.rel @!p1 .LBB2_27-.Ltmp1, $4  }
0x35: {  	[hbm4b:s24+s2] =	stream.linear.scatter [tilespmem:s22], [sflag:$0x1], $0x280, $0x38;
	[tilespmem:$0xF190] =	vst v63  }
0x36: {  	_ =	swait.ge [sflag:s18], $0x280  }
0x37: {  	[sflag:s18] =	ssyncset.done $0x0  }
0x38: {  	[sflag:s18] =	ssyncadd.s32 $0xFFFFFD80  }
.LBB2_1:
.Ltmp2:
0x39: {  	(pc) =	sbr.rel @!p0 .LBB2_2-.Ltmp2, $2  }
0x3a: {  	_ =	sdelay $0x2  }
0x3b: {  	s24 =	simm.s32 $0x0;
	s25 =	simm.s32 $0x0  }
.LBB2_14:
0x3c: {  	p1 =	sne.s32 s25, $0x9FC0  }
.Ltmp3:
0x3d: {  	_ = 	snop;
	(pc) =	sbr.rel @p1 .LBB2_14-.Ltmp3, $3  }
0x3e: {  	_ =	sdelay $0x1  }
0x3f: {  	s24 =	sshra.s32 s25, $0x2  }
0x40: {  	s25 =	sadd.s32 $0x40, s25;
	[tilespmem:s24+$0x0] =	vst v0  }
0x41: {  	s24 =	simm.s32 $0x40;
	s25 =	simm.s32 $0x0  }
.LBB2_16:
0x42: {  	p1 =	sne.s32 s24, $0x9FC0;
	[tilespmem:s25+$0x2800] =	vst v0;
	s25 =	smov.u32 s24;
	s24 =	sadd.s32 $0x40, s24  }
.Ltmp4:
0x43: {  	(pc) =	sbr.rel @p1 .LBB2_16-.Ltmp4, $2  }
0x44: {  	_ =	sdelay $0x2  }
0x45: {  	s25 =	sshra.s32 s25, $0x2  }
0x46: {  	[tilespmem:s25+$0x2800] =	vst v0;
	s24 =	simm.s32 $0x0  }
0x47: {  	[tilespmem:s17], [sflag:$0x1] =	stream.linear.gather [hbm4b:s13+s24], $0x2710, $0x38;
	[tilespmem:$0xF190] =	vst v63  }
0x48: {  	_ =	swait.ge [sflag:s18], $0x2710  }
0x49: {  	[sflag:s18] =	ssyncset.done $0x0  }
0x4a: {  	[sflag:s18] =	ssyncadd.s32 $0xFFFFD8F0  }
.LBB2_18:
0x4b: {  	s25 =	sshra.s32 s24, $0x2  }
0x4c: {  	v2 =	vld [tilespmem:s25+$0x5000];
	_ =	sdelay $0x7  }
0x4d: {  	[tilespmem:v2+s2+$0x0] =	vst.idx.add.f32.msk $0xffff, v1  }
0x4e: {  	v2 =	vld [tilespmem:s25+$0x5010];
	_ =	sdelay $0x7  }
0x4f: {  	[tilespmem:v2+s2+$0x0] =	vst.idx.add.f32.msk $0xffff, v1  }
0x50: {  	v2 =	vld [tilespmem:s25+$0x5020];
	_ =	sdelay $0x7  }
0x51: {  	[tilespmem:v2+s2+$0x0] =	vst.idx.add.f32.msk $0xffff, v1  }
0x52: {  	v2 =	vld [tilespmem:s25+$0x5030];
	_ =	sdelay $0x7  }
0x53: {  	[tilespmem:v2+s2+$0x0] =	vst.idx.add.f32.msk $0xffff, v1  }
0x54: {  	v2 =	vld [tilespmem:s25+$0x5040];
	_ =	sdelay $0x2  }
0x55: {  	p1 =	sne.s32 s24, $0x9B00  }
.Ltmp5:
0x56: {  	_ = 	snop;
	(pc) =	sbr.rel @p1 .LBB2_18-.Ltmp5, $2  }
0x57: {  	_ =	sdelay $0x2  }
0x58: {  	s24 =	sadd.s32 $0x140, s24;
	[tilespmem:v2+s2+$0x0] =	vst.idx.add.f32.msk $0xffff, v1  }
0x59: {  	s24 =	simm.s32 $0x0  }
0x5a: {  	[tilespmem:s17], [sflag:$0x1] =	stream.linear.gather [hbm4b:s14+s24], $0x2710, $0x38;
	[tilespmem:$0xF190] =	vst v63  }
0x5b: {  	_ =	swait.ge [sflag:s18], $0x2710  }
0x5c: {  	[sflag:s18] =	ssyncset.done $0x0  }
0x5d: {  	[sflag:s18] =	ssyncadd.s32 $0xFFFFD8F0  }
.LBB2_20:
0x5e: {  	s25 =	sshra.s32 s24, $0x2  }
0x5f: {  	v2 =	vld [tilespmem:s25+$0x5000];
	_ =	sdelay $0x7  }
0x60: {  	[tilespmem:v2+s19+$0x0] =	vst.idx.add.f32.msk $0xffff, v1  }
0x61: {  	v2 =	vld [tilespmem:s25+$0x5010];
	_ =	sdelay $0x7  }
0x62: {  	[tilespmem:v2+s19+$0x0] =	vst.idx.add.f32.msk $0xffff, v1  }
0x63: {  	v2 =	vld [tilespmem:s25+$0x5020];
	_ =	sdelay $0x7  }
0x64: {  	[tilespmem:v2+s19+$0x0] =	vst.idx.add.f32.msk $0xffff, v1  }
0x65: {  	v2 =	vld [tilespmem:s25+$0x5030];
	_ =	sdelay $0x7  }
0x66: {  	[tilespmem:v2+s19+$0x0] =	vst.idx.add.f32.msk $0xffff, v1  }
0x67: {  	v2 =	vld [tilespmem:s25+$0x5040];
	_ =	sdelay $0x2  }
0x68: {  	p1 =	sne.s32 s24, $0x9B00  }
.Ltmp6:
0x69: {  	_ = 	snop;
	(pc) =	sbr.rel @p1 .LBB2_20-.Ltmp6, $2  }
0x6a: {  	_ =	sdelay $0x2  }
0x6b: {  	s24 =	sadd.s32 $0x140, s24;
	[tilespmem:v2+s19+$0x0] =	vst.idx.add.f32.msk $0xffff, v1  }
0x6c: {  	s24 =	simm.s32 $0x0  }
0x6d: {  	[spmem:s8] =	stream.linear.scatter [tilespmem:s24], [sflag:$0x1], $0x2800, $0x38;
	[tilespmem:$0xF190] =	vst v63  }
0x6e: {  	_ =	swait.ge [sflag:s18], $0x2800  }
0x6f: {  	[sflag:s18] =	ssyncset.done $0x0  }
0x70: {  	[sflag:s18] =	ssyncadd.s32 $0xFFFFD800  }
0x71: {  	[spmem:s9] =	stream.linear.scatter [tilespmem:s19], [sflag:$0x1], $0x2800, $0x38;
	[tilespmem:$0xF190] =	vst v63  }
0x72: {  	_ =	swait.ge [sflag:s18], $0x2800  }
0x73: {  	[sflag:s18] =	ssyncset.done $0x0  }
0x74: {  	[sflag:s18] =	ssyncadd.s32 $0xFFFFD800  }
0x75: {  	[bflag:$0x0] =	sbarrier.arrive $0xFFFF  }
0x76: {  	[tilespmem:s21], [sflag:$0x1] =	stream.strided.gather [spmem:s10], $0x2800, s17, s20, $0x38;
	[tilespmem:$0xF190] =	vst v63  }
0x77: {  	_ =	swait.ge [sflag:s18], $0x2800  }
0x78: {  	[sflag:s18] =	ssyncset.done $0x0  }
0x79: {  	s25 =	simm.s32 $0x0;
	[sflag:s18] =	ssyncadd.s32 $0xFFFFD800  }
0x7a: {  	v2 =	vld [tilespmem:s25+$0xC710]  }
0x7b: {  	v3 =	vld [tilespmem:s25+$0xC990];
	_ =	sdelay $0x1  }
0x7c: {  	v4 =	vld [tilespmem:s25+$0xCC10];
	_ =	sdelay $0x1  }
0x7d: {  	v5 =	vld [tilespmem:s25+$0xCE90]  }
0x7e: {  	v2 =	vadd.f32 v3, v2  }
0x7f: {  	v3 =	vld [tilespmem:s25+$0xD110]  }
0x80: {  	v2 =	vadd.f32 v4, v2  }
0x81: {  	v4 =	vld [tilespmem:s25+$0xD390]  }
0x82: {  	v2 =	vadd.f32 v5, v2  }
0x83: {  	v5 =	vld [tilespmem:s25+$0xD610]  }
0x84: {  	v2 =	vadd.f32 v3, v2  }
0x85: {  	v3 =	vld [tilespmem:s25+$0xD890]  }
0x86: {  	s24 =	simm.s32 $0x10;
	v6 =	vld [tilespmem:s25+$0xDB10];
	v2 =	vadd.f32 v4, v2  }
0x87: {  	v7 =	vld [tilespmem:s24+$0xC710]  }
0x88: {  	v4 =	vld [tilespmem:s25+$0xDD90];
	v2 =	vadd.f32 v5, v2  }
0x89: {  	v5 =	vld [tilespmem:s24+$0xC990]  }
0x8a: {  	v8 =	vld [tilespmem:s24+$0xCC10];
	v2 =	vadd.f32 v3, v2  }
0x8b: {  	v3 =	vld [tilespmem:s25+$0xE010]  }
0x8c: {  	v9 =	vld [tilespmem:s24+$0xCE90];
	v2 =	vadd.f32 v6, v2  }
0x8d: {  	v6 =	vld [tilespmem:s25+$0xE290]  }
0x8e: {  	v5 =	vadd.f32 v5, v7;
	v7 =	vld [tilespmem:s24+$0xD110];
	v2 =	vadd.f32 v4, v2  }
0x8f: {  	v4 =	vld [tilespmem:s25+$0xE510]  }
0x90: {  	v5 =	vadd.f32 v8, v5;
	v8 =	vld [tilespmem:s24+$0xD390];
	v2 =	vadd.f32 v3, v2  }
0x91: {  	v3 =	vld [tilespmem:s25+$0xE790]  }
0x92: {  	v10 =	vld [tilespmem:s24+$0xD610];
	v5 =	vadd.f32 v9, v5;
	v2 =	vadd.f32 v6, v2  }
0x93: {  	v9 =	vld [tilespmem:s25+$0xEA10]  }
0x94: {  	v6 =	vadd.f32 v7, v5;
	v5 =	vld [tilespmem:s24+$0xD890];
	v7 =	vadd.f32 v4, v2  }
0x95: {  	v4 =	vld [tilespmem:s25+$0xEC90]  }
0x96: {  	v2 =	vld [tilespmem:s24+$0xDD90];
	v8 =	vadd.f32 v8, v6;
	v11 =	vadd.f32 v3, v7  }
0x97: {  	s26 =	simm.s32 $0x20;
	v6 =	vld [tilespmem:s24+$0xDB10]  }
0x98: {  	s28 =	simm.s32 $0xC0;
	v3 =	vld [tilespmem:s26+$0xC710];
	v7 =	vadd.f32 v10, v8;
	v8 =	vadd.f32 v9, v11  }
.LBB2_22:
0x99: {  	p1 =	sne.s32 s28, $0x9C0;
	v9 =	vld [tilespmem:s26+$0xC990]  }
0x9a: {  	v5 =	vadd.f32 v5, v7;
	v7 =	vld [tilespmem:s24+$0xE010];
	v4 =	vadd.f32 v4, v8  }
0x9b: {  	v8 =	vld [tilespmem:s26+$0xCC10]  }
0x9c: {  	v5 =	vadd.f32 v6, v5;
	v6 =	vld [tilespmem:s24+$0xE290];
	[tilespmem:s25+$0xEF10] =	vst v4;
	s25 =	smov.u32 s24;
	s24 =	smov.u32 s26  }
0x9d: {  	v4 =	vld [tilespmem:s24+$0xCE90]  }
0x9e: {  	v3 =	vadd.f32 v9, v3;
	v2 =	vadd.f32 v2, v5;
	v5 =	vld [tilespmem:s25+$0xE510]  }
0x9f: {  	v9 =	vld [tilespmem:s24+$0xD110]  }
0xa0: {  	v3 =	vadd.f32 v8, v3;
	v2 =	vadd.f32 v7, v2;
	v7 =	vld [tilespmem:s25+$0xE790]  }
0xa1: {  	v8 =	vld [tilespmem:s24+$0xD390]  }
0xa2: {  	v3 =	vadd.f32 v4, v3;
	v2 =	vadd.f32 v6, v2;
	v10 =	vld [tilespmem:s25+$0xEA10]  }
0xa3: {  	v11 =	vld [tilespmem:s24+$0xD610]  }
.Ltmp7:
0xa4: {  	v3 =	vadd.f32 v9, v3;
	v6 =	vadd.f32 v5, v2;
	v4 =	vld [tilespmem:s25+$0xEC90];
	(pc) =	sbr.rel @p1 .LBB2_22-.Ltmp7, $4  }
0xa5: {  	v5 =	vld [tilespmem:s24+$0xD890]  }
0xa6: {  	v8 =	vadd.f32 v8, v3;
	v2 =	vld [tilespmem:s24+$0xDD90];
	v9 =	vadd.f32 v7, v6  }
0xa7: {  	s26 =	sshra.s32 s28, $0x2;
	v6 =	vld [tilespmem:s24+$0xDB10]  }
0xa8: {  	s28 =	sadd.s32 $0x40, s28;
	v3 =	vld [tilespmem:s26+$0xC710];
	v7 =	vadd.f32 v11, v8;
	v8 =	vadd.f32 v10, v9  }
0xa9: {  	v9 =	vld [tilespmem:s26+$0xC990]  }
0xaa: {  	v10 =	vld [tilespmem:s24+$0xE010];
	v4 =	vadd.f32 v4, v8  }
0xab: {  	v8 =	vld [tilespmem:s26+$0xCC10]  }
0xac: {  	v11 =	vld [tilespmem:s24+$0xE290];
	v5 =	vadd.f32 v5, v7;
	[tilespmem:s25+$0xEF10] =	vst v4  }
0xad: {  	v4 =	vld [tilespmem:s26+$0xCE90]  }
0xae: {  	v5 =	vadd.f32 v6, v5;
	v3 =	vadd.f32 v9, v3  }
0xaf: {  	v6 =	vld [tilespmem:s26+$0xD110]  }
0xb0: {  	v7 =	vld [tilespmem:s26+$0xD390];
	v2 =	vadd.f32 v2, v5;
	v3 =	vadd.f32 v8, v3  }
0xb1: {  	v5 =	vld [tilespmem:s24+$0xE510]  }
0xb2: {  	v2 =	vadd.f32 v10, v2;
	v8 =	vld [tilespmem:s24+$0xE790];
	v3 =	vadd.f32 v4, v3  }
0xb3: {  	v4 =	vld [tilespmem:s26+$0xD610]  }
0xb4: {  	v9 =	vld [tilespmem:s24+$0xEA10];
	v2 =	vadd.f32 v11, v2;
	v3 =	vadd.f32 v6, v3  }
0xb5: {  	v6 =	vld [tilespmem:s26+$0xD890]  }
0xb6: {  	v2 =	vadd.f32 v5, v2;
	v5 =	vld [tilespmem:s24+$0xEC90];
	v3 =	vadd.f32 v7, v3  }
0xb7: {  	v7 =	vld [tilespmem:s26+$0xDB10]  }
0xb8: {  	v2 =	vadd.f32 v8, v2;
	v3 =	vadd.f32 v4, v3  }
0xb9: {  	v4 =	vld [tilespmem:s26+$0xDD90]  }
0xba: {  	v2 =	vadd.f32 v9, v2;
	v3 =	vadd.f32 v6, v3  }
0xbb: {  	v6 =	vld [tilespmem:s26+$0xE010]  }
0xbc: {  	v2 =	vadd.f32 v5, v2;
	v3 =	vadd.f32 v7, v3  }
0xbd: {  	v5 =	vld [tilespmem:s26+$0xE290]  }
0xbe: {  	[tilespmem:s24+$0xEF10] =	vst v2;
	v2 =	vadd.f32 v4, v3  }
0xbf: {  	v3 =	vld [tilespmem:s26+$0xE510]  }
0xc0: {  	v2 =	vadd.f32 v6, v2  }
0xc1: {  	v4 =	vld [tilespmem:s26+$0xE790]  }
0xc2: {  	v2 =	vadd.f32 v5, v2  }
0xc3: {  	v5 =	vld [tilespmem:s26+$0xEA10]  }
0xc4: {  	v2 =	vadd.f32 v3, v2  }
0xc5: {  	v3 =	vld [tilespmem:s26+$0xEC90]  }
0xc6: {  	v2 =	vadd.f32 v4, v2;
	_ =	sdelay $0x1  }
0xc7: {  	v2 =	vadd.f32 v5, v2;
	_ =	sdelay $0x1  }
0xc8: {  	v2 =	vadd.f32 v3, v2;
	_ =	sdelay $0x1  }
0xc9: {  	s31 =	simm.s32 $0x0;
	[tilespmem:s26+$0xEF10] =	vst v2  }
0xca: {  	[hbm4b:s15+s31] =	stream.linear.scatter [tilespmem:s22], [sflag:$0x1], $0x280, $0x38;
	[tilespmem:$0xF190] =	vst v63  }
0xcb: {  	_ =	swait.ge [sflag:s18], $0x280  }
0xcc: {  	[sflag:s18] =	ssyncset.done $0x0  }
0xcd: {  	[sflag:s18] =	ssyncadd.s32 $0xFFFFFD80  }
0xce: {  	[tilespmem:s21], [sflag:$0x1] =	stream.strided.gather [spmem:s12], $0x2800, s17, s20, $0x38;
	[tilespmem:$0xF190] =	vst v63  }
0xcf: {  	_ =	swait.ge [sflag:s18], $0x2800  }
0xd0: {  	[sflag:s18] =	ssyncset.done $0x0  }
0xd1: {  	s25 =	simm.s32 $0x0;
	[sflag:s18] =	ssyncadd.s32 $0xFFFFD800  }
0xd2: {  	v2 =	vld [tilespmem:s25+$0xC710]  }
0xd3: {  	v3 =	vld [tilespmem:s25+$0xC990];
	_ =	sdelay $0x1  }
0xd4: {  	v4 =	vld [tilespmem:s25+$0xCC10];
	_ =	sdelay $0x1  }
0xd5: {  	v5 =	vld [tilespmem:s25+$0xCE90]  }
0xd6: {  	v2 =	vadd.f32 v3, v2  }
0xd7: {  	v3 =	vld [tilespmem:s25+$0xD110]  }
0xd8: {  	v2 =	vadd.f32 v4, v2  }
0xd9: {  	v4 =	vld [tilespmem:s25+$0xD390]  }
0xda: {  	v2 =	vadd.f32 v5, v2  }
0xdb: {  	v5 =	vld [tilespmem:s25+$0xD610]  }
0xdc: {  	v2 =	vadd.f32 v3, v2  }
0xdd: {  	v3 =	vld [tilespmem:s25+$0xD890]  }
0xde: {  	s24 =	simm.s32 $0x10;
	v6 =	vld [tilespmem:s25+$0xDB10];
	v2 =	vadd.f32 v4, v2  }
0xdf: {  	v7 =	vld [tilespmem:s24+$0xC710]  }
0xe0: {  	v4 =	vld [tilespmem:s25+$0xDD90];
	v2 =	vadd.f32 v5, v2  }
0xe1: {  	v5 =	vld [tilespmem:s24+$0xC990]  }
0xe2: {  	v8 =	vld [tilespmem:s24+$0xCC10];
	v2 =	vadd.f32 v3, v2  }
0xe3: {  	v3 =	vld [tilespmem:s25+$0xE010]  }
0xe4: {  	v9 =	vld [tilespmem:s24+$0xCE90];
	v2 =	vadd.f32 v6, v2  }
0xe5: {  	v6 =	vld [tilespmem:s25+$0xE290]  }
0xe6: {  	v5 =	vadd.f32 v5, v7;
	v7 =	vld [tilespmem:s24+$0xD110];
	v2 =	vadd.f32 v4, v2  }
0xe7: {  	v4 =	vld [tilespmem:s25+$0xE510]  }
0xe8: {  	v5 =	vadd.f32 v8, v5;
	v8 =	vld [tilespmem:s24+$0xD390];
	v2 =	vadd.f32 v3, v2  }
0xe9: {  	v3 =	vld [tilespmem:s25+$0xE790]  }
0xea: {  	v10 =	vld [tilespmem:s24+$0xD610];
	v5 =	vadd.f32 v9, v5;
	v2 =	vadd.f32 v6, v2  }
0xeb: {  	v9 =	vld [tilespmem:s25+$0xEA10]  }
0xec: {  	v6 =	vadd.f32 v7, v5;
	v5 =	vld [tilespmem:s24+$0xD890];
	v7 =	vadd.f32 v4, v2  }
0xed: {  	v4 =	vld [tilespmem:s25+$0xEC90]  }
0xee: {  	v2 =	vld [tilespmem:s24+$0xDD90];
	v8 =	vadd.f32 v8, v6;
	v11 =	vadd.f32 v3, v7  }
0xef: {  	s26 =	simm.s32 $0x20;
	v6 =	vld [tilespmem:s24+$0xDB10]  }
0xf0: {  	s28 =	simm.s32 $0xC0;
	v3 =	vld [tilespmem:s26+$0xC710];
	v7 =	vadd.f32 v10, v8;
	v8 =	vadd.f32 v9, v11  }
.LBB2_24:
0xf1: {  	p1 =	sne.s32 s28, $0x9C0;
	v9 =	vld [tilespmem:s26+$0xC990]  }
0xf2: {  	v5 =	vadd.f32 v5, v7;
	v4 =	vadd.f32 v4, v8;
	v7 =	vld [tilespmem:s24+$0xE010]  }
0xf3: {  	v8 =	vld [tilespmem:s26+$0xCC10]  }
0xf4: {  	v5 =	vadd.f32 v6, v5;
	v6 =	vld [tilespmem:s24+$0xE290];
	[tilespmem:s25+$0xEF10] =	vst v4;
	s25 =	smov.u32 s24;
	s24 =	smov.u32 s26  }
0xf5: {  	v4 =	vld [tilespmem:s24+$0xCE90]  }
0xf6: {  	v2 =	vadd.f32 v2, v5;
	v3 =	vadd.f32 v9, v3;
	v5 =	vld [tilespmem:s25+$0xE510]  }
0xf7: {  	v9 =	vld [tilespmem:s24+$0xD110]  }
0xf8: {  	v2 =	vadd.f32 v7, v2;
	v3 =	vadd.f32 v8, v3;
	v7 =	vld [tilespmem:s25+$0xE790]  }
0xf9: {  	v8 =	vld [tilespmem:s24+$0xD390]  }
0xfa: {  	v2 =	vadd.f32 v6, v2;
	v3 =	vadd.f32 v4, v3;
	v10 =	vld [tilespmem:s25+$0xEA10]  }
0xfb: {  	v11 =	vld [tilespmem:s24+$0xD610]  }
.Ltmp8:
0xfc: {  	v6 =	vadd.f32 v5, v2;
	v3 =	vadd.f32 v9, v3;
	v4 =	vld [tilespmem:s25+$0xEC90];
	(pc) =	sbr.rel @p1 .LBB2_24-.Ltmp8, $4  }
0xfd: {  	v5 =	vld [tilespmem:s24+$0xD890]  }
0xfe: {  	v9 =	vadd.f32 v7, v6;
	v8 =	vadd.f32 v8, v3;
	v2 =	vld [tilespmem:s24+$0xDD90]  }
0xff: {  	s26 =	sshra.s32 s28, $0x2;
	v6 =	vld [tilespmem:s24+$0xDB10]  }
0x100: {  	s28 =	sadd.s32 $0x40, s28;
	v3 =	vld [tilespmem:s26+$0xC710];
	v7 =	vadd.f32 v11, v8;
	v8 =	vadd.f32 v10, v9  }
.Ltmp9:
0x101: {  	_ = 	snop;
	(pc) =	sbr.rel .LBB2_25-.Ltmp9, $1  }
0x102: {  	_ =	sdelay $0x3  }
.LBB2_2:
0x103: {  	p1 =	sne.s32 s24, $0x9FC0  }
.Ltmp10:
0x104: {  	_ = 	snop;
	(pc) =	sbr.rel @p1 .LBB2_2-.Ltmp10, $3  }
0x105: {  	_ =	sdelay $0x1  }
0x106: {  	s25 =	sshra.s32 s24, $0x2  }
0x107: {  	s24 =	sadd.s32 $0x40, s24;
	[tilespmem:s25+$0x0] =	vst v0  }
0x108: {  	s24 =	simm.s32 $0x40;
	s25 =	simm.s32 $0x0  }
.LBB2_4:
0x109: {  	p1 =	sne.s32 s24, $0x9FC0;
	[tilespmem:s25+$0x2800] =	vst v0;
	s25 =	smov.u32 s24;
	s24 =	sadd.s32 $0x40, s24  }
.Ltmp11:
0x10a: {  	(pc) =	sbr.rel @p1 .LBB2_4-.Ltmp11, $2  }
0x10b: {  	_ =	sdelay $0x2  }
0x10c: {  	s25 =	sshra.s32 s25, $0x2  }
0x10d: {  	[tilespmem:s25+$0x2800] =	vst v0;
	s24 =	simm.s32 $0x0  }
0x10e: {  	[tilespmem:s17], [sflag:$0x1] =	stream.linear.gather [hbm4b:s6+s24], $0x2710, $0x38;
	[tilespmem:$0xF190] =	vst v63  }
0x10f: {  	_ =	swait.ge [sflag:s18], $0x2710  }
0x110: {  	[sflag:s18] =	ssyncset.done $0x0  }
0x111: {  	[sflag:s18] =	ssyncadd.s32 $0xFFFFD8F0  }
.LBB2_6:
0x112: {  	s25 =	sshra.s32 s24, $0x2  }
0x113: {  	v2 =	vld [tilespmem:s25+$0x5000];
	_ =	sdelay $0x7  }
0x114: {  	[tilespmem:v2+s2+$0x0] =	vst.idx.add.f32.msk $0xffff, v1  }
0x115: {  	v2 =	vld [tilespmem:s25+$0x5010];
	_ =	sdelay $0x7  }
0x116: {  	[tilespmem:v2+s2+$0x0] =	vst.idx.add.f32.msk $0xffff, v1  }
0x117: {  	v2 =	vld [tilespmem:s25+$0x5020];
	_ =	sdelay $0x7  }
0x118: {  	[tilespmem:v2+s2+$0x0] =	vst.idx.add.f32.msk $0xffff, v1  }
0x119: {  	v2 =	vld [tilespmem:s25+$0x5030];
	_ =	sdelay $0x7  }
0x11a: {  	[tilespmem:v2+s2+$0x0] =	vst.idx.add.f32.msk $0xffff, v1  }
0x11b: {  	v2 =	vld [tilespmem:s25+$0x5040];
	_ =	sdelay $0x2  }
0x11c: {  	p1 =	sne.s32 s24, $0x9B00  }
.Ltmp12:
0x11d: {  	_ = 	snop;
	(pc) =	sbr.rel @p1 .LBB2_6-.Ltmp12, $2  }
0x11e: {  	_ =	sdelay $0x2  }
0x11f: {  	s24 =	sadd.s32 $0x140, s24;
	[tilespmem:v2+s2+$0x0] =	vst.idx.add.f32.msk $0xffff, v1  }
0x120: {  	s24 =	simm.s32 $0x0  }
0x121: {  	[tilespmem:s17], [sflag:$0x1] =	stream.linear.gather [hbm4b:s7+s24], $0x2710, $0x38;
	[tilespmem:$0xF190] =	vst v63  }
0x122: {  	_ =	swait.ge [sflag:s18], $0x2710  }
0x123: {  	[sflag:s18] =	ssyncset.done $0x0  }
0x124: {  	[sflag:s18] =	ssyncadd.s32 $0xFFFFD8F0  }
.LBB2_8:
0x125: {  	s25 =	sshra.s32 s24, $0x2  }
0x126: {  	v2 =	vld [tilespmem:s25+$0x5000];
	_ =	sdelay $0x7  }
0x127: {  	[tilespmem:v2+s19+$0x0] =	vst.idx.add.f32.msk $0xffff, v1  }
0x128: {  	v2 =	vld [tilespmem:s25+$0x5010];
	_ =	sdelay $0x7  }
0x129: {  	[tilespmem:v2+s19+$0x0] =	vst.idx.add.f32.msk $0xffff, v1  }
0x12a: {  	v2 =	vld [tilespmem:s25+$0x5020];
	_ =	sdelay $0x7  }
0x12b: {  	[tilespmem:v2+s19+$0x0] =	vst.idx.add.f32.msk $0xffff, v1  }
0x12c: {  	v2 =	vld [tilespmem:s25+$0x5030];
	_ =	sdelay $0x7  }
0x12d: {  	[tilespmem:v2+s19+$0x0] =	vst.idx.add.f32.msk $0xffff, v1  }
0x12e: {  	v2 =	vld [tilespmem:s25+$0x5040];
	_ =	sdelay $0x2  }
0x12f: {  	p1 =	sne.s32 s24, $0x9B00  }
.Ltmp13:
0x130: {  	_ = 	snop;
	(pc) =	sbr.rel @p1 .LBB2_8-.Ltmp13, $2  }
0x131: {  	_ =	sdelay $0x2  }
0x132: {  	s24 =	sadd.s32 $0x140, s24;
	[tilespmem:v2+s19+$0x0] =	vst.idx.add.f32.msk $0xffff, v1  }
0x133: {  	s24 =	simm.s32 $0x0  }
0x134: {  	[spmem:s8] =	stream.linear.scatter [tilespmem:s24], [sflag:$0x1], $0x2800, $0x38;
	[tilespmem:$0xF190] =	vst v63  }
0x135: {  	_ =	swait.ge [sflag:s18], $0x2800  }
0x136: {  	[sflag:s18] =	ssyncset.done $0x0  }
0x137: {  	[sflag:s18] =	ssyncadd.s32 $0xFFFFD800  }
0x138: {  	[spmem:s9] =	stream.linear.scatter [tilespmem:s19], [sflag:$0x1], $0x2800, $0x38;
	[tilespmem:$0xF190] =	vst v63  }
0x139: {  	_ =	swait.ge [sflag:s18], $0x2800  }
0x13a: {  	[sflag:s18] =	ssyncset.done $0x0  }
0x13b: {  	[sflag:s18] =	ssyncadd.s32 $0xFFFFD800  }
0x13c: {  	[bflag:$0x0] =	sbarrier.arrive $0xFFFF  }
0x13d: {  	[tilespmem:s21], [sflag:$0x1] =	stream.strided.gather [spmem:s10], $0x2800, s17, s20, $0x38;
	[tilespmem:$0xF190] =	vst v63  }
0x13e: {  	_ =	swait.ge [sflag:s18], $0x2800  }
0x13f: {  	[sflag:s18] =	ssyncset.done $0x0  }
0x140: {  	s25 =	simm.s32 $0x0;
	[sflag:s18] =	ssyncadd.s32 $0xFFFFD800  }
0x141: {  	v2 =	vld [tilespmem:s25+$0xC710]  }
0x142: {  	v3 =	vld [tilespmem:s25+$0xC990];
	_ =	sdelay $0x1  }
0x143: {  	v4 =	vld [tilespmem:s25+$0xCC10];
	_ =	sdelay $0x1  }
0x144: {  	v5 =	vld [tilespmem:s25+$0xCE90]  }
0x145: {  	v2 =	vadd.f32 v3, v2  }
0x146: {  	v3 =	vld [tilespmem:s25+$0xD110]  }
0x147: {  	v2 =	vadd.f32 v4, v2  }
0x148: {  	v4 =	vld [tilespmem:s25+$0xD390]  }
0x149: {  	v2 =	vadd.f32 v5, v2  }
0x14a: {  	v5 =	vld [tilespmem:s25+$0xD610]  }
0x14b: {  	v2 =	vadd.f32 v3, v2  }
0x14c: {  	v3 =	vld [tilespmem:s25+$0xD890]  }
0x14d: {  	s24 =	simm.s32 $0x10;
	v6 =	vld [tilespmem:s25+$0xDB10];
	v2 =	vadd.f32 v4, v2  }
0x14e: {  	v7 =	vld [tilespmem:s24+$0xC710]  }
0x14f: {  	v4 =	vld [tilespmem:s25+$0xDD90];
	v2 =	vadd.f32 v5, v2  }
0x150: {  	v5 =	vld [tilespmem:s24+$0xC990]  }
0x151: {  	v8 =	vld [tilespmem:s24+$0xCC10];
	v2 =	vadd.f32 v3, v2  }
0x152: {  	v3 =	vld [tilespmem:s25+$0xE010]  }
0x153: {  	v9 =	vld [tilespmem:s24+$0xCE90];
	v2 =	vadd.f32 v6, v2  }
0x154: {  	v6 =	vld [tilespmem:s25+$0xE290]  }
0x155: {  	v5 =	vadd.f32 v5, v7;
	v7 =	vld [tilespmem:s24+$0xD110];
	v2 =	vadd.f32 v4, v2  }
0x156: {  	v4 =	vld [tilespmem:s25+$0xE510]  }
0x157: {  	v5 =	vadd.f32 v8, v5;
	v8 =	vld [tilespmem:s24+$0xD390];
	v2 =	vadd.f32 v3, v2  }
0x158: {  	v3 =	vld [tilespmem:s25+$0xE790]  }
0x159: {  	v10 =	vld [tilespmem:s24+$0xD610];
	v5 =	vadd.f32 v9, v5;
	v2 =	vadd.f32 v6, v2  }
0x15a: {  	v9 =	vld [tilespmem:s25+$0xEA10]  }
0x15b: {  	v6 =	vadd.f32 v7, v5;
	v5 =	vld [tilespmem:s24+$0xD890];
	v7 =	vadd.f32 v4, v2  }
0x15c: {  	v4 =	vld [tilespmem:s25+$0xEC90]  }
0x15d: {  	v2 =	vld [tilespmem:s24+$0xDD90];
	v8 =	vadd.f32 v8, v6;
	v11 =	vadd.f32 v3, v7  }
0x15e: {  	s26 =	simm.s32 $0x20;
	v6 =	vld [tilespmem:s24+$0xDB10]  }
0x15f: {  	s28 =	simm.s32 $0xC0;
	v3 =	vld [tilespmem:s26+$0xC710];
	v7 =	vadd.f32 v10, v8;
	v8 =	vadd.f32 v9, v11  }
.LBB2_10:
0x160: {  	p1 =	sne.s32 s28, $0x9C0;
	v9 =	vld [tilespmem:s26+$0xC990]  }
0x161: {  	v5 =	vadd.f32 v5, v7;
	v7 =	vld [tilespmem:s24+$0xE010];
	v4 =	vadd.f32 v4, v8  }
0x162: {  	v8 =	vld [tilespmem:s26+$0xCC10]  }
0x163: {  	v5 =	vadd.f32 v6, v5;
	v6 =	vld [tilespmem:s24+$0xE290];
	[tilespmem:s25+$0xEF10] =	vst v4;
	s25 =	smov.u32 s24;
	s24 =	smov.u32 s26  }
0x164: {  	v4 =	vld [tilespmem:s24+$0xCE90]  }
0x165: {  	v3 =	vadd.f32 v9, v3;
	v2 =	vadd.f32 v2, v5;
	v5 =	vld [tilespmem:s25+$0xE510]  }
0x166: {  	v9 =	vld [tilespmem:s24+$0xD110]  }
0x167: {  	v3 =	vadd.f32 v8, v3;
	v2 =	vadd.f32 v7, v2;
	v7 =	vld [tilespmem:s25+$0xE790]  }
0x168: {  	v8 =	vld [tilespmem:s24+$0xD390]  }
0x169: {  	v3 =	vadd.f32 v4, v3;
	v2 =	vadd.f32 v6, v2;
	v10 =	vld [tilespmem:s25+$0xEA10]  }
0x16a: {  	v11 =	vld [tilespmem:s24+$0xD610]  }
.Ltmp14:
0x16b: {  	v3 =	vadd.f32 v9, v3;
	v6 =	vadd.f32 v5, v2;
	v4 =	vld [tilespmem:s25+$0xEC90];
	(pc) =	sbr.rel @p1 .LBB2_10-.Ltmp14, $4  }
0x16c: {  	v5 =	vld [tilespmem:s24+$0xD890]  }
0x16d: {  	v8 =	vadd.f32 v8, v3;
	v2 =	vld [tilespmem:s24+$0xDD90];
	v9 =	vadd.f32 v7, v6  }
0x16e: {  	s26 =	sshra.s32 s28, $0x2;
	v6 =	vld [tilespmem:s24+$0xDB10]  }
0x16f: {  	s28 =	sadd.s32 $0x40, s28;
	v3 =	vld [tilespmem:s26+$0xC710];
	v7 =	vadd.f32 v11, v8;
	v8 =	vadd.f32 v10, v9  }
0x170: {  	v9 =	vld [tilespmem:s26+$0xC990]  }
0x171: {  	v10 =	vld [tilespmem:s24+$0xE010];
	v4 =	vadd.f32 v4, v8  }
0x172: {  	v8 =	vld [tilespmem:s26+$0xCC10]  }
0x173: {  	v11 =	vld [tilespmem:s24+$0xE290];
	v5 =	vadd.f32 v5, v7;
	[tilespmem:s25+$0xEF10] =	vst v4  }
0x174: {  	v4 =	vld [tilespmem:s26+$0xCE90]  }
0x175: {  	v5 =	vadd.f32 v6, v5;
	v3 =	vadd.f32 v9, v3  }
0x176: {  	v6 =	vld [tilespmem:s26+$0xD110]  }
0x177: {  	v7 =	vld [tilespmem:s26+$0xD390];
	v2 =	vadd.f32 v2, v5;
	v3 =	vadd.f32 v8, v3  }
0x178: {  	v5 =	vld [tilespmem:s24+$0xE510]  }
0x179: {  	v2 =	vadd.f32 v10, v2;
	v8 =	vld [tilespmem:s24+$0xE790];
	v3 =	vadd.f32 v4, v3  }
0x17a: {  	v4 =	vld [tilespmem:s26+$0xD610]  }
0x17b: {  	v9 =	vld [tilespmem:s24+$0xEA10];
	v2 =	vadd.f32 v11, v2;
	v3 =	vadd.f32 v6, v3  }
0x17c: {  	v6 =	vld [tilespmem:s26+$0xD890]  }
0x17d: {  	v2 =	vadd.f32 v5, v2;
	v5 =	vld [tilespmem:s24+$0xEC90];
	v3 =	vadd.f32 v7, v3  }
0x17e: {  	v7 =	vld [tilespmem:s26+$0xDB10]  }
0x17f: {  	v2 =	vadd.f32 v8, v2;
	v3 =	vadd.f32 v4, v3  }
0x180: {  	v4 =	vld [tilespmem:s26+$0xDD90]  }
0x181: {  	v2 =	vadd.f32 v9, v2;
	v3 =	vadd.f32 v6, v3  }
0x182: {  	v6 =	vld [tilespmem:s26+$0xE010]  }
0x183: {  	v2 =	vadd.f32 v5, v2;
	v3 =	vadd.f32 v7, v3  }
0x184: {  	v5 =	vld [tilespmem:s26+$0xE290]  }
0x185: {  	[tilespmem:s24+$0xEF10] =	vst v2;
	v2 =	vadd.f32 v4, v3  }
0x186: {  	v3 =	vld [tilespmem:s26+$0xE510]  }
0x187: {  	v2 =	vadd.f32 v6, v2  }
0x188: {  	v4 =	vld [tilespmem:s26+$0xE790]  }
0x189: {  	v2 =	vadd.f32 v5, v2  }
0x18a: {  	v5 =	vld [tilespmem:s26+$0xEA10]  }
0x18b: {  	v2 =	vadd.f32 v3, v2  }
0x18c: {  	v3 =	vld [tilespmem:s26+$0xEC90]  }
0x18d: {  	v2 =	vadd.f32 v4, v2;
	_ =	sdelay $0x1  }
0x18e: {  	v2 =	vadd.f32 v5, v2;
	_ =	sdelay $0x1  }
0x18f: {  	v2 =	vadd.f32 v3, v2;
	_ =	sdelay $0x1  }
0x190: {  	s31 =	simm.s32 $0x0;
	[tilespmem:s26+$0xEF10] =	vst v2  }
0x191: {  	[hbm4b:s11+s31] =	stream.linear.scatter [tilespmem:s22], [sflag:$0x1], $0x280, $0x38;
	[tilespmem:$0xF190] =	vst v63  }
0x192: {  	_ =	swait.ge [sflag:s18], $0x280  }
0x193: {  	[sflag:s18] =	ssyncset.done $0x0  }
0x194: {  	[sflag:s18] =	ssyncadd.s32 $0xFFFFFD80  }
0x195: {  	[tilespmem:s21], [sflag:$0x1] =	stream.strided.gather [spmem:s12], $0x2800, s17, s20, $0x38;
	[tilespmem:$0xF190] =	vst v63  }
0x196: {  	_ =	swait.ge [sflag:s18], $0x2800  }
0x197: {  	[sflag:s18] =	ssyncset.done $0x0  }
0x198: {  	s25 =	simm.s32 $0x0;
	[sflag:s18] =	ssyncadd.s32 $0xFFFFD800  }
0x199: {  	v2 =	vld [tilespmem:s25+$0xC710]  }
0x19a: {  	v3 =	vld [tilespmem:s25+$0xC990];
	_ =	sdelay $0x1  }
0x19b: {  	v4 =	vld [tilespmem:s25+$0xCC10];
	_ =	sdelay $0x1  }
0x19c: {  	v5 =	vld [tilespmem:s25+$0xCE90]  }
0x19d: {  	v2 =	vadd.f32 v3, v2  }
0x19e: {  	v3 =	vld [tilespmem:s25+$0xD110]  }
0x19f: {  	v2 =	vadd.f32 v4, v2  }
0x1a0: {  	v4 =	vld [tilespmem:s25+$0xD390]  }
0x1a1: {  	v2 =	vadd.f32 v5, v2  }
0x1a2: {  	v5 =	vld [tilespmem:s25+$0xD610]  }
0x1a3: {  	v2 =	vadd.f32 v3, v2  }
0x1a4: {  	v3 =	vld [tilespmem:s25+$0xD890]  }
0x1a5: {  	s24 =	simm.s32 $0x10;
	v6 =	vld [tilespmem:s25+$0xDB10];
	v2 =	vadd.f32 v4, v2  }
0x1a6: {  	v7 =	vld [tilespmem:s24+$0xC710]  }
0x1a7: {  	v4 =	vld [tilespmem:s25+$0xDD90];
	v2 =	vadd.f32 v5, v2  }
0x1a8: {  	v5 =	vld [tilespmem:s24+$0xC990]  }
0x1a9: {  	v8 =	vld [tilespmem:s24+$0xCC10];
	v2 =	vadd.f32 v3, v2  }
0x1aa: {  	v3 =	vld [tilespmem:s25+$0xE010]  }
0x1ab: {  	v9 =	vld [tilespmem:s24+$0xCE90];
	v2 =	vadd.f32 v6, v2  }
0x1ac: {  	v6 =	vld [tilespmem:s25+$0xE290]  }
0x1ad: {  	v5 =	vadd.f32 v5, v7;
	v7 =	vld [tilespmem:s24+$0xD110];
	v2 =	vadd.f32 v4, v2  }
0x1ae: {  	v4 =	vld [tilespmem:s25+$0xE510]  }
0x1af: {  	v5 =	vadd.f32 v8, v5;
	v8 =	vld [tilespmem:s24+$0xD390];
	v2 =	vadd.f32 v3, v2  }
0x1b0: {  	v3 =	vld [tilespmem:s25+$0xE790]  }
0x1b1: {  	v10 =	vld [tilespmem:s24+$0xD610];
	v5 =	vadd.f32 v9, v5;
	v2 =	vadd.f32 v6, v2  }
0x1b2: {  	v9 =	vld [tilespmem:s25+$0xEA10]  }
0x1b3: {  	v6 =	vadd.f32 v7, v5;
	v5 =	vld [tilespmem:s24+$0xD890];
	v7 =	vadd.f32 v4, v2  }
0x1b4: {  	v4 =	vld [tilespmem:s25+$0xEC90]  }
0x1b5: {  	v2 =	vld [tilespmem:s24+$0xDD90];
	v8 =	vadd.f32 v8, v6;
	v11 =	vadd.f32 v3, v7  }
0x1b6: {  	s26 =	simm.s32 $0x20;
	v6 =	vld [tilespmem:s24+$0xDB10]  }
0x1b7: {  	s28 =	simm.s32 $0xC0;
	v3 =	vld [tilespmem:s26+$0xC710];
	v7 =	vadd.f32 v10, v8;
	v8 =	vadd.f32 v9, v11  }
.LBB2_12:
0x1b8: {  	p1 =	seq.s32 s28, $0x9C0;
	v9 =	vld [tilespmem:s26+$0xC990]  }
0x1b9: {  	v5 =	vadd.f32 v5, v7;
	v7 =	vld [tilespmem:s24+$0xE010];
	v4 =	vadd.f32 v4, v8  }
0x1ba: {  	v8 =	vld [tilespmem:s26+$0xCC10]  }
0x1bb: {  	v5 =	vadd.f32 v6, v5;
	v6 =	vld [tilespmem:s24+$0xE290];
	[tilespmem:s25+$0xEF10] =	vst v4;
	s25 =	smov.u32 s24;
	s24 =	smov.u32 s26  }
0x1bc: {  	v4 =	vld [tilespmem:s24+$0xCE90]  }
0x1bd: {  	v3 =	vadd.f32 v9, v3;
	v2 =	vadd.f32 v2, v5;
	v5 =	vld [tilespmem:s25+$0xE510]  }
0x1be: {  	v9 =	vld [tilespmem:s24+$0xD110]  }
0x1bf: {  	v3 =	vadd.f32 v8, v3;
	v2 =	vadd.f32 v7, v2;
	v7 =	vld [tilespmem:s25+$0xE790]  }
0x1c0: {  	v8 =	vld [tilespmem:s24+$0xD390]  }
0x1c1: {  	v3 =	vadd.f32 v4, v3;
	v2 =	vadd.f32 v6, v2;
	v10 =	vld [tilespmem:s25+$0xEA10]  }
0x1c2: {  	v11 =	vld [tilespmem:s24+$0xD610]  }
.Ltmp15:
0x1c3: {  	v3 =	vadd.f32 v9, v3;
	v6 =	vadd.f32 v5, v2;
	v4 =	vld [tilespmem:s25+$0xEC90];
	(pc) =	sbr.rel @!p1 .LBB2_12-.Ltmp15, $4  }
0x1c4: {  	v5 =	vld [tilespmem:s24+$0xD890]  }
0x1c5: {  	v8 =	vadd.f32 v8, v3;
	v2 =	vld [tilespmem:s24+$0xDD90];
	v9 =	vadd.f32 v7, v6  }
0x1c6: {  	s26 =	sshra.s32 s28, $0x2;
	v6 =	vld [tilespmem:s24+$0xDB10]  }
0x1c7: {  	s28 =	sadd.s32 $0x40, s28;
	v3 =	vld [tilespmem:s26+$0xC710];
	v7 =	vadd.f32 v11, v8;
	v8 =	vadd.f32 v10, v9  }
0x1c8: {  	v9 =	vld [tilespmem:s26+$0xC990]  }
0x1c9: {  	v10 =	vld [tilespmem:s24+$0xE010];
	v4 =	vadd.f32 v4, v8  }
0x1ca: {  	v49 =	vld [tilespmem:s26+$0xCC10]  }
0x1cb: {  	v11 =	vld [tilespmem:s24+$0xE290];
	v5 =	vadd.f32 v5, v7;
	[tilespmem:s25+$0xEF10] =	vst v4  }
0x1cc: {  	v4 =	vld [tilespmem:s26+$0xCE90]  }
0x1cd: {  	v5 =	vadd.f32 v6, v5;
	v3 =	vadd.f32 v9, v3  }
0x1ce: {  	v50 =	vld [tilespmem:s26+$0xD110]  }
0x1cf: {  	v51 =	vld [tilespmem:s24+$0xE510];
	v2 =	vadd.f32 v2, v5;
	v3 =	vadd.f32 v49, v3  }
0x1d0: {  	v52 =	vld [tilespmem:s26+$0xD390]  }
0x1d1: {  	v53 =	vld [tilespmem:s24+$0xE790];
	v2 =	vadd.f32 v10, v2;
	v3 =	vadd.f32 v4, v3  }
0x1d2: {  	v54 =	vld [tilespmem:s26+$0xD610]  }
0x1d3: {  	v55 =	vld [tilespmem:s24+$0xEA10];
	v2 =	vadd.f32 v11, v2;
	v3 =	vadd.f32 v50, v3  }
0x1d4: {  	v56 =	vld [tilespmem:s26+$0xD890]  }
0x1d5: {  	v57 =	vld [tilespmem:s24+$0xEC90];
	v2 =	vadd.f32 v51, v2;
	v3 =	vadd.f32 v52, v3  }
0x1d6: {  	v58 =	vld [tilespmem:s26+$0xDB10]  }
0x1d7: {  	v2 =	vadd.f32 v53, v2;
	v3 =	vadd.f32 v54, v3  }
0x1d8: {  	v59 =	vld [tilespmem:s26+$0xDD90]  }
0x1d9: {  	v2 =	vadd.f32 v55, v2;
	v3 =	vadd.f32 v56, v3  }
0x1da: {  	v60 =	vld [tilespmem:s26+$0xE010]  }
0x1db: {  	v2 =	vadd.f32 v57, v2;
	v3 =	vadd.f32 v58, v3  }
0x1dc: {  	v61 =	vld [tilespmem:s26+$0xE290]  }
0x1dd: {  	[tilespmem:s24+$0xEF10] =	vst v2;
	v2 =	vadd.f32 v59, v3  }
0x1de: {  	v3 =	vld [tilespmem:s26+$0xE510]  }
0x1df: {  	v2 =	vadd.f32 v60, v2  }
0x1e0: {  	v62 =	vld [tilespmem:s26+$0xE790]  }
0x1e1: {  	v2 =	vadd.f32 v61, v2  }
0x1e2: {  	v63 =	vld [tilespmem:s26+$0xEA10]  }
0x1e3: {  	v2 =	vadd.f32 v3, v2  }
0x1e4: {  	v3 =	vld [tilespmem:s26+$0xEC90]  }
0x1e5: {  	v2 =	vadd.f32 v62, v2;
	_ =	sdelay $0x1  }
.Ltmp16:
0x1e6: {  	v2 =	vadd.f32 v63, v2;
	(pc) =	sbr.rel .LBB2_26-.Ltmp16, $3  }
0x1e7: {  	_ = 	snop  }
0x1e8: {  	v2 =	vadd.f32 v3, v2;
	_ =	sdelay $0x1  }
0x1e9: {  	s24 =	smov.u32 s3;
	[tilespmem:s26+$0xEF10] =	vst v2  }
.LBB2_27:
0x1ea: {  	_ =	sfence.sel $0x180000  }
0x1eb: {  	[bflag:$0x0] =	sbarrier.arrive $0xFFFF  }
0x1ec: {  	p0 =	sne.s32 s1, $0x0;
	_ =	strace $0x90000047  }
0x1ed: {  	s0 =	sadd.s32 @!p0 $0x100000, s0;
	[bflag:$0x2] =	sbarrier.arrive $0xFFFF  }
0x1ee: {  	[sflag:s0] =	ssyncadd.tile.s32 @!p0 $0x1;
	_ =	shalt  }
.Lfunc_end2:
_tile_overlayer_lowered:
.L_overlay_start_2:
0x1ef: {  	(tag) =	ssettag $0x2  }
0x1f0: {  	s0 =	rddreg [dreg:$0x0];
	s2 =	stileid.u32  }
0x1f1: {  	s1 =	rddreg [dreg:$0x1];
	p0 =	sne.s32 s2, $0x0  }
0x1f2: {  	s3 =	rddreg [dreg:$0x2];
	[bflag:$0x3] =	sbarrier.arrive $0xFFFF;
	s2 =	simm.s32 @!p0 $0x1C01  }
0x1f3: {  	[timem:s3], [sflag:s2] =	dma.local @!p0 [hbm:s0], s1  }
0x1f4: {  	s0 =	simm.s32 @!p0 $0x1  }
0x1f5: {  	_ =	swait.ge @!p0 [sflag:s0], s1  }
0x1f6: {  	s1 =	ssub.s32 @!p0 $0x0, s1;
	[sflag:s0] =	ssyncset.done @!p0 $0x0  }
0x1f7: {  	[sflag:s0] =	ssyncadd.s32 @!p0 s1  }
0x1f8: {  	[bflag:$0x3] =	sbarrier.arrive $0xFFFF  }
0x1f9: {  	_ =	shalt  }

</sc_bundles>
